<compile_context>
chip_gen: v7x
topology: tpu7x:2x2x1
jax: 0.10.2.dev20260603
libtpu: 0.0.44.dev20260713+nightly
codegen_flags: <defaults>
</compile_context>

<pallas_src>
import functools

import jax
import jax.numpy as jnp
from jax import lax
from jax.experimental import pallas as pl
from jax.experimental.pallas import tpu as pltpu
from jax.experimental.pallas import tpu_sc as plsc

N = 10000
NPAD = 10240
E = 320000
C = 128
NCORES = 2
NSUB = 16
NTILES = NCORES * NSUB
NBUF = 4
CHUNKS = 80
EPAD = NTILES * CHUNKS * C
ROWS_PER_SUB = NPAD // NSUB
IN_CH, HID, OUT_CH = 128, 64, 128



def _make_sc_agg(d):
  mesh = plsc.VectorSubcoreMesh(core_axis_name="c", subcore_axis_name="s")

  @functools.partial(
      pl.kernel,
      out_type=jax.ShapeDtypeStruct((NCORES, NPAD, d), jnp.float32),
      mesh=mesh,
      compiler_params=pltpu.CompilerParams(use_tc_tiling_on_sc=False),
      scratch_types=[
          pltpu.VMEM((CHUNKS, C), jnp.int32),
          pltpu.VMEM((CHUNKS, C), jnp.int32),
          pltpu.VMEM((C, d), jnp.float32),
          pltpu.VMEM((C, d), jnp.float32),
          pltpu.VMEM_SHARED((NPAD, d), jnp.float32),
          pltpu.VMEM_SHARED((NPAD, d), jnp.float32),
          pltpu.SemaphoreType.DMA,
          pltpu.SemaphoreType.DMA,
      ],
  )
  def agg(table_hbm, src_hbm, dst_hbm, zeros_hbm, out_hbm,
          src_v, dst_v, buf0, buf1, table_sh, acc_sh, sg0, sg1):
    bufs, sg = (buf0, buf1), (sg0, sg1)
    buf_v = buf0
    c = lax.axis_index("c")
    s = lax.axis_index("s")
    w = c * NSUB + s
    row0 = s * ROWS_PER_SUB

    pltpu.sync_copy(zeros_hbm, buf_v)
    for k in range(ROWS_PER_SUB // C):
      pltpu.sync_copy(buf_v, acc_sh.at[pl.ds(row0 + k * C, C)])
    for k in range(ROWS_PER_SUB // C):
      sl = pl.ds(row0 + k * C, C)
      pltpu.sync_copy(table_hbm.at[sl], buf_v)
      pltpu.sync_copy(buf_v, table_sh.at[sl])

    pltpu.sync_copy(src_hbm.at[w], src_v)
    pltpu.sync_copy(dst_hbm.at[w], dst_v)
    plsc.subcore_barrier()

    for b in range(2):
      pltpu.async_copy(table_sh.at[src_v.at[b]], bufs[b], sg[b])

    @pl.loop(0, CHUNKS, step=2)
    def _(j):
      for b in range(2):
        jj = j + b
        pltpu.make_async_copy(table_sh.at[src_v.at[0]], bufs[b], sg[b]).wait()
        pltpu.sync_copy(bufs[b], acc_sh.at[dst_v.at[jj]], add=True)

        @pl.when(jj + 2 < CHUNKS)
        def _():
          pltpu.async_copy(table_sh.at[src_v.at[jj + 2]], bufs[b], sg[b])

    plsc.subcore_barrier()

    for k in range(ROWS_PER_SUB // C):
      sl = pl.ds(row0 + k * C, C)
      pltpu.sync_copy(acc_sh.at[sl], buf_v)
      pltpu.sync_copy(buf_v, out_hbm.at[c, sl])

  return agg


def _make_sc_agg_dual(d):
  mesh = plsc.VectorSubcoreMesh(core_axis_name="c", subcore_axis_name="s")

  @functools.partial(
      pl.kernel,
      out_type=(jax.ShapeDtypeStruct((NCORES, NPAD, d), jnp.float32),
                jax.ShapeDtypeStruct((NCORES, NPAD, d), jnp.float32)),
      mesh=mesh,
      compiler_params=pltpu.CompilerParams(use_tc_tiling_on_sc=False),
      scratch_types=[
          pltpu.VMEM((CHUNKS, C), jnp.int32),
          pltpu.VMEM((CHUNKS, C), jnp.int32),
          pltpu.VMEM((C, d), jnp.float32),
          pltpu.VMEM((C, d), jnp.float32),
          pltpu.VMEM_SHARED((NPAD, d), jnp.float32),
          pltpu.VMEM_SHARED((NPAD, d), jnp.float32),
          pltpu.SemaphoreType.DMA,
          pltpu.SemaphoreType.DMA,
      ],
  )
  def agg2(ta_hbm, tb_hbm, src_hbm, dst_hbm, zeros_hbm, outa_hbm, outb_hbm,
           src_v, dst_v, buf0, buf1, table_sh, acc_sh, sg0, sg1):
    bufs, sg = (buf0, buf1), (sg0, sg1)
    buf_v = buf0
    c = lax.axis_index("c")
    s = lax.axis_index("s")
    w = c * NSUB + s
    row0 = s * ROWS_PER_SUB

    pltpu.sync_copy(src_hbm.at[w], src_v)
    pltpu.sync_copy(dst_hbm.at[w], dst_v)

    for tbl_hbm, out_hbm in ((ta_hbm, outa_hbm), (tb_hbm, outb_hbm)):
      pltpu.sync_copy(zeros_hbm, buf_v)
      for k in range(ROWS_PER_SUB // C):
        pltpu.sync_copy(buf_v, acc_sh.at[pl.ds(row0 + k * C, C)])
      for k in range(ROWS_PER_SUB // C):
        sl = pl.ds(row0 + k * C, C)
        pltpu.sync_copy(tbl_hbm.at[sl], buf_v)
        pltpu.sync_copy(buf_v, table_sh.at[sl])
      plsc.subcore_barrier()

      for b in range(2):
        pltpu.async_copy(table_sh.at[src_v.at[b]], bufs[b], sg[b])

      @pl.loop(0, CHUNKS, step=2)
      def _(j):
        for b in range(2):
          jj = j + b
          pltpu.make_async_copy(table_sh.at[src_v.at[0]], bufs[b],
                                sg[b]).wait()
          pltpu.sync_copy(bufs[b], acc_sh.at[dst_v.at[jj]], add=True)

          @pl.when(jj + 2 < CHUNKS)
          def _():
            pltpu.async_copy(table_sh.at[src_v.at[jj + 2]], bufs[b], sg[b])

      plsc.subcore_barrier()

      for k in range(ROWS_PER_SUB // C):
        sl = pl.ds(row0 + k * C, C)
        pltpu.sync_copy(acc_sh.at[sl], buf_v)
        pltpu.sync_copy(buf_v, out_hbm.at[c, sl])

  return agg2


def _make_sc_deg():
  mesh = plsc.VectorSubcoreMesh(core_axis_name="c", subcore_axis_name="s")

  @functools.partial(
      pl.kernel,
      out_type=jax.ShapeDtypeStruct((NCORES, NPAD, 16), jnp.float32),
      mesh=mesh,
      compiler_params=pltpu.CompilerParams(use_tc_tiling_on_sc=False),
      scratch_types=[
          pltpu.VMEM((CHUNKS, C), jnp.int32),
          pltpu.VMEM((C, 16), jnp.float32),
          pltpu.VMEM((C, 16), jnp.float32),
          pltpu.VMEM_SHARED((NPAD, 16), jnp.float32),
          *([pltpu.SemaphoreType.DMA] * NBUF),
      ],
  )
  def deg(ones_hbm, zeros_hbm, dst_hbm, out_hbm, dst_v, ones_v, buf_v,
          acc_sh, *ss):
    c = lax.axis_index("c")
    s = lax.axis_index("s")
    w = c * NSUB + s

    pltpu.sync_copy(zeros_hbm, buf_v)
    row0 = s * ROWS_PER_SUB
    for k in range(ROWS_PER_SUB // C):
      pltpu.sync_copy(buf_v, acc_sh.at[pl.ds(row0 + k * C, C)])
    pltpu.sync_copy(ones_hbm, ones_v)
    pltpu.sync_copy(dst_hbm.at[w], dst_v)
    plsc.subcore_barrier()

    @pl.loop(0, CHUNKS, step=NBUF)
    def _(j):
      for b in range(NBUF):
        jj = j + b

        @pl.when(jj >= NBUF)
        def _():
          pltpu.make_async_copy(ones_v, acc_sh.at[dst_v.at[0]], ss[b]).wait()

        pltpu.async_copy(ones_v, acc_sh.at[dst_v.at[jj]], ss[b], add=True)

    for b in range(NBUF):
      pltpu.make_async_copy(ones_v, acc_sh.at[dst_v.at[0]], ss[b]).wait()
    plsc.subcore_barrier()

    for k in range(ROWS_PER_SUB // C):
      sl = pl.ds(row0 + k * C, C)
      pltpu.sync_copy(acc_sh.at[sl], buf_v)
      pltpu.sync_copy(buf_v, out_hbm.at[c, sl])

  return deg


_sc_agg = _make_sc_agg(HID)
_sc_agg2 = _make_sc_agg_dual(HID)
_sc_deg = _make_sc_deg()



_BM = 1024
_GRID = NPAD // _BM


def _prep_body(degp_ref, x_ref, w_ref, dinv_ref, g_ref):
  i = pl.program_id(0)
  deg = degp_ref[0, :, 0:1] + degp_ref[1, :, 0:1] + 1.0
  rid = lax.broadcasted_iota(jnp.int32, (_BM, 1), 0) + i * _BM
  dinv = jnp.where(rid < N, lax.rsqrt(deg), 0.0)
  dinv_ref[...] = dinv
  h = jnp.dot(x_ref[...], w_ref[...], preferred_element_type=jnp.float32)
  g_ref[...] = h * dinv


def _tc_prep(degp, x, w):
  return pl.pallas_call(
      _prep_body,
      grid=(_GRID,),
      in_specs=[pl.BlockSpec((NCORES, _BM, 16), lambda i: (0, i, 0)),
                pl.BlockSpec((_BM, IN_CH), lambda i: (i, 0)),
                pl.BlockSpec((IN_CH, HID), lambda i: (0, 0))],
      out_specs=[pl.BlockSpec((_BM, 1), lambda i: (i, 0)),
                 pl.BlockSpec((_BM, HID), lambda i: (i, 0))],
      out_shape=[jax.ShapeDtypeStruct((NPAD, 1), jnp.float32),
                 jax.ShapeDtypeStruct((NPAD, HID), jnp.float32)],
  )(degp, x, w)


def _mid_body(p_ref, g_ref, dinv_ref, b_ref, w_ref, g2a_ref, g2b_ref):
  acc = p_ref[0] + p_ref[1] + g_ref[...]
  z = jax.nn.relu(dinv_ref[...] * acc + b_ref[...])
  g2 = dinv_ref[...] * jnp.dot(z, w_ref[...],
                               preferred_element_type=jnp.float32)
  g2a_ref[...] = g2[:, :HID]
  g2b_ref[...] = g2[:, HID:]


def _tc_mid(p, g, dinv, b, w):
  return pl.pallas_call(
      _mid_body,
      grid=(_GRID,),
      in_specs=[pl.BlockSpec((NCORES, _BM, HID), lambda i: (0, i, 0)),
                pl.BlockSpec((_BM, HID), lambda i: (i, 0)),
                pl.BlockSpec((_BM, 1), lambda i: (i, 0)),
                pl.BlockSpec((1, HID), lambda i: (0, 0)),
                pl.BlockSpec((HID, OUT_CH), lambda i: (0, 0))],
      out_specs=[pl.BlockSpec((_BM, HID), lambda i: (i, 0)),
                 pl.BlockSpec((_BM, HID), lambda i: (i, 0))],
      out_shape=[jax.ShapeDtypeStruct((NPAD, HID), jnp.float32),
                 jax.ShapeDtypeStruct((NPAD, HID), jnp.float32)],
  )(p, g, dinv, b, w)


def _final_body(pa_ref, pb_ref, ga_ref, gb_ref, dinv_ref, b_ref, o_ref):
  ha = pa_ref[0] + pa_ref[1] + ga_ref[...]
  hb = pb_ref[0] + pb_ref[1] + gb_ref[...]
  acc = jnp.concatenate([ha, hb], axis=1)
  o_ref[...] = jax.nn.relu(dinv_ref[...] * acc + b_ref[...])


def _tc_final(pa, pb, ga, gb, dinv, b):
  return pl.pallas_call(
      _final_body,
      grid=(_GRID,),
      in_specs=[pl.BlockSpec((NCORES, _BM, HID), lambda i: (0, i, 0)),
                pl.BlockSpec((NCORES, _BM, HID), lambda i: (0, i, 0)),
                pl.BlockSpec((_BM, HID), lambda i: (i, 0)),
                pl.BlockSpec((_BM, HID), lambda i: (i, 0)),
                pl.BlockSpec((_BM, 1), lambda i: (i, 0)),
                pl.BlockSpec((1, OUT_CH), lambda i: (0, 0))],
      out_specs=pl.BlockSpec((_BM, OUT_CH), lambda i: (i, 0)),
      out_shape=jax.ShapeDtypeStruct((NPAD, OUT_CH), jnp.float32),
  )(pa, pb, ga, gb, dinv, b)



def kernel(x, edge_index, W1, b1, W2, b2):
  src = edge_index[0].astype(jnp.int32)
  dst = edge_index[1].astype(jnp.int32)
  pad = jnp.full((EPAD - E,), N, jnp.int32)
  src_p = jnp.concatenate([src, pad]).reshape(NTILES, CHUNKS, C)
  dst_p = jnp.concatenate([dst, pad]).reshape(NTILES, CHUNKS, C)
  x_pad = jnp.zeros((NPAD, IN_CH), jnp.float32).at[:N].set(x)
  z16 = jnp.zeros((C, 16), jnp.float32)
  z64 = jnp.zeros((C, HID), jnp.float32)
  ones16 = jnp.ones((C, 16), jnp.float32)

  degp = _sc_deg(ones16, z16, dst_p)
  dinv, g1 = _tc_prep(degp, x_pad, W1)
  p1 = _sc_agg(g1, src_p, dst_p, z64)
  g2a, g2b = _tc_mid(p1, g1, dinv, b1.reshape(1, HID), W2)
  p2a, p2b = _sc_agg2(g2a, g2b, src_p, dst_p, z64)
  out = _tc_final(p2a, p2b, g2a, g2b, dinv, b2.reshape(1, OUT_CH))
  return out[:N]

# --- scband reference (transcript-rebuilt; emitter-appended) ---
"""Pipeline reference for scband-gcn-62955630624873 (READ-ONLY COPY).

The authoritative reference and input builder live on the scoring server;
editing this copy changes nothing except your own understanding.
"""

import jax, jax.numpy as jnp
import numpy as np

N_NODES = 10000
N_EDGES = 320000
IN_CH = 128
HID = 64
OUT_CH = 128


def setup_inputs(seed: int = 0) -> dict:
    key = jax.random.key(seed)
    k1, k2, k3, k4, k5, k6 = jax.random.split(key, 6)
    x = jax.random.normal(k1, (N_NODES, IN_CH), dtype=jnp.float32)
    edge_index = jax.random.randint(k2, (2, N_EDGES), 0, N_NODES, dtype=jnp.int64)
    # GCNConv layer 1 params (Glorot-like init)
    W1 = jax.random.normal(k3, (IN_CH, HID), dtype=jnp.float32) * (1.0 / np.sqrt(IN_CH))
    b1 = jnp.zeros((HID,), dtype=jnp.float32)
    # GCNConv layer 2 params
    W2 = jax.random.normal(k4, (HID, OUT_CH), dtype=jnp.float32) * (1.0 / np.sqrt(HID))
    b2 = jnp.zeros((OUT_CH,), dtype=jnp.float32)
    return {"x": x, "edge_index": edge_index, "W1": W1, "b1": b1, "W2": W2, "b2": b2}


def _gcn_conv(x, edge_index, W, b, num_nodes):
    # Faithful PyG-style GCNConv: add self-loops, symmetric normalization,
    # linear transform, scatter-add aggregation (src -> dst), bias.
    loop = jnp.arange(num_nodes, dtype=edge_index.dtype)
    src = jnp.concatenate([edge_index[0], loop])
    dst = jnp.concatenate([edge_index[1], loop])
    deg = jnp.zeros((num_nodes,), dtype=x.dtype).at[dst].add(1.0)
    deg_inv_sqrt = jnp.where(deg > 0, deg ** -0.5, 0.0)
    norm = deg_inv_sqrt[src] * deg_inv_sqrt[dst]
    h = x @ W
    msg = h[src] * norm[:, None]
    out = jnp.zeros((num_nodes, h.shape[1]), dtype=x.dtype).at[dst].add(msg)
    return out + b


def reference(x, edge_index, W1, b1, W2, b2):
    h = jax.nn.relu(_gcn_conv(x, edge_index, W1, b1, N_NODES))
    out = jax.nn.relu(_gcn_conv(h, edge_index, W2, b2, N_NODES))
    return out

if __name__ == "__main__":
    import jax
    _d = setup_inputs()
    print(jax.jit(kernel)(*tuple(_d.values())))

</pallas_src>

<mosaic_0001>
#map = affine_map<(d0, d1) -> (0, 0)>
#map1 = affine_map<(d0, d1) -> (0, 0, 0)>
module attributes {stable_mosaic.version = 14 : i64} {
  func.func @deg(%arg0: i32, %arg1: i32, %arg2: memref<128x16xf32, #tpu.memory_space<hbm>>, %arg3: memref<128x16xf32, #tpu.memory_space<hbm>>, %arg4: memref<32x80x128xi32, #tpu.memory_space<hbm>>, %arg5: memref<2x10240x16xf32, #tpu.memory_space<hbm>>, %arg6: memref<80x128xi32, #tpu.memory_space<vmem>>, %arg7: memref<128x16xf32, #tpu.memory_space<vmem>>, %arg8: memref<128x16xf32, #tpu.memory_space<vmem>>, %arg9: memref<10240x16xf32, #tpu.memory_space<vmem_shared>>, %arg10: memref<!tpu.dma_semaphore, #tpu.memory_space<semaphore_mem>>, %arg11: memref<!tpu.dma_semaphore, #tpu.memory_space<semaphore_mem>>, %arg12: memref<!tpu.dma_semaphore, #tpu.memory_space<semaphore_mem>>, %arg13: memref<!tpu.dma_semaphore, #tpu.memory_space<semaphore_mem>>) attributes {dimension_semantics = [#tpu.dimension_semantics<core_parallel>, #tpu.dimension_semantics<subcore_parallel>], iteration_bounds = array<i64: 2, 16>, scalar_prefetch = 0 : i64, scratch_operands = 8 : i64, tpu.core_type = #tpu.core_type<sc_vector_subcore>, window_params = [{transform_indices = #map}, {transform_indices = #map}, {transform_indices = #map1}, {transform_indices = #map1}]} {
    %mul3A = arith.constant 16 : i32
    %mul3A_0 = arith.muli %arg0, %mul3A : i32
    %add3A = arith.addi %mul3A_0, %arg1 : i32
    "tpu.region"() ({
      %run_scoped3A = tpu.sem_alloc : memref<!tpu.dma_semaphore, #tpu.memory_space<semaphore_mem>>
      tpu.enqueue_dma source(%arg3 : memref<128x16xf32, #tpu.memory_space<hbm>>) target(%arg8 : memref<128x16xf32, #tpu.memory_space<vmem>>) target_semaphore(%run_scoped3A : memref<!tpu.dma_semaphore, #tpu.memory_space<semaphore_mem>>)
      tpu.wait_dma2 semaphore(%run_scoped3A : memref<!tpu.dma_semaphore, #tpu.memory_space<semaphore_mem>>) src(%arg3 : memref<128x16xf32, #tpu.memory_space<hbm>>) dst(%arg8 : memref<128x16xf32, #tpu.memory_space<vmem>>)
      tpu.yield
    }) : () -> ()
    %mul3A_1 = arith.constant 640 : i32
    %mul3A_2 = arith.muli %arg1, %mul3A_1 : i32
    %add3A_3 = arith.constant 0 : i32
    %add3A_4 = arith.addi %mul3A_2, %add3A_3 : i32
    "tpu.region"() ({
      %run_scoped3A = tpu.sem_alloc : memref<!tpu.dma_semaphore, #tpu.memory_space<semaphore_mem>>
      %dma_start3A = arith.constant 0 : i32
      %dma_start3A_55 = tpu.memref_slice %arg9[%add3A_4, %dma_start3A] : memref<10240x16xf32, #tpu.memory_space<vmem_shared>> -> memref<128x16xf32, #tpu.memory_space<vmem_shared>>
      %dma_start3A_56 = arith.constant 0 : i32
      %dma_start3A_57 = tpu.memref_slice %arg9[%add3A_4, %dma_start3A_56] : memref<10240x16xf32, #tpu.memory_space<vmem_shared>> -> memref<128x16xf32, #tpu.memory_space<vmem_shared>>
      tpu.enqueue_dma source(%arg8 : memref<128x16xf32, #tpu.memory_space<vmem>>) target(%dma_start3A_57 : memref<128x16xf32, #tpu.memory_space<vmem_shared>>) target_semaphore(%run_scoped3A : memref<!tpu.dma_semaphore, #tpu.memory_space<semaphore_mem>>)
      %dma_wait3A_58 = arith.constant 0 : i32
      %dma_wait3A_59 = tpu.memref_slice %arg9[%add3A_4, %dma_wait3A_58] : memref<10240x16xf32, #tpu.memory_space<vmem_shared>> -> memref<128x16xf32, #tpu.memory_space<vmem_shared>>
      %dma_wait3A_60 = arith.constant 0 : i32
      %dma_wait3A_61 = tpu.memref_slice %arg9[%add3A_4, %dma_wait3A_60] : memref<10240x16xf32, #tpu.memory_space<vmem_shared>> -> memref<128x16xf32, #tpu.memory_space<vmem_shared>>
      tpu.wait_dma2 semaphore(%run_scoped3A : memref<!tpu.dma_semaphore, #tpu.memory_space<semaphore_mem>>) src(%arg8 : memref<128x16xf32, #tpu.memory_space<vmem>>) dst(%dma_wait3A_61 : memref<128x16xf32, #tpu.memory_space<vmem_shared>>)
      tpu.yield
    }) : () -> ()
    %add3A_5 = arith.constant 128 : i32
    %add3A_6 = arith.addi %mul3A_2, %add3A_5 : i32
    "tpu.region"() ({
      %run_scoped3A = tpu.sem_alloc : memref<!tpu.dma_semaphore, #tpu.memory_space<semaphore_mem>>
      %dma_start3A = arith.constant 0 : i32
      %dma_start3A_55 = tpu.memref_slice %arg9[%add3A_6, %dma_start3A] : memref<10240x16xf32, #tpu.memory_space<vmem_shared>> -> memref<128x16xf32, #tpu.memory_space<vmem_shared>>
      %dma_start3A_56 = arith.constant 0 : i32
      %dma_start3A_57 = tpu.memref_slice %arg9[%add3A_6, %dma_start3A_56] : memref<10240x16xf32, #tpu.memory_space<vmem_shared>> -> memref<128x16xf32, #tpu.memory_space<vmem_shared>>
      tpu.enqueue_dma source(%arg8 : memref<128x16xf32, #tpu.memory_space<vmem>>) target(%dma_start3A_57 : memref<128x16xf32, #tpu.memory_space<vmem_shared>>) target_semaphore(%run_scoped3A : memref<!tpu.dma_semaphore, #tpu.memory_space<semaphore_mem>>)
      %dma_wait3A_58 = arith.constant 0 : i32
      %dma_wait3A_59 = tpu.memref_slice %arg9[%add3A_6, %dma_wait3A_58] : memref<10240x16xf32, #tpu.memory_space<vmem_shared>> -> memref<128x16xf32, #tpu.memory_space<vmem_shared>>
      %dma_wait3A_60 = arith.constant 0 : i32
      %dma_wait3A_61 = tpu.memref_slice %arg9[%add3A_6, %dma_wait3A_60] : memref<10240x16xf32, #tpu.memory_space<vmem_shared>> -> memref<128x16xf32, #tpu.memory_space<vmem_shared>>
      tpu.wait_dma2 semaphore(%run_scoped3A : memref<!tpu.dma_semaphore, #tpu.memory_space<semaphore_mem>>) src(%arg8 : memref<128x16xf32, #tpu.memory_space<vmem>>) dst(%dma_wait3A_61 : memref<128x16xf32, #tpu.memory_space<vmem_shared>>)
      tpu.yield
    }) : () -> ()
    %add3A_7 = arith.constant 256 : i32
    %add3A_8 = arith.addi %mul3A_2, %add3A_7 : i32
    "tpu.region"() ({
      %run_scoped3A = tpu.sem_alloc : memref<!tpu.dma_semaphore, #tpu.memory_space<semaphore_mem>>
      %dma_start3A = arith.constant 0 : i32
      %dma_start3A_55 = tpu.memref_slice %arg9[%add3A_8, %dma_start3A] : memref<10240x16xf32, #tpu.memory_space<vmem_shared>> -> memref<128x16xf32, #tpu.memory_space<vmem_shared>>
      %dma_start3A_56 = arith.constant 0 : i32
      %dma_start3A_57 = tpu.memref_slice %arg9[%add3A_8, %dma_start3A_56] : memref<10240x16xf32, #tpu.memory_space<vmem_shared>> -> memref<128x16xf32, #tpu.memory_space<vmem_shared>>
      tpu.enqueue_dma source(%arg8 : memref<128x16xf32, #tpu.memory_space<vmem>>) target(%dma_start3A_57 : memref<128x16xf32, #tpu.memory_space<vmem_shared>>) target_semaphore(%run_scoped3A : memref<!tpu.dma_semaphore, #tpu.memory_space<semaphore_mem>>)
      %dma_wait3A_58 = arith.constant 0 : i32
      %dma_wait3A_59 = tpu.memref_slice %arg9[%add3A_8, %dma_wait3A_58] : memref<10240x16xf32, #tpu.memory_space<vmem_shared>> -> memref<128x16xf32, #tpu.memory_space<vmem_shared>>
      %dma_wait3A_60 = arith.constant 0 : i32
      %dma_wait3A_61 = tpu.memref_slice %arg9[%add3A_8, %dma_wait3A_60] : memref<10240x16xf32, #tpu.memory_space<vmem_shared>> -> memref<128x16xf32, #tpu.memory_space<vmem_shared>>
      tpu.wait_dma2 semaphore(%run_scoped3A : memref<!tpu.dma_semaphore, #tpu.memory_space<semaphore_mem>>) src(%arg8 : memref<128x16xf32, #tpu.memory_space<vmem>>) dst(%dma_wait3A_61 : memref<128x16xf32, #tpu.memory_space<vmem_shared>>)
      tpu.yield
    }) : () -> ()
    %add3A_9 = arith.constant 384 : i32
    %add3A_10 = arith.addi %mul3A_2, %add3A_9 : i32
    "tpu.region"() ({
      %run_scoped3A = tpu.sem_alloc : memref<!tpu.dma_semaphore, #tpu.memory_space<semaphore_mem>>
      %dma_start3A = arith.constant 0 : i32
      %dma_start3A_55 = tpu.memref_slice %arg9[%add3A_10, %dma_start3A] : memref<10240x16xf32, #tpu.memory_space<vmem_shared>> -> memref<128x16xf32, #tpu.memory_space<vmem_shared>>
      %dma_start3A_56 = arith.constant 0 : i32
      %dma_start3A_57 = tpu.memref_slice %arg9[%add3A_10, %dma_start3A_56] : memref<10240x16xf32, #tpu.memory_space<vmem_shared>> -> memref<128x16xf32, #tpu.memory_space<vmem_shared>>
      tpu.enqueue_dma source(%arg8 : memref<128x16xf32, #tpu.memory_space<vmem>>) target(%dma_start3A_57 : memref<128x16xf32, #tpu.memory_space<vmem_shared>>) target_semaphore(%run_scoped3A : memref<!tpu.dma_semaphore, #tpu.memory_space<semaphore_mem>>)
      %dma_wait3A_58 = arith.constant 0 : i32
      %dma_wait3A_59 = tpu.memref_slice %arg9[%add3A_10, %dma_wait3A_58] : memref<10240x16xf32, #tpu.memory_space<vmem_shared>> -> memref<128x16xf32, #tpu.memory_space<vmem_shared>>
      %dma_wait3A_60 = arith.constant 0 : i32
      %dma_wait3A_61 = tpu.memref_slice %arg9[%add3A_10, %dma_wait3A_60] : memref<10240x16xf32, #tpu.memory_space<vmem_shared>> -> memref<128x16xf32, #tpu.memory_space<vmem_shared>>
      tpu.wait_dma2 semaphore(%run_scoped3A : memref<!tpu.dma_semaphore, #tpu.memory_space<semaphore_mem>>) src(%arg8 : memref<128x16xf32, #tpu.memory_space<vmem>>) dst(%dma_wait3A_61 : memref<128x16xf32, #tpu.memory_space<vmem_shared>>)
      tpu.yield
    }) : () -> ()
    %add3A_11 = arith.constant 512 : i32
    %add3A_12 = arith.addi %mul3A_2, %add3A_11 : i32
    "tpu.region"() ({
      %run_scoped3A = tpu.sem_alloc : memref<!tpu.dma_semaphore, #tpu.memory_space<semaphore_mem>>
      %dma_start3A = arith.constant 0 : i32
      %dma_start3A_55 = tpu.memref_slice %arg9[%add3A_12, %dma_start3A] : memref<10240x16xf32, #tpu.memory_space<vmem_shared>> -> memref<128x16xf32, #tpu.memory_space<vmem_shared>>
      %dma_start3A_56 = arith.constant 0 : i32
      %dma_start3A_57 = tpu.memref_slice %arg9[%add3A_12, %dma_start3A_56] : memref<10240x16xf32, #tpu.memory_space<vmem_shared>> -> memref<128x16xf32, #tpu.memory_space<vmem_shared>>
      tpu.enqueue_dma source(%arg8 : memref<128x16xf32, #tpu.memory_space<vmem>>) target(%dma_start3A_57 : memref<128x16xf32, #tpu.memory_space<vmem_shared>>) target_semaphore(%run_scoped3A : memref<!tpu.dma_semaphore, #tpu.memory_space<semaphore_mem>>)
      %dma_wait3A_58 = arith.constant 0 : i32
      %dma_wait3A_59 = tpu.memref_slice %arg9[%add3A_12, %dma_wait3A_58] : memref<10240x16xf32, #tpu.memory_space<vmem_shared>> -> memref<128x16xf32, #tpu.memory_space<vmem_shared>>
      %dma_wait3A_60 = arith.constant 0 : i32
      %dma_wait3A_61 = tpu.memref_slice %arg9[%add3A_12, %dma_wait3A_60] : memref<10240x16xf32, #tpu.memory_space<vmem_shared>> -> memref<128x16xf32, #tpu.memory_space<vmem_shared>>
      tpu.wait_dma2 semaphore(%run_scoped3A : memref<!tpu.dma_semaphore, #tpu.memory_space<semaphore_mem>>) src(%arg8 : memref<128x16xf32, #tpu.memory_space<vmem>>) dst(%dma_wait3A_61 : memref<128x16xf32, #tpu.memory_space<vmem_shared>>)
      tpu.yield
    }) : () -> ()
    "tpu.region"() ({
      %run_scoped3A = tpu.sem_alloc : memref<!tpu.dma_semaphore, #tpu.memory_space<semaphore_mem>>
      tpu.enqueue_dma source(%arg2 : memref<128x16xf32, #tpu.memory_space<hbm>>) target(%arg7 : memref<128x16xf32, #tpu.memory_space<vmem>>) target_semaphore(%run_scoped3A : memref<!tpu.dma_semaphore, #tpu.memory_space<semaphore_mem>>)
      tpu.wait_dma2 semaphore(%run_scoped3A : memref<!tpu.dma_semaphore, #tpu.memory_space<semaphore_mem>>) src(%arg2 : memref<128x16xf32, #tpu.memory_space<hbm>>) dst(%arg7 : memref<128x16xf32, #tpu.memory_space<vmem>>)
      tpu.yield
    }) : () -> ()
    "tpu.region"() ({
      %run_scoped3A = tpu.sem_alloc : memref<!tpu.dma_semaphore, #tpu.memory_space<semaphore_mem>>
      %dma_start3A = arith.constant 0 : i32
      %dma_start3A_55 = arith.constant 0 : i32
      %dma_start3A_56 = tpu.memref_slice %arg4[%add3A, %dma_start3A, %dma_start3A_55] : memref<32x80x128xi32, #tpu.memory_space<hbm>> -> memref<1x80x128xi32, #tpu.memory_space<hbm>>
      %dma_start3A_57 = tpu.memref_squeeze %dma_start3A_56 : memref<1x80x128xi32, #tpu.memory_space<hbm>> -> memref<80x128xi32, #tpu.memory_space<hbm>>
      %dma_start3A_58 = arith.constant 0 : i32
      %dma_start3A_59 = arith.constant 0 : i32
      %dma_start3A_60 = tpu.memref_slice %arg4[%add3A, %dma_start3A_58, %dma_start3A_59] : memref<32x80x128xi32, #tpu.memory_space<hbm>> -> memref<1x80x128xi32, #tpu.memory_space<hbm>>
      %dma_start3A_61 = tpu.memref_squeeze %dma_start3A_60 : memref<1x80x128xi32, #tpu.memory_space<hbm>> -> memref<80x128xi32, #tpu.memory_space<hbm>>
      tpu.enqueue_dma source(%dma_start3A_61 : memref<80x128xi32, #tpu.memory_space<hbm>>) target(%arg6 : memref<80x128xi32, #tpu.memory_space<vmem>>) target_semaphore(%run_scoped3A : memref<!tpu.dma_semaphore, #tpu.memory_space<semaphore_mem>>)
      %dma_wait3A_62 = arith.constant 0 : i32
      %dma_wait3A_63 = arith.constant 0 : i32
      %dma_wait3A_64 = tpu.memref_slice %arg4[%add3A, %dma_wait3A_62, %dma_wait3A_63] : memref<32x80x128xi32, #tpu.memory_space<hbm>> -> memref<1x80x128xi32, #tpu.memory_space<hbm>>
      %dma_wait3A_65 = tpu.memref_squeeze %dma_wait3A_64 : memref<1x80x128xi32, #tpu.memory_space<hbm>> -> memref<80x128xi32, #tpu.memory_space<hbm>>
      %dma_wait3A_66 = arith.constant 0 : i32
      %dma_wait3A_67 = arith.constant 0 : i32
      %dma_wait3A_68 = tpu.memref_slice %arg4[%add3A, %dma_wait3A_66, %dma_wait3A_67] : memref<32x80x128xi32, #tpu.memory_space<hbm>> -> memref<1x80x128xi32, #tpu.memory_space<hbm>>
      %dma_wait3A_69 = tpu.memref_squeeze %dma_wait3A_68 : memref<1x80x128xi32, #tpu.memory_space<hbm>> -> memref<80x128xi32, #tpu.memory_space<hbm>>
      tpu.wait_dma2 semaphore(%run_scoped3A : memref<!tpu.dma_semaphore, #tpu.memory_space<semaphore_mem>>) src(%dma_wait3A_69 : memref<80x128xi32, #tpu.memory_space<hbm>>) dst(%arg6 : memref<80x128xi32, #tpu.memory_space<vmem>>)
      tpu.yield
    }) : () -> ()
    %barrier3A = arith.constant 0 : index
    tpu.barrier barrier_id(%barrier3A)
    %scan3A = arith.constant 0 : i32
    %scan3A_13 = arith.constant 20 : i32
    %scan3A_14 = arith.addi %scan3A, %scan3A_13 : i32
    %scan3A_15 = arith.constant 1 : i32
    scf.for %scan3A_55 = %scan3A to %scan3A_14 step %scan3A_15  : i32 {
      %mul3A_56 = arith.constant 4 : i32
      %mul3A_57 = arith.muli %scan3A_55, %mul3A_56 : i32
      %add3A_58 = arith.constant 0 : i32
      %add3A_59 = arith.addi %add3A_58, %mul3A_57 : i32
      %add3A_60 = arith.constant 0 : i32
      %add3A_61 = arith.addi %add3A_59, %add3A_60 : i32
      %ge3A = arith.constant 4 : i32
      %ge3A_62 = arith.cmpi sge, %add3A_61, %ge3A : i32
      %convert_element_type3A = arith.extui %ge3A_62 : i1 to i32
      %cond3A = arith.constant 0 : i32
      %cond3A_63 = arith.cmpi ne, %convert_element_type3A, %cond3A : i32
      scf.if %cond3A_63 {
        %dma_wait3A_108 = arith.constant 0 : i32
        %dma_wait3A_109 = arith.constant 0 : i32
        %dma_wait3A_110 = tpu.memref_slice %arg6[%dma_wait3A_108, %dma_wait3A_109] : memref<80x128xi32, #tpu.memory_space<vmem>> -> memref<1x128xi32, #tpu.memory_space<vmem>>
        %dma_wait3A_111 = tpu.memref_squeeze %dma_wait3A_110 : memref<1x128xi32, #tpu.memory_space<vmem>> -> memref<128xi32, #tpu.memory_space<vmem>>
        %dma_wait3A_112 = arith.constant 0 : i32
        %dma_wait3A_113 = arith.constant 0 : i32
        %dma_wait3A_114 = tpu.memref_slice %arg9[%dma_wait3A_112, %dma_wait3A_113] : memref<10240x16xf32, #tpu.memory_space<vmem_shared>> -> memref<10240x16xf32, #tpu.memory_space<vmem_shared>>
        tpu.wait_indirect_dma semaphore(%arg10 : memref<!tpu.dma_semaphore, #tpu.memory_space<semaphore_mem>>) src(%arg7 : memref<128x16xf32, #tpu.memory_space<vmem>>) dst(%dma_wait3A_114 : memref<10240x16xf32, #tpu.memory_space<vmem_shared>>)
      } else {
      }
      %dma_start3A = arith.constant 0 : i32
      %dma_start3A_64 = tpu.memref_slice %arg6[%add3A_61, %dma_start3A] : memref<80x128xi32, #tpu.memory_space<vmem>> -> memref<1x128xi32, #tpu.memory_space<vmem>>
      %dma_start3A_65 = tpu.memref_squeeze %dma_start3A_64 : memref<1x128xi32, #tpu.memory_space<vmem>> -> memref<128xi32, #tpu.memory_space<vmem>>
      %dma_start3A_66 = arith.constant 0 : i32
      %dma_start3A_67 = arith.constant 0 : i32
      %dma_start3A_68 = tpu.memref_slice %arg9[%dma_start3A_66, %dma_start3A_67] : memref<10240x16xf32, #tpu.memory_space<vmem_shared>> -> memref<10240x16xf32, #tpu.memory_space<vmem_shared>>
      tpu.enqueue_indirect_dma source(%arg7 : memref<128x16xf32, #tpu.memory_space<vmem>>) target(%dma_start3A_68 : memref<10240x16xf32, #tpu.memory_space<vmem_shared>>) offsets(%dma_start3A_65 : memref<128xi32, #tpu.memory_space<vmem>>) semaphore(%arg10 : memref<!tpu.dma_semaphore, #tpu.memory_space<semaphore_mem>>) {add = true}
      %add3A_69 = arith.constant 1 : i32
      %add3A_70 = arith.addi %add3A_59, %add3A_69 : i32
      %ge3A_71 = arith.constant 4 : i32
      %ge3A_72 = arith.cmpi sge, %add3A_70, %ge3A_71 : i32
      %convert_element_type3A_73 = arith.extui %ge3A_72 : i1 to i32
      %cond3A_74 = arith.constant 0 : i32
      %cond3A_75 = arith.cmpi ne, %convert_element_type3A_73, %cond3A_74 : i32
      scf.if %cond3A_75 {
        %dma_wait3A_108 = arith.constant 0 : i32
        %dma_wait3A_109 = arith.constant 0 : i32
        %dma_wait3A_110 = tpu.memref_slice %arg6[%dma_wait3A_108, %dma_wait3A_109] : memref<80x128xi32, #tpu.memory_space<vmem>> -> memref<1x128xi32, #tpu.memory_space<vmem>>
        %dma_wait3A_111 = tpu.memref_squeeze %dma_wait3A_110 : memref<1x128xi32, #tpu.memory_space<vmem>> -> memref<128xi32, #tpu.memory_space<vmem>>
        %dma_wait3A_112 = arith.constant 0 : i32
        %dma_wait3A_113 = arith.constant 0 : i32
        %dma_wait3A_114 = tpu.memref_slice %arg9[%dma_wait3A_112, %dma_wait3A_113] : memref<10240x16xf32, #tpu.memory_space<vmem_shared>> -> memref<10240x16xf32, #tpu.memory_space<vmem_shared>>
        tpu.wait_indirect_dma semaphore(%arg11 : memref<!tpu.dma_semaphore, #tpu.memory_space<semaphore_mem>>) src(%arg7 : memref<128x16xf32, #tpu.memory_space<vmem>>) dst(%dma_wait3A_114 : memref<10240x16xf32, #tpu.memory_space<vmem_shared>>)
      } else {
      }
      %dma_start3A_76 = arith.constant 0 : i32
      %dma_start3A_77 = tpu.memref_slice %arg6[%add3A_70, %dma_start3A_76] : memref<80x128xi32, #tpu.memory_space<vmem>> -> memref<1x128xi32, #tpu.memory_space<vmem>>
      %dma_start3A_78 = tpu.memref_squeeze %dma_start3A_77 : memref<1x128xi32, #tpu.memory_space<vmem>> -> memref<128xi32, #tpu.memory_space<vmem>>
      %dma_start3A_79 = arith.constant 0 : i32
      %dma_start3A_80 = arith.constant 0 : i32
      %dma_start3A_81 = tpu.memref_slice %arg9[%dma_start3A_79, %dma_start3A_80] : memref<10240x16xf32, #tpu.memory_space<vmem_shared>> -> memref<10240x16xf32, #tpu.memory_space<vmem_shared>>
      tpu.enqueue_indirect_dma source(%arg7 : memref<128x16xf32, #tpu.memory_space<vmem>>) target(%dma_start3A_81 : memref<10240x16xf32, #tpu.memory_space<vmem_shared>>) offsets(%dma_start3A_78 : memref<128xi32, #tpu.memory_space<vmem>>) semaphore(%arg11 : memref<!tpu.dma_semaphore, #tpu.memory_space<semaphore_mem>>) {add = true}
      %add3A_82 = arith.constant 2 : i32
      %add3A_83 = arith.addi %add3A_59, %add3A_82 : i32
      %ge3A_84 = arith.constant 4 : i32
      %ge3A_85 = arith.cmpi sge, %add3A_83, %ge3A_84 : i32
      %convert_element_type3A_86 = arith.extui %ge3A_85 : i1 to i32
      %cond3A_87 = arith.constant 0 : i32
      %cond3A_88 = arith.cmpi ne, %convert_element_type3A_86, %cond3A_87 : i32
      scf.if %cond3A_88 {
        %dma_wait3A_108 = arith.constant 0 : i32
        %dma_wait3A_109 = arith.constant 0 : i32
        %dma_wait3A_110 = tpu.memref_slice %arg6[%dma_wait3A_108, %dma_wait3A_109] : memref<80x128xi32, #tpu.memory_space<vmem>> -> memref<1x128xi32, #tpu.memory_space<vmem>>
        %dma_wait3A_111 = tpu.memref_squeeze %dma_wait3A_110 : memref<1x128xi32, #tpu.memory_space<vmem>> -> memref<128xi32, #tpu.memory_space<vmem>>
        %dma_wait3A_112 = arith.constant 0 : i32
        %dma_wait3A_113 = arith.constant 0 : i32
        %dma_wait3A_114 = tpu.memref_slice %arg9[%dma_wait3A_112, %dma_wait3A_113] : memref<10240x16xf32, #tpu.memory_space<vmem_shared>> -> memref<10240x16xf32, #tpu.memory_space<vmem_shared>>
        tpu.wait_indirect_dma semaphore(%arg12 : memref<!tpu.dma_semaphore, #tpu.memory_space<semaphore_mem>>) src(%arg7 : memref<128x16xf32, #tpu.memory_space<vmem>>) dst(%dma_wait3A_114 : memref<10240x16xf32, #tpu.memory_space<vmem_shared>>)
      } else {
      }
      %dma_start3A_89 = arith.constant 0 : i32
      %dma_start3A_90 = tpu.memref_slice %arg6[%add3A_83, %dma_start3A_89] : memref<80x128xi32, #tpu.memory_space<vmem>> -> memref<1x128xi32, #tpu.memory_space<vmem>>
      %dma_start3A_91 = tpu.memref_squeeze %dma_start3A_90 : memref<1x128xi32, #tpu.memory_space<vmem>> -> memref<128xi32, #tpu.memory_space<vmem>>
      %dma_start3A_92 = arith.constant 0 : i32
      %dma_start3A_93 = arith.constant 0 : i32
      %dma_start3A_94 = tpu.memref_slice %arg9[%dma_start3A_92, %dma_start3A_93] : memref<10240x16xf32, #tpu.memory_space<vmem_shared>> -> memref<10240x16xf32, #tpu.memory_space<vmem_shared>>
      tpu.enqueue_indirect_dma source(%arg7 : memref<128x16xf32, #tpu.memory_space<vmem>>) target(%dma_start3A_94 : memref<10240x16xf32, #tpu.memory_space<vmem_shared>>) offsets(%dma_start3A_91 : memref<128xi32, #tpu.memory_space<vmem>>) semaphore(%arg12 : memref<!tpu.dma_semaphore, #tpu.memory_space<semaphore_mem>>) {add = true}
      %add3A_95 = arith.constant 3 : i32
      %add3A_96 = arith.addi %add3A_59, %add3A_95 : i32
      %ge3A_97 = arith.constant 4 : i32
      %ge3A_98 = arith.cmpi sge, %add3A_96, %ge3A_97 : i32
      %convert_element_type3A_99 = arith.extui %ge3A_98 : i1 to i32
      %cond3A_100 = arith.constant 0 : i32
      %cond3A_101 = arith.cmpi ne, %convert_element_type3A_99, %cond3A_100 : i32
      scf.if %cond3A_101 {
        %dma_wait3A_108 = arith.constant 0 : i32
        %dma_wait3A_109 = arith.constant 0 : i32
        %dma_wait3A_110 = tpu.memref_slice %arg6[%dma_wait3A_108, %dma_wait3A_109] : memref<80x128xi32, #tpu.memory_space<vmem>> -> memref<1x128xi32, #tpu.memory_space<vmem>>
        %dma_wait3A_111 = tpu.memref_squeeze %dma_wait3A_110 : memref<1x128xi32, #tpu.memory_space<vmem>> -> memref<128xi32, #tpu.memory_space<vmem>>
        %dma_wait3A_112 = arith.constant 0 : i32
        %dma_wait3A_113 = arith.constant 0 : i32
        %dma_wait3A_114 = tpu.memref_slice %arg9[%dma_wait3A_112, %dma_wait3A_113] : memref<10240x16xf32, #tpu.memory_space<vmem_shared>> -> memref<10240x16xf32, #tpu.memory_space<vmem_shared>>
        tpu.wait_indirect_dma semaphore(%arg13 : memref<!tpu.dma_semaphore, #tpu.memory_space<semaphore_mem>>) src(%arg7 : memref<128x16xf32, #tpu.memory_space<vmem>>) dst(%dma_wait3A_114 : memref<10240x16xf32, #tpu.memory_space<vmem_shared>>)
      } else {
      }
      %dma_start3A_102 = arith.constant 0 : i32
      %dma_start3A_103 = tpu.memref_slice %arg6[%add3A_96, %dma_start3A_102] : memref<80x128xi32, #tpu.memory_space<vmem>> -> memref<1x128xi32, #tpu.memory_space<vmem>>
      %dma_start3A_104 = tpu.memref_squeeze %dma_start3A_103 : memref<1x128xi32, #tpu.memory_space<vmem>> -> memref<128xi32, #tpu.memory_space<vmem>>
      %dma_start3A_105 = arith.constant 0 : i32
      %dma_start3A_106 = arith.constant 0 : i32
      %dma_start3A_107 = tpu.memref_slice %arg9[%dma_start3A_105, %dma_start3A_106] : memref<10240x16xf32, #tpu.memory_space<vmem_shared>> -> memref<10240x16xf32, #tpu.memory_space<vmem_shared>>
      tpu.enqueue_indirect_dma source(%arg7 : memref<128x16xf32, #tpu.memory_space<vmem>>) target(%dma_start3A_107 : memref<10240x16xf32, #tpu.memory_space<vmem_shared>>) offsets(%dma_start3A_104 : memref<128xi32, #tpu.memory_space<vmem>>) semaphore(%arg13 : memref<!tpu.dma_semaphore, #tpu.memory_space<semaphore_mem>>) {add = true}
    }
    %scan3A_16 = arith.constant 20 : i32
    %dma_wait3A = arith.constant 0 : i32
    %dma_wait3A_17 = arith.constant 0 : i32
    %dma_wait3A_18 = tpu.memref_slice %arg6[%dma_wait3A, %dma_wait3A_17] : memref<80x128xi32, #tpu.memory_space<vmem>> -> memref<1x128xi32, #tpu.memory_space<vmem>>
    %dma_wait3A_19 = tpu.memref_squeeze %dma_wait3A_18 : memref<1x128xi32, #tpu.memory_space<vmem>> -> memref<128xi32, #tpu.memory_space<vmem>>
    %dma_wait3A_20 = arith.constant 0 : i32
    %dma_wait3A_21 = arith.constant 0 : i32
    %dma_wait3A_22 = tpu.memref_slice %arg9[%dma_wait3A_20, %dma_wait3A_21] : memref<10240x16xf32, #tpu.memory_space<vmem_shared>> -> memref<10240x16xf32, #tpu.memory_space<vmem_shared>>
    tpu.wait_indirect_dma semaphore(%arg10 : memref<!tpu.dma_semaphore, #tpu.memory_space<semaphore_mem>>) src(%arg7 : memref<128x16xf32, #tpu.memory_space<vmem>>) dst(%dma_wait3A_22 : memref<10240x16xf32, #tpu.memory_space<vmem_shared>>)
    %dma_wait3A_23 = arith.constant 0 : i32
    %dma_wait3A_24 = arith.constant 0 : i32
    %dma_wait3A_25 = tpu.memref_slice %arg6[%dma_wait3A_23, %dma_wait3A_24] : memref<80x128xi32, #tpu.memory_space<vmem>> -> memref<1x128xi32, #tpu.memory_space<vmem>>
    %dma_wait3A_26 = tpu.memref_squeeze %dma_wait3A_25 : memref<1x128xi32, #tpu.memory_space<vmem>> -> memref<128xi32, #tpu.memory_space<vmem>>
    %dma_wait3A_27 = arith.constant 0 : i32
    %dma_wait3A_28 = arith.constant 0 : i32
    %dma_wait3A_29 = tpu.memref_slice %arg9[%dma_wait3A_27, %dma_wait3A_28] : memref<10240x16xf32, #tpu.memory_space<vmem_shared>> -> memref<10240x16xf32, #tpu.memory_space<vmem_shared>>
    tpu.wait_indirect_dma semaphore(%arg11 : memref<!tpu.dma_semaphore, #tpu.memory_space<semaphore_mem>>) src(%arg7 : memref<128x16xf32, #tpu.memory_space<vmem>>) dst(%dma_wait3A_29 : memref<10240x16xf32, #tpu.memory_space<vmem_shared>>)
    %dma_wait3A_30 = arith.constant 0 : i32
    %dma_wait3A_31 = arith.constant 0 : i32
    %dma_wait3A_32 = tpu.memref_slice %arg6[%dma_wait3A_30, %dma_wait3A_31] : memref<80x128xi32, #tpu.memory_space<vmem>> -> memref<1x128xi32, #tpu.memory_space<vmem>>
    %dma_wait3A_33 = tpu.memref_squeeze %dma_wait3A_32 : memref<1x128xi32, #tpu.memory_space<vmem>> -> memref<128xi32, #tpu.memory_space<vmem>>
    %dma_wait3A_34 = arith.constant 0 : i32
    %dma_wait3A_35 = arith.constant 0 : i32
    %dma_wait3A_36 = tpu.memref_slice %arg9[%dma_wait3A_34, %dma_wait3A_35] : memref<10240x16xf32, #tpu.memory_space<vmem_shared>> -> memref<10240x16xf32, #tpu.memory_space<vmem_shared>>
    tpu.wait_indirect_dma semaphore(%arg12 : memref<!tpu.dma_semaphore, #tpu.memory_space<semaphore_mem>>) src(%arg7 : memref<128x16xf32, #tpu.memory_space<vmem>>) dst(%dma_wait3A_36 : memref<10240x16xf32, #tpu.memory_space<vmem_shared>>)
    %dma_wait3A_37 = arith.constant 0 : i32
    %dma_wait3A_38 = arith.constant 0 : i32
    %dma_wait3A_39 = tpu.memref_slice %arg6[%dma_wait3A_37, %dma_wait3A_38] : memref<80x128xi32, #tpu.memory_space<vmem>> -> memref<1x128xi32, #tpu.memory_space<vmem>>
    %dma_wait3A_40 = tpu.memref_squeeze %dma_wait3A_39 : memref<1x128xi32, #tpu.memory_space<vmem>> -> memref<128xi32, #tpu.memory_space<vmem>>
    %dma_wait3A_41 = arith.constant 0 : i32
    %dma_wait3A_42 = arith.constant 0 : i32
    %dma_wait3A_43 = tpu.memref_slice %arg9[%dma_wait3A_41, %dma_wait3A_42] : memref<10240x16xf32, #tpu.memory_space<vmem_shared>> -> memref<10240x16xf32, #tpu.memory_space<vmem_shared>>
    tpu.wait_indirect_dma semaphore(%arg13 : memref<!tpu.dma_semaphore, #tpu.memory_space<semaphore_mem>>) src(%arg7 : memref<128x16xf32, #tpu.memory_space<vmem>>) dst(%dma_wait3A_43 : memref<10240x16xf32, #tpu.memory_space<vmem_shared>>)
    %barrier3A_44 = arith.constant 0 : index
    tpu.barrier barrier_id(%barrier3A_44)
    %add3A_45 = arith.constant 0 : i32
    %add3A_46 = arith.addi %mul3A_2, %add3A_45 : i32
    "tpu.region"() ({
      %run_scoped3A = tpu.sem_alloc : memref<!tpu.dma_semaphore, #tpu.memory_space<semaphore_mem>>
      %dma_start3A = arith.constant 0 : i32
      %dma_start3A_55 = tpu.memref_slice %arg9[%add3A_46, %dma_start3A] : memref<10240x16xf32, #tpu.memory_space<vmem_shared>> -> memref<128x16xf32, #tpu.memory_space<vmem_shared>>
      %dma_start3A_56 = arith.constant 0 : i32
      %dma_start3A_57 = tpu.memref_slice %arg9[%add3A_46, %dma_start3A_56] : memref<10240x16xf32, #tpu.memory_space<vmem_shared>> -> memref<128x16xf32, #tpu.memory_space<vmem_shared>>
      tpu.enqueue_dma source(%dma_start3A_57 : memref<128x16xf32, #tpu.memory_space<vmem_shared>>) target(%arg8 : memref<128x16xf32, #tpu.memory_space<vmem>>) target_semaphore(%run_scoped3A : memref<!tpu.dma_semaphore, #tpu.memory_space<semaphore_mem>>)
      %dma_wait3A_58 = arith.constant 0 : i32
      %dma_wait3A_59 = tpu.memref_slice %arg9[%add3A_46, %dma_wait3A_58] : memref<10240x16xf32, #tpu.memory_space<vmem_shared>> -> memref<128x16xf32, #tpu.memory_space<vmem_shared>>
      %dma_wait3A_60 = arith.constant 0 : i32
      %dma_wait3A_61 = tpu.memref_slice %arg9[%add3A_46, %dma_wait3A_60] : memref<10240x16xf32, #tpu.memory_space<vmem_shared>> -> memref<128x16xf32, #tpu.memory_space<vmem_shared>>
      tpu.wait_dma2 semaphore(%run_scoped3A : memref<!tpu.dma_semaphore, #tpu.memory_space<semaphore_mem>>) src(%dma_wait3A_61 : memref<128x16xf32, #tpu.memory_space<vmem_shared>>) dst(%arg8 : memref<128x16xf32, #tpu.memory_space<vmem>>)
      tpu.yield
    }) : () -> ()
    "tpu.region"() ({
      %run_scoped3A = tpu.sem_alloc : memref<!tpu.dma_semaphore, #tpu.memory_space<semaphore_mem>>
      %dma_start3A = arith.constant 0 : i32
      %dma_start3A_55 = tpu.memref_slice %arg5[%arg0, %add3A_46, %dma_start3A] : memref<2x10240x16xf32, #tpu.memory_space<hbm>> -> memref<1x128x16xf32, #tpu.memory_space<hbm>>
      %dma_start3A_56 = tpu.memref_squeeze %dma_start3A_55 : memref<1x128x16xf32, #tpu.memory_space<hbm>> -> memref<128x16xf32, #tpu.memory_space<hbm>>
      %dma_start3A_57 = arith.constant 0 : i32
      %dma_start3A_58 = tpu.memref_slice %arg5[%arg0, %add3A_46, %dma_start3A_57] : memref<2x10240x16xf32, #tpu.memory_space<hbm>> -> memref<1x128x16xf32, #tpu.memory_space<hbm>>
      %dma_start3A_59 = tpu.memref_squeeze %dma_start3A_58 : memref<1x128x16xf32, #tpu.memory_space<hbm>> -> memref<128x16xf32, #tpu.memory_space<hbm>>
      tpu.enqueue_dma source(%arg8 : memref<128x16xf32, #tpu.memory_space<vmem>>) target(%dma_start3A_59 : memref<128x16xf32, #tpu.memory_space<hbm>>) target_semaphore(%run_scoped3A : memref<!tpu.dma_semaphore, #tpu.memory_space<semaphore_mem>>)
      %dma_wait3A_60 = arith.constant 0 : i32
      %dma_wait3A_61 = tpu.memref_slice %arg5[%arg0, %add3A_46, %dma_wait3A_60] : memref<2x10240x16xf32, #tpu.memory_space<hbm>> -> memref<1x128x16xf32, #tpu.memory_space<hbm>>
      %dma_wait3A_62 = tpu.memref_squeeze %dma_wait3A_61 : memref<1x128x16xf32, #tpu.memory_space<hbm>> -> memref<128x16xf32, #tpu.memory_space<hbm>>
      %dma_wait3A_63 = arith.constant 0 : i32
      %dma_wait3A_64 = tpu.memref_slice %arg5[%arg0, %add3A_46, %dma_wait3A_63] : memref<2x10240x16xf32, #tpu.memory_space<hbm>> -> memref<1x128x16xf32, #tpu.memory_space<hbm>>
      %dma_wait3A_65 = tpu.memref_squeeze %dma_wait3A_64 : memref<1x128x16xf32, #tpu.memory_space<hbm>> -> memref<128x16xf32, #tpu.memory_space<hbm>>
      tpu.wait_dma2 semaphore(%run_scoped3A : memref<!tpu.dma_semaphore, #tpu.memory_space<semaphore_mem>>) src(%arg8 : memref<128x16xf32, #tpu.memory_space<vmem>>) dst(%dma_wait3A_65 : memref<128x16xf32, #tpu.memory_space<hbm>>)
      tpu.yield
    }) : () -> ()
    %add3A_47 = arith.constant 128 : i32
    %add3A_48 = arith.addi %mul3A_2, %add3A_47 : i32
    "tpu.region"() ({
      %run_scoped3A = tpu.sem_alloc : memref<!tpu.dma_semaphore, #tpu.memory_space<semaphore_mem>>
      %dma_start3A = arith.constant 0 : i32
      %dma_start3A_55 = tpu.memref_slice %arg9[%add3A_48, %dma_start3A] : memref<10240x16xf32, #tpu.memory_space<vmem_shared>> -> memref<128x16xf32, #tpu.memory_space<vmem_shared>>
      %dma_start3A_56 = arith.constant 0 : i32
      %dma_start3A_57 = tpu.memref_slice %arg9[%add3A_48, %dma_start3A_56] : memref<10240x16xf32, #tpu.memory_space<vmem_shared>> -> memref<128x16xf32, #tpu.memory_space<vmem_shared>>
      tpu.enqueue_dma source(%dma_start3A_57 : memref<128x16xf32, #tpu.memory_space<vmem_shared>>) target(%arg8 : memref<128x16xf32, #tpu.memory_space<vmem>>) target_semaphore(%run_scoped3A : memref<!tpu.dma_semaphore, #tpu.memory_space<semaphore_mem>>)
      %dma_wait3A_58 = arith.constant 0 : i32
      %dma_wait3A_59 = tpu.memref_slice %arg9[%add3A_48, %dma_wait3A_58] : memref<10240x16xf32, #tpu.memory_space<vmem_shared>> -> memref<128x16xf32, #tpu.memory_space<vmem_shared>>
      %dma_wait3A_60 = arith.constant 0 : i32
      %dma_wait3A_61 = tpu.memref_slice %arg9[%add3A_48, %dma_wait3A_60] : memref<10240x16xf32, #tpu.memory_space<vmem_shared>> -> memref<128x16xf32, #tpu.memory_space<vmem_shared>>
      tpu.wait_dma2 semaphore(%run_scoped3A : memref<!tpu.dma_semaphore, #tpu.memory_space<semaphore_mem>>) src(%dma_wait3A_61 : memref<128x16xf32, #tpu.memory_space<vmem_shared>>) dst(%arg8 : memref<128x16xf32, #tpu.memory_space<vmem>>)
      tpu.yield
    }) : () -> ()
    "tpu.region"() ({
      %run_scoped3A = tpu.sem_alloc : memref<!tpu.dma_semaphore, #tpu.memory_space<semaphore_mem>>
      %dma_start3A = arith.constant 0 : i32
      %dma_start3A_55 = tpu.memref_slice %arg5[%arg0, %add3A_48, %dma_start3A] : memref<2x10240x16xf32, #tpu.memory_space<hbm>> -> memref<1x128x16xf32, #tpu.memory_space<hbm>>
      %dma_start3A_56 = tpu.memref_squeeze %dma_start3A_55 : memref<1x128x16xf32, #tpu.memory_space<hbm>> -> memref<128x16xf32, #tpu.memory_space<hbm>>
      %dma_start3A_57 = arith.constant 0 : i32
      %dma_start3A_58 = tpu.memref_slice %arg5[%arg0, %add3A_48, %dma_start3A_57] : memref<2x10240x16xf32, #tpu.memory_space<hbm>> -> memref<1x128x16xf32, #tpu.memory_space<hbm>>
      %dma_start3A_59 = tpu.memref_squeeze %dma_start3A_58 : memref<1x128x16xf32, #tpu.memory_space<hbm>> -> memref<128x16xf32, #tpu.memory_space<hbm>>
      tpu.enqueue_dma source(%arg8 : memref<128x16xf32, #tpu.memory_space<vmem>>) target(%dma_start3A_59 : memref<128x16xf32, #tpu.memory_space<hbm>>) target_semaphore(%run_scoped3A : memref<!tpu.dma_semaphore, #tpu.memory_space<semaphore_mem>>)
      %dma_wait3A_60 = arith.constant 0 : i32
      %dma_wait3A_61 = tpu.memref_slice %arg5[%arg0, %add3A_48, %dma_wait3A_60] : memref<2x10240x16xf32, #tpu.memory_space<hbm>> -> memref<1x128x16xf32, #tpu.memory_space<hbm>>
      %dma_wait3A_62 = tpu.memref_squeeze %dma_wait3A_61 : memref<1x128x16xf32, #tpu.memory_space<hbm>> -> memref<128x16xf32, #tpu.memory_space<hbm>>
      %dma_wait3A_63 = arith.constant 0 : i32
      %dma_wait3A_64 = tpu.memref_slice %arg5[%arg0, %add3A_48, %dma_wait3A_63] : memref<2x10240x16xf32, #tpu.memory_space<hbm>> -> memref<1x128x16xf32, #tpu.memory_space<hbm>>
      %dma_wait3A_65 = tpu.memref_squeeze %dma_wait3A_64 : memref<1x128x16xf32, #tpu.memory_space<hbm>> -> memref<128x16xf32, #tpu.memory_space<hbm>>
      tpu.wait_dma2 semaphore(%run_scoped3A : memref<!tpu.dma_semaphore, #tpu.memory_space<semaphore_mem>>) src(%arg8 : memref<128x16xf32, #tpu.memory_space<vmem>>) dst(%dma_wait3A_65 : memref<128x16xf32, #tpu.memory_space<hbm>>)
      tpu.yield
    }) : () -> ()
    %add3A_49 = arith.constant 256 : i32
    %add3A_50 = arith.addi %mul3A_2, %add3A_49 : i32
    "tpu.region"() ({
      %run_scoped3A = tpu.sem_alloc : memref<!tpu.dma_semaphore, #tpu.memory_space<semaphore_mem>>
      %dma_start3A = arith.constant 0 : i32
      %dma_start3A_55 = tpu.memref_slice %arg9[%add3A_50, %dma_start3A] : memref<10240x16xf32, #tpu.memory_space<vmem_shared>> -> memref<128x16xf32, #tpu.memory_space<vmem_shared>>
      %dma_start3A_56 = arith.constant 0 : i32
      %dma_start3A_57 = tpu.memref_slice %arg9[%add3A_50, %dma_start3A_56] : memref<10240x16xf32, #tpu.memory_space<vmem_shared>> -> memref<128x16xf32, #tpu.memory_space<vmem_shared>>
      tpu.enqueue_dma source(%dma_start3A_57 : memref<128x16xf32, #tpu.memory_space<vmem_shared>>) target(%arg8 : memref<128x16xf32, #tpu.memory_space<vmem>>) target_semaphore(%run_scoped3A : memref<!tpu.dma_semaphore, #tpu.memory_space<semaphore_mem>>)
      %dma_wait3A_58 = arith.constant 0 : i32
      %dma_wait3A_59 = tpu.memref_slice %arg9[%add3A_50, %dma_wait3A_58] : memref<10240x16xf32, #tpu.memory_space<vmem_shared>> -> memref<128x16xf32, #tpu.memory_space<vmem_shared>>
      %dma_wait3A_60 = arith.constant 0 : i32
      %dma_wait3A_61 = tpu.memref_slice %arg9[%add3A_50, %dma_wait3A_60] : memref<10240x16xf32, #tpu.memory_space<vmem_shared>> -> memref<128x16xf32, #tpu.memory_space<vmem_shared>>
      tpu.wait_dma2 semaphore(%run_scoped3A : memref<!tpu.dma_semaphore, #tpu.memory_space<semaphore_mem>>) src(%dma_wait3A_61 : memref<128x16xf32, #tpu.memory_space<vmem_shared>>) dst(%arg8 : memref<128x16xf32, #tpu.memory_space<vmem>>)
      tpu.yield
    }) : () -> ()
    "tpu.region"() ({
      %run_scoped3A = tpu.sem_alloc : memref<!tpu.dma_semaphore, #tpu.memory_space<semaphore_mem>>
      %dma_start3A = arith.constant 0 : i32
      %dma_start3A_55 = tpu.memref_slice %arg5[%arg0, %add3A_50, %dma_start3A] : memref<2x10240x16xf32, #tpu.memory_space<hbm>> -> memref<1x128x16xf32, #tpu.memory_space<hbm>>
      %dma_start3A_56 = tpu.memref_squeeze %dma_start3A_55 : memref<1x128x16xf32, #tpu.memory_space<hbm>> -> memref<128x16xf32, #tpu.memory_space<hbm>>
      %dma_start3A_57 = arith.constant 0 : i32
      %dma_start3A_58 = tpu.memref_slice %arg5[%arg0, %add3A_50, %dma_start3A_57] : memref<2x10240x16xf32, #tpu.memory_space<hbm>> -> memref<1x128x16xf32, #tpu.memory_space<hbm>>
      %dma_start3A_59 = tpu.memref_squeeze %dma_start3A_58 : memref<1x128x16xf32, #tpu.memory_space<hbm>> -> memref<128x16xf32, #tpu.memory_space<hbm>>
      tpu.enqueue_dma source(%arg8 : memref<128x16xf32, #tpu.memory_space<vmem>>) target(%dma_start3A_59 : memref<128x16xf32, #tpu.memory_space<hbm>>) target_semaphore(%run_scoped3A : memref<!tpu.dma_semaphore, #tpu.memory_space<semaphore_mem>>)
      %dma_wait3A_60 = arith.constant 0 : i32
      %dma_wait3A_61 = tpu.memref_slice %arg5[%arg0, %add3A_50, %dma_wait3A_60] : memref<2x10240x16xf32, #tpu.memory_space<hbm>> -> memref<1x128x16xf32, #tpu.memory_space<hbm>>
      %dma_wait3A_62 = tpu.memref_squeeze %dma_wait3A_61 : memref<1x128x16xf32, #tpu.memory_space<hbm>> -> memref<128x16xf32, #tpu.memory_space<hbm>>
      %dma_wait3A_63 = arith.constant 0 : i32
      %dma_wait3A_64 = tpu.memref_slice %arg5[%arg0, %add3A_50, %dma_wait3A_63] : memref<2x10240x16xf32, #tpu.memory_space<hbm>> -> memref<1x128x16xf32, #tpu.memory_space<hbm>>
      %dma_wait3A_65 = tpu.memref_squeeze %dma_wait3A_64 : memref<1x128x16xf32, #tpu.memory_space<hbm>> -> memref<128x16xf32, #tpu.memory_space<hbm>>
      tpu.wait_dma2 semaphore(%run_scoped3A : memref<!tpu.dma_semaphore, #tpu.memory_space<semaphore_mem>>) src(%arg8 : memref<128x16xf32, #tpu.memory_space<vmem>>) dst(%dma_wait3A_65 : memref<128x16xf32, #tpu.memory_space<hbm>>)
      tpu.yield
    }) : () -> ()
    %add3A_51 = arith.constant 384 : i32
    %add3A_52 = arith.addi %mul3A_2, %add3A_51 : i32
    "tpu.region"() ({
      %run_scoped3A = tpu.sem_alloc : memref<!tpu.dma_semaphore, #tpu.memory_space<semaphore_mem>>
      %dma_start3A = arith.constant 0 : i32
      %dma_start3A_55 = tpu.memref_slice %arg9[%add3A_52, %dma_start3A] : memref<10240x16xf32, #tpu.memory_space<vmem_shared>> -> memref<128x16xf32, #tpu.memory_space<vmem_shared>>
      %dma_start3A_56 = arith.constant 0 : i32
      %dma_start3A_57 = tpu.memref_slice %arg9[%add3A_52, %dma_start3A_56] : memref<10240x16xf32, #tpu.memory_space<vmem_shared>> -> memref<128x16xf32, #tpu.memory_space<vmem_shared>>
      tpu.enqueue_dma source(%dma_start3A_57 : memref<128x16xf32, #tpu.memory_space<vmem_shared>>) target(%arg8 : memref<128x16xf32, #tpu.memory_space<vmem>>) target_semaphore(%run_scoped3A : memref<!tpu.dma_semaphore, #tpu.memory_space<semaphore_mem>>)
      %dma_wait3A_58 = arith.constant 0 : i32
      %dma_wait3A_59 = tpu.memref_slice %arg9[%add3A_52, %dma_wait3A_58] : memref<10240x16xf32, #tpu.memory_space<vmem_shared>> -> memref<128x16xf32, #tpu.memory_space<vmem_shared>>
      %dma_wait3A_60 = arith.constant 0 : i32
      %dma_wait3A_61 = tpu.memref_slice %arg9[%add3A_52, %dma_wait3A_60] : memref<10240x16xf32, #tpu.memory_space<vmem_shared>> -> memref<128x16xf32, #tpu.memory_space<vmem_shared>>
      tpu.wait_dma2 semaphore(%run_scoped3A : memref<!tpu.dma_semaphore, #tpu.memory_space<semaphore_mem>>) src(%dma_wait3A_61 : memref<128x16xf32, #tpu.memory_space<vmem_shared>>) dst(%arg8 : memref<128x16xf32, #tpu.memory_space<vmem>>)
      tpu.yield
    }) : () -> ()
    "tpu.region"() ({
      %run_scoped3A = tpu.sem_alloc : memref<!tpu.dma_semaphore, #tpu.memory_space<semaphore_mem>>
      %dma_start3A = arith.constant 0 : i32
      %dma_start3A_55 = tpu.memref_slice %arg5[%arg0, %add3A_52, %dma_start3A] : memref<2x10240x16xf32, #tpu.memory_space<hbm>> -> memref<1x128x16xf32, #tpu.memory_space<hbm>>
      %dma_start3A_56 = tpu.memref_squeeze %dma_start3A_55 : memref<1x128x16xf32, #tpu.memory_space<hbm>> -> memref<128x16xf32, #tpu.memory_space<hbm>>
      %dma_start3A_57 = arith.constant 0 : i32
      %dma_start3A_58 = tpu.memref_slice %arg5[%arg0, %add3A_52, %dma_start3A_57] : memref<2x10240x16xf32, #tpu.memory_space<hbm>> -> memref<1x128x16xf32, #tpu.memory_space<hbm>>
      %dma_start3A_59 = tpu.memref_squeeze %dma_start3A_58 : memref<1x128x16xf32, #tpu.memory_space<hbm>> -> memref<128x16xf32, #tpu.memory_space<hbm>>
      tpu.enqueue_dma source(%arg8 : memref<128x16xf32, #tpu.memory_space<vmem>>) target(%dma_start3A_59 : memref<128x16xf32, #tpu.memory_space<hbm>>) target_semaphore(%run_scoped3A : memref<!tpu.dma_semaphore, #tpu.memory_space<semaphore_mem>>)
      %dma_wait3A_60 = arith.constant 0 : i32
      %dma_wait3A_61 = tpu.memref_slice %arg5[%arg0, %add3A_52, %dma_wait3A_60] : memref<2x10240x16xf32, #tpu.memory_space<hbm>> -> memref<1x128x16xf32, #tpu.memory_space<hbm>>
      %dma_wait3A_62 = tpu.memref_squeeze %dma_wait3A_61 : memref<1x128x16xf32, #tpu.memory_space<hbm>> -> memref<128x16xf32, #tpu.memory_space<hbm>>
      %dma_wait3A_63 = arith.constant 0 : i32
      %dma_wait3A_64 = tpu.memref_slice %arg5[%arg0, %add3A_52, %dma_wait3A_63] : memref<2x10240x16xf32, #tpu.memory_space<hbm>> -> memref<1x128x16xf32, #tpu.memory_space<hbm>>
      %dma_wait3A_65 = tpu.memref_squeeze %dma_wait3A_64 : memref<1x128x16xf32, #tpu.memory_space<hbm>> -> memref<128x16xf32, #tpu.memory_space<hbm>>
      tpu.wait_dma2 semaphore(%run_scoped3A : memref<!tpu.dma_semaphore, #tpu.memory_space<semaphore_mem>>) src(%arg8 : memref<128x16xf32, #tpu.memory_space<vmem>>) dst(%dma_wait3A_65 : memref<128x16xf32, #tpu.memory_space<hbm>>)
      tpu.yield
    }) : () -> ()
    %add3A_53 = arith.constant 512 : i32
    %add3A_54 = arith.addi %mul3A_2, %add3A_53 : i32
    "tpu.region"() ({
      %run_scoped3A = tpu.sem_alloc : memref<!tpu.dma_semaphore, #tpu.memory_space<semaphore_mem>>
      %dma_start3A = arith.constant 0 : i32
      %dma_start3A_55 = tpu.memref_slice %arg9[%add3A_54, %dma_start3A] : memref<10240x16xf32, #tpu.memory_space<vmem_shared>> -> memref<128x16xf32, #tpu.memory_space<vmem_shared>>
      %dma_start3A_56 = arith.constant 0 : i32
      %dma_start3A_57 = tpu.memref_slice %arg9[%add3A_54, %dma_start3A_56] : memref<10240x16xf32, #tpu.memory_space<vmem_shared>> -> memref<128x16xf32, #tpu.memory_space<vmem_shared>>
      tpu.enqueue_dma source(%dma_start3A_57 : memref<128x16xf32, #tpu.memory_space<vmem_shared>>) target(%arg8 : memref<128x16xf32, #tpu.memory_space<vmem>>) target_semaphore(%run_scoped3A : memref<!tpu.dma_semaphore, #tpu.memory_space<semaphore_mem>>)
      %dma_wait3A_58 = arith.constant 0 : i32
      %dma_wait3A_59 = tpu.memref_slice %arg9[%add3A_54, %dma_wait3A_58] : memref<10240x16xf32, #tpu.memory_space<vmem_shared>> -> memref<128x16xf32, #tpu.memory_space<vmem_shared>>
      %dma_wait3A_60 = arith.constant 0 : i32
      %dma_wait3A_61 = tpu.memref_slice %arg9[%add3A_54, %dma_wait3A_60] : memref<10240x16xf32, #tpu.memory_space<vmem_shared>> -> memref<128x16xf32, #tpu.memory_space<vmem_shared>>
      tpu.wait_dma2 semaphore(%run_scoped3A : memref<!tpu.dma_semaphore, #tpu.memory_space<semaphore_mem>>) src(%dma_wait3A_61 : memref<128x16xf32, #tpu.memory_space<vmem_shared>>) dst(%arg8 : memref<128x16xf32, #tpu.memory_space<vmem>>)
      tpu.yield
    }) : () -> ()
    "tpu.region"() ({
      %run_scoped3A = tpu.sem_alloc : memref<!tpu.dma_semaphore, #tpu.memory_space<semaphore_mem>>
      %dma_start3A = arith.constant 0 : i32
      %dma_start3A_55 = tpu.memref_slice %arg5[%arg0, %add3A_54, %dma_start3A] : memref<2x10240x16xf32, #tpu.memory_space<hbm>> -> memref<1x128x16xf32, #tpu.memory_space<hbm>>
      %dma_start3A_56 = tpu.memref_squeeze %dma_start3A_55 : memref<1x128x16xf32, #tpu.memory_space<hbm>> -> memref<128x16xf32, #tpu.memory_space<hbm>>
      %dma_start3A_57 = arith.constant 0 : i32
      %dma_start3A_58 = tpu.memref_slice %arg5[%arg0, %add3A_54, %dma_start3A_57] : memref<2x10240x16xf32, #tpu.memory_space<hbm>> -> memref<1x128x16xf32, #tpu.memory_space<hbm>>
      %dma_start3A_59 = tpu.memref_squeeze %dma_start3A_58 : memref<1x128x16xf32, #tpu.memory_space<hbm>> -> memref<128x16xf32, #tpu.memory_space<hbm>>
      tpu.enqueue_dma source(%arg8 : memref<128x16xf32, #tpu.memory_space<vmem>>) target(%dma_start3A_59 : memref<128x16xf32, #tpu.memory_space<hbm>>) target_semaphore(%run_scoped3A : memref<!tpu.dma_semaphore, #tpu.memory_space<semaphore_mem>>)
      %dma_wait3A_60 = arith.constant 0 : i32
      %dma_wait3A_61 = tpu.memref_slice %arg5[%arg0, %add3A_54, %dma_wait3A_60] : memref<2x10240x16xf32, #tpu.memory_space<hbm>> -> memref<1x128x16xf32, #tpu.memory_space<hbm>>
      %dma_wait3A_62 = tpu.memref_squeeze %dma_wait3A_61 : memref<1x128x16xf32, #tpu.memory_space<hbm>> -> memref<128x16xf32, #tpu.memory_space<hbm>>
      %dma_wait3A_63 = arith.constant 0 : i32
      %dma_wait3A_64 = tpu.memref_slice %arg5[%arg0, %add3A_54, %dma_wait3A_63] : memref<2x10240x16xf32, #tpu.memory_space<hbm>> -> memref<1x128x16xf32, #tpu.memory_space<hbm>>
      %dma_wait3A_65 = tpu.memref_squeeze %dma_wait3A_64 : memref<1x128x16xf32, #tpu.memory_space<hbm>> -> memref<128x16xf32, #tpu.memory_space<hbm>>
      tpu.wait_dma2 semaphore(%run_scoped3A : memref<!tpu.dma_semaphore, #tpu.memory_space<semaphore_mem>>) src(%arg8 : memref<128x16xf32, #tpu.memory_space<vmem>>) dst(%dma_wait3A_65 : memref<128x16xf32, #tpu.memory_space<hbm>>)
      tpu.yield
    }) : () -> ()
    return
  }
}

#map = affine_map<(d0, d1) -> (0, 0)>
#map1 = affine_map<(d0, d1) -> (0, 0, 0)>
module attributes {stable_mosaic.version = 14 : i64} {
  func.func @agg2(%arg0: i32, %arg1: i32, %arg2: memref<10240x64xf32, #tpu.memory_space<hbm>>, %arg3: memref<10240x64xf32, #tpu.memory_space<hbm>>, %arg4: memref<32x80x128xi32, #tpu.memory_space<hbm>>, %arg5: memref<32x80x128xi32, #tpu.memory_space<hbm>>, %arg6: memref<128x64xf32, #tpu.memory_space<hbm>>, %arg7: memref<2x10240x64xf32, #tpu.memory_space<hbm>>, %arg8: memref<2x10240x64xf32, #tpu.memory_space<hbm>>, %arg9: memref<80x128xi32, #tpu.memory_space<vmem>>, %arg10: memref<80x128xi32, #tpu.memory_space<vmem>>, %arg11: memref<128x64xf32, #tpu.memory_space<vmem>>, %arg12: memref<128x64xf32, #tpu.memory_space<vmem>>, %arg13: memref<10240x64xf32, #tpu.memory_space<vmem_shared>>, %arg14: memref<10240x64xf32, #tpu.memory_space<vmem_shared>>, %arg15: memref<!tpu.dma_semaphore, #tpu.memory_space<semaphore_mem>>, %arg16: memref<!tpu.dma_semaphore, #tpu.memory_space<semaphore_mem>>) attributes {dimension_semantics = [#tpu.dimension_semantics<core_parallel>, #tpu.dimension_semantics<subcore_parallel>], iteration_bounds = array<i64: 2, 16>, scalar_prefetch = 0 : i64, scratch_operands = 8 : i64, tpu.core_type = #tpu.core_type<sc_vector_subcore>, window_params = [{transform_indices = #map}, {transform_indices = #map}, {transform_indices = #map1}, {transform_indices = #map1}, {transform_indices = #map}, {transform_indices = #map1}, {transform_indices = #map1}]} {
    %mul3A = arith.constant 16 : i32
    %mul3A_0 = arith.muli %arg0, %mul3A : i32
    %add3A = arith.addi %mul3A_0, %arg1 : i32
    %mul3A_1 = arith.constant 640 : i32
    %mul3A_2 = arith.muli %arg1, %mul3A_1 : i32
    "tpu.region"() ({
      %run_scoped3A = tpu.sem_alloc : memref<!tpu.dma_semaphore, #tpu.memory_space<semaphore_mem>>
      %dma_start3A_102 = arith.constant 0 : i32
      %dma_start3A_103 = arith.constant 0 : i32
      %dma_start3A_104 = tpu.memref_slice %arg4[%add3A, %dma_start3A_102, %dma_start3A_103] : memref<32x80x128xi32, #tpu.memory_space<hbm>> -> memref<1x80x128xi32, #tpu.memory_space<hbm>>
      %dma_start3A_105 = tpu.memref_squeeze %dma_start3A_104 : memref<1x80x128xi32, #tpu.memory_space<hbm>> -> memref<80x128xi32, #tpu.memory_space<hbm>>
      %dma_start3A_106 = arith.constant 0 : i32
      %dma_start3A_107 = arith.constant 0 : i32
      %dma_start3A_108 = tpu.memref_slice %arg4[%add3A, %dma_start3A_106, %dma_start3A_107] : memref<32x80x128xi32, #tpu.memory_space<hbm>> -> memref<1x80x128xi32, #tpu.memory_space<hbm>>
      %dma_start3A_109 = tpu.memref_squeeze %dma_start3A_108 : memref<1x80x128xi32, #tpu.memory_space<hbm>> -> memref<80x128xi32, #tpu.memory_space<hbm>>
      tpu.enqueue_dma source(%dma_start3A_109 : memref<80x128xi32, #tpu.memory_space<hbm>>) target(%arg9 : memref<80x128xi32, #tpu.memory_space<vmem>>) target_semaphore(%run_scoped3A : memref<!tpu.dma_semaphore, #tpu.memory_space<semaphore_mem>>)
      %dma_wait3A = arith.constant 0 : i32
      %dma_wait3A_110 = arith.constant 0 : i32
      %dma_wait3A_111 = tpu.memref_slice %arg4[%add3A, %dma_wait3A, %dma_wait3A_110] : memref<32x80x128xi32, #tpu.memory_space<hbm>> -> memref<1x80x128xi32, #tpu.memory_space<hbm>>
      %dma_wait3A_112 = tpu.memref_squeeze %dma_wait3A_111 : memref<1x80x128xi32, #tpu.memory_space<hbm>> -> memref<80x128xi32, #tpu.memory_space<hbm>>
      %dma_wait3A_113 = arith.constant 0 : i32
      %dma_wait3A_114 = arith.constant 0 : i32
      %dma_wait3A_115 = tpu.memref_slice %arg4[%add3A, %dma_wait3A_113, %dma_wait3A_114] : memref<32x80x128xi32, #tpu.memory_space<hbm>> -> memref<1x80x128xi32, #tpu.memory_space<hbm>>
      %dma_wait3A_116 = tpu.memref_squeeze %dma_wait3A_115 : memref<1x80x128xi32, #tpu.memory_space<hbm>> -> memref<80x128xi32, #tpu.memory_space<hbm>>
      tpu.wait_dma2 semaphore(%run_scoped3A : memref<!tpu.dma_semaphore, #tpu.memory_space<semaphore_mem>>) src(%dma_wait3A_116 : memref<80x128xi32, #tpu.memory_space<hbm>>) dst(%arg9 : memref<80x128xi32, #tpu.memory_space<vmem>>)
      tpu.yield
    }) : () -> ()
    "tpu.region"() ({
      %run_scoped3A = tpu.sem_alloc : memref<!tpu.dma_semaphore, #tpu.memory_space<semaphore_mem>>
      %dma_start3A_102 = arith.constant 0 : i32
      %dma_start3A_103 = arith.constant 0 : i32
      %dma_start3A_104 = tpu.memref_slice %arg5[%add3A, %dma_start3A_102, %dma_start3A_103] : memref<32x80x128xi32, #tpu.memory_space<hbm>> -> memref<1x80x128xi32, #tpu.memory_space<hbm>>
      %dma_start3A_105 = tpu.memref_squeeze %dma_start3A_104 : memref<1x80x128xi32, #tpu.memory_space<hbm>> -> memref<80x128xi32, #tpu.memory_space<hbm>>
      %dma_start3A_106 = arith.constant 0 : i32
      %dma_start3A_107 = arith.constant 0 : i32
      %dma_start3A_108 = tpu.memref_slice %arg5[%add3A, %dma_start3A_106, %dma_start3A_107] : memref<32x80x128xi32, #tpu.memory_space<hbm>> -> memref<1x80x128xi32, #tpu.memory_space<hbm>>
      %dma_start3A_109 = tpu.memref_squeeze %dma_start3A_108 : memref<1x80x128xi32, #tpu.memory_space<hbm>> -> memref<80x128xi32, #tpu.memory_space<hbm>>
      tpu.enqueue_dma source(%dma_start3A_109 : memref<80x128xi32, #tpu.memory_space<hbm>>) target(%arg10 : memref<80x128xi32, #tpu.memory_space<vmem>>) target_semaphore(%run_scoped3A : memref<!tpu.dma_semaphore, #tpu.memory_space<semaphore_mem>>)
      %dma_wait3A = arith.constant 0 : i32
      %dma_wait3A_110 = arith.constant 0 : i32
      %dma_wait3A_111 = tpu.memref_slice %arg5[%add3A, %dma_wait3A, %dma_wait3A_110] : memref<32x80x128xi32, #tpu.memory_space<hbm>> -> memref<1x80x128xi32, #tpu.memory_space<hbm>>
      %dma_wait3A_112 = tpu.memref_squeeze %dma_wait3A_111 : memref<1x80x128xi32, #tpu.memory_space<hbm>> -> memref<80x128xi32, #tpu.memory_space<hbm>>
      %dma_wait3A_113 = arith.constant 0 : i32
      %dma_wait3A_114 = arith.constant 0 : i32
      %dma_wait3A_115 = tpu.memref_slice %arg5[%add3A, %dma_wait3A_113, %dma_wait3A_114] : memref<32x80x128xi32, #tpu.memory_space<hbm>> -> memref<1x80x128xi32, #tpu.memory_space<hbm>>
      %dma_wait3A_116 = tpu.memref_squeeze %dma_wait3A_115 : memref<1x80x128xi32, #tpu.memory_space<hbm>> -> memref<80x128xi32, #tpu.memory_space<hbm>>
      tpu.wait_dma2 semaphore(%run_scoped3A : memref<!tpu.dma_semaphore, #tpu.memory_space<semaphore_mem>>) src(%dma_wait3A_116 : memref<80x128xi32, #tpu.memory_space<hbm>>) dst(%arg10 : memref<80x128xi32, #tpu.memory_space<vmem>>)
      tpu.yield
    }) : () -> ()
    "tpu.region"() ({
      %run_scoped3A = tpu.sem_alloc : memref<!tpu.dma_semaphore, #tpu.memory_space<semaphore_mem>>
      tpu.enqueue_dma source(%arg6 : memref<128x64xf32, #tpu.memory_space<hbm>>) target(%arg11 : memref<128x64xf32, #tpu.memory_space<vmem>>) target_semaphore(%run_scoped3A : memref<!tpu.dma_semaphore, #tpu.memory_space<semaphore_mem>>)
      tpu.wait_dma2 semaphore(%run_scoped3A : memref<!tpu.dma_semaphore, #tpu.memory_space<semaphore_mem>>) src(%arg6 : memref<128x64xf32, #tpu.memory_space<hbm>>) dst(%arg11 : memref<128x64xf32, #tpu.memory_space<vmem>>)
      tpu.yield
    }) : () -> ()
    %add3A_3 = arith.constant 0 : i32
    %add3A_4 = arith.addi %mul3A_2, %add3A_3 : i32
    "tpu.region"() ({
      %run_scoped3A = tpu.sem_alloc : memref<!tpu.dma_semaphore, #tpu.memory_space<semaphore_mem>>
      %dma_start3A_102 = arith.constant 0 : i32
      %dma_start3A_103 = tpu.memref_slice %arg14[%add3A_4, %dma_start3A_102] : memref<10240x64xf32, #tpu.memory_space<vmem_shared>> -> memref<128x64xf32, #tpu.memory_space<vmem_shared>>
      %dma_start3A_104 = arith.constant 0 : i32
      %dma_start3A_105 = tpu.memref_slice %arg14[%add3A_4, %dma_start3A_104] : memref<10240x64xf32, #tpu.memory_space<vmem_shared>> -> memref<128x64xf32, #tpu.memory_space<vmem_shared>>
      tpu.enqueue_dma source(%arg11 : memref<128x64xf32, #tpu.memory_space<vmem>>) target(%dma_start3A_105 : memref<128x64xf32, #tpu.memory_space<vmem_shared>>) target_semaphore(%run_scoped3A : memref<!tpu.dma_semaphore, #tpu.memory_space<semaphore_mem>>)
      %dma_wait3A = arith.constant 0 : i32
      %dma_wait3A_106 = tpu.memref_slice %arg14[%add3A_4, %dma_wait3A] : memref<10240x64xf32, #tpu.memory_space<vmem_shared>> -> memref<128x64xf32, #tpu.memory_space<vmem_shared>>
      %dma_wait3A_107 = arith.constant 0 : i32
      %dma_wait3A_108 = tpu.memref_slice %arg14[%add3A_4, %dma_wait3A_107] : memref<10240x64xf32, #tpu.memory_space<vmem_shared>> -> memref<128x64xf32, #tpu.memory_space<vmem_shared>>
      tpu.wait_dma2 semaphore(%run_scoped3A : memref<!tpu.dma_semaphore, #tpu.memory_space<semaphore_mem>>) src(%arg11 : memref<128x64xf32, #tpu.memory_space<vmem>>) dst(%dma_wait3A_108 : memref<128x64xf32, #tpu.memory_space<vmem_shared>>)
      tpu.yield
    }) : () -> ()
    %add3A_5 = arith.constant 128 : i32
    %add3A_6 = arith.addi %mul3A_2, %add3A_5 : i32
    "tpu.region"() ({
      %run_scoped3A = tpu.sem_alloc : memref<!tpu.dma_semaphore, #tpu.memory_space<semaphore_mem>>
      %dma_start3A_102 = arith.constant 0 : i32
      %dma_start3A_103 = tpu.memref_slice %arg14[%add3A_6, %dma_start3A_102] : memref<10240x64xf32, #tpu.memory_space<vmem_shared>> -> memref<128x64xf32, #tpu.memory_space<vmem_shared>>
      %dma_start3A_104 = arith.constant 0 : i32
      %dma_start3A_105 = tpu.memref_slice %arg14[%add3A_6, %dma_start3A_104] : memref<10240x64xf32, #tpu.memory_space<vmem_shared>> -> memref<128x64xf32, #tpu.memory_space<vmem_shared>>
      tpu.enqueue_dma source(%arg11 : memref<128x64xf32, #tpu.memory_space<vmem>>) target(%dma_start3A_105 : memref<128x64xf32, #tpu.memory_space<vmem_shared>>) target_semaphore(%run_scoped3A : memref<!tpu.dma_semaphore, #tpu.memory_space<semaphore_mem>>)
      %dma_wait3A = arith.constant 0 : i32
      %dma_wait3A_106 = tpu.memref_slice %arg14[%add3A_6, %dma_wait3A] : memref<10240x64xf32, #tpu.memory_space<vmem_shared>> -> memref<128x64xf32, #tpu.memory_space<vmem_shared>>
      %dma_wait3A_107 = arith.constant 0 : i32
      %dma_wait3A_108 = tpu.memref_slice %arg14[%add3A_6, %dma_wait3A_107] : memref<10240x64xf32, #tpu.memory_space<vmem_shared>> -> memref<128x64xf32, #tpu.memory_space<vmem_shared>>
      tpu.wait_dma2 semaphore(%run_scoped3A : memref<!tpu.dma_semaphore, #tpu.memory_space<semaphore_mem>>) src(%arg11 : memref<128x64xf32, #tpu.memory_space<vmem>>) dst(%dma_wait3A_108 : memref<128x64xf32, #tpu.memory_space<vmem_shared>>)
      tpu.yield
    }) : () -> ()
    %add3A_7 = arith.constant 256 : i32
    %add3A_8 = arith.addi %mul3A_2, %add3A_7 : i32
    "tpu.region"() ({
      %run_scoped3A = tpu.sem_alloc : memref<!tpu.dma_semaphore, #tpu.memory_space<semaphore_mem>>
      %dma_start3A_102 = arith.constant 0 : i32
      %dma_start3A_103 = tpu.memref_slice %arg14[%add3A_8, %dma_start3A_102] : memref<10240x64xf32, #tpu.memory_space<vmem_shared>> -> memref<128x64xf32, #tpu.memory_space<vmem_shared>>
      %dma_start3A_104 = arith.constant 0 : i32
      %dma_start3A_105 = tpu.memref_slice %arg14[%add3A_8, %dma_start3A_104] : memref<10240x64xf32, #tpu.memory_space<vmem_shared>> -> memref<128x64xf32, #tpu.memory_space<vmem_shared>>
      tpu.enqueue_dma source(%arg11 : memref<128x64xf32, #tpu.memory_space<vmem>>) target(%dma_start3A_105 : memref<128x64xf32, #tpu.memory_space<vmem_shared>>) target_semaphore(%run_scoped3A : memref<!tpu.dma_semaphore, #tpu.memory_space<semaphore_mem>>)
      %dma_wait3A = arith.constant 0 : i32
      %dma_wait3A_106 = tpu.memref_slice %arg14[%add3A_8, %dma_wait3A] : memref<10240x64xf32, #tpu.memory_space<vmem_shared>> -> memref<128x64xf32, #tpu.memory_space<vmem_shared>>
      %dma_wait3A_107 = arith.constant 0 : i32
      %dma_wait3A_108 = tpu.memref_slice %arg14[%add3A_8, %dma_wait3A_107] : memref<10240x64xf32, #tpu.memory_space<vmem_shared>> -> memref<128x64xf32, #tpu.memory_space<vmem_shared>>
      tpu.wait_dma2 semaphore(%run_scoped3A : memref<!tpu.dma_semaphore, #tpu.memory_space<semaphore_mem>>) src(%arg11 : memref<128x64xf32, #tpu.memory_space<vmem>>) dst(%dma_wait3A_108 : memref<128x64xf32, #tpu.memory_space<vmem_shared>>)
      tpu.yield
    }) : () -> ()
    %add3A_9 = arith.constant 384 : i32
    %add3A_10 = arith.addi %mul3A_2, %add3A_9 : i32
    "tpu.region"() ({
      %run_scoped3A = tpu.sem_alloc : memref<!tpu.dma_semaphore, #tpu.memory_space<semaphore_mem>>
      %dma_start3A_102 = arith.constant 0 : i32
      %dma_start3A_103 = tpu.memref_slice %arg14[%add3A_10, %dma_start3A_102] : memref<10240x64xf32, #tpu.memory_space<vmem_shared>> -> memref<128x64xf32, #tpu.memory_space<vmem_shared>>
      %dma_start3A_104 = arith.constant 0 : i32
      %dma_start3A_105 = tpu.memref_slice %arg14[%add3A_10, %dma_start3A_104] : memref<10240x64xf32, #tpu.memory_space<vmem_shared>> -> memref<128x64xf32, #tpu.memory_space<vmem_shared>>
      tpu.enqueue_dma source(%arg11 : memref<128x64xf32, #tpu.memory_space<vmem>>) target(%dma_start3A_105 : memref<128x64xf32, #tpu.memory_space<vmem_shared>>) target_semaphore(%run_scoped3A : memref<!tpu.dma_semaphore, #tpu.memory_space<semaphore_mem>>)
      %dma_wait3A = arith.constant 0 : i32
      %dma_wait3A_106 = tpu.memref_slice %arg14[%add3A_10, %dma_wait3A] : memref<10240x64xf32, #tpu.memory_space<vmem_shared>> -> memref<128x64xf32, #tpu.memory_space<vmem_shared>>
      %dma_wait3A_107 = arith.constant 0 : i32
      %dma_wait3A_108 = tpu.memref_slice %arg14[%add3A_10, %dma_wait3A_107] : memref<10240x64xf32, #tpu.memory_space<vmem_shared>> -> memref<128x64xf32, #tpu.memory_space<vmem_shared>>
      tpu.wait_dma2 semaphore(%run_scoped3A : memref<!tpu.dma_semaphore, #tpu.memory_space<semaphore_mem>>) src(%arg11 : memref<128x64xf32, #tpu.memory_space<vmem>>) dst(%dma_wait3A_108 : memref<128x64xf32, #tpu.memory_space<vmem_shared>>)
      tpu.yield
    }) : () -> ()
    %add3A_11 = arith.constant 512 : i32
    %add3A_12 = arith.addi %mul3A_2, %add3A_11 : i32
    "tpu.region"() ({
      %run_scoped3A = tpu.sem_alloc : memref<!tpu.dma_semaphore, #tpu.memory_space<semaphore_mem>>
      %dma_start3A_102 = arith.constant 0 : i32
      %dma_start3A_103 = tpu.memref_slice %arg14[%add3A_12, %dma_start3A_102] : memref<10240x64xf32, #tpu.memory_space<vmem_shared>> -> memref<128x64xf32, #tpu.memory_space<vmem_shared>>
      %dma_start3A_104 = arith.constant 0 : i32
      %dma_start3A_105 = tpu.memref_slice %arg14[%add3A_12, %dma_start3A_104] : memref<10240x64xf32, #tpu.memory_space<vmem_shared>> -> memref<128x64xf32, #tpu.memory_space<vmem_shared>>
      tpu.enqueue_dma source(%arg11 : memref<128x64xf32, #tpu.memory_space<vmem>>) target(%dma_start3A_105 : memref<128x64xf32, #tpu.memory_space<vmem_shared>>) target_semaphore(%run_scoped3A : memref<!tpu.dma_semaphore, #tpu.memory_space<semaphore_mem>>)
      %dma_wait3A = arith.constant 0 : i32
      %dma_wait3A_106 = tpu.memref_slice %arg14[%add3A_12, %dma_wait3A] : memref<10240x64xf32, #tpu.memory_space<vmem_shared>> -> memref<128x64xf32, #tpu.memory_space<vmem_shared>>
      %dma_wait3A_107 = arith.constant 0 : i32
      %dma_wait3A_108 = tpu.memref_slice %arg14[%add3A_12, %dma_wait3A_107] : memref<10240x64xf32, #tpu.memory_space<vmem_shared>> -> memref<128x64xf32, #tpu.memory_space<vmem_shared>>
      tpu.wait_dma2 semaphore(%run_scoped3A : memref<!tpu.dma_semaphore, #tpu.memory_space<semaphore_mem>>) src(%arg11 : memref<128x64xf32, #tpu.memory_space<vmem>>) dst(%dma_wait3A_108 : memref<128x64xf32, #tpu.memory_space<vmem_shared>>)
      tpu.yield
    }) : () -> ()
    %add3A_13 = arith.constant 0 : i32
    %add3A_14 = arith.addi %mul3A_2, %add3A_13 : i32
    "tpu.region"() ({
      %run_scoped3A = tpu.sem_alloc : memref<!tpu.dma_semaphore, #tpu.memory_space<semaphore_mem>>
      %dma_start3A_102 = arith.constant 0 : i32
      %dma_start3A_103 = tpu.memref_slice %arg2[%add3A_14, %dma_start3A_102] : memref<10240x64xf32, #tpu.memory_space<hbm>> -> memref<128x64xf32, #tpu.memory_space<hbm>>
      %dma_start3A_104 = arith.constant 0 : i32
      %dma_start3A_105 = tpu.memref_slice %arg2[%add3A_14, %dma_start3A_104] : memref<10240x64xf32, #tpu.memory_space<hbm>> -> memref<128x64xf32, #tpu.memory_space<hbm>>
      tpu.enqueue_dma source(%dma_start3A_105 : memref<128x64xf32, #tpu.memory_space<hbm>>) target(%arg11 : memref<128x64xf32, #tpu.memory_space<vmem>>) target_semaphore(%run_scoped3A : memref<!tpu.dma_semaphore, #tpu.memory_space<semaphore_mem>>)
      %dma_wait3A = arith.constant 0 : i32
      %dma_wait3A_106 = tpu.memref_slice %arg2[%add3A_14, %dma_wait3A] : memref<10240x64xf32, #tpu.memory_space<hbm>> -> memref<128x64xf32, #tpu.memory_space<hbm>>
      %dma_wait3A_107 = arith.constant 0 : i32
      %dma_wait3A_108 = tpu.memref_slice %arg2[%add3A_14, %dma_wait3A_107] : memref<10240x64xf32, #tpu.memory_space<hbm>> -> memref<128x64xf32, #tpu.memory_space<hbm>>
      tpu.wait_dma2 semaphore(%run_scoped3A : memref<!tpu.dma_semaphore, #tpu.memory_space<semaphore_mem>>) src(%dma_wait3A_108 : memref<128x64xf32, #tpu.memory_space<hbm>>) dst(%arg11 : memref<128x64xf32, #tpu.memory_space<vmem>>)
      tpu.yield
    }) : () -> ()
    "tpu.region"() ({
      %run_scoped3A = tpu.sem_alloc : memref<!tpu.dma_semaphore, #tpu.memory_space<semaphore_mem>>
      %dma_start3A_102 = arith.constant 0 : i32
      %dma_start3A_103 = tpu.memref_slice %arg13[%add3A_14, %dma_start3A_102] : memref<10240x64xf32, #tpu.memory_space<vmem_shared>> -> memref<128x64xf32, #tpu.memory_space<vmem_shared>>
      %dma_start3A_104 = arith.constant 0 : i32
      %dma_start3A_105 = tpu.memref_slice %arg13[%add3A_14, %dma_start3A_104] : memref<10240x64xf32, #tpu.memory_space<vmem_shared>> -> memref<128x64xf32, #tpu.memory_space<vmem_shared>>
      tpu.enqueue_dma source(%arg11 : memref<128x64xf32, #tpu.memory_space<vmem>>) target(%dma_start3A_105 : memref<128x64xf32, #tpu.memory_space<vmem_shared>>) target_semaphore(%run_scoped3A : memref<!tpu.dma_semaphore, #tpu.memory_space<semaphore_mem>>)
      %dma_wait3A = arith.constant 0 : i32
      %dma_wait3A_106 = tpu.memref_slice %arg13[%add3A_14, %dma_wait3A] : memref<10240x64xf32, #tpu.memory_space<vmem_shared>> -> memref<128x64xf32, #tpu.memory_space<vmem_shared>>
      %dma_wait3A_107 = arith.constant 0 : i32
      %dma_wait3A_108 = tpu.memref_slice %arg13[%add3A_14, %dma_wait3A_107] : memref<10240x64xf32, #tpu.memory_space<vmem_shared>> -> memref<128x64xf32, #tpu.memory_space<vmem_shared>>
      tpu.wait_dma2 semaphore(%run_scoped3A : memref<!tpu.dma_semaphore, #tpu.memory_space<semaphore_mem>>) src(%arg11 : memref<128x64xf32, #tpu.memory_space<vmem>>) dst(%dma_wait3A_108 : memref<128x64xf32, #tpu.memory_space<vmem_shared>>)
      tpu.yield
    }) : () -> ()
    %add3A_15 = arith.constant 128 : i32
    %add3A_16 = arith.addi %mul3A_2, %add3A_15 : i32
    "tpu.region"() ({
      %run_scoped3A = tpu.sem_alloc : memref<!tpu.dma_semaphore, #tpu.memory_space<semaphore_mem>>
      %dma_start3A_102 = arith.constant 0 : i32
      %dma_start3A_103 = tpu.memref_slice %arg2[%add3A_16, %dma_start3A_102] : memref<10240x64xf32, #tpu.memory_space<hbm>> -> memref<128x64xf32, #tpu.memory_space<hbm>>
      %dma_start3A_104 = arith.constant 0 : i32
      %dma_start3A_105 = tpu.memref_slice %arg2[%add3A_16, %dma_start3A_104] : memref<10240x64xf32, #tpu.memory_space<hbm>> -> memref<128x64xf32, #tpu.memory_space<hbm>>
      tpu.enqueue_dma source(%dma_start3A_105 : memref<128x64xf32, #tpu.memory_space<hbm>>) target(%arg11 : memref<128x64xf32, #tpu.memory_space<vmem>>) target_semaphore(%run_scoped3A : memref<!tpu.dma_semaphore, #tpu.memory_space<semaphore_mem>>)
      %dma_wait3A = arith.constant 0 : i32
      %dma_wait3A_106 = tpu.memref_slice %arg2[%add3A_16, %dma_wait3A] : memref<10240x64xf32, #tpu.memory_space<hbm>> -> memref<128x64xf32, #tpu.memory_space<hbm>>
      %dma_wait3A_107 = arith.constant 0 : i32
      %dma_wait3A_108 = tpu.memref_slice %arg2[%add3A_16, %dma_wait3A_107] : memref<10240x64xf32, #tpu.memory_space<hbm>> -> memref<128x64xf32, #tpu.memory_space<hbm>>
      tpu.wait_dma2 semaphore(%run_scoped3A : memref<!tpu.dma_semaphore, #tpu.memory_space<semaphore_mem>>) src(%dma_wait3A_108 : memref<128x64xf32, #tpu.memory_space<hbm>>) dst(%arg11 : memref<128x64xf32, #tpu.memory_space<vmem>>)
      tpu.yield
    }) : () -> ()
    "tpu.region"() ({
      %run_scoped3A = tpu.sem_alloc : memref<!tpu.dma_semaphore, #tpu.memory_space<semaphore_mem>>
      %dma_start3A_102 = arith.constant 0 : i32
      %dma_start3A_103 = tpu.memref_slice %arg13[%add3A_16, %dma_start3A_102] : memref<10240x64xf32, #tpu.memory_space<vmem_shared>> -> memref<128x64xf32, #tpu.memory_space<vmem_shared>>
      %dma_start3A_104 = arith.constant 0 : i32
      %dma_start3A_105 = tpu.memref_slice %arg13[%add3A_16, %dma_start3A_104] : memref<10240x64xf32, #tpu.memory_space<vmem_shared>> -> memref<128x64xf32, #tpu.memory_space<vmem_shared>>
      tpu.enqueue_dma source(%arg11 : memref<128x64xf32, #tpu.memory_space<vmem>>) target(%dma_start3A_105 : memref<128x64xf32, #tpu.memory_space<vmem_shared>>) target_semaphore(%run_scoped3A : memref<!tpu.dma_semaphore, #tpu.memory_space<semaphore_mem>>)
      %dma_wait3A = arith.constant 0 : i32
      %dma_wait3A_106 = tpu.memref_slice %arg13[%add3A_16, %dma_wait3A] : memref<10240x64xf32, #tpu.memory_space<vmem_shared>> -> memref<128x64xf32, #tpu.memory_space<vmem_shared>>
      %dma_wait3A_107 = arith.constant 0 : i32
      %dma_wait3A_108 = tpu.memref_slice %arg13[%add3A_16, %dma_wait3A_107] : memref<10240x64xf32, #tpu.memory_space<vmem_shared>> -> memref<128x64xf32, #tpu.memory_space<vmem_shared>>
      tpu.wait_dma2 semaphore(%run_scoped3A : memref<!tpu.dma_semaphore, #tpu.memory_space<semaphore_mem>>) src(%arg11 : memref<128x64xf32, #tpu.memory_space<vmem>>) dst(%dma_wait3A_108 : memref<128x64xf32, #tpu.memory_space<vmem_shared>>)
      tpu.yield
    }) : () -> ()
    %add3A_17 = arith.constant 256 : i32
    %add3A_18 = arith.addi %mul3A_2, %add3A_17 : i32
    "tpu.region"() ({
      %run_scoped3A = tpu.sem_alloc : memref<!tpu.dma_semaphore, #tpu.memory_space<semaphore_mem>>
      %dma_start3A_102 = arith.constant 0 : i32
      %dma_start3A_103 = tpu.memref_slice %arg2[%add3A_18, %dma_start3A_102] : memref<10240x64xf32, #tpu.memory_space<hbm>> -> memref<128x64xf32, #tpu.memory_space<hbm>>
      %dma_start3A_104 = arith.constant 0 : i32
      %dma_start3A_105 = tpu.memref_slice %arg2[%add3A_18, %dma_start3A_104] : memref<10240x64xf32, #tpu.memory_space<hbm>> -> memref<128x64xf32, #tpu.memory_space<hbm>>
      tpu.enqueue_dma source(%dma_start3A_105 : memref<128x64xf32, #tpu.memory_space<hbm>>) target(%arg11 : memref<128x64xf32, #tpu.memory_space<vmem>>) target_semaphore(%run_scoped3A : memref<!tpu.dma_semaphore, #tpu.memory_space<semaphore_mem>>)
      %dma_wait3A = arith.constant 0 : i32
      %dma_wait3A_106 = tpu.memref_slice %arg2[%add3A_18, %dma_wait3A] : memref<10240x64xf32, #tpu.memory_space<hbm>> -> memref<128x64xf32, #tpu.memory_space<hbm>>
      %dma_wait3A_107 = arith.constant 0 : i32
      %dma_wait3A_108 = tpu.memref_slice %arg2[%add3A_18, %dma_wait3A_107] : memref<10240x64xf32, #tpu.memory_space<hbm>> -> memref<128x64xf32, #tpu.memory_space<hbm>>
      tpu.wait_dma2 semaphore(%run_scoped3A : memref<!tpu.dma_semaphore, #tpu.memory_space<semaphore_mem>>) src(%dma_wait3A_108 : memref<128x64xf32, #tpu.memory_space<hbm>>) dst(%arg11 : memref<128x64xf32, #tpu.memory_space<vmem>>)
      tpu.yield
    }) : () -> ()
    "tpu.region"() ({
      %run_scoped3A = tpu.sem_alloc : memref<!tpu.dma_semaphore, #tpu.memory_space<semaphore_mem>>
      %dma_start3A_102 = arith.constant 0 : i32
      %dma_start3A_103 = tpu.memref_slice %arg13[%add3A_18, %dma_start3A_102] : memref<10240x64xf32, #tpu.memory_space<vmem_shared>> -> memref<128x64xf32, #tpu.memory_space<vmem_shared>>
      %dma_start3A_104 = arith.constant 0 : i32
      %dma_start3A_105 = tpu.memref_slice %arg13[%add3A_18, %dma_start3A_104] : memref<10240x64xf32, #tpu.memory_space<vmem_shared>> -> memref<128x64xf32, #tpu.memory_space<vmem_shared>>
      tpu.enqueue_dma source(%arg11 : memref<128x64xf32, #tpu.memory_space<vmem>>) target(%dma_start3A_105 : memref<128x64xf32, #tpu.memory_space<vmem_shared>>) target_semaphore(%run_scoped3A : memref<!tpu.dma_semaphore, #tpu.memory_space<semaphore_mem>>)
      %dma_wait3A = arith.constant 0 : i32
      %dma_wait3A_106 = tpu.memref_slice %arg13[%add3A_18, %dma_wait3A] : memref<10240x64xf32, #tpu.memory_space<vmem_shared>> -> memref<128x64xf32, #tpu.memory_space<vmem_shared>>
      %dma_wait3A_107 = arith.constant 0 : i32
      %dma_wait3A_108 = tpu.memref_slice %arg13[%add3A_18, %dma_wait3A_107] : memref<10240x64xf32, #tpu.memory_space<vmem_shared>> -> memref<128x64xf32, #tpu.memory_space<vmem_shared>>
      tpu.wait_dma2 semaphore(%run_scoped3A : memref<!tpu.dma_semaphore, #tpu.memory_space<semaphore_mem>>) src(%arg11 : memref<128x64xf32, #tpu.memory_space<vmem>>) dst(%dma_wait3A_108 : memref<128x64xf32, #tpu.memory_space<vmem_shared>>)
      tpu.yield
    }) : () -> ()
    %add3A_19 = arith.constant 384 : i32
    %add3A_20 = arith.addi %mul3A_2, %add3A_19 : i32
    "tpu.region"() ({
      %run_scoped3A = tpu.sem_alloc : memref<!tpu.dma_semaphore, #tpu.memory_space<semaphore_mem>>
      %dma_start3A_102 = arith.constant 0 : i32
      %dma_start3A_103 = tpu.memref_slice %arg2[%add3A_20, %dma_start3A_102] : memref<10240x64xf32, #tpu.memory_space<hbm>> -> memref<128x64xf32, #tpu.memory_space<hbm>>
      %dma_start3A_104 = arith.constant 0 : i32
      %dma_start3A_105 = tpu.memref_slice %arg2[%add3A_20, %dma_start3A_104] : memref<10240x64xf32, #tpu.memory_space<hbm>> -> memref<128x64xf32, #tpu.memory_space<hbm>>
      tpu.enqueue_dma source(%dma_start3A_105 : memref<128x64xf32, #tpu.memory_space<hbm>>) target(%arg11 : memref<128x64xf32, #tpu.memory_space<vmem>>) target_semaphore(%run_scoped3A : memref<!tpu.dma_semaphore, #tpu.memory_space<semaphore_mem>>)
      %dma_wait3A = arith.constant 0 : i32
      %dma_wait3A_106 = tpu.memref_slice %arg2[%add3A_20, %dma_wait3A] : memref<10240x64xf32, #tpu.memory_space<hbm>> -> memref<128x64xf32, #tpu.memory_space<hbm>>
      %dma_wait3A_107 = arith.constant 0 : i32
      %dma_wait3A_108 = tpu.memref_slice %arg2[%add3A_20, %dma_wait3A_107] : memref<10240x64xf32, #tpu.memory_space<hbm>> -> memref<128x64xf32, #tpu.memory_space<hbm>>
      tpu.wait_dma2 semaphore(%run_scoped3A : memref<!tpu.dma_semaphore, #tpu.memory_space<semaphore_mem>>) src(%dma_wait3A_108 : memref<128x64xf32, #tpu.memory_space<hbm>>) dst(%arg11 : memref<128x64xf32, #tpu.memory_space<vmem>>)
      tpu.yield
    }) : () -> ()
    "tpu.region"() ({
      %run_scoped3A = tpu.sem_alloc : memref<!tpu.dma_semaphore, #tpu.memory_space<semaphore_mem>>
      %dma_start3A_102 = arith.constant 0 : i32
      %dma_start3A_103 = tpu.memref_slice %arg13[%add3A_20, %dma_start3A_102] : memref<10240x64xf32, #tpu.memory_space<vmem_shared>> -> memref<128x64xf32, #tpu.memory_space<vmem_shared>>
      %dma_start3A_104 = arith.constant 0 : i32
      %dma_start3A_105 = tpu.memref_slice %arg13[%add3A_20, %dma_start3A_104] : memref<10240x64xf32, #tpu.memory_space<vmem_shared>> -> memref<128x64xf32, #tpu.memory_space<vmem_shared>>
      tpu.enqueue_dma source(%arg11 : memref<128x64xf32, #tpu.memory_space<vmem>>) target(%dma_start3A_105 : memref<128x64xf32, #tpu.memory_space<vmem_shared>>) target_semaphore(%run_scoped3A : memref<!tpu.dma_semaphore, #tpu.memory_space<semaphore_mem>>)
      %dma_wait3A = arith.constant 0 : i32
      %dma_wait3A_106 = tpu.memref_slice %arg13[%add3A_20, %dma_wait3A] : memref<10240x64xf32, #tpu.memory_space<vmem_shared>> -> memref<128x64xf32, #tpu.memory_space<vmem_shared>>
      %dma_wait3A_107 = arith.constant 0 : i32
      %dma_wait3A_108 = tpu.memref_slice %arg13[%add3A_20, %dma_wait3A_107] : memref<10240x64xf32, #tpu.memory_space<vmem_shared>> -> memref<128x64xf32, #tpu.memory_space<vmem_shared>>
      tpu.wait_dma2 semaphore(%run_scoped3A : memref<!tpu.dma_semaphore, #tpu.memory_space<semaphore_mem>>) src(%arg11 : memref<128x64xf32, #tpu.memory_space<vmem>>) dst(%dma_wait3A_108 : memref<128x64xf32, #tpu.memory_space<vmem_shared>>)
      tpu.yield
    }) : () -> ()
    %add3A_21 = arith.constant 512 : i32
    %add3A_22 = arith.addi %mul3A_2, %add3A_21 : i32
    "tpu.region"() ({
      %run_scoped3A = tpu.sem_alloc : memref<!tpu.dma_semaphore, #tpu.memory_space<semaphore_mem>>
      %dma_start3A_102 = arith.constant 0 : i32
      %dma_start3A_103 = tpu.memref_slice %arg2[%add3A_22, %dma_start3A_102] : memref<10240x64xf32, #tpu.memory_space<hbm>> -> memref<128x64xf32, #tpu.memory_space<hbm>>
      %dma_start3A_104 = arith.constant 0 : i32
      %dma_start3A_105 = tpu.memref_slice %arg2[%add3A_22, %dma_start3A_104] : memref<10240x64xf32, #tpu.memory_space<hbm>> -> memref<128x64xf32, #tpu.memory_space<hbm>>
      tpu.enqueue_dma source(%dma_start3A_105 : memref<128x64xf32, #tpu.memory_space<hbm>>) target(%arg11 : memref<128x64xf32, #tpu.memory_space<vmem>>) target_semaphore(%run_scoped3A : memref<!tpu.dma_semaphore, #tpu.memory_space<semaphore_mem>>)
      %dma_wait3A = arith.constant 0 : i32
      %dma_wait3A_106 = tpu.memref_slice %arg2[%add3A_22, %dma_wait3A] : memref<10240x64xf32, #tpu.memory_space<hbm>> -> memref<128x64xf32, #tpu.memory_space<hbm>>
      %dma_wait3A_107 = arith.constant 0 : i32
      %dma_wait3A_108 = tpu.memref_slice %arg2[%add3A_22, %dma_wait3A_107] : memref<10240x64xf32, #tpu.memory_space<hbm>> -> memref<128x64xf32, #tpu.memory_space<hbm>>
      tpu.wait_dma2 semaphore(%run_scoped3A : memref<!tpu.dma_semaphore, #tpu.memory_space<semaphore_mem>>) src(%dma_wait3A_108 : memref<128x64xf32, #tpu.memory_space<hbm>>) dst(%arg11 : memref<128x64xf32, #tpu.memory_space<vmem>>)
      tpu.yield
    }) : () -> ()
    "tpu.region"() ({
      %run_scoped3A = tpu.sem_alloc : memref<!tpu.dma_semaphore, #tpu.memory_space<semaphore_mem>>
      %dma_start3A_102 = arith.constant 0 : i32
      %dma_start3A_103 = tpu.memref_slice %arg13[%add3A_22, %dma_start3A_102] : memref<10240x64xf32, #tpu.memory_space<vmem_shared>> -> memref<128x64xf32, #tpu.memory_space<vmem_shared>>
      %dma_start3A_104 = arith.constant 0 : i32
      %dma_start3A_105 = tpu.memref_slice %arg13[%add3A_22, %dma_start3A_104] : memref<10240x64xf32, #tpu.memory_space<vmem_shared>> -> memref<128x64xf32, #tpu.memory_space<vmem_shared>>
      tpu.enqueue_dma source(%arg11 : memref<128x64xf32, #tpu.memory_space<vmem>>) target(%dma_start3A_105 : memref<128x64xf32, #tpu.memory_space<vmem_shared>>) target_semaphore(%run_scoped3A : memref<!tpu.dma_semaphore, #tpu.memory_space<semaphore_mem>>)
      %dma_wait3A = arith.constant 0 : i32
      %dma_wait3A_106 = tpu.memref_slice %arg13[%add3A_22, %dma_wait3A] : memref<10240x64xf32, #tpu.memory_space<vmem_shared>> -> memref<128x64xf32, #tpu.memory_space<vmem_shared>>
      %dma_wait3A_107 = arith.constant 0 : i32
      %dma_wait3A_108 = tpu.memref_slice %arg13[%add3A_22, %dma_wait3A_107] : memref<10240x64xf32, #tpu.memory_space<vmem_shared>> -> memref<128x64xf32, #tpu.memory_space<vmem_shared>>
      tpu.wait_dma2 semaphore(%run_scoped3A : memref<!tpu.dma_semaphore, #tpu.memory_space<semaphore_mem>>) src(%arg11 : memref<128x64xf32, #tpu.memory_space<vmem>>) dst(%dma_wait3A_108 : memref<128x64xf32, #tpu.memory_space<vmem_shared>>)
      tpu.yield
    }) : () -> ()
    %barrier3A = arith.constant 0 : index
    tpu.barrier barrier_id(%barrier3A)
    %dma_start3A = arith.constant 0 : i32
    %dma_start3A_23 = arith.constant 0 : i32
    %dma_start3A_24 = tpu.memref_slice %arg9[%dma_start3A, %dma_start3A_23] : memref<80x128xi32, #tpu.memory_space<vmem>> -> memref<1x128xi32, #tpu.memory_space<vmem>>
    %dma_start3A_25 = tpu.memref_squeeze %dma_start3A_24 : memref<1x128xi32, #tpu.memory_space<vmem>> -> memref<128xi32, #tpu.memory_space<vmem>>
    %dma_start3A_26 = arith.constant 0 : i32
    %dma_start3A_27 = arith.constant 0 : i32
    %dma_start3A_28 = tpu.memref_slice %arg13[%dma_start3A_26, %dma_start3A_27] : memref<10240x64xf32, #tpu.memory_space<vmem_shared>> -> memref<10240x64xf32, #tpu.memory_space<vmem_shared>>
    tpu.enqueue_indirect_dma source(%dma_start3A_28 : memref<10240x64xf32, #tpu.memory_space<vmem_shared>>) target(%arg11 : memref<128x64xf32, #tpu.memory_space<vmem>>) offsets(%dma_start3A_25 : memref<128xi32, #tpu.memory_space<vmem>>) semaphore(%arg15 : memref<!tpu.dma_semaphore, #tpu.memory_space<semaphore_mem>>)
    %dma_start3A_29 = arith.constant 1 : i32
    %dma_start3A_30 = arith.constant 0 : i32
    %dma_start3A_31 = tpu.memref_slice %arg9[%dma_start3A_29, %dma_start3A_30] : memref<80x128xi32, #tpu.memory_space<vmem>> -> memref<1x128xi32, #tpu.memory_space<vmem>>
    %dma_start3A_32 = tpu.memref_squeeze %dma_start3A_31 : memref<1x128xi32, #tpu.memory_space<vmem>> -> memref<128xi32, #tpu.memory_space<vmem>>
    %dma_start3A_33 = arith.constant 0 : i32
    %dma_start3A_34 = arith.constant 0 : i32
    %dma_start3A_35 = tpu.memref_slice %arg13[%dma_start3A_33, %dma_start3A_34] : memref<10240x64xf32, #tpu.memory_space<vmem_shared>> -> memref<10240x64xf32, #tpu.memory_space<vmem_shared>>
    tpu.enqueue_indirect_dma source(%dma_start3A_35 : memref<10240x64xf32, #tpu.memory_space<vmem_shared>>) target(%arg12 : memref<128x64xf32, #tpu.memory_space<vmem>>) offsets(%dma_start3A_32 : memref<128xi32, #tpu.memory_space<vmem>>) semaphore(%arg16 : memref<!tpu.dma_semaphore, #tpu.memory_space<semaphore_mem>>)
    %scan3A = arith.constant 0 : i32
    %scan3A_36 = arith.constant 40 : i32
    %scan3A_37 = arith.addi %scan3A, %scan3A_36 : i32
    %scan3A_38 = arith.constant 1 : i32
    scf.for %scan3A_102 = %scan3A to %scan3A_37 step %scan3A_38  : i32 {
      %mul3A_103 = arith.constant 2 : i32
      %mul3A_104 = arith.muli %scan3A_102, %mul3A_103 : i32
      %add3A_105 = arith.constant 0 : i32
      %add3A_106 = arith.addi %add3A_105, %mul3A_104 : i32
      %add3A_107 = arith.constant 0 : i32
      %add3A_108 = arith.addi %add3A_106, %add3A_107 : i32
      %dma_wait3A = arith.constant 0 : i32
      %dma_wait3A_109 = arith.constant 0 : i32
      %dma_wait3A_110 = tpu.memref_slice %arg9[%dma_wait3A, %dma_wait3A_109] : memref<80x128xi32, #tpu.memory_space<vmem>> -> memref<1x128xi32, #tpu.memory_space<vmem>>
      %dma_wait3A_111 = tpu.memref_squeeze %dma_wait3A_110 : memref<1x128xi32, #tpu.memory_space<vmem>> -> memref<128xi32, #tpu.memory_space<vmem>>
      %dma_wait3A_112 = arith.constant 0 : i32
      %dma_wait3A_113 = arith.constant 0 : i32
      %dma_wait3A_114 = tpu.memref_slice %arg13[%dma_wait3A_112, %dma_wait3A_113] : memref<10240x64xf32, #tpu.memory_space<vmem_shared>> -> memref<10240x64xf32, #tpu.memory_space<vmem_shared>>
      tpu.wait_indirect_dma semaphore(%arg15 : memref<!tpu.dma_semaphore, #tpu.memory_space<semaphore_mem>>) src(%dma_wait3A_114 : memref<10240x64xf32, #tpu.memory_space<vmem_shared>>) dst(%arg11 : memref<128x64xf32, #tpu.memory_space<vmem>>)
      "tpu.region"() ({
        %run_scoped3A = tpu.sem_alloc : memref<!tpu.dma_semaphore, #tpu.memory_space<semaphore_mem>>
        %dma_start3A_135 = arith.constant 0 : i32
        %dma_start3A_136 = tpu.memref_slice %arg10[%add3A_108, %dma_start3A_135] : memref<80x128xi32, #tpu.memory_space<vmem>> -> memref<1x128xi32, #tpu.memory_space<vmem>>
        %dma_start3A_137 = tpu.memref_squeeze %dma_start3A_136 : memref<1x128xi32, #tpu.memory_space<vmem>> -> memref<128xi32, #tpu.memory_space<vmem>>
        %dma_start3A_138 = arith.constant 0 : i32
        %dma_start3A_139 = arith.constant 0 : i32
        %dma_start3A_140 = tpu.memref_slice %arg14[%dma_start3A_138, %dma_start3A_139] : memref<10240x64xf32, #tpu.memory_space<vmem_shared>> -> memref<10240x64xf32, #tpu.memory_space<vmem_shared>>
        tpu.enqueue_indirect_dma source(%arg11 : memref<128x64xf32, #tpu.memory_space<vmem>>) target(%dma_start3A_140 : memref<10240x64xf32, #tpu.memory_space<vmem_shared>>) offsets(%dma_start3A_137 : memref<128xi32, #tpu.memory_space<vmem>>) semaphore(%run_scoped3A : memref<!tpu.dma_semaphore, #tpu.memory_space<semaphore_mem>>) {add = true}
        %dma_wait3A_141 = arith.constant 0 : i32
        %dma_wait3A_142 = tpu.memref_slice %arg10[%add3A_108, %dma_wait3A_141] : memref<80x128xi32, #tpu.memory_space<vmem>> -> memref<1x128xi32, #tpu.memory_space<vmem>>
        %dma_wait3A_143 = tpu.memref_squeeze %dma_wait3A_142 : memref<1x128xi32, #tpu.memory_space<vmem>> -> memref<128xi32, #tpu.memory_space<vmem>>
        %dma_wait3A_144 = arith.constant 0 : i32
        %dma_wait3A_145 = arith.constant 0 : i32
        %dma_wait3A_146 = tpu.memref_slice %arg14[%dma_wait3A_144, %dma_wait3A_145] : memref<10240x64xf32, #tpu.memory_space<vmem_shared>> -> memref<10240x64xf32, #tpu.memory_space<vmem_shared>>
        tpu.wait_indirect_dma semaphore(%run_scoped3A : memref<!tpu.dma_semaphore, #tpu.memory_space<semaphore_mem>>) src(%arg11 : memref<128x64xf32, #tpu.memory_space<vmem>>) dst(%dma_wait3A_146 : memref<10240x64xf32, #tpu.memory_space<vmem_shared>>)
        tpu.yield
      }) : () -> ()
      %add3A_115 = arith.constant 2 : i32
      %add3A_116 = arith.addi %add3A_108, %add3A_115 : i32
      %lt3A = arith.constant 80 : i32
      %lt3A_117 = arith.cmpi slt, %add3A_116, %lt3A : i32
      %convert_element_type3A = arith.extui %lt3A_117 : i1 to i32
      %cond3A = arith.constant 0 : i32
      %cond3A_118 = arith.cmpi ne, %convert_element_type3A, %cond3A : i32
      scf.if %cond3A_118 {
        %add3A_135 = arith.constant 2 : i32
        %add3A_136 = arith.addi %add3A_108, %add3A_135 : i32
        %dma_start3A_137 = arith.constant 0 : i32
        %dma_start3A_138 = tpu.memref_slice %arg9[%add3A_136, %dma_start3A_137] : memref<80x128xi32, #tpu.memory_space<vmem>> -> memref<1x128xi32, #tpu.memory_space<vmem>>
        %dma_start3A_139 = tpu.memref_squeeze %dma_start3A_138 : memref<1x128xi32, #tpu.memory_space<vmem>> -> memref<128xi32, #tpu.memory_space<vmem>>
        %dma_start3A_140 = arith.constant 0 : i32
        %dma_start3A_141 = arith.constant 0 : i32
        %dma_start3A_142 = tpu.memref_slice %arg13[%dma_start3A_140, %dma_start3A_141] : memref<10240x64xf32, #tpu.memory_space<vmem_shared>> -> memref<10240x64xf32, #tpu.memory_space<vmem_shared>>
        tpu.enqueue_indirect_dma source(%dma_start3A_142 : memref<10240x64xf32, #tpu.memory_space<vmem_shared>>) target(%arg11 : memref<128x64xf32, #tpu.memory_space<vmem>>) offsets(%dma_start3A_139 : memref<128xi32, #tpu.memory_space<vmem>>) semaphore(%arg15 : memref<!tpu.dma_semaphore, #tpu.memory_space<semaphore_mem>>)
      } else {
      }
      %add3A_119 = arith.constant 1 : i32
      %add3A_120 = arith.addi %add3A_106, %add3A_119 : i32
      %dma_wait3A_121 = arith.constant 0 : i32
      %dma_wait3A_122 = arith.constant 0 : i32
      %dma_wait3A_123 = tpu.memref_slice %arg9[%dma_wait3A_121, %dma_wait3A_122] : memref<80x128xi32, #tpu.memory_space<vmem>> -> memref<1x128xi32, #tpu.memory_space<vmem>>
      %dma_wait3A_124 = tpu.memref_squeeze %dma_wait3A_123 : memref<1x128xi32, #tpu.memory_space<vmem>> -> memref<128xi32, #tpu.memory_space<vmem>>
      %dma_wait3A_125 = arith.constant 0 : i32
      %dma_wait3A_126 = arith.constant 0 : i32
      %dma_wait3A_127 = tpu.memref_slice %arg13[%dma_wait3A_125, %dma_wait3A_126] : memref<10240x64xf32, #tpu.memory_space<vmem_shared>> -> memref<10240x64xf32, #tpu.memory_space<vmem_shared>>
      tpu.wait_indirect_dma semaphore(%arg16 : memref<!tpu.dma_semaphore, #tpu.memory_space<semaphore_mem>>) src(%dma_wait3A_127 : memref<10240x64xf32, #tpu.memory_space<vmem_shared>>) dst(%arg12 : memref<128x64xf32, #tpu.memory_space<vmem>>)
      "tpu.region"() ({
        %run_scoped3A = tpu.sem_alloc : memref<!tpu.dma_semaphore, #tpu.memory_space<semaphore_mem>>
        %dma_start3A_135 = arith.constant 0 : i32
        %dma_start3A_136 = tpu.memref_slice %arg10[%add3A_120, %dma_start3A_135] : memref<80x128xi32, #tpu.memory_space<vmem>> -> memref<1x128xi32, #tpu.memory_space<vmem>>
        %dma_start3A_137 = tpu.memref_squeeze %dma_start3A_136 : memref<1x128xi32, #tpu.memory_space<vmem>> -> memref<128xi32, #tpu.memory_space<vmem>>
        %dma_start3A_138 = arith.constant 0 : i32
        %dma_start3A_139 = arith.constant 0 : i32
        %dma_start3A_140 = tpu.memref_slice %arg14[%dma_start3A_138, %dma_start3A_139] : memref<10240x64xf32, #tpu.memory_space<vmem_shared>> -> memref<10240x64xf32, #tpu.memory_space<vmem_shared>>
        tpu.enqueue_indirect_dma source(%arg12 : memref<128x64xf32, #tpu.memory_space<vmem>>) target(%dma_start3A_140 : memref<10240x64xf32, #tpu.memory_space<vmem_shared>>) offsets(%dma_start3A_137 : memref<128xi32, #tpu.memory_space<vmem>>) semaphore(%run_scoped3A : memref<!tpu.dma_semaphore, #tpu.memory_space<semaphore_mem>>) {add = true}
        %dma_wait3A_141 = arith.constant 0 : i32
        %dma_wait3A_142 = tpu.memref_slice %arg10[%add3A_120, %dma_wait3A_141] : memref<80x128xi32, #tpu.memory_space<vmem>> -> memref<1x128xi32, #tpu.memory_space<vmem>>
        %dma_wait3A_143 = tpu.memref_squeeze %dma_wait3A_142 : memref<1x128xi32, #tpu.memory_space<vmem>> -> memref<128xi32, #tpu.memory_space<vmem>>
        %dma_wait3A_144 = arith.constant 0 : i32
        %dma_wait3A_145 = arith.constant 0 : i32
        %dma_wait3A_146 = tpu.memref_slice %arg14[%dma_wait3A_144, %dma_wait3A_145] : memref<10240x64xf32, #tpu.memory_space<vmem_shared>> -> memref<10240x64xf32, #tpu.memory_space<vmem_shared>>
        tpu.wait_indirect_dma semaphore(%run_scoped3A : memref<!tpu.dma_semaphore, #tpu.memory_space<semaphore_mem>>) src(%arg12 : memref<128x64xf32, #tpu.memory_space<vmem>>) dst(%dma_wait3A_146 : memref<10240x64xf32, #tpu.memory_space<vmem_shared>>)
        tpu.yield
      }) : () -> ()
      %add3A_128 = arith.constant 2 : i32
      %add3A_129 = arith.addi %add3A_120, %add3A_128 : i32
      %lt3A_130 = arith.constant 80 : i32
      %lt3A_131 = arith.cmpi slt, %add3A_129, %lt3A_130 : i32
      %convert_element_type3A_132 = arith.extui %lt3A_131 : i1 to i32
      %cond3A_133 = arith.constant 0 : i32
      %cond3A_134 = arith.cmpi ne, %convert_element_type3A_132, %cond3A_133 : i32
      scf.if %cond3A_134 {
        %add3A_135 = arith.constant 2 : i32
        %add3A_136 = arith.addi %add3A_120, %add3A_135 : i32
        %dma_start3A_137 = arith.constant 0 : i32
        %dma_start3A_138 = tpu.memref_slice %arg9[%add3A_136, %dma_start3A_137] : memref<80x128xi32, #tpu.memory_space<vmem>> -> memref<1x128xi32, #tpu.memory_space<vmem>>
        %dma_start3A_139 = tpu.memref_squeeze %dma_start3A_138 : memref<1x128xi32, #tpu.memory_space<vmem>> -> memref<128xi32, #tpu.memory_space<vmem>>
        %dma_start3A_140 = arith.constant 0 : i32
        %dma_start3A_141 = arith.constant 0 : i32
        %dma_start3A_142 = tpu.memref_slice %arg13[%dma_start3A_140, %dma_start3A_141] : memref<10240x64xf32, #tpu.memory_space<vmem_shared>> -> memref<10240x64xf32, #tpu.memory_space<vmem_shared>>
        tpu.enqueue_indirect_dma source(%dma_start3A_142 : memref<10240x64xf32, #tpu.memory_space<vmem_shared>>) target(%arg12 : memref<128x64xf32, #tpu.memory_space<vmem>>) offsets(%dma_start3A_139 : memref<128xi32, #tpu.memory_space<vmem>>) semaphore(%arg16 : memref<!tpu.dma_semaphore, #tpu.memory_space<semaphore_mem>>)
      } else {
      }
    }
    %scan3A_39 = arith.constant 40 : i32
    %barrier3A_40 = arith.constant 0 : index
    tpu.barrier barrier_id(%barrier3A_40)
    %add3A_41 = arith.constant 0 : i32
    %add3A_42 = arith.addi %mul3A_2, %add3A_41 : i32
    "tpu.region"() ({
      %run_scoped3A = tpu.sem_alloc : memref<!tpu.dma_semaphore, #tpu.memory_space<semaphore_mem>>
      %dma_start3A_102 = arith.constant 0 : i32
      %dma_start3A_103 = tpu.memref_slice %arg14[%add3A_42, %dma_start3A_102] : memref<10240x64xf32, #tpu.memory_space<vmem_shared>> -> memref<128x64xf32, #tpu.memory_space<vmem_shared>>
      %dma_start3A_104 = arith.constant 0 : i32
      %dma_start3A_105 = tpu.memref_slice %arg14[%add3A_42, %dma_start3A_104] : memref<10240x64xf32, #tpu.memory_space<vmem_shared>> -> memref<128x64xf32, #tpu.memory_space<vmem_shared>>
      tpu.enqueue_dma source(%dma_start3A_105 : memref<128x64xf32, #tpu.memory_space<vmem_shared>>) target(%arg11 : memref<128x64xf32, #tpu.memory_space<vmem>>) target_semaphore(%run_scoped3A : memref<!tpu.dma_semaphore, #tpu.memory_space<semaphore_mem>>)
      %dma_wait3A = arith.constant 0 : i32
      %dma_wait3A_106 = tpu.memref_slice %arg14[%add3A_42, %dma_wait3A] : memref<10240x64xf32, #tpu.memory_space<vmem_shared>> -> memref<128x64xf32, #tpu.memory_space<vmem_shared>>
      %dma_wait3A_107 = arith.constant 0 : i32
      %dma_wait3A_108 = tpu.memref_slice %arg14[%add3A_42, %dma_wait3A_107] : memref<10240x64xf32, #tpu.memory_space<vmem_shared>> -> memref<128x64xf32, #tpu.memory_space<vmem_shared>>
      tpu.wait_dma2 semaphore(%run_scoped3A : memref<!tpu.dma_semaphore, #tpu.memory_space<semaphore_mem>>) src(%dma_wait3A_108 : memref<128x64xf32, #tpu.memory_space<vmem_shared>>) dst(%arg11 : memref<128x64xf32, #tpu.memory_space<vmem>>)
      tpu.yield
    }) : () -> ()
    "tpu.region"() ({
      %run_scoped3A = tpu.sem_alloc : memref<!tpu.dma_semaphore, #tpu.memory_space<semaphore_mem>>
      %dma_start3A_102 = arith.constant 0 : i32
      %dma_start3A_103 = tpu.memref_slice %arg7[%arg0, %add3A_42, %dma_start3A_102] : memref<2x10240x64xf32, #tpu.memory_space<hbm>> -> memref<1x128x64xf32, #tpu.memory_space<hbm>>
      %dma_start3A_104 = tpu.memref_squeeze %dma_start3A_103 : memref<1x128x64xf32, #tpu.memory_space<hbm>> -> memref<128x64xf32, #tpu.memory_space<hbm>>
      %dma_start3A_105 = arith.constant 0 : i32
      %dma_start3A_106 = tpu.memref_slice %arg7[%arg0, %add3A_42, %dma_start3A_105] : memref<2x10240x64xf32, #tpu.memory_space<hbm>> -> memref<1x128x64xf32, #tpu.memory_space<hbm>>
      %dma_start3A_107 = tpu.memref_squeeze %dma_start3A_106 : memref<1x128x64xf32, #tpu.memory_space<hbm>> -> memref<128x64xf32, #tpu.memory_space<hbm>>
      tpu.enqueue_dma source(%arg11 : memref<128x64xf32, #tpu.memory_space<vmem>>) target(%dma_start3A_107 : memref<128x64xf32, #tpu.memory_space<hbm>>) target_semaphore(%run_scoped3A : memref<!tpu.dma_semaphore, #tpu.memory_space<semaphore_mem>>)
      %dma_wait3A = arith.constant 0 : i32
      %dma_wait3A_108 = tpu.memref_slice %arg7[%arg0, %add3A_42, %dma_wait3A] : memref<2x10240x64xf32, #tpu.memory_space<hbm>> -> memref<1x128x64xf32, #tpu.memory_space<hbm>>
      %dma_wait3A_109 = tpu.memref_squeeze %dma_wait3A_108 : memref<1x128x64xf32, #tpu.memory_space<hbm>> -> memref<128x64xf32, #tpu.memory_space<hbm>>
      %dma_wait3A_110 = arith.constant 0 : i32
      %dma_wait3A_111 = tpu.memref_slice %arg7[%arg0, %add3A_42, %dma_wait3A_110] : memref<2x10240x64xf32, #tpu.memory_space<hbm>> -> memref<1x128x64xf32, #tpu.memory_space<hbm>>
      %dma_wait3A_112 = tpu.memref_squeeze %dma_wait3A_111 : memref<1x128x64xf32, #tpu.memory_space<hbm>> -> memref<128x64xf32, #tpu.memory_space<hbm>>
      tpu.wait_dma2 semaphore(%run_scoped3A : memref<!tpu.dma_semaphore, #tpu.memory_space<semaphore_mem>>) src(%arg11 : memref<128x64xf32, #tpu.memory_space<vmem>>) dst(%dma_wait3A_112 : memref<128x64xf32, #tpu.memory_space<hbm>>)
      tpu.yield
    }) : () -> ()
    %add3A_43 = arith.constant 128 : i32
    %add3A_44 = arith.addi %mul3A_2, %add3A_43 : i32
    "tpu.region"() ({
      %run_scoped3A = tpu.sem_alloc : memref<!tpu.dma_semaphore, #tpu.memory_space<semaphore_mem>>
      %dma_start3A_102 = arith.constant 0 : i32
      %dma_start3A_103 = tpu.memref_slice %arg14[%add3A_44, %dma_start3A_102] : memref<10240x64xf32, #tpu.memory_space<vmem_shared>> -> memref<128x64xf32, #tpu.memory_space<vmem_shared>>
      %dma_start3A_104 = arith.constant 0 : i32
      %dma_start3A_105 = tpu.memref_slice %arg14[%add3A_44, %dma_start3A_104] : memref<10240x64xf32, #tpu.memory_space<vmem_shared>> -> memref<128x64xf32, #tpu.memory_space<vmem_shared>>
      tpu.enqueue_dma source(%dma_start3A_105 : memref<128x64xf32, #tpu.memory_space<vmem_shared>>) target(%arg11 : memref<128x64xf32, #tpu.memory_space<vmem>>) target_semaphore(%run_scoped3A : memref<!tpu.dma_semaphore, #tpu.memory_space<semaphore_mem>>)
      %dma_wait3A = arith.constant 0 : i32
      %dma_wait3A_106 = tpu.memref_slice %arg14[%add3A_44, %dma_wait3A] : memref<10240x64xf32, #tpu.memory_space<vmem_shared>> -> memref<128x64xf32, #tpu.memory_space<vmem_shared>>
      %dma_wait3A_107 = arith.constant 0 : i32
      %dma_wait3A_108 = tpu.memref_slice %arg14[%add3A_44, %dma_wait3A_107] : memref<10240x64xf32, #tpu.memory_space<vmem_shared>> -> memref<128x64xf32, #tpu.memory_space<vmem_shared>>
      tpu.wait_dma2 semaphore(%run_scoped3A : memref<!tpu.dma_semaphore, #tpu.memory_space<semaphore_mem>>) src(%dma_wait3A_108 : memref<128x64xf32, #tpu.memory_space<vmem_shared>>) dst(%arg11 : memref<128x64xf32, #tpu.memory_space<vmem>>)
      tpu.yield
    }) : () -> ()
    "tpu.region"() ({
      %run_scoped3A = tpu.sem_alloc : memref<!tpu.dma_semaphore, #tpu.memory_space<semaphore_mem>>
      %dma_start3A_102 = arith.constant 0 : i32
      %dma_start3A_103 = tpu.memref_slice %arg7[%arg0, %add3A_44, %dma_start3A_102] : memref<2x10240x64xf32, #tpu.memory_space<hbm>> -> memref<1x128x64xf32, #tpu.memory_space<hbm>>
      %dma_start3A_104 = tpu.memref_squeeze %dma_start3A_103 : memref<1x128x64xf32, #tpu.memory_space<hbm>> -> memref<128x64xf32, #tpu.memory_space<hbm>>
      %dma_start3A_105 = arith.constant 0 : i32
      %dma_start3A_106 = tpu.memref_slice %arg7[%arg0, %add3A_44, %dma_start3A_105] : memref<2x10240x64xf32, #tpu.memory_space<hbm>> -> memref<1x128x64xf32, #tpu.memory_space<hbm>>
      %dma_start3A_107 = tpu.memref_squeeze %dma_start3A_106 : memref<1x128x64xf32, #tpu.memory_space<hbm>> -> memref<128x64xf32, #tpu.memory_space<hbm>>
      tpu.enqueue_dma source(%arg11 : memref<128x64xf32, #tpu.memory_space<vmem>>) target(%dma_start3A_107 : memref<128x64xf32, #tpu.memory_space<hbm>>) target_semaphore(%run_scoped3A : memref<!tpu.dma_semaphore, #tpu.memory_space<semaphore_mem>>)
      %dma_wait3A = arith.constant 0 : i32
      %dma_wait3A_108 = tpu.memref_slice %arg7[%arg0, %add3A_44, %dma_wait3A] : memref<2x10240x64xf32, #tpu.memory_space<hbm>> -> memref<1x128x64xf32, #tpu.memory_space<hbm>>
      %dma_wait3A_109 = tpu.memref_squeeze %dma_wait3A_108 : memref<1x128x64xf32, #tpu.memory_space<hbm>> -> memref<128x64xf32, #tpu.memory_space<hbm>>
      %dma_wait3A_110 = arith.constant 0 : i32
      %dma_wait3A_111 = tpu.memref_slice %arg7[%arg0, %add3A_44, %dma_wait3A_110] : memref<2x10240x64xf32, #tpu.memory_space<hbm>> -> memref<1x128x64xf32, #tpu.memory_space<hbm>>
      %dma_wait3A_112 = tpu.memref_squeeze %dma_wait3A_111 : memref<1x128x64xf32, #tpu.memory_space<hbm>> -> memref<128x64xf32, #tpu.memory_space<hbm>>
      tpu.wait_dma2 semaphore(%run_scoped3A : memref<!tpu.dma_semaphore, #tpu.memory_space<semaphore_mem>>) src(%arg11 : memref<128x64xf32, #tpu.memory_space<vmem>>) dst(%dma_wait3A_112 : memref<128x64xf32, #tpu.memory_space<hbm>>)
      tpu.yield
    }) : () -> ()
    %add3A_45 = arith.constant 256 : i32
    %add3A_46 = arith.addi %mul3A_2, %add3A_45 : i32
    "tpu.region"() ({
      %run_scoped3A = tpu.sem_alloc : memref<!tpu.dma_semaphore, #tpu.memory_space<semaphore_mem>>
      %dma_start3A_102 = arith.constant 0 : i32
      %dma_start3A_103 = tpu.memref_slice %arg14[%add3A_46, %dma_start3A_102] : memref<10240x64xf32, #tpu.memory_space<vmem_shared>> -> memref<128x64xf32, #tpu.memory_space<vmem_shared>>
      %dma_start3A_104 = arith.constant 0 : i32
      %dma_start3A_105 = tpu.memref_slice %arg14[%add3A_46, %dma_start3A_104] : memref<10240x64xf32, #tpu.memory_space<vmem_shared>> -> memref<128x64xf32, #tpu.memory_space<vmem_shared>>
      tpu.enqueue_dma source(%dma_start3A_105 : memref<128x64xf32, #tpu.memory_space<vmem_shared>>) target(%arg11 : memref<128x64xf32, #tpu.memory_space<vmem>>) target_semaphore(%run_scoped3A : memref<!tpu.dma_semaphore, #tpu.memory_space<semaphore_mem>>)
      %dma_wait3A = arith.constant 0 : i32
      %dma_wait3A_106 = tpu.memref_slice %arg14[%add3A_46, %dma_wait3A] : memref<10240x64xf32, #tpu.memory_space<vmem_shared>> -> memref<128x64xf32, #tpu.memory_space<vmem_shared>>
      %dma_wait3A_107 = arith.constant 0 : i32
      %dma_wait3A_108 = tpu.memref_slice %arg14[%add3A_46, %dma_wait3A_107] : memref<10240x64xf32, #tpu.memory_space<vmem_shared>> -> memref<128x64xf32, #tpu.memory_space<vmem_shared>>
      tpu.wait_dma2 semaphore(%run_scoped3A : memref<!tpu.dma_semaphore, #tpu.memory_space<semaphore_mem>>) src(%dma_wait3A_108 : memref<128x64xf32, #tpu.memory_space<vmem_shared>>) dst(%arg11 : memref<128x64xf32, #tpu.memory_space<vmem>>)
      tpu.yield
    }) : () -> ()
    "tpu.region"() ({
      %run_scoped3A = tpu.sem_alloc : memref<!tpu.dma_semaphore, #tpu.memory_space<semaphore_mem>>
      %dma_start3A_102 = arith.constant 0 : i32
      %dma_start3A_103 = tpu.memref_slice %arg7[%arg0, %add3A_46, %dma_start3A_102] : memref<2x10240x64xf32, #tpu.memory_space<hbm>> -> memref<1x128x64xf32, #tpu.memory_space<hbm>>
      %dma_start3A_104 = tpu.memref_squeeze %dma_start3A_103 : memref<1x128x64xf32, #tpu.memory_space<hbm>> -> memref<128x64xf32, #tpu.memory_space<hbm>>
      %dma_start3A_105 = arith.constant 0 : i32
      %dma_start3A_106 = tpu.memref_slice %arg7[%arg0, %add3A_46, %dma_start3A_105] : memref<2x10240x64xf32, #tpu.memory_space<hbm>> -> memref<1x128x64xf32, #tpu.memory_space<hbm>>
      %dma_start3A_107 = tpu.memref_squeeze %dma_start3A_106 : memref<1x128x64xf32, #tpu.memory_space<hbm>> -> memref<128x64xf32, #tpu.memory_space<hbm>>
      tpu.enqueue_dma source(%arg11 : memref<128x64xf32, #tpu.memory_space<vmem>>) target(%dma_start3A_107 : memref<128x64xf32, #tpu.memory_space<hbm>>) target_semaphore(%run_scoped3A : memref<!tpu.dma_semaphore, #tpu.memory_space<semaphore_mem>>)
      %dma_wait3A = arith.constant 0 : i32
      %dma_wait3A_108 = tpu.memref_slice %arg7[%arg0, %add3A_46, %dma_wait3A] : memref<2x10240x64xf32, #tpu.memory_space<hbm>> -> memref<1x128x64xf32, #tpu.memory_space<hbm>>
      %dma_wait3A_109 = tpu.memref_squeeze %dma_wait3A_108 : memref<1x128x64xf32, #tpu.memory_space<hbm>> -> memref<128x64xf32, #tpu.memory_space<hbm>>
      %dma_wait3A_110 = arith.constant 0 : i32
      %dma_wait3A_111 = tpu.memref_slice %arg7[%arg0, %add3A_46, %dma_wait3A_110] : memref<2x10240x64xf32, #tpu.memory_space<hbm>> -> memref<1x128x64xf32, #tpu.memory_space<hbm>>
      %dma_wait3A_112 = tpu.memref_squeeze %dma_wait3A_111 : memref<1x128x64xf32, #tpu.memory_space<hbm>> -> memref<128x64xf32, #tpu.memory_space<hbm>>
      tpu.wait_dma2 semaphore(%run_scoped3A : memref<!tpu.dma_semaphore, #tpu.memory_space<semaphore_mem>>) src(%arg11 : memref<128x64xf32, #tpu.memory_space<vmem>>) dst(%dma_wait3A_112 : memref<128x64xf32, #tpu.memory_space<hbm>>)
      tpu.yield
    }) : () -> ()
    %add3A_47 = arith.constant 384 : i32
    %add3A_48 = arith.addi %mul3A_2, %add3A_47 : i32
    "tpu.region"() ({
      %run_scoped3A = tpu.sem_alloc : memref<!tpu.dma_semaphore, #tpu.memory_space<semaphore_mem>>
      %dma_start3A_102 = arith.constant 0 : i32
      %dma_start3A_103 = tpu.memref_slice %arg14[%add3A_48, %dma_start3A_102] : memref<10240x64xf32, #tpu.memory_space<vmem_shared>> -> memref<128x64xf32, #tpu.memory_space<vmem_shared>>
      %dma_start3A_104 = arith.constant 0 : i32
      %dma_start3A_105 = tpu.memref_slice %arg14[%add3A_48, %dma_start3A_104] : memref<10240x64xf32, #tpu.memory_space<vmem_shared>> -> memref<128x64xf32, #tpu.memory_space<vmem_shared>>
      tpu.enqueue_dma source(%dma_start3A_105 : memref<128x64xf32, #tpu.memory_space<vmem_shared>>) target(%arg11 : memref<128x64xf32, #tpu.memory_space<vmem>>) target_semaphore(%run_scoped3A : memref<!tpu.dma_semaphore, #tpu.memory_space<semaphore_mem>>)
      %dma_wait3A = arith.constant 0 : i32
      %dma_wait3A_106 = tpu.memref_slice %arg14[%add3A_48, %dma_wait3A] : memref<10240x64xf32, #tpu.memory_space<vmem_shared>> -> memref<128x64xf32, #tpu.memory_space<vmem_shared>>
      %dma_wait3A_107 = arith.constant 0 : i32
      %dma_wait3A_108 = tpu.memref_slice %arg14[%add3A_48, %dma_wait3A_107] : memref<10240x64xf32, #tpu.memory_space<vmem_shared>> -> memref<128x64xf32, #tpu.memory_space<vmem_shared>>
      tpu.wait_dma2 semaphore(%run_scoped3A : memref<!tpu.dma_semaphore, #tpu.memory_space<semaphore_mem>>) src(%dma_wait3A_108 : memref<128x64xf32, #tpu.memory_space<vmem_shared>>) dst(%arg11 : memref<128x64xf32, #tpu.memory_space<vmem>>)
      tpu.yield
    }) : () -> ()
    "tpu.region"() ({
      %run_scoped3A = tpu.sem_alloc : memref<!tpu.dma_semaphore, #tpu.memory_space<semaphore_mem>>
      %dma_start3A_102 = arith.constant 0 : i32
      %dma_start3A_103 = tpu.memref_slice %arg7[%arg0, %add3A_48, %dma_start3A_102] : memref<2x10240x64xf32, #tpu.memory_space<hbm>> -> memref<1x128x64xf32, #tpu.memory_space<hbm>>
      %dma_start3A_104 = tpu.memref_squeeze %dma_start3A_103 : memref<1x128x64xf32, #tpu.memory_space<hbm>> -> memref<128x64xf32, #tpu.memory_space<hbm>>
      %dma_start3A_105 = arith.constant 0 : i32
      %dma_start3A_106 = tpu.memref_slice %arg7[%arg0, %add3A_48, %dma_start3A_105] : memref<2x10240x64xf32, #tpu.memory_space<hbm>> -> memref<1x128x64xf32, #tpu.memory_space<hbm>>
      %dma_start3A_107 = tpu.memref_squeeze %dma_start3A_106 : memref<1x128x64xf32, #tpu.memory_space<hbm>> -> memref<128x64xf32, #tpu.memory_space<hbm>>
      tpu.enqueue_dma source(%arg11 : memref<128x64xf32, #tpu.memory_space<vmem>>) target(%dma_start3A_107 : memref<128x64xf32, #tpu.memory_space<hbm>>) target_semaphore(%run_scoped3A : memref<!tpu.dma_semaphore, #tpu.memory_space<semaphore_mem>>)
      %dma_wait3A = arith.constant 0 : i32
      %dma_wait3A_108 = tpu.memref_slice %arg7[%arg0, %add3A_48, %dma_wait3A] : memref<2x10240x64xf32, #tpu.memory_space<hbm>> -> memref<1x128x64xf32, #tpu.memory_space<hbm>>
      %dma_wait3A_109 = tpu.memref_squeeze %dma_wait3A_108 : memref<1x128x64xf32, #tpu.memory_space<hbm>> -> memref<128x64xf32, #tpu.memory_space<hbm>>
      %dma_wait3A_110 = arith.constant 0 : i32
      %dma_wait3A_111 = tpu.memref_slice %arg7[%arg0, %add3A_48, %dma_wait3A_110] : memref<2x10240x64xf32, #tpu.memory_space<hbm>> -> memref<1x128x64xf32, #tpu.memory_space<hbm>>
      %dma_wait3A_112 = tpu.memref_squeeze %dma_wait3A_111 : memref<1x128x64xf32, #tpu.memory_space<hbm>> -> memref<128x64xf32, #tpu.memory_space<hbm>>
      tpu.wait_dma2 semaphore(%run_scoped3A : memref<!tpu.dma_semaphore, #tpu.memory_space<semaphore_mem>>) src(%arg11 : memref<128x64xf32, #tpu.memory_space<vmem>>) dst(%dma_wait3A_112 : memref<128x64xf32, #tpu.memory_space<hbm>>)
      tpu.yield
    }) : () -> ()
    %add3A_49 = arith.constant 512 : i32
    %add3A_50 = arith.addi %mul3A_2, %add3A_49 : i32
    "tpu.region"() ({
      %run_scoped3A = tpu.sem_alloc : memref<!tpu.dma_semaphore, #tpu.memory_space<semaphore_mem>>
      %dma_start3A_102 = arith.constant 0 : i32
      %dma_start3A_103 = tpu.memref_slice %arg14[%add3A_50, %dma_start3A_102] : memref<10240x64xf32, #tpu.memory_space<vmem_shared>> -> memref<128x64xf32, #tpu.memory_space<vmem_shared>>
      %dma_start3A_104 = arith.constant 0 : i32
      %dma_start3A_105 = tpu.memref_slice %arg14[%add3A_50, %dma_start3A_104] : memref<10240x64xf32, #tpu.memory_space<vmem_shared>> -> memref<128x64xf32, #tpu.memory_space<vmem_shared>>
      tpu.enqueue_dma source(%dma_start3A_105 : memref<128x64xf32, #tpu.memory_space<vmem_shared>>) target(%arg11 : memref<128x64xf32, #tpu.memory_space<vmem>>) target_semaphore(%run_scoped3A : memref<!tpu.dma_semaphore, #tpu.memory_space<semaphore_mem>>)
      %dma_wait3A = arith.constant 0 : i32
      %dma_wait3A_106 = tpu.memref_slice %arg14[%add3A_50, %dma_wait3A] : memref<10240x64xf32, #tpu.memory_space<vmem_shared>> -> memref<128x64xf32, #tpu.memory_space<vmem_shared>>
      %dma_wait3A_107 = arith.constant 0 : i32
      %dma_wait3A_108 = tpu.memref_slice %arg14[%add3A_50, %dma_wait3A_107] : memref<10240x64xf32, #tpu.memory_space<vmem_shared>> -> memref<128x64xf32, #tpu.memory_space<vmem_shared>>
      tpu.wait_dma2 semaphore(%run_scoped3A : memref<!tpu.dma_semaphore, #tpu.memory_space<semaphore_mem>>) src(%dma_wait3A_108 : memref<128x64xf32, #tpu.memory_space<vmem_shared>>) dst(%arg11 : memref<128x64xf32, #tpu.memory_space<vmem>>)
      tpu.yield
    }) : () -> ()
    "tpu.region"() ({
      %run_scoped3A = tpu.sem_alloc : memref<!tpu.dma_semaphore, #tpu.memory_space<semaphore_mem>>
      %dma_start3A_102 = arith.constant 0 : i32
      %dma_start3A_103 = tpu.memref_slice %arg7[%arg0, %add3A_50, %dma_start3A_102] : memref<2x10240x64xf32, #tpu.memory_space<hbm>> -> memref<1x128x64xf32, #tpu.memory_space<hbm>>
      %dma_start3A_104 = tpu.memref_squeeze %dma_start3A_103 : memref<1x128x64xf32, #tpu.memory_space<hbm>> -> memref<128x64xf32, #tpu.memory_space<hbm>>
      %dma_start3A_105 = arith.constant 0 : i32
      %dma_start3A_106 = tpu.memref_slice %arg7[%arg0, %add3A_50, %dma_start3A_105] : memref<2x10240x64xf32, #tpu.memory_space<hbm>> -> memref<1x128x64xf32, #tpu.memory_space<hbm>>
      %dma_start3A_107 = tpu.memref_squeeze %dma_start3A_106 : memref<1x128x64xf32, #tpu.memory_space<hbm>> -> memref<128x64xf32, #tpu.memory_space<hbm>>
      tpu.enqueue_dma source(%arg11 : memref<128x64xf32, #tpu.memory_space<vmem>>) target(%dma_start3A_107 : memref<128x64xf32, #tpu.memory_space<hbm>>) target_semaphore(%run_scoped3A : memref<!tpu.dma_semaphore, #tpu.memory_space<semaphore_mem>>)
      %dma_wait3A = arith.constant 0 : i32
      %dma_wait3A_108 = tpu.memref_slice %arg7[%arg0, %add3A_50, %dma_wait3A] : memref<2x10240x64xf32, #tpu.memory_space<hbm>> -> memref<1x128x64xf32, #tpu.memory_space<hbm>>
      %dma_wait3A_109 = tpu.memref_squeeze %dma_wait3A_108 : memref<1x128x64xf32, #tpu.memory_space<hbm>> -> memref<128x64xf32, #tpu.memory_space<hbm>>
      %dma_wait3A_110 = arith.constant 0 : i32
      %dma_wait3A_111 = tpu.memref_slice %arg7[%arg0, %add3A_50, %dma_wait3A_110] : memref<2x10240x64xf32, #tpu.memory_space<hbm>> -> memref<1x128x64xf32, #tpu.memory_space<hbm>>
      %dma_wait3A_112 = tpu.memref_squeeze %dma_wait3A_111 : memref<1x128x64xf32, #tpu.memory_space<hbm>> -> memref<128x64xf32, #tpu.memory_space<hbm>>
      tpu.wait_dma2 semaphore(%run_scoped3A : memref<!tpu.dma_semaphore, #tpu.memory_space<semaphore_mem>>) src(%arg11 : memref<128x64xf32, #tpu.memory_space<vmem>>) dst(%dma_wait3A_112 : memref<128x64xf32, #tpu.memory_space<hbm>>)
      tpu.yield
    }) : () -> ()
    "tpu.region"() ({
      %run_scoped3A = tpu.sem_alloc : memref<!tpu.dma_semaphore, #tpu.memory_space<semaphore_mem>>
      tpu.enqueue_dma source(%arg6 : memref<128x64xf32, #tpu.memory_space<hbm>>) target(%arg11 : memref<128x64xf32, #tpu.memory_space<vmem>>) target_semaphore(%run_scoped3A : memref<!tpu.dma_semaphore, #tpu.memory_space<semaphore_mem>>)
      tpu.wait_dma2 semaphore(%run_scoped3A : memref<!tpu.dma_semaphore, #tpu.memory_space<semaphore_mem>>) src(%arg6 : memref<128x64xf32, #tpu.memory_space<hbm>>) dst(%arg11 : memref<128x64xf32, #tpu.memory_space<vmem>>)
      tpu.yield
    }) : () -> ()
    %add3A_51 = arith.constant 0 : i32
    %add3A_52 = arith.addi %mul3A_2, %add3A_51 : i32
    "tpu.region"() ({
      %run_scoped3A = tpu.sem_alloc : memref<!tpu.dma_semaphore, #tpu.memory_space<semaphore_mem>>
      %dma_start3A_102 = arith.constant 0 : i32
      %dma_start3A_103 = tpu.memref_slice %arg14[%add3A_52, %dma_start3A_102] : memref<10240x64xf32, #tpu.memory_space<vmem_shared>> -> memref<128x64xf32, #tpu.memory_space<vmem_shared>>
      %dma_start3A_104 = arith.constant 0 : i32
      %dma_start3A_105 = tpu.memref_slice %arg14[%add3A_52, %dma_start3A_104] : memref<10240x64xf32, #tpu.memory_space<vmem_shared>> -> memref<128x64xf32, #tpu.memory_space<vmem_shared>>
      tpu.enqueue_dma source(%arg11 : memref<128x64xf32, #tpu.memory_space<vmem>>) target(%dma_start3A_105 : memref<128x64xf32, #tpu.memory_space<vmem_shared>>) target_semaphore(%run_scoped3A : memref<!tpu.dma_semaphore, #tpu.memory_space<semaphore_mem>>)
      %dma_wait3A = arith.constant 0 : i32
      %dma_wait3A_106 = tpu.memref_slice %arg14[%add3A_52, %dma_wait3A] : memref<10240x64xf32, #tpu.memory_space<vmem_shared>> -> memref<128x64xf32, #tpu.memory_space<vmem_shared>>
      %dma_wait3A_107 = arith.constant 0 : i32
      %dma_wait3A_108 = tpu.memref_slice %arg14[%add3A_52, %dma_wait3A_107] : memref<10240x64xf32, #tpu.memory_space<vmem_shared>> -> memref<128x64xf32, #tpu.memory_space<vmem_shared>>
      tpu.wait_dma2 semaphore(%run_scoped3A : memref<!tpu.dma_semaphore, #tpu.memory_space<semaphore_mem>>) src(%arg11 : memref<128x64xf32, #tpu.memory_space<vmem>>) dst(%dma_wait3A_108 : memref<128x64xf32, #tpu.memory_space<vmem_shared>>)
      tpu.yield
    }) : () -> ()
    %add3A_53 = arith.constant 128 : i32
    %add3A_54 = arith.addi %mul3A_2, %add3A_53 : i32
    "tpu.region"() ({
      %run_scoped3A = tpu.sem_alloc : memref<!tpu.dma_semaphore, #tpu.memory_space<semaphore_mem>>
      %dma_start3A_102 = arith.constant 0 : i32
      %dma_start3A_103 = tpu.memref_slice %arg14[%add3A_54, %dma_start3A_102] : memref<10240x64xf32, #tpu.memory_space<vmem_shared>> -> memref<128x64xf32, #tpu.memory_space<vmem_shared>>
      %dma_start3A_104 = arith.constant 0 : i32
      %dma_start3A_105 = tpu.memref_slice %arg14[%add3A_54, %dma_start3A_104] : memref<10240x64xf32, #tpu.memory_space<vmem_shared>> -> memref<128x64xf32, #tpu.memory_space<vmem_shared>>
      tpu.enqueue_dma source(%arg11 : memref<128x64xf32, #tpu.memory_space<vmem>>) target(%dma_start3A_105 : memref<128x64xf32, #tpu.memory_space<vmem_shared>>) target_semaphore(%run_scoped3A : memref<!tpu.dma_semaphore, #tpu.memory_space<semaphore_mem>>)
      %dma_wait3A = arith.constant 0 : i32
      %dma_wait3A_106 = tpu.memref_slice %arg14[%add3A_54, %dma_wait3A] : memref<10240x64xf32, #tpu.memory_space<vmem_shared>> -> memref<128x64xf32, #tpu.memory_space<vmem_shared>>
      %dma_wait3A_107 = arith.constant 0 : i32
      %dma_wait3A_108 = tpu.memref_slice %arg14[%add3A_54, %dma_wait3A_107] : memref<10240x64xf32, #tpu.memory_space<vmem_shared>> -> memref<128x64xf32, #tpu.memory_space<vmem_shared>>
      tpu.wait_dma2 semaphore(%run_scoped3A : memref<!tpu.dma_semaphore, #tpu.memory_space<semaphore_mem>>) src(%arg11 : memref<128x64xf32, #tpu.memory_space<vmem>>) dst(%dma_wait3A_108 : memref<128x64xf32, #tpu.memory_space<vmem_shared>>)
      tpu.yield
    }) : () -> ()
    %add3A_55 = arith.constant 256 : i32
    %add3A_56 = arith.addi %mul3A_2, %add3A_55 : i32
    "tpu.region"() ({
      %run_scoped3A = tpu.sem_alloc : memref<!tpu.dma_semaphore, #tpu.memory_space<semaphore_mem>>
      %dma_start3A_102 = arith.constant 0 : i32
      %dma_start3A_103 = tpu.memref_slice %arg14[%add3A_56, %dma_start3A_102] : memref<10240x64xf32, #tpu.memory_space<vmem_shared>> -> memref<128x64xf32, #tpu.memory_space<vmem_shared>>
      %dma_start3A_104 = arith.constant 0 : i32
      %dma_start3A_105 = tpu.memref_slice %arg14[%add3A_56, %dma_start3A_104] : memref<10240x64xf32, #tpu.memory_space<vmem_shared>> -> memref<128x64xf32, #tpu.memory_space<vmem_shared>>
      tpu.enqueue_dma source(%arg11 : memref<128x64xf32, #tpu.memory_space<vmem>>) target(%dma_start3A_105 : memref<128x64xf32, #tpu.memory_space<vmem_shared>>) target_semaphore(%run_scoped3A : memref<!tpu.dma_semaphore, #tpu.memory_space<semaphore_mem>>)
      %dma_wait3A = arith.constant 0 : i32
      %dma_wait3A_106 = tpu.memref_slice %arg14[%add3A_56, %dma_wait3A] : memref<10240x64xf32, #tpu.memory_space<vmem_shared>> -> memref<128x64xf32, #tpu.memory_space<vmem_shared>>
      %dma_wait3A_107 = arith.constant 0 : i32
      %dma_wait3A_108 = tpu.memref_slice %arg14[%add3A_56, %dma_wait3A_107] : memref<10240x64xf32, #tpu.memory_space<vmem_shared>> -> memref<128x64xf32, #tpu.memory_space<vmem_shared>>
      tpu.wait_dma2 semaphore(%run_scoped3A : memref<!tpu.dma_semaphore, #tpu.memory_space<semaphore_mem>>) src(%arg11 : memref<128x64xf32, #tpu.memory_space<vmem>>) dst(%dma_wait3A_108 : memref<128x64xf32, #tpu.memory_space<vmem_shared>>)
      tpu.yield
    }) : () -> ()
    %add3A_57 = arith.constant 384 : i32
    %add3A_58 = arith.addi %mul3A_2, %add3A_57 : i32
    "tpu.region"() ({
      %run_scoped3A = tpu.sem_alloc : memref<!tpu.dma_semaphore, #tpu.memory_space<semaphore_mem>>
      %dma_start3A_102 = arith.constant 0 : i32
      %dma_start3A_103 = tpu.memref_slice %arg14[%add3A_58, %dma_start3A_102] : memref<10240x64xf32, #tpu.memory_space<vmem_shared>> -> memref<128x64xf32, #tpu.memory_space<vmem_shared>>
      %dma_start3A_104 = arith.constant 0 : i32
      %dma_start3A_105 = tpu.memref_slice %arg14[%add3A_58, %dma_start3A_104] : memref<10240x64xf32, #tpu.memory_space<vmem_shared>> -> memref<128x64xf32, #tpu.memory_space<vmem_shared>>
      tpu.enqueue_dma source(%arg11 : memref<128x64xf32, #tpu.memory_space<vmem>>) target(%dma_start3A_105 : memref<128x64xf32, #tpu.memory_space<vmem_shared>>) target_semaphore(%run_scoped3A : memref<!tpu.dma_semaphore, #tpu.memory_space<semaphore_mem>>)
      %dma_wait3A = arith.constant 0 : i32
      %dma_wait3A_106 = tpu.memref_slice %arg14[%add3A_58, %dma_wait3A] : memref<10240x64xf32, #tpu.memory_space<vmem_shared>> -> memref<128x64xf32, #tpu.memory_space<vmem_shared>>
      %dma_wait3A_107 = arith.constant 0 : i32
      %dma_wait3A_108 = tpu.memref_slice %arg14[%add3A_58, %dma_wait3A_107] : memref<10240x64xf32, #tpu.memory_space<vmem_shared>> -> memref<128x64xf32, #tpu.memory_space<vmem_shared>>
      tpu.wait_dma2 semaphore(%run_scoped3A : memref<!tpu.dma_semaphore, #tpu.memory_space<semaphore_mem>>) src(%arg11 : memref<128x64xf32, #tpu.memory_space<vmem>>) dst(%dma_wait3A_108 : memref<128x64xf32, #tpu.memory_space<vmem_shared>>)
      tpu.yield
    }) : () -> ()
    %add3A_59 = arith.constant 512 : i32
    %add3A_60 = arith.addi %mul3A_2, %add3A_59 : i32
    "tpu.region"() ({
      %run_scoped3A = tpu.sem_alloc : memref<!tpu.dma_semaphore, #tpu.memory_space<semaphore_mem>>
      %dma_start3A_102 = arith.constant 0 : i32
      %dma_start3A_103 = tpu.memref_slice %arg14[%add3A_60, %dma_start3A_102] : memref<10240x64xf32, #tpu.memory_space<vmem_shared>> -> memref<128x64xf32, #tpu.memory_space<vmem_shared>>
      %dma_start3A_104 = arith.constant 0 : i32
      %dma_start3A_105 = tpu.memref_slice %arg14[%add3A_60, %dma_start3A_104] : memref<10240x64xf32, #tpu.memory_space<vmem_shared>> -> memref<128x64xf32, #tpu.memory_space<vmem_shared>>
      tpu.enqueue_dma source(%arg11 : memref<128x64xf32, #tpu.memory_space<vmem>>) target(%dma_start3A_105 : memref<128x64xf32, #tpu.memory_space<vmem_shared>>) target_semaphore(%run_scoped3A : memref<!tpu.dma_semaphore, #tpu.memory_space<semaphore_mem>>)
      %dma_wait3A = arith.constant 0 : i32
      %dma_wait3A_106 = tpu.memref_slice %arg14[%add3A_60, %dma_wait3A] : memref<10240x64xf32, #tpu.memory_space<vmem_shared>> -> memref<128x64xf32, #tpu.memory_space<vmem_shared>>
      %dma_wait3A_107 = arith.constant 0 : i32
      %dma_wait3A_108 = tpu.memref_slice %arg14[%add3A_60, %dma_wait3A_107] : memref<10240x64xf32, #tpu.memory_space<vmem_shared>> -> memref<128x64xf32, #tpu.memory_space<vmem_shared>>
      tpu.wait_dma2 semaphore(%run_scoped3A : memref<!tpu.dma_semaphore, #tpu.memory_space<semaphore_mem>>) src(%arg11 : memref<128x64xf32, #tpu.memory_space<vmem>>) dst(%dma_wait3A_108 : memref<128x64xf32, #tpu.memory_space<vmem_shared>>)
      tpu.yield
    }) : () -> ()
    %add3A_61 = arith.constant 0 : i32
    %add3A_62 = arith.addi %mul3A_2, %add3A_61 : i32
    "tpu.region"() ({
      %run_scoped3A = tpu.sem_alloc : memref<!tpu.dma_semaphore, #tpu.memory_space<semaphore_mem>>
      %dma_start3A_102 = arith.constant 0 : i32
      %dma_start3A_103 = tpu.memref_slice %arg3[%add3A_62, %dma_start3A_102] : memref<10240x64xf32, #tpu.memory_space<hbm>> -> memref<128x64xf32, #tpu.memory_space<hbm>>
      %dma_start3A_104 = arith.constant 0 : i32
      %dma_start3A_105 = tpu.memref_slice %arg3[%add3A_62, %dma_start3A_104] : memref<10240x64xf32, #tpu.memory_space<hbm>> -> memref<128x64xf32, #tpu.memory_space<hbm>>
      tpu.enqueue_dma source(%dma_start3A_105 : memref<128x64xf32, #tpu.memory_space<hbm>>) target(%arg11 : memref<128x64xf32, #tpu.memory_space<vmem>>) target_semaphore(%run_scoped3A : memref<!tpu.dma_semaphore, #tpu.memory_space<semaphore_mem>>)
      %dma_wait3A = arith.constant 0 : i32
      %dma_wait3A_106 = tpu.memref_slice %arg3[%add3A_62, %dma_wait3A] : memref<10240x64xf32, #tpu.memory_space<hbm>> -> memref<128x64xf32, #tpu.memory_space<hbm>>
      %dma_wait3A_107 = arith.constant 0 : i32
      %dma_wait3A_108 = tpu.memref_slice %arg3[%add3A_62, %dma_wait3A_107] : memref<10240x64xf32, #tpu.memory_space<hbm>> -> memref<128x64xf32, #tpu.memory_space<hbm>>
      tpu.wait_dma2 semaphore(%run_scoped3A : memref<!tpu.dma_semaphore, #tpu.memory_space<semaphore_mem>>) src(%dma_wait3A_108 : memref<128x64xf32, #tpu.memory_space<hbm>>) dst(%arg11 : memref<128x64xf32, #tpu.memory_space<vmem>>)
      tpu.yield
    }) : () -> ()
    "tpu.region"() ({
      %run_scoped3A = tpu.sem_alloc : memref<!tpu.dma_semaphore, #tpu.memory_space<semaphore_mem>>
      %dma_start3A_102 = arith.constant 0 : i32
      %dma_start3A_103 = tpu.memref_slice %arg13[%add3A_62, %dma_start3A_102] : memref<10240x64xf32, #tpu.memory_space<vmem_shared>> -> memref<128x64xf32, #tpu.memory_space<vmem_shared>>
      %dma_start3A_104 = arith.constant 0 : i32
      %dma_start3A_105 = tpu.memref_slice %arg13[%add3A_62, %dma_start3A_104] : memref<10240x64xf32, #tpu.memory_space<vmem_shared>> -> memref<128x64xf32, #tpu.memory_space<vmem_shared>>
      tpu.enqueue_dma source(%arg11 : memref<128x64xf32, #tpu.memory_space<vmem>>) target(%dma_start3A_105 : memref<128x64xf32, #tpu.memory_space<vmem_shared>>) target_semaphore(%run_scoped3A : memref<!tpu.dma_semaphore, #tpu.memory_space<semaphore_mem>>)
      %dma_wait3A = arith.constant 0 : i32
      %dma_wait3A_106 = tpu.memref_slice %arg13[%add3A_62, %dma_wait3A] : memref<10240x64xf32, #tpu.memory_space<vmem_shared>> -> memref<128x64xf32, #tpu.memory_space<vmem_shared>>
      %dma_wait3A_107 = arith.constant 0 : i32
      %dma_wait3A_108 = tpu.memref_slice %arg13[%add3A_62, %dma_wait3A_107] : memref<10240x64xf32, #tpu.memory_space<vmem_shared>> -> memref<128x64xf32, #tpu.memory_space<vmem_shared>>
      tpu.wait_dma2 semaphore(%run_scoped3A : memref<!tpu.dma_semaphore, #tpu.memory_space<semaphore_mem>>) src(%arg11 : memref<128x64xf32, #tpu.memory_space<vmem>>) dst(%dma_wait3A_108 : memref<128x64xf32, #tpu.memory_space<vmem_shared>>)
      tpu.yield
    }) : () -> ()
    %add3A_63 = arith.constant 128 : i32
    %add3A_64 = arith.addi %mul3A_2, %add3A_63 : i32
    "tpu.region"() ({
      %run_scoped3A = tpu.sem_alloc : memref<!tpu.dma_semaphore, #tpu.memory_space<semaphore_mem>>
      %dma_start3A_102 = arith.constant 0 : i32
      %dma_start3A_103 = tpu.memref_slice %arg3[%add3A_64, %dma_start3A_102] : memref<10240x64xf32, #tpu.memory_space<hbm>> -> memref<128x64xf32, #tpu.memory_space<hbm>>
      %dma_start3A_104 = arith.constant 0 : i32
      %dma_start3A_105 = tpu.memref_slice %arg3[%add3A_64, %dma_start3A_104] : memref<10240x64xf32, #tpu.memory_space<hbm>> -> memref<128x64xf32, #tpu.memory_space<hbm>>
      tpu.enqueue_dma source(%dma_start3A_105 : memref<128x64xf32, #tpu.memory_space<hbm>>) target(%arg11 : memref<128x64xf32, #tpu.memory_space<vmem>>) target_semaphore(%run_scoped3A : memref<!tpu.dma_semaphore, #tpu.memory_space<semaphore_mem>>)
      %dma_wait3A = arith.constant 0 : i32
      %dma_wait3A_106 = tpu.memref_slice %arg3[%add3A_64, %dma_wait3A] : memref<10240x64xf32, #tpu.memory_space<hbm>> -> memref<128x64xf32, #tpu.memory_space<hbm>>
      %dma_wait3A_107 = arith.constant 0 : i32
      %dma_wait3A_108 = tpu.memref_slice %arg3[%add3A_64, %dma_wait3A_107] : memref<10240x64xf32, #tpu.memory_space<hbm>> -> memref<128x64xf32, #tpu.memory_space<hbm>>
      tpu.wait_dma2 semaphore(%run_scoped3A : memref<!tpu.dma_semaphore, #tpu.memory_space<semaphore_mem>>) src(%dma_wait3A_108 : memref<128x64xf32, #tpu.memory_space<hbm>>) dst(%arg11 : memref<128x64xf32, #tpu.memory_space<vmem>>)
      tpu.yield
    }) : () -> ()
    "tpu.region"() ({
      %run_scoped3A = tpu.sem_alloc : memref<!tpu.dma_semaphore, #tpu.memory_space<semaphore_mem>>
      %dma_start3A_102 = arith.constant 0 : i32
      %dma_start3A_103 = tpu.memref_slice %arg13[%add3A_64, %dma_start3A_102] : memref<10240x64xf32, #tpu.memory_space<vmem_shared>> -> memref<128x64xf32, #tpu.memory_space<vmem_shared>>
      %dma_start3A_104 = arith.constant 0 : i32
      %dma_start3A_105 = tpu.memref_slice %arg13[%add3A_64, %dma_start3A_104] : memref<10240x64xf32, #tpu.memory_space<vmem_shared>> -> memref<128x64xf32, #tpu.memory_space<vmem_shared>>
      tpu.enqueue_dma source(%arg11 : memref<128x64xf32, #tpu.memory_space<vmem>>) target(%dma_start3A_105 : memref<128x64xf32, #tpu.memory_space<vmem_shared>>) target_semaphore(%run_scoped3A : memref<!tpu.dma_semaphore, #tpu.memory_space<semaphore_mem>>)
      %dma_wait3A = arith.constant 0 : i32
      %dma_wait3A_106 = tpu.memref_slice %arg13[%add3A_64, %dma_wait3A] : memref<10240x64xf32, #tpu.memory_space<vmem_shared>> -> memref<128x64xf32, #tpu.memory_space<vmem_shared>>
      %dma_wait3A_107 = arith.constant 0 : i32
      %dma_wait3A_108 = tpu.memref_slice %arg13[%add3A_64, %dma_wait3A_107] : memref<10240x64xf32, #tpu.memory_space<vmem_shared>> -> memref<128x64xf32, #tpu.memory_space<vmem_shared>>
      tpu.wait_dma2 semaphore(%run_scoped3A : memref<!tpu.dma_semaphore, #tpu.memory_space<semaphore_mem>>) src(%arg11 : memref<128x64xf32, #tpu.memory_space<vmem>>) dst(%dma_wait3A_108 : memref<128x64xf32, #tpu.memory_space<vmem_shared>>)
      tpu.yield
    }) : () -> ()
    %add3A_65 = arith.constant 256 : i32
    %add3A_66 = arith.addi %mul3A_2, %add3A_65 : i32
    "tpu.region"() ({
      %run_scoped3A = tpu.sem_alloc : memref<!tpu.dma_semaphore, #tpu.memory_space<semaphore_mem>>
      %dma_start3A_102 = arith.constant 0 : i32
      %dma_start3A_103 = tpu.memref_slice %arg3[%add3A_66, %dma_start3A_102] : memref<10240x64xf32, #tpu.memory_space<hbm>> -> memref<128x64xf32, #tpu.memory_space<hbm>>
      %dma_start3A_104 = arith.constant 0 : i32
      %dma_start3A_105 = tpu.memref_slice %arg3[%add3A_66, %dma_start3A_104] : memref<10240x64xf32, #tpu.memory_space<hbm>> -> memref<128x64xf32, #tpu.memory_space<hbm>>
      tpu.enqueue_dma source(%dma_start3A_105 : memref<128x64xf32, #tpu.memory_space<hbm>>) target(%arg11 : memref<128x64xf32, #tpu.memory_space<vmem>>) target_semaphore(%run_scoped3A : memref<!tpu.dma_semaphore, #tpu.memory_space<semaphore_mem>>)
      %dma_wait3A = arith.constant 0 : i32
      %dma_wait3A_106 = tpu.memref_slice %arg3[%add3A_66, %dma_wait3A] : memref<10240x64xf32, #tpu.memory_space<hbm>> -> memref<128x64xf32, #tpu.memory_space<hbm>>
      %dma_wait3A_107 = arith.constant 0 : i32
      %dma_wait3A_108 = tpu.memref_slice %arg3[%add3A_66, %dma_wait3A_107] : memref<10240x64xf32, #tpu.memory_space<hbm>> -> memref<128x64xf32, #tpu.memory_space<hbm>>
      tpu.wait_dma2 semaphore(%run_scoped3A : memref<!tpu.dma_semaphore, #tpu.memory_space<semaphore_mem>>) src(%dma_wait3A_108 : memref<128x64xf32, #tpu.memory_space<hbm>>) dst(%arg11 : memref<128x64xf32, #tpu.memory_space<vmem>>)
      tpu.yield
    }) : () -> ()
    "tpu.region"() ({
      %run_scoped3A = tpu.sem_alloc : memref<!tpu.dma_semaphore, #tpu.memory_space<semaphore_mem>>
      %dma_start3A_102 = arith.constant 0 : i32
      %dma_start3A_103 = tpu.memref_slice %arg13[%add3A_66, %dma_start3A_102] : memref<10240x64xf32, #tpu.memory_space<vmem_shared>> -> memref<128x64xf32, #tpu.memory_space<vmem_shared>>
      %dma_start3A_104 = arith.constant 0 : i32
      %dma_start3A_105 = tpu.memref_slice %arg13[%add3A_66, %dma_start3A_104] : memref<10240x64xf32, #tpu.memory_space<vmem_shared>> -> memref<128x64xf32, #tpu.memory_space<vmem_shared>>
      tpu.enqueue_dma source(%arg11 : memref<128x64xf32, #tpu.memory_space<vmem>>) target(%dma_start3A_105 : memref<128x64xf32, #tpu.memory_space<vmem_shared>>) target_semaphore(%run_scoped3A : memref<!tpu.dma_semaphore, #tpu.memory_space<semaphore_mem>>)
      %dma_wait3A = arith.constant 0 : i32
      %dma_wait3A_106 = tpu.memref_slice %arg13[%add3A_66, %dma_wait3A] : memref<10240x64xf32, #tpu.memory_space<vmem_shared>> -> memref<128x64xf32, #tpu.memory_space<vmem_shared>>
      %dma_wait3A_107 = arith.constant 0 : i32
      %dma_wait3A_108 = tpu.memref_slice %arg13[%add3A_66, %dma_wait3A_107] : memref<10240x64xf32, #tpu.memory_space<vmem_shared>> -> memref<128x64xf32, #tpu.memory_space<vmem_shared>>
      tpu.wait_dma2 semaphore(%run_scoped3A : memref<!tpu.dma_semaphore, #tpu.memory_space<semaphore_mem>>) src(%arg11 : memref<128x64xf32, #tpu.memory_space<vmem>>) dst(%dma_wait3A_108 : memref<128x64xf32, #tpu.memory_space<vmem_shared>>)
      tpu.yield
    }) : () -> ()
    %add3A_67 = arith.constant 384 : i32
    %add3A_68 = arith.addi %mul3A_2, %add3A_67 : i32
    "tpu.region"() ({
      %run_scoped3A = tpu.sem_alloc : memref<!tpu.dma_semaphore, #tpu.memory_space<semaphore_mem>>
      %dma_start3A_102 = arith.constant 0 : i32
      %dma_start3A_103 = tpu.memref_slice %arg3[%add3A_68, %dma_start3A_102] : memref<10240x64xf32, #tpu.memory_space<hbm>> -> memref<128x64xf32, #tpu.memory_space<hbm>>
      %dma_start3A_104 = arith.constant 0 : i32
      %dma_start3A_105 = tpu.memref_slice %arg3[%add3A_68, %dma_start3A_104] : memref<10240x64xf32, #tpu.memory_space<hbm>> -> memref<128x64xf32, #tpu.memory_space<hbm>>
      tpu.enqueue_dma source(%dma_start3A_105 : memref<128x64xf32, #tpu.memory_space<hbm>>) target(%arg11 : memref<128x64xf32, #tpu.memory_space<vmem>>) target_semaphore(%run_scoped3A : memref<!tpu.dma_semaphore, #tpu.memory_space<semaphore_mem>>)
      %dma_wait3A = arith.constant 0 : i32
      %dma_wait3A_106 = tpu.memref_slice %arg3[%add3A_68, %dma_wait3A] : memref<10240x64xf32, #tpu.memory_space<hbm>> -> memref<128x64xf32, #tpu.memory_space<hbm>>
      %dma_wait3A_107 = arith.constant 0 : i32
      %dma_wait3A_108 = tpu.memref_slice %arg3[%add3A_68, %dma_wait3A_107] : memref<10240x64xf32, #tpu.memory_space<hbm>> -> memref<128x64xf32, #tpu.memory_space<hbm>>
      tpu.wait_dma2 semaphore(%run_scoped3A : memref<!tpu.dma_semaphore, #tpu.memory_space<semaphore_mem>>) src(%dma_wait3A_108 : memref<128x64xf32, #tpu.memory_space<hbm>>) dst(%arg11 : memref<128x64xf32, #tpu.memory_space<vmem>>)
      tpu.yield
    }) : () -> ()
    "tpu.region"() ({
      %run_scoped3A = tpu.sem_alloc : memref<!tpu.dma_semaphore, #tpu.memory_space<semaphore_mem>>
      %dma_start3A_102 = arith.constant 0 : i32
      %dma_start3A_103 = tpu.memref_slice %arg13[%add3A_68, %dma_start3A_102] : memref<10240x64xf32, #tpu.memory_space<vmem_shared>> -> memref<128x64xf32, #tpu.memory_space<vmem_shared>>
      %dma_start3A_104 = arith.constant 0 : i32
      %dma_start3A_105 = tpu.memref_slice %arg13[%add3A_68, %dma_start3A_104] : memref<10240x64xf32, #tpu.memory_space<vmem_shared>> -> memref<128x64xf32, #tpu.memory_space<vmem_shared>>
      tpu.enqueue_dma source(%arg11 : memref<128x64xf32, #tpu.memory_space<vmem>>) target(%dma_start3A_105 : memref<128x64xf32, #tpu.memory_space<vmem_shared>>) target_semaphore(%run_scoped3A : memref<!tpu.dma_semaphore, #tpu.memory_space<semaphore_mem>>)
      %dma_wait3A = arith.constant 0 : i32
      %dma_wait3A_106 = tpu.memref_slice %arg13[%add3A_68, %dma_wait3A] : memref<10240x64xf32, #tpu.memory_space<vmem_shared>> -> memref<128x64xf32, #tpu.memory_space<vmem_shared>>
      %dma_wait3A_107 = arith.constant 0 : i32
      %dma_wait3A_108 = tpu.memref_slice %arg13[%add3A_68, %dma_wait3A_107] : memref<10240x64xf32, #tpu.memory_space<vmem_shared>> -> memref<128x64xf32, #tpu.memory_space<vmem_shared>>
      tpu.wait_dma2 semaphore(%run_scoped3A : memref<!tpu.dma_semaphore, #tpu.memory_space<semaphore_mem>>) src(%arg11 : memref<128x64xf32, #tpu.memory_space<vmem>>) dst(%dma_wait3A_108 : memref<128x64xf32, #tpu.memory_space<vmem_shared>>)
      tpu.yield
    }) : () -> ()
    %add3A_69 = arith.constant 512 : i32
    %add3A_70 = arith.addi %mul3A_2, %add3A_69 : i32
    "tpu.region"() ({
      %run_scoped3A = tpu.sem_alloc : memref<!tpu.dma_semaphore, #tpu.memory_space<semaphore_mem>>
      %dma_start3A_102 = arith.constant 0 : i32
      %dma_start3A_103 = tpu.memref_slice %arg3[%add3A_70, %dma_start3A_102] : memref<10240x64xf32, #tpu.memory_space<hbm>> -> memref<128x64xf32, #tpu.memory_space<hbm>>
      %dma_start3A_104 = arith.constant 0 : i32
      %dma_start3A_105 = tpu.memref_slice %arg3[%add3A_70, %dma_start3A_104] : memref<10240x64xf32, #tpu.memory_space<hbm>> -> memref<128x64xf32, #tpu.memory_space<hbm>>
      tpu.enqueue_dma source(%dma_start3A_105 : memref<128x64xf32, #tpu.memory_space<hbm>>) target(%arg11 : memref<128x64xf32, #tpu.memory_space<vmem>>) target_semaphore(%run_scoped3A : memref<!tpu.dma_semaphore, #tpu.memory_space<semaphore_mem>>)
      %dma_wait3A = arith.constant 0 : i32
      %dma_wait3A_106 = tpu.memref_slice %arg3[%add3A_70, %dma_wait3A] : memref<10240x64xf32, #tpu.memory_space<hbm>> -> memref<128x64xf32, #tpu.memory_space<hbm>>
      %dma_wait3A_107 = arith.constant 0 : i32
      %dma_wait3A_108 = tpu.memref_slice %arg3[%add3A_70, %dma_wait3A_107] : memref<10240x64xf32, #tpu.memory_space<hbm>> -> memref<128x64xf32, #tpu.memory_space<hbm>>
      tpu.wait_dma2 semaphore(%run_scoped3A : memref<!tpu.dma_semaphore, #tpu.memory_space<semaphore_mem>>) src(%dma_wait3A_108 : memref<128x64xf32, #tpu.memory_space<hbm>>) dst(%arg11 : memref<128x64xf32, #tpu.memory_space<vmem>>)
      tpu.yield
    }) : () -> ()
    "tpu.region"() ({
      %run_scoped3A = tpu.sem_alloc : memref<!tpu.dma_semaphore, #tpu.memory_space<semaphore_mem>>
      %dma_start3A_102 = arith.constant 0 : i32
      %dma_start3A_103 = tpu.memref_slice %arg13[%add3A_70, %dma_start3A_102] : memref<10240x64xf32, #tpu.memory_space<vmem_shared>> -> memref<128x64xf32, #tpu.memory_space<vmem_shared>>
      %dma_start3A_104 = arith.constant 0 : i32
      %dma_start3A_105 = tpu.memref_slice %arg13[%add3A_70, %dma_start3A_104] : memref<10240x64xf32, #tpu.memory_space<vmem_shared>> -> memref<128x64xf32, #tpu.memory_space<vmem_shared>>
      tpu.enqueue_dma source(%arg11 : memref<128x64xf32, #tpu.memory_space<vmem>>) target(%dma_start3A_105 : memref<128x64xf32, #tpu.memory_space<vmem_shared>>) target_semaphore(%run_scoped3A : memref<!tpu.dma_semaphore, #tpu.memory_space<semaphore_mem>>)
      %dma_wait3A = arith.constant 0 : i32
      %dma_wait3A_106 = tpu.memref_slice %arg13[%add3A_70, %dma_wait3A] : memref<10240x64xf32, #tpu.memory_space<vmem_shared>> -> memref<128x64xf32, #tpu.memory_space<vmem_shared>>
      %dma_wait3A_107 = arith.constant 0 : i32
      %dma_wait3A_108 = tpu.memref_slice %arg13[%add3A_70, %dma_wait3A_107] : memref<10240x64xf32, #tpu.memory_space<vmem_shared>> -> memref<128x64xf32, #tpu.memory_space<vmem_shared>>
      tpu.wait_dma2 semaphore(%run_scoped3A : memref<!tpu.dma_semaphore, #tpu.memory_space<semaphore_mem>>) src(%arg11 : memref<128x64xf32, #tpu.memory_space<vmem>>) dst(%dma_wait3A_108 : memref<128x64xf32, #tpu.memory_space<vmem_shared>>)
      tpu.yield
    }) : () -> ()
    %barrier3A_71 = arith.constant 0 : index
    tpu.barrier barrier_id(%barrier3A_71)
    %dma_start3A_72 = arith.constant 0 : i32
    %dma_start3A_73 = arith.constant 0 : i32
    %dma_start3A_74 = tpu.memref_slice %arg9[%dma_start3A_72, %dma_start3A_73] : memref<80x128xi32, #tpu.memory_space<vmem>> -> memref<1x128xi32, #tpu.memory_space<vmem>>
    %dma_start3A_75 = tpu.memref_squeeze %dma_start3A_74 : memref<1x128xi32, #tpu.memory_space<vmem>> -> memref<128xi32, #tpu.memory_space<vmem>>
    %dma_start3A_76 = arith.constant 0 : i32
    %dma_start3A_77 = arith.constant 0 : i32
    %dma_start3A_78 = tpu.memref_slice %arg13[%dma_start3A_76, %dma_start3A_77] : memref<10240x64xf32, #tpu.memory_space<vmem_shared>> -> memref<10240x64xf32, #tpu.memory_space<vmem_shared>>
    tpu.enqueue_indirect_dma source(%dma_start3A_78 : memref<10240x64xf32, #tpu.memory_space<vmem_shared>>) target(%arg11 : memref<128x64xf32, #tpu.memory_space<vmem>>) offsets(%dma_start3A_75 : memref<128xi32, #tpu.memory_space<vmem>>) semaphore(%arg15 : memref<!tpu.dma_semaphore, #tpu.memory_space<semaphore_mem>>)
    %dma_start3A_79 = arith.constant 1 : i32
    %dma_start3A_80 = arith.constant 0 : i32
    %dma_start3A_81 = tpu.memref_slice %arg9[%dma_start3A_79, %dma_start3A_80] : memref<80x128xi32, #tpu.memory_space<vmem>> -> memref<1x128xi32, #tpu.memory_space<vmem>>
    %dma_start3A_82 = tpu.memref_squeeze %dma_start3A_81 : memref<1x128xi32, #tpu.memory_space<vmem>> -> memref<128xi32, #tpu.memory_space<vmem>>
    %dma_start3A_83 = arith.constant 0 : i32
    %dma_start3A_84 = arith.constant 0 : i32
    %dma_start3A_85 = tpu.memref_slice %arg13[%dma_start3A_83, %dma_start3A_84] : memref<10240x64xf32, #tpu.memory_space<vmem_shared>> -> memref<10240x64xf32, #tpu.memory_space<vmem_shared>>
    tpu.enqueue_indirect_dma source(%dma_start3A_85 : memref<10240x64xf32, #tpu.memory_space<vmem_shared>>) target(%arg12 : memref<128x64xf32, #tpu.memory_space<vmem>>) offsets(%dma_start3A_82 : memref<128xi32, #tpu.memory_space<vmem>>) semaphore(%arg16 : memref<!tpu.dma_semaphore, #tpu.memory_space<semaphore_mem>>)
    %scan3A_86 = arith.constant 0 : i32
    %scan3A_87 = arith.constant 40 : i32
    %scan3A_88 = arith.addi %scan3A_86, %scan3A_87 : i32
    %scan3A_89 = arith.constant 1 : i32
    scf.for %scan3A_102 = %scan3A_86 to %scan3A_88 step %scan3A_89  : i32 {
      %mul3A_103 = arith.constant 2 : i32
      %mul3A_104 = arith.muli %scan3A_102, %mul3A_103 : i32
      %add3A_105 = arith.constant 0 : i32
      %add3A_106 = arith.addi %add3A_105, %mul3A_104 : i32
      %add3A_107 = arith.constant 0 : i32
      %add3A_108 = arith.addi %add3A_106, %add3A_107 : i32
      %dma_wait3A = arith.constant 0 : i32
      %dma_wait3A_109 = arith.constant 0 : i32
      %dma_wait3A_110 = tpu.memref_slice %arg9[%dma_wait3A, %dma_wait3A_109] : memref<80x128xi32, #tpu.memory_space<vmem>> -> memref<1x128xi32, #tpu.memory_space<vmem>>
      %dma_wait3A_111 = tpu.memref_squeeze %dma_wait3A_110 : memref<1x128xi32, #tpu.memory_space<vmem>> -> memref<128xi32, #tpu.memory_space<vmem>>
      %dma_wait3A_112 = arith.constant 0 : i32
      %dma_wait3A_113 = arith.constant 0 : i32
      %dma_wait3A_114 = tpu.memref_slice %arg13[%dma_wait3A_112, %dma_wait3A_113] : memref<10240x64xf32, #tpu.memory_space<vmem_shared>> -> memref<10240x64xf32, #tpu.memory_space<vmem_shared>>
      tpu.wait_indirect_dma semaphore(%arg15 : memref<!tpu.dma_semaphore, #tpu.memory_space<semaphore_mem>>) src(%dma_wait3A_114 : memref<10240x64xf32, #tpu.memory_space<vmem_shared>>) dst(%arg11 : memref<128x64xf32, #tpu.memory_space<vmem>>)
      "tpu.region"() ({
        %run_scoped3A = tpu.sem_alloc : memref<!tpu.dma_semaphore, #tpu.memory_space<semaphore_mem>>
        %dma_start3A_135 = arith.constant 0 : i32
        %dma_start3A_136 = tpu.memref_slice %arg10[%add3A_108, %dma_start3A_135] : memref<80x128xi32, #tpu.memory_space<vmem>> -> memref<1x128xi32, #tpu.memory_space<vmem>>
        %dma_start3A_137 = tpu.memref_squeeze %dma_start3A_136 : memref<1x128xi32, #tpu.memory_space<vmem>> -> memref<128xi32, #tpu.memory_space<vmem>>
        %dma_start3A_138 = arith.constant 0 : i32
        %dma_start3A_139 = arith.constant 0 : i32
        %dma_start3A_140 = tpu.memref_slice %arg14[%dma_start3A_138, %dma_start3A_139] : memref<10240x64xf32, #tpu.memory_space<vmem_shared>> -> memref<10240x64xf32, #tpu.memory_space<vmem_shared>>
        tpu.enqueue_indirect_dma source(%arg11 : memref<128x64xf32, #tpu.memory_space<vmem>>) target(%dma_start3A_140 : memref<10240x64xf32, #tpu.memory_space<vmem_shared>>) offsets(%dma_start3A_137 : memref<128xi32, #tpu.memory_space<vmem>>) semaphore(%run_scoped3A : memref<!tpu.dma_semaphore, #tpu.memory_space<semaphore_mem>>) {add = true}
        %dma_wait3A_141 = arith.constant 0 : i32
        %dma_wait3A_142 = tpu.memref_slice %arg10[%add3A_108, %dma_wait3A_141] : memref<80x128xi32, #tpu.memory_space<vmem>> -> memref<1x128xi32, #tpu.memory_space<vmem>>
        %dma_wait3A_143 = tpu.memref_squeeze %dma_wait3A_142 : memref<1x128xi32, #tpu.memory_space<vmem>> -> memref<128xi32, #tpu.memory_space<vmem>>
        %dma_wait3A_144 = arith.constant 0 : i32
        %dma_wait3A_145 = arith.constant 0 : i32
        %dma_wait3A_146 = tpu.memref_slice %arg14[%dma_wait3A_144, %dma_wait3A_145] : memref<10240x64xf32, #tpu.memory_space<vmem_shared>> -> memref<10240x64xf32, #tpu.memory_space<vmem_shared>>
        tpu.wait_indirect_dma semaphore(%run_scoped3A : memref<!tpu.dma_semaphore, #tpu.memory_space<semaphore_mem>>) src(%arg11 : memref<128x64xf32, #tpu.memory_space<vmem>>) dst(%dma_wait3A_146 : memref<10240x64xf32, #tpu.memory_space<vmem_shared>>)
        tpu.yield
      }) : () -> ()
      %add3A_115 = arith.constant 2 : i32
      %add3A_116 = arith.addi %add3A_108, %add3A_115 : i32
      %lt3A = arith.constant 80 : i32
      %lt3A_117 = arith.cmpi slt, %add3A_116, %lt3A : i32
      %convert_element_type3A = arith.extui %lt3A_117 : i1 to i32
      %cond3A = arith.constant 0 : i32
      %cond3A_118 = arith.cmpi ne, %convert_element_type3A, %cond3A : i32
      scf.if %cond3A_118 {
        %add3A_135 = arith.constant 2 : i32
        %add3A_136 = arith.addi %add3A_108, %add3A_135 : i32
        %dma_start3A_137 = arith.constant 0 : i32
        %dma_start3A_138 = tpu.memref_slice %arg9[%add3A_136, %dma_start3A_137] : memref<80x128xi32, #tpu.memory_space<vmem>> -> memref<1x128xi32, #tpu.memory_space<vmem>>
        %dma_start3A_139 = tpu.memref_squeeze %dma_start3A_138 : memref<1x128xi32, #tpu.memory_space<vmem>> -> memref<128xi32, #tpu.memory_space<vmem>>
        %dma_start3A_140 = arith.constant 0 : i32
        %dma_start3A_141 = arith.constant 0 : i32
        %dma_start3A_142 = tpu.memref_slice %arg13[%dma_start3A_140, %dma_start3A_141] : memref<10240x64xf32, #tpu.memory_space<vmem_shared>> -> memref<10240x64xf32, #tpu.memory_space<vmem_shared>>
        tpu.enqueue_indirect_dma source(%dma_start3A_142 : memref<10240x64xf32, #tpu.memory_space<vmem_shared>>) target(%arg11 : memref<128x64xf32, #tpu.memory_space<vmem>>) offsets(%dma_start3A_139 : memref<128xi32, #tpu.memory_space<vmem>>) semaphore(%arg15 : memref<!tpu.dma_semaphore, #tpu.memory_space<semaphore_mem>>)
      } else {
      }
      %add3A_119 = arith.constant 1 : i32
      %add3A_120 = arith.addi %add3A_106, %add3A_119 : i32
      %dma_wait3A_121 = arith.constant 0 : i32
      %dma_wait3A_122 = arith.constant 0 : i32
      %dma_wait3A_123 = tpu.memref_slice %arg9[%dma_wait3A_121, %dma_wait3A_122] : memref<80x128xi32, #tpu.memory_space<vmem>> -> memref<1x128xi32, #tpu.memory_space<vmem>>
      %dma_wait3A_124 = tpu.memref_squeeze %dma_wait3A_123 : memref<1x128xi32, #tpu.memory_space<vmem>> -> memref<128xi32, #tpu.memory_space<vmem>>
      %dma_wait3A_125 = arith.constant 0 : i32
      %dma_wait3A_126 = arith.constant 0 : i32
      %dma_wait3A_127 = tpu.memref_slice %arg13[%dma_wait3A_125, %dma_wait3A_126] : memref<10240x64xf32, #tpu.memory_space<vmem_shared>> -> memref<10240x64xf32, #tpu.memory_space<vmem_shared>>
      tpu.wait_indirect_dma semaphore(%arg16 : memref<!tpu.dma_semaphore, #tpu.memory_space<semaphore_mem>>) src(%dma_wait3A_127 : memref<10240x64xf32, #tpu.memory_space<vmem_shared>>) dst(%arg12 : memref<128x64xf32, #tpu.memory_space<vmem>>)
      "tpu.region"() ({
        %run_scoped3A = tpu.sem_alloc : memref<!tpu.dma_semaphore, #tpu.memory_space<semaphore_mem>>
        %dma_start3A_135 = arith.constant 0 : i32
        %dma_start3A_136 = tpu.memref_slice %arg10[%add3A_120, %dma_start3A_135] : memref<80x128xi32, #tpu.memory_space<vmem>> -> memref<1x128xi32, #tpu.memory_space<vmem>>
        %dma_start3A_137 = tpu.memref_squeeze %dma_start3A_136 : memref<1x128xi32, #tpu.memory_space<vmem>> -> memref<128xi32, #tpu.memory_space<vmem>>
        %dma_start3A_138 = arith.constant 0 : i32
        %dma_start3A_139 = arith.constant 0 : i32
        %dma_start3A_140 = tpu.memref_slice %arg14[%dma_start3A_138, %dma_start3A_139] : memref<10240x64xf32, #tpu.memory_space<vmem_shared>> -> memref<10240x64xf32, #tpu.memory_space<vmem_shared>>
        tpu.enqueue_indirect_dma source(%arg12 : memref<128x64xf32, #tpu.memory_space<vmem>>) target(%dma_start3A_140 : memref<10240x64xf32, #tpu.memory_space<vmem_shared>>) offsets(%dma_start3A_137 : memref<128xi32, #tpu.memory_space<vmem>>) semaphore(%run_scoped3A : memref<!tpu.dma_semaphore, #tpu.memory_space<semaphore_mem>>) {add = true}
        %dma_wait3A_141 = arith.constant 0 : i32
        %dma_wait3A_142 = tpu.memref_slice %arg10[%add3A_120, %dma_wait3A_141] : memref<80x128xi32, #tpu.memory_space<vmem>> -> memref<1x128xi32, #tpu.memory_space<vmem>>
        %dma_wait3A_143 = tpu.memref_squeeze %dma_wait3A_142 : memref<1x128xi32, #tpu.memory_space<vmem>> -> memref<128xi32, #tpu.memory_space<vmem>>
        %dma_wait3A_144 = arith.constant 0 : i32
        %dma_wait3A_145 = arith.constant 0 : i32
        %dma_wait3A_146 = tpu.memref_slice %arg14[%dma_wait3A_144, %dma_wait3A_145] : memref<10240x64xf32, #tpu.memory_space<vmem_shared>> -> memref<10240x64xf32, #tpu.memory_space<vmem_shared>>
        tpu.wait_indirect_dma semaphore(%run_scoped3A : memref<!tpu.dma_semaphore, #tpu.memory_space<semaphore_mem>>) src(%arg12 : memref<128x64xf32, #tpu.memory_space<vmem>>) dst(%dma_wait3A_146 : memref<10240x64xf32, #tpu.memory_space<vmem_shared>>)
        tpu.yield
      }) : () -> ()
      %add3A_128 = arith.constant 2 : i32
      %add3A_129 = arith.addi %add3A_120, %add3A_128 : i32
      %lt3A_130 = arith.constant 80 : i32
      %lt3A_131 = arith.cmpi slt, %add3A_129, %lt3A_130 : i32
      %convert_element_type3A_132 = arith.extui %lt3A_131 : i1 to i32
      %cond3A_133 = arith.constant 0 : i32
      %cond3A_134 = arith.cmpi ne, %convert_element_type3A_132, %cond3A_133 : i32
      scf.if %cond3A_134 {
        %add3A_135 = arith.constant 2 : i32
        %add3A_136 = arith.addi %add3A_120, %add3A_135 : i32
        %dma_start3A_137 = arith.constant 0 : i32
        %dma_start3A_138 = tpu.memref_slice %arg9[%add3A_136, %dma_start3A_137] : memref<80x128xi32, #tpu.memory_space<vmem>> -> memref<1x128xi32, #tpu.memory_space<vmem>>
        %dma_start3A_139 = tpu.memref_squeeze %dma_start3A_138 : memref<1x128xi32, #tpu.memory_space<vmem>> -> memref<128xi32, #tpu.memory_space<vmem>>
        %dma_start3A_140 = arith.constant 0 : i32
        %dma_start3A_141 = arith.constant 0 : i32
        %dma_start3A_142 = tpu.memref_slice %arg13[%dma_start3A_140, %dma_start3A_141] : memref<10240x64xf32, #tpu.memory_space<vmem_shared>> -> memref<10240x64xf32, #tpu.memory_space<vmem_shared>>
        tpu.enqueue_indirect_dma source(%dma_start3A_142 : memref<10240x64xf32, #tpu.memory_space<vmem_shared>>) target(%arg12 : memref<128x64xf32, #tpu.memory_space<vmem>>) offsets(%dma_start3A_139 : memref<128xi32, #tpu.memory_space<vmem>>) semaphore(%arg16 : memref<!tpu.dma_semaphore, #tpu.memory_space<semaphore_mem>>)
      } else {
      }
    }
    %scan3A_90 = arith.constant 40 : i32
    %barrier3A_91 = arith.constant 0 : index
    tpu.barrier barrier_id(%barrier3A_91)
    %add3A_92 = arith.constant 0 : i32
    %add3A_93 = arith.addi %mul3A_2, %add3A_92 : i32
    "tpu.region"() ({
      %run_scoped3A = tpu.sem_alloc : memref<!tpu.dma_semaphore, #tpu.memory_space<semaphore_mem>>
      %dma_start3A_102 = arith.constant 0 : i32
      %dma_start3A_103 = tpu.memref_slice %arg14[%add3A_93, %dma_start3A_102] : memref<10240x64xf32, #tpu.memory_space<vmem_shared>> -> memref<128x64xf32, #tpu.memory_space<vmem_shared>>
      %dma_start3A_104 = arith.constant 0 : i32
      %dma_start3A_105 = tpu.memref_slice %arg14[%add3A_93, %dma_start3A_104] : memref<10240x64xf32, #tpu.memory_space<vmem_shared>> -> memref<128x64xf32, #tpu.memory_space<vmem_shared>>
      tpu.enqueue_dma source(%dma_start3A_105 : memref<128x64xf32, #tpu.memory_space<vmem_shared>>) target(%arg11 : memref<128x64xf32, #tpu.memory_space<vmem>>) target_semaphore(%run_scoped3A : memref<!tpu.dma_semaphore, #tpu.memory_space<semaphore_mem>>)
      %dma_wait3A = arith.constant 0 : i32
      %dma_wait3A_106 = tpu.memref_slice %arg14[%add3A_93, %dma_wait3A] : memref<10240x64xf32, #tpu.memory_space<vmem_shared>> -> memref<128x64xf32, #tpu.memory_space<vmem_shared>>
      %dma_wait3A_107 = arith.constant 0 : i32
      %dma_wait3A_108 = tpu.memref_slice %arg14[%add3A_93, %dma_wait3A_107] : memref<10240x64xf32, #tpu.memory_space<vmem_shared>> -> memref<128x64xf32, #tpu.memory_space<vmem_shared>>
      tpu.wait_dma2 semaphore(%run_scoped3A : memref<!tpu.dma_semaphore, #tpu.memory_space<semaphore_mem>>) src(%dma_wait3A_108 : memref<128x64xf32, #tpu.memory_space<vmem_shared>>) dst(%arg11 : memref<128x64xf32, #tpu.memory_space<vmem>>)
      tpu.yield
    }) : () -> ()
    "tpu.region"() ({
      %run_scoped3A = tpu.sem_alloc : memref<!tpu.dma_semaphore, #tpu.memory_space<semaphore_mem>>
      %dma_start3A_102 = arith.constant 0 : i32
      %dma_start3A_103 = tpu.memref_slice %arg8[%arg0, %add3A_93, %dma_start3A_102] : memref<2x10240x64xf32, #tpu.memory_space<hbm>> -> memref<1x128x64xf32, #tpu.memory_space<hbm>>
      %dma_start3A_104 = tpu.memref_squeeze %dma_start3A_103 : memref<1x128x64xf32, #tpu.memory_space<hbm>> -> memref<128x64xf32, #tpu.memory_space<hbm>>
      %dma_start3A_105 = arith.constant 0 : i32
      %dma_start3A_106 = tpu.memref_slice %arg8[%arg0, %add3A_93, %dma_start3A_105] : memref<2x10240x64xf32, #tpu.memory_space<hbm>> -> memref<1x128x64xf32, #tpu.memory_space<hbm>>
      %dma_start3A_107 = tpu.memref_squeeze %dma_start3A_106 : memref<1x128x64xf32, #tpu.memory_space<hbm>> -> memref<128x64xf32, #tpu.memory_space<hbm>>
      tpu.enqueue_dma source(%arg11 : memref<128x64xf32, #tpu.memory_space<vmem>>) target(%dma_start3A_107 : memref<128x64xf32, #tpu.memory_space<hbm>>) target_semaphore(%run_scoped3A : memref<!tpu.dma_semaphore, #tpu.memory_space<semaphore_mem>>)
      %dma_wait3A = arith.constant 0 : i32
      %dma_wait3A_108 = tpu.memref_slice %arg8[%arg0, %add3A_93, %dma_wait3A] : memref<2x10240x64xf32, #tpu.memory_space<hbm>> -> memref<1x128x64xf32, #tpu.memory_space<hbm>>
      %dma_wait3A_109 = tpu.memref_squeeze %dma_wait3A_108 : memref<1x128x64xf32, #tpu.memory_space<hbm>> -> memref<128x64xf32, #tpu.memory_space<hbm>>
      %dma_wait3A_110 = arith.constant 0 : i32
      %dma_wait3A_111 = tpu.memref_slice %arg8[%arg0, %add3A_93, %dma_wait3A_110] : memref<2x10240x64xf32, #tpu.memory_space<hbm>> -> memref<1x128x64xf32, #tpu.memory_space<hbm>>
      %dma_wait3A_112 = tpu.memref_squeeze %dma_wait3A_111 : memref<1x128x64xf32, #tpu.memory_space<hbm>> -> memref<128x64xf32, #tpu.memory_space<hbm>>
      tpu.wait_dma2 semaphore(%run_scoped3A : memref<!tpu.dma_semaphore, #tpu.memory_space<semaphore_mem>>) src(%arg11 : memref<128x64xf32, #tpu.memory_space<vmem>>) dst(%dma_wait3A_112 : memref<128x64xf32, #tpu.memory_space<hbm>>)
      tpu.yield
    }) : () -> ()
    %add3A_94 = arith.constant 128 : i32
    %add3A_95 = arith.addi %mul3A_2, %add3A_94 : i32
    "tpu.region"() ({
      %run_scoped3A = tpu.sem_alloc : memref<!tpu.dma_semaphore, #tpu.memory_space<semaphore_mem>>
      %dma_start3A_102 = arith.constant 0 : i32
      %dma_start3A_103 = tpu.memref_slice %arg14[%add3A_95, %dma_start3A_102] : memref<10240x64xf32, #tpu.memory_space<vmem_shared>> -> memref<128x64xf32, #tpu.memory_space<vmem_shared>>
      %dma_start3A_104 = arith.constant 0 : i32
      %dma_start3A_105 = tpu.memref_slice %arg14[%add3A_95, %dma_start3A_104] : memref<10240x64xf32, #tpu.memory_space<vmem_shared>> -> memref<128x64xf32, #tpu.memory_space<vmem_shared>>
      tpu.enqueue_dma source(%dma_start3A_105 : memref<128x64xf32, #tpu.memory_space<vmem_shared>>) target(%arg11 : memref<128x64xf32, #tpu.memory_space<vmem>>) target_semaphore(%run_scoped3A : memref<!tpu.dma_semaphore, #tpu.memory_space<semaphore_mem>>)
      %dma_wait3A = arith.constant 0 : i32
      %dma_wait3A_106 = tpu.memref_slice %arg14[%add3A_95, %dma_wait3A] : memref<10240x64xf32, #tpu.memory_space<vmem_shared>> -> memref<128x64xf32, #tpu.memory_space<vmem_shared>>
      %dma_wait3A_107 = arith.constant 0 : i32
      %dma_wait3A_108 = tpu.memref_slice %arg14[%add3A_95, %dma_wait3A_107] : memref<10240x64xf32, #tpu.memory_space<vmem_shared>> -> memref<128x64xf32, #tpu.memory_space<vmem_shared>>
      tpu.wait_dma2 semaphore(%run_scoped3A : memref<!tpu.dma_semaphore, #tpu.memory_space<semaphore_mem>>) src(%dma_wait3A_108 : memref<128x64xf32, #tpu.memory_space<vmem_shared>>) dst(%arg11 : memref<128x64xf32, #tpu.memory_space<vmem>>)
      tpu.yield
    }) : () -> ()
    "tpu.region"() ({
      %run_scoped3A = tpu.sem_alloc : memref<!tpu.dma_semaphore, #tpu.memory_space<semaphore_mem>>
      %dma_start3A_102 = arith.constant 0 : i32
      %dma_start3A_103 = tpu.memref_slice %arg8[%arg0, %add3A_95, %dma_start3A_102] : memref<2x10240x64xf32, #tpu.memory_space<hbm>> -> memref<1x128x64xf32, #tpu.memory_space<hbm>>
      %dma_start3A_104 = tpu.memref_squeeze %dma_start3A_103 : memref<1x128x64xf32, #tpu.memory_space<hbm>> -> memref<128x64xf32, #tpu.memory_space<hbm>>
      %dma_start3A_105 = arith.constant 0 : i32
      %dma_start3A_106 = tpu.memref_slice %arg8[%arg0, %add3A_95, %dma_start3A_105] : memref<2x10240x64xf32, #tpu.memory_space<hbm>> -> memref<1x128x64xf32, #tpu.memory_space<hbm>>
      %dma_start3A_107 = tpu.memref_squeeze %dma_start3A_106 : memref<1x128x64xf32, #tpu.memory_space<hbm>> -> memref<128x64xf32, #tpu.memory_space<hbm>>
      tpu.enqueue_dma source(%arg11 : memref<128x64xf32, #tpu.memory_space<vmem>>) target(%dma_start3A_107 : memref<128x64xf32, #tpu.memory_space<hbm>>) target_semaphore(%run_scoped3A : memref<!tpu.dma_semaphore, #tpu.memory_space<semaphore_mem>>)
      %dma_wait3A = arith.constant 0 : i32
      %dma_wait3A_108 = tpu.memref_slice %arg8[%arg0, %add3A_95, %dma_wait3A] : memref<2x10240x64xf32, #tpu.memory_space<hbm>> -> memref<1x128x64xf32, #tpu.memory_space<hbm>>
      %dma_wait3A_109 = tpu.memref_squeeze %dma_wait3A_108 : memref<1x128x64xf32, #tpu.memory_space<hbm>> -> memref<128x64xf32, #tpu.memory_space<hbm>>
      %dma_wait3A_110 = arith.constant 0 : i32
      %dma_wait3A_111 = tpu.memref_slice %arg8[%arg0, %add3A_95, %dma_wait3A_110] : memref<2x10240x64xf32, #tpu.memory_space<hbm>> -> memref<1x128x64xf32, #tpu.memory_space<hbm>>
      %dma_wait3A_112 = tpu.memref_squeeze %dma_wait3A_111 : memref<1x128x64xf32, #tpu.memory_space<hbm>> -> memref<128x64xf32, #tpu.memory_space<hbm>>
      tpu.wait_dma2 semaphore(%run_scoped3A : memref<!tpu.dma_semaphore, #tpu.memory_space<semaphore_mem>>) src(%arg11 : memref<128x64xf32, #tpu.memory_space<vmem>>) dst(%dma_wait3A_112 : memref<128x64xf32, #tpu.memory_space<hbm>>)
      tpu.yield
    }) : () -> ()
    %add3A_96 = arith.constant 256 : i32
    %add3A_97 = arith.addi %mul3A_2, %add3A_96 : i32
    "tpu.region"() ({
      %run_scoped3A = tpu.sem_alloc : memref<!tpu.dma_semaphore, #tpu.memory_space<semaphore_mem>>
      %dma_start3A_102 = arith.constant 0 : i32
      %dma_start3A_103 = tpu.memref_slice %arg14[%add3A_97, %dma_start3A_102] : memref<10240x64xf32, #tpu.memory_space<vmem_shared>> -> memref<128x64xf32, #tpu.memory_space<vmem_shared>>
      %dma_start3A_104 = arith.constant 0 : i32
      %dma_start3A_105 = tpu.memref_slice %arg14[%add3A_97, %dma_start3A_104] : memref<10240x64xf32, #tpu.memory_space<vmem_shared>> -> memref<128x64xf32, #tpu.memory_space<vmem_shared>>
      tpu.enqueue_dma source(%dma_start3A_105 : memref<128x64xf32, #tpu.memory_space<vmem_shared>>) target(%arg11 : memref<128x64xf32, #tpu.memory_space<vmem>>) target_semaphore(%run_scoped3A : memref<!tpu.dma_semaphore, #tpu.memory_space<semaphore_mem>>)
      %dma_wait3A = arith.constant 0 : i32
      %dma_wait3A_106 = tpu.memref_slice %arg14[%add3A_97, %dma_wait3A] : memref<10240x64xf32, #tpu.memory_space<vmem_shared>> -> memref<128x64xf32, #tpu.memory_space<vmem_shared>>
      %dma_wait3A_107 = arith.constant 0 : i32
      %dma_wait3A_108 = tpu.memref_slice %arg14[%add3A_97, %dma_wait3A_107] : memref<10240x64xf32, #tpu.memory_space<vmem_shared>> -> memref<128x64xf32, #tpu.memory_space<vmem_shared>>
      tpu.wait_dma2 semaphore(%run_scoped3A : memref<!tpu.dma_semaphore, #tpu.memory_space<semaphore_mem>>) src(%dma_wait3A_108 : memref<128x64xf32, #tpu.memory_space<vmem_shared>>) dst(%arg11 : memref<128x64xf32, #tpu.memory_space<vmem>>)
      tpu.yield
    }) : () -> ()
    "tpu.region"() ({
      %run_scoped3A = tpu.sem_alloc : memref<!tpu.dma_semaphore, #tpu.memory_space<semaphore_mem>>
      %dma_start3A_102 = arith.constant 0 : i32
      %dma_start3A_103 = tpu.memref_slice %arg8[%arg0, %add3A_97, %dma_start3A_102] : memref<2x10240x64xf32, #tpu.memory_space<hbm>> -> memref<1x128x64xf32, #tpu.memory_space<hbm>>
      %dma_start3A_104 = tpu.memref_squeeze %dma_start3A_103 : memref<1x128x64xf32, #tpu.memory_space<hbm>> -> memref<128x64xf32, #tpu.memory_space<hbm>>
      %dma_start3A_105 = arith.constant 0 : i32
      %dma_start3A_106 = tpu.memref_slice %arg8[%arg0, %add3A_97, %dma_start3A_105] : memref<2x10240x64xf32, #tpu.memory_space<hbm>> -> memref<1x128x64xf32, #tpu.memory_space<hbm>>
      %dma_start3A_107 = tpu.memref_squeeze %dma_start3A_106 : memref<1x128x64xf32, #tpu.memory_space<hbm>> -> memref<128x64xf32, #tpu.memory_space<hbm>>
      tpu.enqueue_dma source(%arg11 : memref<128x64xf32, #tpu.memory_space<vmem>>) target(%dma_start3A_107 : memref<128x64xf32, #tpu.memory_space<hbm>>) target_semaphore(%run_scoped3A : memref<!tpu.dma_semaphore, #tpu.memory_space<semaphore_mem>>)
      %dma_wait3A = arith.constant 0 : i32
      %dma_wait3A_108 = tpu.memref_slice %arg8[%arg0, %add3A_97, %dma_wait3A] : memref<2x10240x64xf32, #tpu.memory_space<hbm>> -> memref<1x128x64xf32, #tpu.memory_space<hbm>>
      %dma_wait3A_109 = tpu.memref_squeeze %dma_wait3A_108 : memref<1x128x64xf32, #tpu.memory_space<hbm>> -> memref<128x64xf32, #tpu.memory_space<hbm>>
      %dma_wait3A_110 = arith.constant 0 : i32
      %dma_wait3A_111 = tpu.memref_slice %arg8[%arg0, %add3A_97, %dma_wait3A_110] : memref<2x10240x64xf32, #tpu.memory_space<hbm>> -> memref<1x128x64xf32, #tpu.memory_space<hbm>>
      %dma_wait3A_112 = tpu.memref_squeeze %dma_wait3A_111 : memref<1x128x64xf32, #tpu.memory_space<hbm>> -> memref<128x64xf32, #tpu.memory_space<hbm>>
      tpu.wait_dma2 semaphore(%run_scoped3A : memref<!tpu.dma_semaphore, #tpu.memory_space<semaphore_mem>>) src(%arg11 : memref<128x64xf32, #tpu.memory_space<vmem>>) dst(%dma_wait3A_112 : memref<128x64xf32, #tpu.memory_space<hbm>>)
      tpu.yield
    }) : () -> ()
    %add3A_98 = arith.constant 384 : i32
    %add3A_99 = arith.addi %mul3A_2, %add3A_98 : i32
    "tpu.region"() ({
      %run_scoped3A = tpu.sem_alloc : memref<!tpu.dma_semaphore, #tpu.memory_space<semaphore_mem>>
      %dma_start3A_102 = arith.constant 0 : i32
      %dma_start3A_103 = tpu.memref_slice %arg14[%add3A_99, %dma_start3A_102] : memref<10240x64xf32, #tpu.memory_space<vmem_shared>> -> memref<128x64xf32, #tpu.memory_space<vmem_shared>>
      %dma_start3A_104 = arith.constant 0 : i32
      %dma_start3A_105 = tpu.memref_slice %arg14[%add3A_99, %dma_start3A_104] : memref<10240x64xf32, #tpu.memory_space<vmem_shared>> -> memref<128x64xf32, #tpu.memory_space<vmem_shared>>
      tpu.enqueue_dma source(%dma_start3A_105 : memref<128x64xf32, #tpu.memory_space<vmem_shared>>) target(%arg11 : memref<128x64xf32, #tpu.memory_space<vmem>>) target_semaphore(%run_scoped3A : memref<!tpu.dma_semaphore, #tpu.memory_space<semaphore_mem>>)
      %dma_wait3A = arith.constant 0 : i32
      %dma_wait3A_106 = tpu.memref_slice %arg14[%add3A_99, %dma_wait3A] : memref<10240x64xf32, #tpu.memory_space<vmem_shared>> -> memref<128x64xf32, #tpu.memory_space<vmem_shared>>
      %dma_wait3A_107 = arith.constant 0 : i32
      %dma_wait3A_108 = tpu.memref_slice %arg14[%add3A_99, %dma_wait3A_107] : memref<10240x64xf32, #tpu.memory_space<vmem_shared>> -> memref<128x64xf32, #tpu.memory_space<vmem_shared>>
      tpu.wait_dma2 semaphore(%run_scoped3A : memref<!tpu.dma_semaphore, #tpu.memory_space<semaphore_mem>>) src(%dma_wait3A_108 : memref<128x64xf32, #tpu.memory_space<vmem_shared>>) dst(%arg11 : memref<128x64xf32, #tpu.memory_space<vmem>>)
      tpu.yield
    }) : () -> ()
    "tpu.region"() ({
      %run_scoped3A = tpu.sem_alloc : memref<!tpu.dma_semaphore, #tpu.memory_space<semaphore_mem>>
      %dma_start3A_102 = arith.constant 0 : i32
      %dma_start3A_103 = tpu.memref_slice %arg8[%arg0, %add3A_99, %dma_start3A_102] : memref<2x10240x64xf32, #tpu.memory_space<hbm>> -> memref<1x128x64xf32, #tpu.memory_space<hbm>>
      %dma_start3A_104 = tpu.memref_squeeze %dma_start3A_103 : memref<1x128x64xf32, #tpu.memory_space<hbm>> -> memref<128x64xf32, #tpu.memory_space<hbm>>
      %dma_start3A_105 = arith.constant 0 : i32
      %dma_start3A_106 = tpu.memref_slice %arg8[%arg0, %add3A_99, %dma_start3A_105] : memref<2x10240x64xf32, #tpu.memory_space<hbm>> -> memref<1x128x64xf32, #tpu.memory_space<hbm>>
      %dma_start3A_107 = tpu.memref_squeeze %dma_start3A_106 : memref<1x128x64xf32, #tpu.memory_space<hbm>> -> memref<128x64xf32, #tpu.memory_space<hbm>>
      tpu.enqueue_dma source(%arg11 : memref<128x64xf32, #tpu.memory_space<vmem>>) target(%dma_start3A_107 : memref<128x64xf32, #tpu.memory_space<hbm>>) target_semaphore(%run_scoped3A : memref<!tpu.dma_semaphore, #tpu.memory_space<semaphore_mem>>)
      %dma_wait3A = arith.constant 0 : i32
      %dma_wait3A_108 = tpu.memref_slice %arg8[%arg0, %add3A_99, %dma_wait3A] : memref<2x10240x64xf32, #tpu.memory_space<hbm>> -> memref<1x128x64xf32, #tpu.memory_space<hbm>>
      %dma_wait3A_109 = tpu.memref_squeeze %dma_wait3A_108 : memref<1x128x64xf32, #tpu.memory_space<hbm>> -> memref<128x64xf32, #tpu.memory_space<hbm>>
      %dma_wait3A_110 = arith.constant 0 : i32
      %dma_wait3A_111 = tpu.memref_slice %arg8[%arg0, %add3A_99, %dma_wait3A_110] : memref<2x10240x64xf32, #tpu.memory_space<hbm>> -> memref<1x128x64xf32, #tpu.memory_space<hbm>>
      %dma_wait3A_112 = tpu.memref_squeeze %dma_wait3A_111 : memref<1x128x64xf32, #tpu.memory_space<hbm>> -> memref<128x64xf32, #tpu.memory_space<hbm>>
      tpu.wait_dma2 semaphore(%run_scoped3A : memref<!tpu.dma_semaphore, #tpu.memory_space<semaphore_mem>>) src(%arg11 : memref<128x64xf32, #tpu.memory_space<vmem>>) dst(%dma_wait3A_112 : memref<128x64xf32, #tpu.memory_space<hbm>>)
      tpu.yield
    }) : () -> ()
    %add3A_100 = arith.constant 512 : i32
    %add3A_101 = arith.addi %mul3A_2, %add3A_100 : i32
    "tpu.region"() ({
      %run_scoped3A = tpu.sem_alloc : memref<!tpu.dma_semaphore, #tpu.memory_space<semaphore_mem>>
      %dma_start3A_102 = arith.constant 0 : i32
      %dma_start3A_103 = tpu.memref_slice %arg14[%add3A_101, %dma_start3A_102] : memref<10240x64xf32, #tpu.memory_space<vmem_shared>> -> memref<128x64xf32, #tpu.memory_space<vmem_shared>>
      %dma_start3A_104 = arith.constant 0 : i32
      %dma_start3A_105 = tpu.memref_slice %arg14[%add3A_101, %dma_start3A_104] : memref<10240x64xf32, #tpu.memory_space<vmem_shared>> -> memref<128x64xf32, #tpu.memory_space<vmem_shared>>
      tpu.enqueue_dma source(%dma_start3A_105 : memref<128x64xf32, #tpu.memory_space<vmem_shared>>) target(%arg11 : memref<128x64xf32, #tpu.memory_space<vmem>>) target_semaphore(%run_scoped3A : memref<!tpu.dma_semaphore, #tpu.memory_space<semaphore_mem>>)
      %dma_wait3A = arith.constant 0 : i32
      %dma_wait3A_106 = tpu.memref_slice %arg14[%add3A_101, %dma_wait3A] : memref<10240x64xf32, #tpu.memory_space<vmem_shared>> -> memref<128x64xf32, #tpu.memory_space<vmem_shared>>
      %dma_wait3A_107 = arith.constant 0 : i32
      %dma_wait3A_108 = tpu.memref_slice %arg14[%add3A_101, %dma_wait3A_107] : memref<10240x64xf32, #tpu.memory_space<vmem_shared>> -> memref<128x64xf32, #tpu.memory_space<vmem_shared>>
      tpu.wait_dma2 semaphore(%run_scoped3A : memref<!tpu.dma_semaphore, #tpu.memory_space<semaphore_mem>>) src(%dma_wait3A_108 : memref<128x64xf32, #tpu.memory_space<vmem_shared>>) dst(%arg11 : memref<128x64xf32, #tpu.memory_space<vmem>>)
      tpu.yield
    }) : () -> ()
    "tpu.region"() ({
      %run_scoped3A = tpu.sem_alloc : memref<!tpu.dma_semaphore, #tpu.memory_space<semaphore_mem>>
      %dma_start3A_102 = arith.constant 0 : i32
      %dma_start3A_103 = tpu.memref_slice %arg8[%arg0, %add3A_101, %dma_start3A_102] : memref<2x10240x64xf32, #tpu.memory_space<hbm>> -> memref<1x128x64xf32, #tpu.memory_space<hbm>>
      %dma_start3A_104 = tpu.memref_squeeze %dma_start3A_103 : memref<1x128x64xf32, #tpu.memory_space<hbm>> -> memref<128x64xf32, #tpu.memory_space<hbm>>
      %dma_start3A_105 = arith.constant 0 : i32
      %dma_start3A_106 = tpu.memref_slice %arg8[%arg0, %add3A_101, %dma_start3A_105] : memref<2x10240x64xf32, #tpu.memory_space<hbm>> -> memref<1x128x64xf32, #tpu.memory_space<hbm>>
      %dma_start3A_107 = tpu.memref_squeeze %dma_start3A_106 : memref<1x128x64xf32, #tpu.memory_space<hbm>> -> memref<128x64xf32, #tpu.memory_space<hbm>>
      tpu.enqueue_dma source(%arg11 : memref<128x64xf32, #tpu.memory_space<vmem>>) target(%dma_start3A_107 : memref<128x64xf32, #tpu.memory_space<hbm>>) target_semaphore(%run_scoped3A : memref<!tpu.dma_semaphore, #tpu.memory_space<semaphore_mem>>)
      %dma_wait3A = arith.constant 0 : i32
      %dma_wait3A_108 = tpu.memref_slice %arg8[%arg0, %add3A_101, %dma_wait3A] : memref<2x10240x64xf32, #tpu.memory_space<hbm>> -> memref<1x128x64xf32, #tpu.memory_space<hbm>>
      %dma_wait3A_109 = tpu.memref_squeeze %dma_wait3A_108 : memref<1x128x64xf32, #tpu.memory_space<hbm>> -> memref<128x64xf32, #tpu.memory_space<hbm>>
      %dma_wait3A_110 = arith.constant 0 : i32
      %dma_wait3A_111 = tpu.memref_slice %arg8[%arg0, %add3A_101, %dma_wait3A_110] : memref<2x10240x64xf32, #tpu.memory_space<hbm>> -> memref<1x128x64xf32, #tpu.memory_space<hbm>>
      %dma_wait3A_112 = tpu.memref_squeeze %dma_wait3A_111 : memref<1x128x64xf32, #tpu.memory_space<hbm>> -> memref<128x64xf32, #tpu.memory_space<hbm>>
      tpu.wait_dma2 semaphore(%run_scoped3A : memref<!tpu.dma_semaphore, #tpu.memory_space<semaphore_mem>>) src(%arg11 : memref<128x64xf32, #tpu.memory_space<vmem>>) dst(%dma_wait3A_112 : memref<128x64xf32, #tpu.memory_space<hbm>>)
      tpu.yield
    }) : () -> ()
    return
  }
}

#map = affine_map<(d0, d1) -> (0, 0)>
#map1 = affine_map<(d0, d1) -> (0, 0, 0)>
module attributes {stable_mosaic.version = 14 : i64} {
  func.func @agg(%arg0: i32, %arg1: i32, %arg2: memref<10240x64xf32, #tpu.memory_space<hbm>>, %arg3: memref<32x80x128xi32, #tpu.memory_space<hbm>>, %arg4: memref<32x80x128xi32, #tpu.memory_space<hbm>>, %arg5: memref<128x64xf32, #tpu.memory_space<hbm>>, %arg6: memref<2x10240x64xf32, #tpu.memory_space<hbm>>, %arg7: memref<80x128xi32, #tpu.memory_space<vmem>>, %arg8: memref<80x128xi32, #tpu.memory_space<vmem>>, %arg9: memref<128x64xf32, #tpu.memory_space<vmem>>, %arg10: memref<128x64xf32, #tpu.memory_space<vmem>>, %arg11: memref<10240x64xf32, #tpu.memory_space<vmem_shared>>, %arg12: memref<10240x64xf32, #tpu.memory_space<vmem_shared>>, %arg13: memref<!tpu.dma_semaphore, #tpu.memory_space<semaphore_mem>>, %arg14: memref<!tpu.dma_semaphore, #tpu.memory_space<semaphore_mem>>) attributes {dimension_semantics = [#tpu.dimension_semantics<core_parallel>, #tpu.dimension_semantics<subcore_parallel>], iteration_bounds = array<i64: 2, 16>, scalar_prefetch = 0 : i64, scratch_operands = 8 : i64, tpu.core_type = #tpu.core_type<sc_vector_subcore>, window_params = [{transform_indices = #map}, {transform_indices = #map1}, {transform_indices = #map1}, {transform_indices = #map}, {transform_indices = #map1}]} {
    %mul3A = arith.constant 16 : i32
    %mul3A_0 = arith.muli %arg0, %mul3A : i32
    %add3A = arith.addi %mul3A_0, %arg1 : i32
    %mul3A_1 = arith.constant 640 : i32
    %mul3A_2 = arith.muli %arg1, %mul3A_1 : i32
    "tpu.region"() ({
      %run_scoped3A = tpu.sem_alloc : memref<!tpu.dma_semaphore, #tpu.memory_space<semaphore_mem>>
      tpu.enqueue_dma source(%arg5 : memref<128x64xf32, #tpu.memory_space<hbm>>) target(%arg9 : memref<128x64xf32, #tpu.memory_space<vmem>>) target_semaphore(%run_scoped3A : memref<!tpu.dma_semaphore, #tpu.memory_space<semaphore_mem>>)
      tpu.wait_dma2 semaphore(%run_scoped3A : memref<!tpu.dma_semaphore, #tpu.memory_space<semaphore_mem>>) src(%arg5 : memref<128x64xf32, #tpu.memory_space<hbm>>) dst(%arg9 : memref<128x64xf32, #tpu.memory_space<vmem>>)
      tpu.yield
    }) : () -> ()
    %add3A_3 = arith.constant 0 : i32
    %add3A_4 = arith.addi %mul3A_2, %add3A_3 : i32
    "tpu.region"() ({
      %run_scoped3A = tpu.sem_alloc : memref<!tpu.dma_semaphore, #tpu.memory_space<semaphore_mem>>
      %dma_start3A_51 = arith.constant 0 : i32
      %dma_start3A_52 = tpu.memref_slice %arg12[%add3A_4, %dma_start3A_51] : memref<10240x64xf32, #tpu.memory_space<vmem_shared>> -> memref<128x64xf32, #tpu.memory_space<vmem_shared>>
      %dma_start3A_53 = arith.constant 0 : i32
      %dma_start3A_54 = tpu.memref_slice %arg12[%add3A_4, %dma_start3A_53] : memref<10240x64xf32, #tpu.memory_space<vmem_shared>> -> memref<128x64xf32, #tpu.memory_space<vmem_shared>>
      tpu.enqueue_dma source(%arg9 : memref<128x64xf32, #tpu.memory_space<vmem>>) target(%dma_start3A_54 : memref<128x64xf32, #tpu.memory_space<vmem_shared>>) target_semaphore(%run_scoped3A : memref<!tpu.dma_semaphore, #tpu.memory_space<semaphore_mem>>)
      %dma_wait3A = arith.constant 0 : i32
      %dma_wait3A_55 = tpu.memref_slice %arg12[%add3A_4, %dma_wait3A] : memref<10240x64xf32, #tpu.memory_space<vmem_shared>> -> memref<128x64xf32, #tpu.memory_space<vmem_shared>>
      %dma_wait3A_56 = arith.constant 0 : i32
      %dma_wait3A_57 = tpu.memref_slice %arg12[%add3A_4, %dma_wait3A_56] : memref<10240x64xf32, #tpu.memory_space<vmem_shared>> -> memref<128x64xf32, #tpu.memory_space<vmem_shared>>
      tpu.wait_dma2 semaphore(%run_scoped3A : memref<!tpu.dma_semaphore, #tpu.memory_space<semaphore_mem>>) src(%arg9 : memref<128x64xf32, #tpu.memory_space<vmem>>) dst(%dma_wait3A_57 : memref<128x64xf32, #tpu.memory_space<vmem_shared>>)
      tpu.yield
    }) : () -> ()
    %add3A_5 = arith.constant 128 : i32
    %add3A_6 = arith.addi %mul3A_2, %add3A_5 : i32
    "tpu.region"() ({
      %run_scoped3A = tpu.sem_alloc : memref<!tpu.dma_semaphore, #tpu.memory_space<semaphore_mem>>
      %dma_start3A_51 = arith.constant 0 : i32
      %dma_start3A_52 = tpu.memref_slice %arg12[%add3A_6, %dma_start3A_51] : memref<10240x64xf32, #tpu.memory_space<vmem_shared>> -> memref<128x64xf32, #tpu.memory_space<vmem_shared>>
      %dma_start3A_53 = arith.constant 0 : i32
      %dma_start3A_54 = tpu.memref_slice %arg12[%add3A_6, %dma_start3A_53] : memref<10240x64xf32, #tpu.memory_space<vmem_shared>> -> memref<128x64xf32, #tpu.memory_space<vmem_shared>>
      tpu.enqueue_dma source(%arg9 : memref<128x64xf32, #tpu.memory_space<vmem>>) target(%dma_start3A_54 : memref<128x64xf32, #tpu.memory_space<vmem_shared>>) target_semaphore(%run_scoped3A : memref<!tpu.dma_semaphore, #tpu.memory_space<semaphore_mem>>)
      %dma_wait3A = arith.constant 0 : i32
      %dma_wait3A_55 = tpu.memref_slice %arg12[%add3A_6, %dma_wait3A] : memref<10240x64xf32, #tpu.memory_space<vmem_shared>> -> memref<128x64xf32, #tpu.memory_space<vmem_shared>>
      %dma_wait3A_56 = arith.constant 0 : i32
      %dma_wait3A_57 = tpu.memref_slice %arg12[%add3A_6, %dma_wait3A_56] : memref<10240x64xf32, #tpu.memory_space<vmem_shared>> -> memref<128x64xf32, #tpu.memory_space<vmem_shared>>
      tpu.wait_dma2 semaphore(%run_scoped3A : memref<!tpu.dma_semaphore, #tpu.memory_space<semaphore_mem>>) src(%arg9 : memref<128x64xf32, #tpu.memory_space<vmem>>) dst(%dma_wait3A_57 : memref<128x64xf32, #tpu.memory_space<vmem_shared>>)
      tpu.yield
    }) : () -> ()
    %add3A_7 = arith.constant 256 : i32
    %add3A_8 = arith.addi %mul3A_2, %add3A_7 : i32
    "tpu.region"() ({
      %run_scoped3A = tpu.sem_alloc : memref<!tpu.dma_semaphore, #tpu.memory_space<semaphore_mem>>
      %dma_start3A_51 = arith.constant 0 : i32
      %dma_start3A_52 = tpu.memref_slice %arg12[%add3A_8, %dma_start3A_51] : memref<10240x64xf32, #tpu.memory_space<vmem_shared>> -> memref<128x64xf32, #tpu.memory_space<vmem_shared>>
      %dma_start3A_53 = arith.constant 0 : i32
      %dma_start3A_54 = tpu.memref_slice %arg12[%add3A_8, %dma_start3A_53] : memref<10240x64xf32, #tpu.memory_space<vmem_shared>> -> memref<128x64xf32, #tpu.memory_space<vmem_shared>>
      tpu.enqueue_dma source(%arg9 : memref<128x64xf32, #tpu.memory_space<vmem>>) target(%dma_start3A_54 : memref<128x64xf32, #tpu.memory_space<vmem_shared>>) target_semaphore(%run_scoped3A : memref<!tpu.dma_semaphore, #tpu.memory_space<semaphore_mem>>)
      %dma_wait3A = arith.constant 0 : i32
      %dma_wait3A_55 = tpu.memref_slice %arg12[%add3A_8, %dma_wait3A] : memref<10240x64xf32, #tpu.memory_space<vmem_shared>> -> memref<128x64xf32, #tpu.memory_space<vmem_shared>>
      %dma_wait3A_56 = arith.constant 0 : i32
      %dma_wait3A_57 = tpu.memref_slice %arg12[%add3A_8, %dma_wait3A_56] : memref<10240x64xf32, #tpu.memory_space<vmem_shared>> -> memref<128x64xf32, #tpu.memory_space<vmem_shared>>
      tpu.wait_dma2 semaphore(%run_scoped3A : memref<!tpu.dma_semaphore, #tpu.memory_space<semaphore_mem>>) src(%arg9 : memref<128x64xf32, #tpu.memory_space<vmem>>) dst(%dma_wait3A_57 : memref<128x64xf32, #tpu.memory_space<vmem_shared>>)
      tpu.yield
    }) : () -> ()
    %add3A_9 = arith.constant 384 : i32
    %add3A_10 = arith.addi %mul3A_2, %add3A_9 : i32
    "tpu.region"() ({
      %run_scoped3A = tpu.sem_alloc : memref<!tpu.dma_semaphore, #tpu.memory_space<semaphore_mem>>
      %dma_start3A_51 = arith.constant 0 : i32
      %dma_start3A_52 = tpu.memref_slice %arg12[%add3A_10, %dma_start3A_51] : memref<10240x64xf32, #tpu.memory_space<vmem_shared>> -> memref<128x64xf32, #tpu.memory_space<vmem_shared>>
      %dma_start3A_53 = arith.constant 0 : i32
      %dma_start3A_54 = tpu.memref_slice %arg12[%add3A_10, %dma_start3A_53] : memref<10240x64xf32, #tpu.memory_space<vmem_shared>> -> memref<128x64xf32, #tpu.memory_space<vmem_shared>>
      tpu.enqueue_dma source(%arg9 : memref<128x64xf32, #tpu.memory_space<vmem>>) target(%dma_start3A_54 : memref<128x64xf32, #tpu.memory_space<vmem_shared>>) target_semaphore(%run_scoped3A : memref<!tpu.dma_semaphore, #tpu.memory_space<semaphore_mem>>)
      %dma_wait3A = arith.constant 0 : i32
      %dma_wait3A_55 = tpu.memref_slice %arg12[%add3A_10, %dma_wait3A] : memref<10240x64xf32, #tpu.memory_space<vmem_shared>> -> memref<128x64xf32, #tpu.memory_space<vmem_shared>>
      %dma_wait3A_56 = arith.constant 0 : i32
      %dma_wait3A_57 = tpu.memref_slice %arg12[%add3A_10, %dma_wait3A_56] : memref<10240x64xf32, #tpu.memory_space<vmem_shared>> -> memref<128x64xf32, #tpu.memory_space<vmem_shared>>
      tpu.wait_dma2 semaphore(%run_scoped3A : memref<!tpu.dma_semaphore, #tpu.memory_space<semaphore_mem>>) src(%arg9 : memref<128x64xf32, #tpu.memory_space<vmem>>) dst(%dma_wait3A_57 : memref<128x64xf32, #tpu.memory_space<vmem_shared>>)
      tpu.yield
    }) : () -> ()
    %add3A_11 = arith.constant 512 : i32
    %add3A_12 = arith.addi %mul3A_2, %add3A_11 : i32
    "tpu.region"() ({
      %run_scoped3A = tpu.sem_alloc : memref<!tpu.dma_semaphore, #tpu.memory_space<semaphore_mem>>
      %dma_start3A_51 = arith.constant 0 : i32
      %dma_start3A_52 = tpu.memref_slice %arg12[%add3A_12, %dma_start3A_51] : memref<10240x64xf32, #tpu.memory_space<vmem_shared>> -> memref<128x64xf32, #tpu.memory_space<vmem_shared>>
      %dma_start3A_53 = arith.constant 0 : i32
      %dma_start3A_54 = tpu.memref_slice %arg12[%add3A_12, %dma_start3A_53] : memref<10240x64xf32, #tpu.memory_space<vmem_shared>> -> memref<128x64xf32, #tpu.memory_space<vmem_shared>>
      tpu.enqueue_dma source(%arg9 : memref<128x64xf32, #tpu.memory_space<vmem>>) target(%dma_start3A_54 : memref<128x64xf32, #tpu.memory_space<vmem_shared>>) target_semaphore(%run_scoped3A : memref<!tpu.dma_semaphore, #tpu.memory_space<semaphore_mem>>)
      %dma_wait3A = arith.constant 0 : i32
      %dma_wait3A_55 = tpu.memref_slice %arg12[%add3A_12, %dma_wait3A] : memref<10240x64xf32, #tpu.memory_space<vmem_shared>> -> memref<128x64xf32, #tpu.memory_space<vmem_shared>>
      %dma_wait3A_56 = arith.constant 0 : i32
      %dma_wait3A_57 = tpu.memref_slice %arg12[%add3A_12, %dma_wait3A_56] : memref<10240x64xf32, #tpu.memory_space<vmem_shared>> -> memref<128x64xf32, #tpu.memory_space<vmem_shared>>
      tpu.wait_dma2 semaphore(%run_scoped3A : memref<!tpu.dma_semaphore, #tpu.memory_space<semaphore_mem>>) src(%arg9 : memref<128x64xf32, #tpu.memory_space<vmem>>) dst(%dma_wait3A_57 : memref<128x64xf32, #tpu.memory_space<vmem_shared>>)
      tpu.yield
    }) : () -> ()
    %add3A_13 = arith.constant 0 : i32
    %add3A_14 = arith.addi %mul3A_2, %add3A_13 : i32
    "tpu.region"() ({
      %run_scoped3A = tpu.sem_alloc : memref<!tpu.dma_semaphore, #tpu.memory_space<semaphore_mem>>
      %dma_start3A_51 = arith.constant 0 : i32
      %dma_start3A_52 = tpu.memref_slice %arg2[%add3A_14, %dma_start3A_51] : memref<10240x64xf32, #tpu.memory_space<hbm>> -> memref<128x64xf32, #tpu.memory_space<hbm>>
      %dma_start3A_53 = arith.constant 0 : i32
      %dma_start3A_54 = tpu.memref_slice %arg2[%add3A_14, %dma_start3A_53] : memref<10240x64xf32, #tpu.memory_space<hbm>> -> memref<128x64xf32, #tpu.memory_space<hbm>>
      tpu.enqueue_dma source(%dma_start3A_54 : memref<128x64xf32, #tpu.memory_space<hbm>>) target(%arg9 : memref<128x64xf32, #tpu.memory_space<vmem>>) target_semaphore(%run_scoped3A : memref<!tpu.dma_semaphore, #tpu.memory_space<semaphore_mem>>)
      %dma_wait3A = arith.constant 0 : i32
      %dma_wait3A_55 = tpu.memref_slice %arg2[%add3A_14, %dma_wait3A] : memref<10240x64xf32, #tpu.memory_space<hbm>> -> memref<128x64xf32, #tpu.memory_space<hbm>>
      %dma_wait3A_56 = arith.constant 0 : i32
      %dma_wait3A_57 = tpu.memref_slice %arg2[%add3A_14, %dma_wait3A_56] : memref<10240x64xf32, #tpu.memory_space<hbm>> -> memref<128x64xf32, #tpu.memory_space<hbm>>
      tpu.wait_dma2 semaphore(%run_scoped3A : memref<!tpu.dma_semaphore, #tpu.memory_space<semaphore_mem>>) src(%dma_wait3A_57 : memref<128x64xf32, #tpu.memory_space<hbm>>) dst(%arg9 : memref<128x64xf32, #tpu.memory_space<vmem>>)
      tpu.yield
    }) : () -> ()
    "tpu.region"() ({
      %run_scoped3A = tpu.sem_alloc : memref<!tpu.dma_semaphore, #tpu.memory_space<semaphore_mem>>
      %dma_start3A_51 = arith.constant 0 : i32
      %dma_start3A_52 = tpu.memref_slice %arg11[%add3A_14, %dma_start3A_51] : memref<10240x64xf32, #tpu.memory_space<vmem_shared>> -> memref<128x64xf32, #tpu.memory_space<vmem_shared>>
      %dma_start3A_53 = arith.constant 0 : i32
      %dma_start3A_54 = tpu.memref_slice %arg11[%add3A_14, %dma_start3A_53] : memref<10240x64xf32, #tpu.memory_space<vmem_shared>> -> memref<128x64xf32, #tpu.memory_space<vmem_shared>>
      tpu.enqueue_dma source(%arg9 : memref<128x64xf32, #tpu.memory_space<vmem>>) target(%dma_start3A_54 : memref<128x64xf32, #tpu.memory_space<vmem_shared>>) target_semaphore(%run_scoped3A : memref<!tpu.dma_semaphore, #tpu.memory_space<semaphore_mem>>)
      %dma_wait3A = arith.constant 0 : i32
      %dma_wait3A_55 = tpu.memref_slice %arg11[%add3A_14, %dma_wait3A] : memref<10240x64xf32, #tpu.memory_space<vmem_shared>> -> memref<128x64xf32, #tpu.memory_space<vmem_shared>>
      %dma_wait3A_56 = arith.constant 0 : i32
      %dma_wait3A_57 = tpu.memref_slice %arg11[%add3A_14, %dma_wait3A_56] : memref<10240x64xf32, #tpu.memory_space<vmem_shared>> -> memref<128x64xf32, #tpu.memory_space<vmem_shared>>
      tpu.wait_dma2 semaphore(%run_scoped3A : memref<!tpu.dma_semaphore, #tpu.memory_space<semaphore_mem>>) src(%arg9 : memref<128x64xf32, #tpu.memory_space<vmem>>) dst(%dma_wait3A_57 : memref<128x64xf32, #tpu.memory_space<vmem_shared>>)
      tpu.yield
    }) : () -> ()
    %add3A_15 = arith.constant 128 : i32
    %add3A_16 = arith.addi %mul3A_2, %add3A_15 : i32
    "tpu.region"() ({
      %run_scoped3A = tpu.sem_alloc : memref<!tpu.dma_semaphore, #tpu.memory_space<semaphore_mem>>
      %dma_start3A_51 = arith.constant 0 : i32
      %dma_start3A_52 = tpu.memref_slice %arg2[%add3A_16, %dma_start3A_51] : memref<10240x64xf32, #tpu.memory_space<hbm>> -> memref<128x64xf32, #tpu.memory_space<hbm>>
      %dma_start3A_53 = arith.constant 0 : i32
      %dma_start3A_54 = tpu.memref_slice %arg2[%add3A_16, %dma_start3A_53] : memref<10240x64xf32, #tpu.memory_space<hbm>> -> memref<128x64xf32, #tpu.memory_space<hbm>>
      tpu.enqueue_dma source(%dma_start3A_54 : memref<128x64xf32, #tpu.memory_space<hbm>>) target(%arg9 : memref<128x64xf32, #tpu.memory_space<vmem>>) target_semaphore(%run_scoped3A : memref<!tpu.dma_semaphore, #tpu.memory_space<semaphore_mem>>)
      %dma_wait3A = arith.constant 0 : i32
      %dma_wait3A_55 = tpu.memref_slice %arg2[%add3A_16, %dma_wait3A] : memref<10240x64xf32, #tpu.memory_space<hbm>> -> memref<128x64xf32, #tpu.memory_space<hbm>>
      %dma_wait3A_56 = arith.constant 0 : i32
      %dma_wait3A_57 = tpu.memref_slice %arg2[%add3A_16, %dma_wait3A_56] : memref<10240x64xf32, #tpu.memory_space<hbm>> -> memref<128x64xf32, #tpu.memory_space<hbm>>
      tpu.wait_dma2 semaphore(%run_scoped3A : memref<!tpu.dma_semaphore, #tpu.memory_space<semaphore_mem>>) src(%dma_wait3A_57 : memref<128x64xf32, #tpu.memory_space<hbm>>) dst(%arg9 : memref<128x64xf32, #tpu.memory_space<vmem>>)
      tpu.yield
    }) : () -> ()
    "tpu.region"() ({
      %run_scoped3A = tpu.sem_alloc : memref<!tpu.dma_semaphore, #tpu.memory_space<semaphore_mem>>
      %dma_start3A_51 = arith.constant 0 : i32
      %dma_start3A_52 = tpu.memref_slice %arg11[%add3A_16, %dma_start3A_51] : memref<10240x64xf32, #tpu.memory_space<vmem_shared>> -> memref<128x64xf32, #tpu.memory_space<vmem_shared>>
      %dma_start3A_53 = arith.constant 0 : i32
      %dma_start3A_54 = tpu.memref_slice %arg11[%add3A_16, %dma_start3A_53] : memref<10240x64xf32, #tpu.memory_space<vmem_shared>> -> memref<128x64xf32, #tpu.memory_space<vmem_shared>>
      tpu.enqueue_dma source(%arg9 : memref<128x64xf32, #tpu.memory_space<vmem>>) target(%dma_start3A_54 : memref<128x64xf32, #tpu.memory_space<vmem_shared>>) target_semaphore(%run_scoped3A : memref<!tpu.dma_semaphore, #tpu.memory_space<semaphore_mem>>)
      %dma_wait3A = arith.constant 0 : i32
      %dma_wait3A_55 = tpu.memref_slice %arg11[%add3A_16, %dma_wait3A] : memref<10240x64xf32, #tpu.memory_space<vmem_shared>> -> memref<128x64xf32, #tpu.memory_space<vmem_shared>>
      %dma_wait3A_56 = arith.constant 0 : i32
      %dma_wait3A_57 = tpu.memref_slice %arg11[%add3A_16, %dma_wait3A_56] : memref<10240x64xf32, #tpu.memory_space<vmem_shared>> -> memref<128x64xf32, #tpu.memory_space<vmem_shared>>
      tpu.wait_dma2 semaphore(%run_scoped3A : memref<!tpu.dma_semaphore, #tpu.memory_space<semaphore_mem>>) src(%arg9 : memref<128x64xf32, #tpu.memory_space<vmem>>) dst(%dma_wait3A_57 : memref<128x64xf32, #tpu.memory_space<vmem_shared>>)
      tpu.yield
    }) : () -> ()
    %add3A_17 = arith.constant 256 : i32
    %add3A_18 = arith.addi %mul3A_2, %add3A_17 : i32
    "tpu.region"() ({
      %run_scoped3A = tpu.sem_alloc : memref<!tpu.dma_semaphore, #tpu.memory_space<semaphore_mem>>
      %dma_start3A_51 = arith.constant 0 : i32
      %dma_start3A_52 = tpu.memref_slice %arg2[%add3A_18, %dma_start3A_51] : memref<10240x64xf32, #tpu.memory_space<hbm>> -> memref<128x64xf32, #tpu.memory_space<hbm>>
      %dma_start3A_53 = arith.constant 0 : i32
      %dma_start3A_54 = tpu.memref_slice %arg2[%add3A_18, %dma_start3A_53] : memref<10240x64xf32, #tpu.memory_space<hbm>> -> memref<128x64xf32, #tpu.memory_space<hbm>>
      tpu.enqueue_dma source(%dma_start3A_54 : memref<128x64xf32, #tpu.memory_space<hbm>>) target(%arg9 : memref<128x64xf32, #tpu.memory_space<vmem>>) target_semaphore(%run_scoped3A : memref<!tpu.dma_semaphore, #tpu.memory_space<semaphore_mem>>)
      %dma_wait3A = arith.constant 0 : i32
      %dma_wait3A_55 = tpu.memref_slice %arg2[%add3A_18, %dma_wait3A] : memref<10240x64xf32, #tpu.memory_space<hbm>> -> memref<128x64xf32, #tpu.memory_space<hbm>>
      %dma_wait3A_56 = arith.constant 0 : i32
      %dma_wait3A_57 = tpu.memref_slice %arg2[%add3A_18, %dma_wait3A_56] : memref<10240x64xf32, #tpu.memory_space<hbm>> -> memref<128x64xf32, #tpu.memory_space<hbm>>
      tpu.wait_dma2 semaphore(%run_scoped3A : memref<!tpu.dma_semaphore, #tpu.memory_space<semaphore_mem>>) src(%dma_wait3A_57 : memref<128x64xf32, #tpu.memory_space<hbm>>) dst(%arg9 : memref<128x64xf32, #tpu.memory_space<vmem>>)
      tpu.yield
    }) : () -> ()
    "tpu.region"() ({
      %run_scoped3A = tpu.sem_alloc : memref<!tpu.dma_semaphore, #tpu.memory_space<semaphore_mem>>
      %dma_start3A_51 = arith.constant 0 : i32
      %dma_start3A_52 = tpu.memref_slice %arg11[%add3A_18, %dma_start3A_51] : memref<10240x64xf32, #tpu.memory_space<vmem_shared>> -> memref<128x64xf32, #tpu.memory_space<vmem_shared>>
      %dma_start3A_53 = arith.constant 0 : i32
      %dma_start3A_54 = tpu.memref_slice %arg11[%add3A_18, %dma_start3A_53] : memref<10240x64xf32, #tpu.memory_space<vmem_shared>> -> memref<128x64xf32, #tpu.memory_space<vmem_shared>>
      tpu.enqueue_dma source(%arg9 : memref<128x64xf32, #tpu.memory_space<vmem>>) target(%dma_start3A_54 : memref<128x64xf32, #tpu.memory_space<vmem_shared>>) target_semaphore(%run_scoped3A : memref<!tpu.dma_semaphore, #tpu.memory_space<semaphore_mem>>)
      %dma_wait3A = arith.constant 0 : i32
      %dma_wait3A_55 = tpu.memref_slice %arg11[%add3A_18, %dma_wait3A] : memref<10240x64xf32, #tpu.memory_space<vmem_shared>> -> memref<128x64xf32, #tpu.memory_space<vmem_shared>>
      %dma_wait3A_56 = arith.constant 0 : i32
      %dma_wait3A_57 = tpu.memref_slice %arg11[%add3A_18, %dma_wait3A_56] : memref<10240x64xf32, #tpu.memory_space<vmem_shared>> -> memref<128x64xf32, #tpu.memory_space<vmem_shared>>
      tpu.wait_dma2 semaphore(%run_scoped3A : memref<!tpu.dma_semaphore, #tpu.memory_space<semaphore_mem>>) src(%arg9 : memref<128x64xf32, #tpu.memory_space<vmem>>) dst(%dma_wait3A_57 : memref<128x64xf32, #tpu.memory_space<vmem_shared>>)
      tpu.yield
    }) : () -> ()
    %add3A_19 = arith.constant 384 : i32
    %add3A_20 = arith.addi %mul3A_2, %add3A_19 : i32
    "tpu.region"() ({
      %run_scoped3A = tpu.sem_alloc : memref<!tpu.dma_semaphore, #tpu.memory_space<semaphore_mem>>
      %dma_start3A_51 = arith.constant 0 : i32
      %dma_start3A_52 = tpu.memref_slice %arg2[%add3A_20, %dma_start3A_51] : memref<10240x64xf32, #tpu.memory_space<hbm>> -> memref<128x64xf32, #tpu.memory_space<hbm>>
      %dma_start3A_53 = arith.constant 0 : i32
      %dma_start3A_54 = tpu.memref_slice %arg2[%add3A_20, %dma_start3A_53] : memref<10240x64xf32, #tpu.memory_space<hbm>> -> memref<128x64xf32, #tpu.memory_space<hbm>>
      tpu.enqueue_dma source(%dma_start3A_54 : memref<128x64xf32, #tpu.memory_space<hbm>>) target(%arg9 : memref<128x64xf32, #tpu.memory_space<vmem>>) target_semaphore(%run_scoped3A : memref<!tpu.dma_semaphore, #tpu.memory_space<semaphore_mem>>)
      %dma_wait3A = arith.constant 0 : i32
      %dma_wait3A_55 = tpu.memref_slice %arg2[%add3A_20, %dma_wait3A] : memref<10240x64xf32, #tpu.memory_space<hbm>> -> memref<128x64xf32, #tpu.memory_space<hbm>>
      %dma_wait3A_56 = arith.constant 0 : i32
      %dma_wait3A_57 = tpu.memref_slice %arg2[%add3A_20, %dma_wait3A_56] : memref<10240x64xf32, #tpu.memory_space<hbm>> -> memref<128x64xf32, #tpu.memory_space<hbm>>
      tpu.wait_dma2 semaphore(%run_scoped3A : memref<!tpu.dma_semaphore, #tpu.memory_space<semaphore_mem>>) src(%dma_wait3A_57 : memref<128x64xf32, #tpu.memory_space<hbm>>) dst(%arg9 : memref<128x64xf32, #tpu.memory_space<vmem>>)
      tpu.yield
    }) : () -> ()
    "tpu.region"() ({
      %run_scoped3A = tpu.sem_alloc : memref<!tpu.dma_semaphore, #tpu.memory_space<semaphore_mem>>
      %dma_start3A_51 = arith.constant 0 : i32
      %dma_start3A_52 = tpu.memref_slice %arg11[%add3A_20, %dma_start3A_51] : memref<10240x64xf32, #tpu.memory_space<vmem_shared>> -> memref<128x64xf32, #tpu.memory_space<vmem_shared>>
      %dma_start3A_53 = arith.constant 0 : i32
      %dma_start3A_54 = tpu.memref_slice %arg11[%add3A_20, %dma_start3A_53] : memref<10240x64xf32, #tpu.memory_space<vmem_shared>> -> memref<128x64xf32, #tpu.memory_space<vmem_shared>>
      tpu.enqueue_dma source(%arg9 : memref<128x64xf32, #tpu.memory_space<vmem>>) target(%dma_start3A_54 : memref<128x64xf32, #tpu.memory_space<vmem_shared>>) target_semaphore(%run_scoped3A : memref<!tpu.dma_semaphore, #tpu.memory_space<semaphore_mem>>)
      %dma_wait3A = arith.constant 0 : i32
      %dma_wait3A_55 = tpu.memref_slice %arg11[%add3A_20, %dma_wait3A] : memref<10240x64xf32, #tpu.memory_space<vmem_shared>> -> memref<128x64xf32, #tpu.memory_space<vmem_shared>>
      %dma_wait3A_56 = arith.constant 0 : i32
      %dma_wait3A_57 = tpu.memref_slice %arg11[%add3A_20, %dma_wait3A_56] : memref<10240x64xf32, #tpu.memory_space<vmem_shared>> -> memref<128x64xf32, #tpu.memory_space<vmem_shared>>
      tpu.wait_dma2 semaphore(%run_scoped3A : memref<!tpu.dma_semaphore, #tpu.memory_space<semaphore_mem>>) src(%arg9 : memref<128x64xf32, #tpu.memory_space<vmem>>) dst(%dma_wait3A_57 : memref<128x64xf32, #tpu.memory_space<vmem_shared>>)
      tpu.yield
    }) : () -> ()
    %add3A_21 = arith.constant 512 : i32
    %add3A_22 = arith.addi %mul3A_2, %add3A_21 : i32
    "tpu.region"() ({
      %run_scoped3A = tpu.sem_alloc : memref<!tpu.dma_semaphore, #tpu.memory_space<semaphore_mem>>
      %dma_start3A_51 = arith.constant 0 : i32
      %dma_start3A_52 = tpu.memref_slice %arg2[%add3A_22, %dma_start3A_51] : memref<10240x64xf32, #tpu.memory_space<hbm>> -> memref<128x64xf32, #tpu.memory_space<hbm>>
      %dma_start3A_53 = arith.constant 0 : i32
      %dma_start3A_54 = tpu.memref_slice %arg2[%add3A_22, %dma_start3A_53] : memref<10240x64xf32, #tpu.memory_space<hbm>> -> memref<128x64xf32, #tpu.memory_space<hbm>>
      tpu.enqueue_dma source(%dma_start3A_54 : memref<128x64xf32, #tpu.memory_space<hbm>>) target(%arg9 : memref<128x64xf32, #tpu.memory_space<vmem>>) target_semaphore(%run_scoped3A : memref<!tpu.dma_semaphore, #tpu.memory_space<semaphore_mem>>)
      %dma_wait3A = arith.constant 0 : i32
      %dma_wait3A_55 = tpu.memref_slice %arg2[%add3A_22, %dma_wait3A] : memref<10240x64xf32, #tpu.memory_space<hbm>> -> memref<128x64xf32, #tpu.memory_space<hbm>>
      %dma_wait3A_56 = arith.constant 0 : i32
      %dma_wait3A_57 = tpu.memref_slice %arg2[%add3A_22, %dma_wait3A_56] : memref<10240x64xf32, #tpu.memory_space<hbm>> -> memref<128x64xf32, #tpu.memory_space<hbm>>
      tpu.wait_dma2 semaphore(%run_scoped3A : memref<!tpu.dma_semaphore, #tpu.memory_space<semaphore_mem>>) src(%dma_wait3A_57 : memref<128x64xf32, #tpu.memory_space<hbm>>) dst(%arg9 : memref<128x64xf32, #tpu.memory_space<vmem>>)
      tpu.yield
    }) : () -> ()
    "tpu.region"() ({
      %run_scoped3A = tpu.sem_alloc : memref<!tpu.dma_semaphore, #tpu.memory_space<semaphore_mem>>
      %dma_start3A_51 = arith.constant 0 : i32
      %dma_start3A_52 = tpu.memref_slice %arg11[%add3A_22, %dma_start3A_51] : memref<10240x64xf32, #tpu.memory_space<vmem_shared>> -> memref<128x64xf32, #tpu.memory_space<vmem_shared>>
      %dma_start3A_53 = arith.constant 0 : i32
      %dma_start3A_54 = tpu.memref_slice %arg11[%add3A_22, %dma_start3A_53] : memref<10240x64xf32, #tpu.memory_space<vmem_shared>> -> memref<128x64xf32, #tpu.memory_space<vmem_shared>>
      tpu.enqueue_dma source(%arg9 : memref<128x64xf32, #tpu.memory_space<vmem>>) target(%dma_start3A_54 : memref<128x64xf32, #tpu.memory_space<vmem_shared>>) target_semaphore(%run_scoped3A : memref<!tpu.dma_semaphore, #tpu.memory_space<semaphore_mem>>)
      %dma_wait3A = arith.constant 0 : i32
      %dma_wait3A_55 = tpu.memref_slice %arg11[%add3A_22, %dma_wait3A] : memref<10240x64xf32, #tpu.memory_space<vmem_shared>> -> memref<128x64xf32, #tpu.memory_space<vmem_shared>>
      %dma_wait3A_56 = arith.constant 0 : i32
      %dma_wait3A_57 = tpu.memref_slice %arg11[%add3A_22, %dma_wait3A_56] : memref<10240x64xf32, #tpu.memory_space<vmem_shared>> -> memref<128x64xf32, #tpu.memory_space<vmem_shared>>
      tpu.wait_dma2 semaphore(%run_scoped3A : memref<!tpu.dma_semaphore, #tpu.memory_space<semaphore_mem>>) src(%arg9 : memref<128x64xf32, #tpu.memory_space<vmem>>) dst(%dma_wait3A_57 : memref<128x64xf32, #tpu.memory_space<vmem_shared>>)
      tpu.yield
    }) : () -> ()
    "tpu.region"() ({
      %run_scoped3A = tpu.sem_alloc : memref<!tpu.dma_semaphore, #tpu.memory_space<semaphore_mem>>
      %dma_start3A_51 = arith.constant 0 : i32
      %dma_start3A_52 = arith.constant 0 : i32
      %dma_start3A_53 = tpu.memref_slice %arg3[%add3A, %dma_start3A_51, %dma_start3A_52] : memref<32x80x128xi32, #tpu.memory_space<hbm>> -> memref<1x80x128xi32, #tpu.memory_space<hbm>>
      %dma_start3A_54 = tpu.memref_squeeze %dma_start3A_53 : memref<1x80x128xi32, #tpu.memory_space<hbm>> -> memref<80x128xi32, #tpu.memory_space<hbm>>
      %dma_start3A_55 = arith.constant 0 : i32
      %dma_start3A_56 = arith.constant 0 : i32
      %dma_start3A_57 = tpu.memref_slice %arg3[%add3A, %dma_start3A_55, %dma_start3A_56] : memref<32x80x128xi32, #tpu.memory_space<hbm>> -> memref<1x80x128xi32, #tpu.memory_space<hbm>>
      %dma_start3A_58 = tpu.memref_squeeze %dma_start3A_57 : memref<1x80x128xi32, #tpu.memory_space<hbm>> -> memref<80x128xi32, #tpu.memory_space<hbm>>
      tpu.enqueue_dma source(%dma_start3A_58 : memref<80x128xi32, #tpu.memory_space<hbm>>) target(%arg7 : memref<80x128xi32, #tpu.memory_space<vmem>>) target_semaphore(%run_scoped3A : memref<!tpu.dma_semaphore, #tpu.memory_space<semaphore_mem>>)
      %dma_wait3A = arith.constant 0 : i32
      %dma_wait3A_59 = arith.constant 0 : i32
      %dma_wait3A_60 = tpu.memref_slice %arg3[%add3A, %dma_wait3A, %dma_wait3A_59] : memref<32x80x128xi32, #tpu.memory_space<hbm>> -> memref<1x80x128xi32, #tpu.memory_space<hbm>>
      %dma_wait3A_61 = tpu.memref_squeeze %dma_wait3A_60 : memref<1x80x128xi32, #tpu.memory_space<hbm>> -> memref<80x128xi32, #tpu.memory_space<hbm>>
      %dma_wait3A_62 = arith.constant 0 : i32
      %dma_wait3A_63 = arith.constant 0 : i32
      %dma_wait3A_64 = tpu.memref_slice %arg3[%add3A, %dma_wait3A_62, %dma_wait3A_63] : memref<32x80x128xi32, #tpu.memory_space<hbm>> -> memref<1x80x128xi32, #tpu.memory_space<hbm>>
      %dma_wait3A_65 = tpu.memref_squeeze %dma_wait3A_64 : memref<1x80x128xi32, #tpu.memory_space<hbm>> -> memref<80x128xi32, #tpu.memory_space<hbm>>
      tpu.wait_dma2 semaphore(%run_scoped3A : memref<!tpu.dma_semaphore, #tpu.memory_space<semaphore_mem>>) src(%dma_wait3A_65 : memref<80x128xi32, #tpu.memory_space<hbm>>) dst(%arg7 : memref<80x128xi32, #tpu.memory_space<vmem>>)
      tpu.yield
    }) : () -> ()
    "tpu.region"() ({
      %run_scoped3A = tpu.sem_alloc : memref<!tpu.dma_semaphore, #tpu.memory_space<semaphore_mem>>
      %dma_start3A_51 = arith.constant 0 : i32
      %dma_start3A_52 = arith.constant 0 : i32
      %dma_start3A_53 = tpu.memref_slice %arg4[%add3A, %dma_start3A_51, %dma_start3A_52] : memref<32x80x128xi32, #tpu.memory_space<hbm>> -> memref<1x80x128xi32, #tpu.memory_space<hbm>>
      %dma_start3A_54 = tpu.memref_squeeze %dma_start3A_53 : memref<1x80x128xi32, #tpu.memory_space<hbm>> -> memref<80x128xi32, #tpu.memory_space<hbm>>
      %dma_start3A_55 = arith.constant 0 : i32
      %dma_start3A_56 = arith.constant 0 : i32
      %dma_start3A_57 = tpu.memref_slice %arg4[%add3A, %dma_start3A_55, %dma_start3A_56] : memref<32x80x128xi32, #tpu.memory_space<hbm>> -> memref<1x80x128xi32, #tpu.memory_space<hbm>>
      %dma_start3A_58 = tpu.memref_squeeze %dma_start3A_57 : memref<1x80x128xi32, #tpu.memory_space<hbm>> -> memref<80x128xi32, #tpu.memory_space<hbm>>
      tpu.enqueue_dma source(%dma_start3A_58 : memref<80x128xi32, #tpu.memory_space<hbm>>) target(%arg8 : memref<80x128xi32, #tpu.memory_space<vmem>>) target_semaphore(%run_scoped3A : memref<!tpu.dma_semaphore, #tpu.memory_space<semaphore_mem>>)
      %dma_wait3A = arith.constant 0 : i32
      %dma_wait3A_59 = arith.constant 0 : i32
      %dma_wait3A_60 = tpu.memref_slice %arg4[%add3A, %dma_wait3A, %dma_wait3A_59] : memref<32x80x128xi32, #tpu.memory_space<hbm>> -> memref<1x80x128xi32, #tpu.memory_space<hbm>>
      %dma_wait3A_61 = tpu.memref_squeeze %dma_wait3A_60 : memref<1x80x128xi32, #tpu.memory_space<hbm>> -> memref<80x128xi32, #tpu.memory_space<hbm>>
      %dma_wait3A_62 = arith.constant 0 : i32
      %dma_wait3A_63 = arith.constant 0 : i32
      %dma_wait3A_64 = tpu.memref_slice %arg4[%add3A, %dma_wait3A_62, %dma_wait3A_63] : memref<32x80x128xi32, #tpu.memory_space<hbm>> -> memref<1x80x128xi32, #tpu.memory_space<hbm>>
      %dma_wait3A_65 = tpu.memref_squeeze %dma_wait3A_64 : memref<1x80x128xi32, #tpu.memory_space<hbm>> -> memref<80x128xi32, #tpu.memory_space<hbm>>
      tpu.wait_dma2 semaphore(%run_scoped3A : memref<!tpu.dma_semaphore, #tpu.memory_space<semaphore_mem>>) src(%dma_wait3A_65 : memref<80x128xi32, #tpu.memory_space<hbm>>) dst(%arg8 : memref<80x128xi32, #tpu.memory_space<vmem>>)
      tpu.yield
    }) : () -> ()
    %barrier3A = arith.constant 0 : index
    tpu.barrier barrier_id(%barrier3A)
    %dma_start3A = arith.constant 0 : i32
    %dma_start3A_23 = arith.constant 0 : i32
    %dma_start3A_24 = tpu.memref_slice %arg7[%dma_start3A, %dma_start3A_23] : memref<80x128xi32, #tpu.memory_space<vmem>> -> memref<1x128xi32, #tpu.memory_space<vmem>>
    %dma_start3A_25 = tpu.memref_squeeze %dma_start3A_24 : memref<1x128xi32, #tpu.memory_space<vmem>> -> memref<128xi32, #tpu.memory_space<vmem>>
    %dma_start3A_26 = arith.constant 0 : i32
    %dma_start3A_27 = arith.constant 0 : i32
    %dma_start3A_28 = tpu.memref_slice %arg11[%dma_start3A_26, %dma_start3A_27] : memref<10240x64xf32, #tpu.memory_space<vmem_shared>> -> memref<10240x64xf32, #tpu.memory_space<vmem_shared>>
    tpu.enqueue_indirect_dma source(%dma_start3A_28 : memref<10240x64xf32, #tpu.memory_space<vmem_shared>>) target(%arg9 : memref<128x64xf32, #tpu.memory_space<vmem>>) offsets(%dma_start3A_25 : memref<128xi32, #tpu.memory_space<vmem>>) semaphore(%arg13 : memref<!tpu.dma_semaphore, #tpu.memory_space<semaphore_mem>>)
    %dma_start3A_29 = arith.constant 1 : i32
    %dma_start3A_30 = arith.constant 0 : i32
    %dma_start3A_31 = tpu.memref_slice %arg7[%dma_start3A_29, %dma_start3A_30] : memref<80x128xi32, #tpu.memory_space<vmem>> -> memref<1x128xi32, #tpu.memory_space<vmem>>
    %dma_start3A_32 = tpu.memref_squeeze %dma_start3A_31 : memref<1x128xi32, #tpu.memory_space<vmem>> -> memref<128xi32, #tpu.memory_space<vmem>>
    %dma_start3A_33 = arith.constant 0 : i32
    %dma_start3A_34 = arith.constant 0 : i32
    %dma_start3A_35 = tpu.memref_slice %arg11[%dma_start3A_33, %dma_start3A_34] : memref<10240x64xf32, #tpu.memory_space<vmem_shared>> -> memref<10240x64xf32, #tpu.memory_space<vmem_shared>>
    tpu.enqueue_indirect_dma source(%dma_start3A_35 : memref<10240x64xf32, #tpu.memory_space<vmem_shared>>) target(%arg10 : memref<128x64xf32, #tpu.memory_space<vmem>>) offsets(%dma_start3A_32 : memref<128xi32, #tpu.memory_space<vmem>>) semaphore(%arg14 : memref<!tpu.dma_semaphore, #tpu.memory_space<semaphore_mem>>)
    %scan3A = arith.constant 0 : i32
    %scan3A_36 = arith.constant 40 : i32
    %scan3A_37 = arith.addi %scan3A, %scan3A_36 : i32
    %scan3A_38 = arith.constant 1 : i32
    scf.for %scan3A_51 = %scan3A to %scan3A_37 step %scan3A_38  : i32 {
      %mul3A_52 = arith.constant 2 : i32
      %mul3A_53 = arith.muli %scan3A_51, %mul3A_52 : i32
      %add3A_54 = arith.constant 0 : i32
      %add3A_55 = arith.addi %add3A_54, %mul3A_53 : i32
      %add3A_56 = arith.constant 0 : i32
      %add3A_57 = arith.addi %add3A_55, %add3A_56 : i32
      %dma_wait3A = arith.constant 0 : i32
      %dma_wait3A_58 = arith.constant 0 : i32
      %dma_wait3A_59 = tpu.memref_slice %arg7[%dma_wait3A, %dma_wait3A_58] : memref<80x128xi32, #tpu.memory_space<vmem>> -> memref<1x128xi32, #tpu.memory_space<vmem>>
      %dma_wait3A_60 = tpu.memref_squeeze %dma_wait3A_59 : memref<1x128xi32, #tpu.memory_space<vmem>> -> memref<128xi32, #tpu.memory_space<vmem>>
      %dma_wait3A_61 = arith.constant 0 : i32
      %dma_wait3A_62 = arith.constant 0 : i32
      %dma_wait3A_63 = tpu.memref_slice %arg11[%dma_wait3A_61, %dma_wait3A_62] : memref<10240x64xf32, #tpu.memory_space<vmem_shared>> -> memref<10240x64xf32, #tpu.memory_space<vmem_shared>>
      tpu.wait_indirect_dma semaphore(%arg13 : memref<!tpu.dma_semaphore, #tpu.memory_space<semaphore_mem>>) src(%dma_wait3A_63 : memref<10240x64xf32, #tpu.memory_space<vmem_shared>>) dst(%arg9 : memref<128x64xf32, #tpu.memory_space<vmem>>)
      "tpu.region"() ({
        %run_scoped3A = tpu.sem_alloc : memref<!tpu.dma_semaphore, #tpu.memory_space<semaphore_mem>>
        %dma_start3A_84 = arith.constant 0 : i32
        %dma_start3A_85 = tpu.memref_slice %arg8[%add3A_57, %dma_start3A_84] : memref<80x128xi32, #tpu.memory_space<vmem>> -> memref<1x128xi32, #tpu.memory_space<vmem>>
        %dma_start3A_86 = tpu.memref_squeeze %dma_start3A_85 : memref<1x128xi32, #tpu.memory_space<vmem>> -> memref<128xi32, #tpu.memory_space<vmem>>
        %dma_start3A_87 = arith.constant 0 : i32
        %dma_start3A_88 = arith.constant 0 : i32
        %dma_start3A_89 = tpu.memref_slice %arg12[%dma_start3A_87, %dma_start3A_88] : memref<10240x64xf32, #tpu.memory_space<vmem_shared>> -> memref<10240x64xf32, #tpu.memory_space<vmem_shared>>
        tpu.enqueue_indirect_dma source(%arg9 : memref<128x64xf32, #tpu.memory_space<vmem>>) target(%dma_start3A_89 : memref<10240x64xf32, #tpu.memory_space<vmem_shared>>) offsets(%dma_start3A_86 : memref<128xi32, #tpu.memory_space<vmem>>) semaphore(%run_scoped3A : memref<!tpu.dma_semaphore, #tpu.memory_space<semaphore_mem>>) {add = true}
        %dma_wait3A_90 = arith.constant 0 : i32
        %dma_wait3A_91 = tpu.memref_slice %arg8[%add3A_57, %dma_wait3A_90] : memref<80x128xi32, #tpu.memory_space<vmem>> -> memref<1x128xi32, #tpu.memory_space<vmem>>
        %dma_wait3A_92 = tpu.memref_squeeze %dma_wait3A_91 : memref<1x128xi32, #tpu.memory_space<vmem>> -> memref<128xi32, #tpu.memory_space<vmem>>
        %dma_wait3A_93 = arith.constant 0 : i32
        %dma_wait3A_94 = arith.constant 0 : i32
        %dma_wait3A_95 = tpu.memref_slice %arg12[%dma_wait3A_93, %dma_wait3A_94] : memref<10240x64xf32, #tpu.memory_space<vmem_shared>> -> memref<10240x64xf32, #tpu.memory_space<vmem_shared>>
        tpu.wait_indirect_dma semaphore(%run_scoped3A : memref<!tpu.dma_semaphore, #tpu.memory_space<semaphore_mem>>) src(%arg9 : memref<128x64xf32, #tpu.memory_space<vmem>>) dst(%dma_wait3A_95 : memref<10240x64xf32, #tpu.memory_space<vmem_shared>>)
        tpu.yield
      }) : () -> ()
      %add3A_64 = arith.constant 2 : i32
      %add3A_65 = arith.addi %add3A_57, %add3A_64 : i32
      %lt3A = arith.constant 80 : i32
      %lt3A_66 = arith.cmpi slt, %add3A_65, %lt3A : i32
      %convert_element_type3A = arith.extui %lt3A_66 : i1 to i32
      %cond3A = arith.constant 0 : i32
      %cond3A_67 = arith.cmpi ne, %convert_element_type3A, %cond3A : i32
      scf.if %cond3A_67 {
        %add3A_84 = arith.constant 2 : i32
        %add3A_85 = arith.addi %add3A_57, %add3A_84 : i32
        %dma_start3A_86 = arith.constant 0 : i32
        %dma_start3A_87 = tpu.memref_slice %arg7[%add3A_85, %dma_start3A_86] : memref<80x128xi32, #tpu.memory_space<vmem>> -> memref<1x128xi32, #tpu.memory_space<vmem>>
        %dma_start3A_88 = tpu.memref_squeeze %dma_start3A_87 : memref<1x128xi32, #tpu.memory_space<vmem>> -> memref<128xi32, #tpu.memory_space<vmem>>
        %dma_start3A_89 = arith.constant 0 : i32
        %dma_start3A_90 = arith.constant 0 : i32
        %dma_start3A_91 = tpu.memref_slice %arg11[%dma_start3A_89, %dma_start3A_90] : memref<10240x64xf32, #tpu.memory_space<vmem_shared>> -> memref<10240x64xf32, #tpu.memory_space<vmem_shared>>
        tpu.enqueue_indirect_dma source(%dma_start3A_91 : memref<10240x64xf32, #tpu.memory_space<vmem_shared>>) target(%arg9 : memref<128x64xf32, #tpu.memory_space<vmem>>) offsets(%dma_start3A_88 : memref<128xi32, #tpu.memory_space<vmem>>) semaphore(%arg13 : memref<!tpu.dma_semaphore, #tpu.memory_space<semaphore_mem>>)
      } else {
      }
      %add3A_68 = arith.constant 1 : i32
      %add3A_69 = arith.addi %add3A_55, %add3A_68 : i32
      %dma_wait3A_70 = arith.constant 0 : i32
      %dma_wait3A_71 = arith.constant 0 : i32
      %dma_wait3A_72 = tpu.memref_slice %arg7[%dma_wait3A_70, %dma_wait3A_71] : memref<80x128xi32, #tpu.memory_space<vmem>> -> memref<1x128xi32, #tpu.memory_space<vmem>>
      %dma_wait3A_73 = tpu.memref_squeeze %dma_wait3A_72 : memref<1x128xi32, #tpu.memory_space<vmem>> -> memref<128xi32, #tpu.memory_space<vmem>>
      %dma_wait3A_74 = arith.constant 0 : i32
      %dma_wait3A_75 = arith.constant 0 : i32
      %dma_wait3A_76 = tpu.memref_slice %arg11[%dma_wait3A_74, %dma_wait3A_75] : memref<10240x64xf32, #tpu.memory_space<vmem_shared>> -> memref<10240x64xf32, #tpu.memory_space<vmem_shared>>
      tpu.wait_indirect_dma semaphore(%arg14 : memref<!tpu.dma_semaphore, #tpu.memory_space<semaphore_mem>>) src(%dma_wait3A_76 : memref<10240x64xf32, #tpu.memory_space<vmem_shared>>) dst(%arg10 : memref<128x64xf32, #tpu.memory_space<vmem>>)
      "tpu.region"() ({
        %run_scoped3A = tpu.sem_alloc : memref<!tpu.dma_semaphore, #tpu.memory_space<semaphore_mem>>
        %dma_start3A_84 = arith.constant 0 : i32
        %dma_start3A_85 = tpu.memref_slice %arg8[%add3A_69, %dma_start3A_84] : memref<80x128xi32, #tpu.memory_space<vmem>> -> memref<1x128xi32, #tpu.memory_space<vmem>>
        %dma_start3A_86 = tpu.memref_squeeze %dma_start3A_85 : memref<1x128xi32, #tpu.memory_space<vmem>> -> memref<128xi32, #tpu.memory_space<vmem>>
        %dma_start3A_87 = arith.constant 0 : i32
        %dma_start3A_88 = arith.constant 0 : i32
        %dma_start3A_89 = tpu.memref_slice %arg12[%dma_start3A_87, %dma_start3A_88] : memref<10240x64xf32, #tpu.memory_space<vmem_shared>> -> memref<10240x64xf32, #tpu.memory_space<vmem_shared>>
        tpu.enqueue_indirect_dma source(%arg10 : memref<128x64xf32, #tpu.memory_space<vmem>>) target(%dma_start3A_89 : memref<10240x64xf32, #tpu.memory_space<vmem_shared>>) offsets(%dma_start3A_86 : memref<128xi32, #tpu.memory_space<vmem>>) semaphore(%run_scoped3A : memref<!tpu.dma_semaphore, #tpu.memory_space<semaphore_mem>>) {add = true}
        %dma_wait3A_90 = arith.constant 0 : i32
        %dma_wait3A_91 = tpu.memref_slice %arg8[%add3A_69, %dma_wait3A_90] : memref<80x128xi32, #tpu.memory_space<vmem>> -> memref<1x128xi32, #tpu.memory_space<vmem>>
        %dma_wait3A_92 = tpu.memref_squeeze %dma_wait3A_91 : memref<1x128xi32, #tpu.memory_space<vmem>> -> memref<128xi32, #tpu.memory_space<vmem>>
        %dma_wait3A_93 = arith.constant 0 : i32
        %dma_wait3A_94 = arith.constant 0 : i32
        %dma_wait3A_95 = tpu.memref_slice %arg12[%dma_wait3A_93, %dma_wait3A_94] : memref<10240x64xf32, #tpu.memory_space<vmem_shared>> -> memref<10240x64xf32, #tpu.memory_space<vmem_shared>>
        tpu.wait_indirect_dma semaphore(%run_scoped3A : memref<!tpu.dma_semaphore, #tpu.memory_space<semaphore_mem>>) src(%arg10 : memref<128x64xf32, #tpu.memory_space<vmem>>) dst(%dma_wait3A_95 : memref<10240x64xf32, #tpu.memory_space<vmem_shared>>)
        tpu.yield
      }) : () -> ()
      %add3A_77 = arith.constant 2 : i32
      %add3A_78 = arith.addi %add3A_69, %add3A_77 : i32
      %lt3A_79 = arith.constant 80 : i32
      %lt3A_80 = arith.cmpi slt, %add3A_78, %lt3A_79 : i32
      %convert_element_type3A_81 = arith.extui %lt3A_80 : i1 to i32
      %cond3A_82 = arith.constant 0 : i32
      %cond3A_83 = arith.cmpi ne, %convert_element_type3A_81, %cond3A_82 : i32
      scf.if %cond3A_83 {
        %add3A_84 = arith.constant 2 : i32
        %add3A_85 = arith.addi %add3A_69, %add3A_84 : i32
        %dma_start3A_86 = arith.constant 0 : i32
        %dma_start3A_87 = tpu.memref_slice %arg7[%add3A_85, %dma_start3A_86] : memref<80x128xi32, #tpu.memory_space<vmem>> -> memref<1x128xi32, #tpu.memory_space<vmem>>
        %dma_start3A_88 = tpu.memref_squeeze %dma_start3A_87 : memref<1x128xi32, #tpu.memory_space<vmem>> -> memref<128xi32, #tpu.memory_space<vmem>>
        %dma_start3A_89 = arith.constant 0 : i32
        %dma_start3A_90 = arith.constant 0 : i32
        %dma_start3A_91 = tpu.memref_slice %arg11[%dma_start3A_89, %dma_start3A_90] : memref<10240x64xf32, #tpu.memory_space<vmem_shared>> -> memref<10240x64xf32, #tpu.memory_space<vmem_shared>>
        tpu.enqueue_indirect_dma source(%dma_start3A_91 : memref<10240x64xf32, #tpu.memory_space<vmem_shared>>) target(%arg10 : memref<128x64xf32, #tpu.memory_space<vmem>>) offsets(%dma_start3A_88 : memref<128xi32, #tpu.memory_space<vmem>>) semaphore(%arg14 : memref<!tpu.dma_semaphore, #tpu.memory_space<semaphore_mem>>)
      } else {
      }
    }
    %scan3A_39 = arith.constant 40 : i32
    %barrier3A_40 = arith.constant 0 : index
    tpu.barrier barrier_id(%barrier3A_40)
    %add3A_41 = arith.constant 0 : i32
    %add3A_42 = arith.addi %mul3A_2, %add3A_41 : i32
    "tpu.region"() ({
      %run_scoped3A = tpu.sem_alloc : memref<!tpu.dma_semaphore, #tpu.memory_space<semaphore_mem>>
      %dma_start3A_51 = arith.constant 0 : i32
      %dma_start3A_52 = tpu.memref_slice %arg12[%add3A_42, %dma_start3A_51] : memref<10240x64xf32, #tpu.memory_space<vmem_shared>> -> memref<128x64xf32, #tpu.memory_space<vmem_shared>>
      %dma_start3A_53 = arith.constant 0 : i32
      %dma_start3A_54 = tpu.memref_slice %arg12[%add3A_42, %dma_start3A_53] : memref<10240x64xf32, #tpu.memory_space<vmem_shared>> -> memref<128x64xf32, #tpu.memory_space<vmem_shared>>
      tpu.enqueue_dma source(%dma_start3A_54 : memref<128x64xf32, #tpu.memory_space<vmem_shared>>) target(%arg9 : memref<128x64xf32, #tpu.memory_space<vmem>>) target_semaphore(%run_scoped3A : memref<!tpu.dma_semaphore, #tpu.memory_space<semaphore_mem>>)
      %dma_wait3A = arith.constant 0 : i32
      %dma_wait3A_55 = tpu.memref_slice %arg12[%add3A_42, %dma_wait3A] : memref<10240x64xf32, #tpu.memory_space<vmem_shared>> -> memref<128x64xf32, #tpu.memory_space<vmem_shared>>
      %dma_wait3A_56 = arith.constant 0 : i32
      %dma_wait3A_57 = tpu.memref_slice %arg12[%add3A_42, %dma_wait3A_56] : memref<10240x64xf32, #tpu.memory_space<vmem_shared>> -> memref<128x64xf32, #tpu.memory_space<vmem_shared>>
      tpu.wait_dma2 semaphore(%run_scoped3A : memref<!tpu.dma_semaphore, #tpu.memory_space<semaphore_mem>>) src(%dma_wait3A_57 : memref<128x64xf32, #tpu.memory_space<vmem_shared>>) dst(%arg9 : memref<128x64xf32, #tpu.memory_space<vmem>>)
      tpu.yield
    }) : () -> ()
    "tpu.region"() ({
      %run_scoped3A = tpu.sem_alloc : memref<!tpu.dma_semaphore, #tpu.memory_space<semaphore_mem>>
      %dma_start3A_51 = arith.constant 0 : i32
      %dma_start3A_52 = tpu.memref_slice %arg6[%arg0, %add3A_42, %dma_start3A_51] : memref<2x10240x64xf32, #tpu.memory_space<hbm>> -> memref<1x128x64xf32, #tpu.memory_space<hbm>>
      %dma_start3A_53 = tpu.memref_squeeze %dma_start3A_52 : memref<1x128x64xf32, #tpu.memory_space<hbm>> -> memref<128x64xf32, #tpu.memory_space<hbm>>
      %dma_start3A_54 = arith.constant 0 : i32
      %dma_start3A_55 = tpu.memref_slice %arg6[%arg0, %add3A_42, %dma_start3A_54] : memref<2x10240x64xf32, #tpu.memory_space<hbm>> -> memref<1x128x64xf32, #tpu.memory_space<hbm>>
      %dma_start3A_56 = tpu.memref_squeeze %dma_start3A_55 : memref<1x128x64xf32, #tpu.memory_space<hbm>> -> memref<128x64xf32, #tpu.memory_space<hbm>>
      tpu.enqueue_dma source(%arg9 : memref<128x64xf32, #tpu.memory_space<vmem>>) target(%dma_start3A_56 : memref<128x64xf32, #tpu.memory_space<hbm>>) target_semaphore(%run_scoped3A : memref<!tpu.dma_semaphore, #tpu.memory_space<semaphore_mem>>)
      %dma_wait3A = arith.constant 0 : i32
      %dma_wait3A_57 = tpu.memref_slice %arg6[%arg0, %add3A_42, %dma_wait3A] : memref<2x10240x64xf32, #tpu.memory_space<hbm>> -> memref<1x128x64xf32, #tpu.memory_space<hbm>>
      %dma_wait3A_58 = tpu.memref_squeeze %dma_wait3A_57 : memref<1x128x64xf32, #tpu.memory_space<hbm>> -> memref<128x64xf32, #tpu.memory_space<hbm>>
      %dma_wait3A_59 = arith.constant 0 : i32
      %dma_wait3A_60 = tpu.memref_slice %arg6[%arg0, %add3A_42, %dma_wait3A_59] : memref<2x10240x64xf32, #tpu.memory_space<hbm>> -> memref<1x128x64xf32, #tpu.memory_space<hbm>>
      %dma_wait3A_61 = tpu.memref_squeeze %dma_wait3A_60 : memref<1x128x64xf32, #tpu.memory_space<hbm>> -> memref<128x64xf32, #tpu.memory_space<hbm>>
      tpu.wait_dma2 semaphore(%run_scoped3A : memref<!tpu.dma_semaphore, #tpu.memory_space<semaphore_mem>>) src(%arg9 : memref<128x64xf32, #tpu.memory_space<vmem>>) dst(%dma_wait3A_61 : memref<128x64xf32, #tpu.memory_space<hbm>>)
      tpu.yield
    }) : () -> ()
    %add3A_43 = arith.constant 128 : i32
    %add3A_44 = arith.addi %mul3A_2, %add3A_43 : i32
    "tpu.region"() ({
      %run_scoped3A = tpu.sem_alloc : memref<!tpu.dma_semaphore, #tpu.memory_space<semaphore_mem>>
      %dma_start3A_51 = arith.constant 0 : i32
      %dma_start3A_52 = tpu.memref_slice %arg12[%add3A_44, %dma_start3A_51] : memref<10240x64xf32, #tpu.memory_space<vmem_shared>> -> memref<128x64xf32, #tpu.memory_space<vmem_shared>>
      %dma_start3A_53 = arith.constant 0 : i32
      %dma_start3A_54 = tpu.memref_slice %arg12[%add3A_44, %dma_start3A_53] : memref<10240x64xf32, #tpu.memory_space<vmem_shared>> -> memref<128x64xf32, #tpu.memory_space<vmem_shared>>
      tpu.enqueue_dma source(%dma_start3A_54 : memref<128x64xf32, #tpu.memory_space<vmem_shared>>) target(%arg9 : memref<128x64xf32, #tpu.memory_space<vmem>>) target_semaphore(%run_scoped3A : memref<!tpu.dma_semaphore, #tpu.memory_space<semaphore_mem>>)
      %dma_wait3A = arith.constant 0 : i32
      %dma_wait3A_55 = tpu.memref_slice %arg12[%add3A_44, %dma_wait3A] : memref<10240x64xf32, #tpu.memory_space<vmem_shared>> -> memref<128x64xf32, #tpu.memory_space<vmem_shared>>
      %dma_wait3A_56 = arith.constant 0 : i32
      %dma_wait3A_57 = tpu.memref_slice %arg12[%add3A_44, %dma_wait3A_56] : memref<10240x64xf32, #tpu.memory_space<vmem_shared>> -> memref<128x64xf32, #tpu.memory_space<vmem_shared>>
      tpu.wait_dma2 semaphore(%run_scoped3A : memref<!tpu.dma_semaphore, #tpu.memory_space<semaphore_mem>>) src(%dma_wait3A_57 : memref<128x64xf32, #tpu.memory_space<vmem_shared>>) dst(%arg9 : memref<128x64xf32, #tpu.memory_space<vmem>>)
      tpu.yield
    }) : () -> ()
    "tpu.region"() ({
      %run_scoped3A = tpu.sem_alloc : memref<!tpu.dma_semaphore, #tpu.memory_space<semaphore_mem>>
      %dma_start3A_51 = arith.constant 0 : i32
      %dma_start3A_52 = tpu.memref_slice %arg6[%arg0, %add3A_44, %dma_start3A_51] : memref<2x10240x64xf32, #tpu.memory_space<hbm>> -> memref<1x128x64xf32, #tpu.memory_space<hbm>>
      %dma_start3A_53 = tpu.memref_squeeze %dma_start3A_52 : memref<1x128x64xf32, #tpu.memory_space<hbm>> -> memref<128x64xf32, #tpu.memory_space<hbm>>
      %dma_start3A_54 = arith.constant 0 : i32
      %dma_start3A_55 = tpu.memref_slice %arg6[%arg0, %add3A_44, %dma_start3A_54] : memref<2x10240x64xf32, #tpu.memory_space<hbm>> -> memref<1x128x64xf32, #tpu.memory_space<hbm>>
      %dma_start3A_56 = tpu.memref_squeeze %dma_start3A_55 : memref<1x128x64xf32, #tpu.memory_space<hbm>> -> memref<128x64xf32, #tpu.memory_space<hbm>>
      tpu.enqueue_dma source(%arg9 : memref<128x64xf32, #tpu.memory_space<vmem>>) target(%dma_start3A_56 : memref<128x64xf32, #tpu.memory_space<hbm>>) target_semaphore(%run_scoped3A : memref<!tpu.dma_semaphore, #tpu.memory_space<semaphore_mem>>)
      %dma_wait3A = arith.constant 0 : i32
      %dma_wait3A_57 = tpu.memref_slice %arg6[%arg0, %add3A_44, %dma_wait3A] : memref<2x10240x64xf32, #tpu.memory_space<hbm>> -> memref<1x128x64xf32, #tpu.memory_space<hbm>>
      %dma_wait3A_58 = tpu.memref_squeeze %dma_wait3A_57 : memref<1x128x64xf32, #tpu.memory_space<hbm>> -> memref<128x64xf32, #tpu.memory_space<hbm>>
      %dma_wait3A_59 = arith.constant 0 : i32
      %dma_wait3A_60 = tpu.memref_slice %arg6[%arg0, %add3A_44, %dma_wait3A_59] : memref<2x10240x64xf32, #tpu.memory_space<hbm>> -> memref<1x128x64xf32, #tpu.memory_space<hbm>>
      %dma_wait3A_61 = tpu.memref_squeeze %dma_wait3A_60 : memref<1x128x64xf32, #tpu.memory_space<hbm>> -> memref<128x64xf32, #tpu.memory_space<hbm>>
      tpu.wait_dma2 semaphore(%run_scoped3A : memref<!tpu.dma_semaphore, #tpu.memory_space<semaphore_mem>>) src(%arg9 : memref<128x64xf32, #tpu.memory_space<vmem>>) dst(%dma_wait3A_61 : memref<128x64xf32, #tpu.memory_space<hbm>>)
      tpu.yield
    }) : () -> ()
    %add3A_45 = arith.constant 256 : i32
    %add3A_46 = arith.addi %mul3A_2, %add3A_45 : i32
    "tpu.region"() ({
      %run_scoped3A = tpu.sem_alloc : memref<!tpu.dma_semaphore, #tpu.memory_space<semaphore_mem>>
      %dma_start3A_51 = arith.constant 0 : i32
      %dma_start3A_52 = tpu.memref_slice %arg12[%add3A_46, %dma_start3A_51] : memref<10240x64xf32, #tpu.memory_space<vmem_shared>> -> memref<128x64xf32, #tpu.memory_space<vmem_shared>>
      %dma_start3A_53 = arith.constant 0 : i32
      %dma_start3A_54 = tpu.memref_slice %arg12[%add3A_46, %dma_start3A_53] : memref<10240x64xf32, #tpu.memory_space<vmem_shared>> -> memref<128x64xf32, #tpu.memory_space<vmem_shared>>
      tpu.enqueue_dma source(%dma_start3A_54 : memref<128x64xf32, #tpu.memory_space<vmem_shared>>) target(%arg9 : memref<128x64xf32, #tpu.memory_space<vmem>>) target_semaphore(%run_scoped3A : memref<!tpu.dma_semaphore, #tpu.memory_space<semaphore_mem>>)
      %dma_wait3A = arith.constant 0 : i32
      %dma_wait3A_55 = tpu.memref_slice %arg12[%add3A_46, %dma_wait3A] : memref<10240x64xf32, #tpu.memory_space<vmem_shared>> -> memref<128x64xf32, #tpu.memory_space<vmem_shared>>
      %dma_wait3A_56 = arith.constant 0 : i32
      %dma_wait3A_57 = tpu.memref_slice %arg12[%add3A_46, %dma_wait3A_56] : memref<10240x64xf32, #tpu.memory_space<vmem_shared>> -> memref<128x64xf32, #tpu.memory_space<vmem_shared>>
      tpu.wait_dma2 semaphore(%run_scoped3A : memref<!tpu.dma_semaphore, #tpu.memory_space<semaphore_mem>>) src(%dma_wait3A_57 : memref<128x64xf32, #tpu.memory_space<vmem_shared>>) dst(%arg9 : memref<128x64xf32, #tpu.memory_space<vmem>>)
      tpu.yield
    }) : () -> ()
    "tpu.region"() ({
      %run_scoped3A = tpu.sem_alloc : memref<!tpu.dma_semaphore, #tpu.memory_space<semaphore_mem>>
      %dma_start3A_51 = arith.constant 0 : i32
      %dma_start3A_52 = tpu.memref_slice %arg6[%arg0, %add3A_46, %dma_start3A_51] : memref<2x10240x64xf32, #tpu.memory_space<hbm>> -> memref<1x128x64xf32, #tpu.memory_space<hbm>>
      %dma_start3A_53 = tpu.memref_squeeze %dma_start3A_52 : memref<1x128x64xf32, #tpu.memory_space<hbm>> -> memref<128x64xf32, #tpu.memory_space<hbm>>
      %dma_start3A_54 = arith.constant 0 : i32
      %dma_start3A_55 = tpu.memref_slice %arg6[%arg0, %add3A_46, %dma_start3A_54] : memref<2x10240x64xf32, #tpu.memory_space<hbm>> -> memref<1x128x64xf32, #tpu.memory_space<hbm>>
      %dma_start3A_56 = tpu.memref_squeeze %dma_start3A_55 : memref<1x128x64xf32, #tpu.memory_space<hbm>> -> memref<128x64xf32, #tpu.memory_space<hbm>>
      tpu.enqueue_dma source(%arg9 : memref<128x64xf32, #tpu.memory_space<vmem>>) target(%dma_start3A_56 : memref<128x64xf32, #tpu.memory_space<hbm>>) target_semaphore(%run_scoped3A : memref<!tpu.dma_semaphore, #tpu.memory_space<semaphore_mem>>)
      %dma_wait3A = arith.constant 0 : i32
      %dma_wait3A_57 = tpu.memref_slice %arg6[%arg0, %add3A_46, %dma_wait3A] : memref<2x10240x64xf32, #tpu.memory_space<hbm>> -> memref<1x128x64xf32, #tpu.memory_space<hbm>>
      %dma_wait3A_58 = tpu.memref_squeeze %dma_wait3A_57 : memref<1x128x64xf32, #tpu.memory_space<hbm>> -> memref<128x64xf32, #tpu.memory_space<hbm>>
      %dma_wait3A_59 = arith.constant 0 : i32
      %dma_wait3A_60 = tpu.memref_slice %arg6[%arg0, %add3A_46, %dma_wait3A_59] : memref<2x10240x64xf32, #tpu.memory_space<hbm>> -> memref<1x128x64xf32, #tpu.memory_space<hbm>>
      %dma_wait3A_61 = tpu.memref_squeeze %dma_wait3A_60 : memref<1x128x64xf32, #tpu.memory_space<hbm>> -> memref<128x64xf32, #tpu.memory_space<hbm>>
      tpu.wait_dma2 semaphore(%run_scoped3A : memref<!tpu.dma_semaphore, #tpu.memory_space<semaphore_mem>>) src(%arg9 : memref<128x64xf32, #tpu.memory_space<vmem>>) dst(%dma_wait3A_61 : memref<128x64xf32, #tpu.memory_space<hbm>>)
      tpu.yield
    }) : () -> ()
    %add3A_47 = arith.constant 384 : i32
    %add3A_48 = arith.addi %mul3A_2, %add3A_47 : i32
    "tpu.region"() ({
      %run_scoped3A = tpu.sem_alloc : memref<!tpu.dma_semaphore, #tpu.memory_space<semaphore_mem>>
      %dma_start3A_51 = arith.constant 0 : i32
      %dma_start3A_52 = tpu.memref_slice %arg12[%add3A_48, %dma_start3A_51] : memref<10240x64xf32, #tpu.memory_space<vmem_shared>> -> memref<128x64xf32, #tpu.memory_space<vmem_shared>>
      %dma_start3A_53 = arith.constant 0 : i32
      %dma_start3A_54 = tpu.memref_slice %arg12[%add3A_48, %dma_start3A_53] : memref<10240x64xf32, #tpu.memory_space<vmem_shared>> -> memref<128x64xf32, #tpu.memory_space<vmem_shared>>
      tpu.enqueue_dma source(%dma_start3A_54 : memref<128x64xf32, #tpu.memory_space<vmem_shared>>) target(%arg9 : memref<128x64xf32, #tpu.memory_space<vmem>>) target_semaphore(%run_scoped3A : memref<!tpu.dma_semaphore, #tpu.memory_space<semaphore_mem>>)
      %dma_wait3A = arith.constant 0 : i32
      %dma_wait3A_55 = tpu.memref_slice %arg12[%add3A_48, %dma_wait3A] : memref<10240x64xf32, #tpu.memory_space<vmem_shared>> -> memref<128x64xf32, #tpu.memory_space<vmem_shared>>
      %dma_wait3A_56 = arith.constant 0 : i32
      %dma_wait3A_57 = tpu.memref_slice %arg12[%add3A_48, %dma_wait3A_56] : memref<10240x64xf32, #tpu.memory_space<vmem_shared>> -> memref<128x64xf32, #tpu.memory_space<vmem_shared>>
      tpu.wait_dma2 semaphore(%run_scoped3A : memref<!tpu.dma_semaphore, #tpu.memory_space<semaphore_mem>>) src(%dma_wait3A_57 : memref<128x64xf32, #tpu.memory_space<vmem_shared>>) dst(%arg9 : memref<128x64xf32, #tpu.memory_space<vmem>>)
      tpu.yield
    }) : () -> ()
    "tpu.region"() ({
      %run_scoped3A = tpu.sem_alloc : memref<!tpu.dma_semaphore, #tpu.memory_space<semaphore_mem>>
      %dma_start3A_51 = arith.constant 0 : i32
      %dma_start3A_52 = tpu.memref_slice %arg6[%arg0, %add3A_48, %dma_start3A_51] : memref<2x10240x64xf32, #tpu.memory_space<hbm>> -> memref<1x128x64xf32, #tpu.memory_space<hbm>>
      %dma_start3A_53 = tpu.memref_squeeze %dma_start3A_52 : memref<1x128x64xf32, #tpu.memory_space<hbm>> -> memref<128x64xf32, #tpu.memory_space<hbm>>
      %dma_start3A_54 = arith.constant 0 : i32
      %dma_start3A_55 = tpu.memref_slice %arg6[%arg0, %add3A_48, %dma_start3A_54] : memref<2x10240x64xf32, #tpu.memory_space<hbm>> -> memref<1x128x64xf32, #tpu.memory_space<hbm>>
      %dma_start3A_56 = tpu.memref_squeeze %dma_start3A_55 : memref<1x128x64xf32, #tpu.memory_space<hbm>> -> memref<128x64xf32, #tpu.memory_space<hbm>>
      tpu.enqueue_dma source(%arg9 : memref<128x64xf32, #tpu.memory_space<vmem>>) target(%dma_start3A_56 : memref<128x64xf32, #tpu.memory_space<hbm>>) target_semaphore(%run_scoped3A : memref<!tpu.dma_semaphore, #tpu.memory_space<semaphore_mem>>)
      %dma_wait3A = arith.constant 0 : i32
      %dma_wait3A_57 = tpu.memref_slice %arg6[%arg0, %add3A_48, %dma_wait3A] : memref<2x10240x64xf32, #tpu.memory_space<hbm>> -> memref<1x128x64xf32, #tpu.memory_space<hbm>>
      %dma_wait3A_58 = tpu.memref_squeeze %dma_wait3A_57 : memref<1x128x64xf32, #tpu.memory_space<hbm>> -> memref<128x64xf32, #tpu.memory_space<hbm>>
      %dma_wait3A_59 = arith.constant 0 : i32
      %dma_wait3A_60 = tpu.memref_slice %arg6[%arg0, %add3A_48, %dma_wait3A_59] : memref<2x10240x64xf32, #tpu.memory_space<hbm>> -> memref<1x128x64xf32, #tpu.memory_space<hbm>>
      %dma_wait3A_61 = tpu.memref_squeeze %dma_wait3A_60 : memref<1x128x64xf32, #tpu.memory_space<hbm>> -> memref<128x64xf32, #tpu.memory_space<hbm>>
      tpu.wait_dma2 semaphore(%run_scoped3A : memref<!tpu.dma_semaphore, #tpu.memory_space<semaphore_mem>>) src(%arg9 : memref<128x64xf32, #tpu.memory_space<vmem>>) dst(%dma_wait3A_61 : memref<128x64xf32, #tpu.memory_space<hbm>>)
      tpu.yield
    }) : () -> ()
    %add3A_49 = arith.constant 512 : i32
    %add3A_50 = arith.addi %mul3A_2, %add3A_49 : i32
    "tpu.region"() ({
      %run_scoped3A = tpu.sem_alloc : memref<!tpu.dma_semaphore, #tpu.memory_space<semaphore_mem>>
      %dma_start3A_51 = arith.constant 0 : i32
      %dma_start3A_52 = tpu.memref_slice %arg12[%add3A_50, %dma_start3A_51] : memref<10240x64xf32, #tpu.memory_space<vmem_shared>> -> memref<128x64xf32, #tpu.memory_space<vmem_shared>>
      %dma_start3A_53 = arith.constant 0 : i32
      %dma_start3A_54 = tpu.memref_slice %arg12[%add3A_50, %dma_start3A_53] : memref<10240x64xf32, #tpu.memory_space<vmem_shared>> -> memref<128x64xf32, #tpu.memory_space<vmem_shared>>
      tpu.enqueue_dma source(%dma_start3A_54 : memref<128x64xf32, #tpu.memory_space<vmem_shared>>) target(%arg9 : memref<128x64xf32, #tpu.memory_space<vmem>>) target_semaphore(%run_scoped3A : memref<!tpu.dma_semaphore, #tpu.memory_space<semaphore_mem>>)
      %dma_wait3A = arith.constant 0 : i32
      %dma_wait3A_55 = tpu.memref_slice %arg12[%add3A_50, %dma_wait3A] : memref<10240x64xf32, #tpu.memory_space<vmem_shared>> -> memref<128x64xf32, #tpu.memory_space<vmem_shared>>
      %dma_wait3A_56 = arith.constant 0 : i32
      %dma_wait3A_57 = tpu.memref_slice %arg12[%add3A_50, %dma_wait3A_56] : memref<10240x64xf32, #tpu.memory_space<vmem_shared>> -> memref<128x64xf32, #tpu.memory_space<vmem_shared>>
      tpu.wait_dma2 semaphore(%run_scoped3A : memref<!tpu.dma_semaphore, #tpu.memory_space<semaphore_mem>>) src(%dma_wait3A_57 : memref<128x64xf32, #tpu.memory_space<vmem_shared>>) dst(%arg9 : memref<128x64xf32, #tpu.memory_space<vmem>>)
      tpu.yield
    }) : () -> ()
    "tpu.region"() ({
      %run_scoped3A = tpu.sem_alloc : memref<!tpu.dma_semaphore, #tpu.memory_space<semaphore_mem>>
      %dma_start3A_51 = arith.constant 0 : i32
      %dma_start3A_52 = tpu.memref_slice %arg6[%arg0, %add3A_50, %dma_start3A_51] : memref<2x10240x64xf32, #tpu.memory_space<hbm>> -> memref<1x128x64xf32, #tpu.memory_space<hbm>>
      %dma_start3A_53 = tpu.memref_squeeze %dma_start3A_52 : memref<1x128x64xf32, #tpu.memory_space<hbm>> -> memref<128x64xf32, #tpu.memory_space<hbm>>
      %dma_start3A_54 = arith.constant 0 : i32
      %dma_start3A_55 = tpu.memref_slice %arg6[%arg0, %add3A_50, %dma_start3A_54] : memref<2x10240x64xf32, #tpu.memory_space<hbm>> -> memref<1x128x64xf32, #tpu.memory_space<hbm>>
      %dma_start3A_56 = tpu.memref_squeeze %dma_start3A_55 : memref<1x128x64xf32, #tpu.memory_space<hbm>> -> memref<128x64xf32, #tpu.memory_space<hbm>>
      tpu.enqueue_dma source(%arg9 : memref<128x64xf32, #tpu.memory_space<vmem>>) target(%dma_start3A_56 : memref<128x64xf32, #tpu.memory_space<hbm>>) target_semaphore(%run_scoped3A : memref<!tpu.dma_semaphore, #tpu.memory_space<semaphore_mem>>)
      %dma_wait3A = arith.constant 0 : i32
      %dma_wait3A_57 = tpu.memref_slice %arg6[%arg0, %add3A_50, %dma_wait3A] : memref<2x10240x64xf32, #tpu.memory_space<hbm>> -> memref<1x128x64xf32, #tpu.memory_space<hbm>>
      %dma_wait3A_58 = tpu.memref_squeeze %dma_wait3A_57 : memref<1x128x64xf32, #tpu.memory_space<hbm>> -> memref<128x64xf32, #tpu.memory_space<hbm>>
      %dma_wait3A_59 = arith.constant 0 : i32
      %dma_wait3A_60 = tpu.memref_slice %arg6[%arg0, %add3A_50, %dma_wait3A_59] : memref<2x10240x64xf32, #tpu.memory_space<hbm>> -> memref<1x128x64xf32, #tpu.memory_space<hbm>>
      %dma_wait3A_61 = tpu.memref_squeeze %dma_wait3A_60 : memref<1x128x64xf32, #tpu.memory_space<hbm>> -> memref<128x64xf32, #tpu.memory_space<hbm>>
      tpu.wait_dma2 semaphore(%run_scoped3A : memref<!tpu.dma_semaphore, #tpu.memory_space<semaphore_mem>>) src(%arg9 : memref<128x64xf32, #tpu.memory_space<vmem>>) dst(%dma_wait3A_61 : memref<128x64xf32, #tpu.memory_space<hbm>>)
      tpu.yield
    }) : () -> ()
    return
  }
}

module attributes {stable_mosaic.version = 14 : i64} {
  func.func @_prep_body(%arg0: i32, %arg1: memref<2x1024x16xf32, #tpu.memory_space<vmem>>, %arg2: memref<1024x128xf32, #tpu.memory_space<vmem>>, %arg3: memref<128x64xf32, #tpu.memory_space<vmem>>, %arg4: memref<1024x1xf32, #tpu.memory_space<vmem>>, %arg5: memref<1024x64xf32, #tpu.memory_space<vmem>>) attributes {dimension_semantics = [#tpu.dimension_semantics<arbitrary>], iteration_bounds = array<i64: 10>, scalar_prefetch = 0 : i64, scratch_operands = 0 : i64, tpu.core_type = #tpu.core_type<tc>, window_params = [{transform_indices = @transform_0, window_bounds = array<i64: 2, 1024, 16>}, {transform_indices = @transform_1, window_bounds = array<i64: 1024, 128>}, {pipeline_mode = #tpu.pipeline_mode<synchronous>, transform_indices = @transform_2, window_bounds = array<i64: 128, 64>}, {transform_indices = @transform_3, window_bounds = array<i64: 1024, 1>}, {transform_indices = @transform_4, window_bounds = array<i64: 1024, 64>}]} {
    %get3A = arith.constant 0 : index
    %get3A_0 = arith.constant 0 : index
    %get3A_1 = arith.constant 0 : index
    %get3A_2 = vector.load %arg1[%get3A, %get3A_0, %get3A_1] : memref<2x1024x16xf32, #tpu.memory_space<vmem>>, vector<1x1024x1xf32>
    %get3A_3 = vector.shape_cast %get3A_2 : vector<1x1024x1xf32> to vector<1024x1xf32>
    %get3A_4 = arith.constant 1 : index
    %get3A_5 = arith.constant 0 : index
    %get3A_6 = arith.constant 0 : index
    %get3A_7 = vector.load %arg1[%get3A_4, %get3A_5, %get3A_6] : memref<2x1024x16xf32, #tpu.memory_space<vmem>>, vector<1x1024x1xf32>
    %get3A_8 = vector.shape_cast %get3A_7 : vector<1x1024x1xf32> to vector<1024x1xf32>
    %add3A = arith.addf %get3A_3, %get3A_8 : vector<1024x1xf32>
    %add3A_9 = arith.constant 1.000000e+00 : f32
    %add3A_10 = vector.broadcast %add3A_9 : f32 to vector<1024x1xf32>
    %add3A_11 = arith.addf %add3A, %add3A_10 : vector<1024x1xf32>
    %iota3A = tpu.iota {dimensions = array<i32: 0>} : vector<1024x1xi32>
    %mul3A = arith.constant 1024 : i32
    %mul3A_12 = arith.muli %arg0, %mul3A : i32
    %add3A_13 = vector.broadcast %mul3A_12 : i32 to vector<1024x1xi32>
    %add3A_14 = arith.addi %iota3A, %add3A_13 : vector<1024x1xi32>
    %lt3A = arith.constant 10000 : i32
    %lt3A_15 = vector.broadcast %lt3A : i32 to vector<1024x1xi32>
    %lt3A_16 = arith.cmpi slt, %add3A_14, %lt3A_15 : vector<1024x1xi32>
    %rsqrt3A = math.rsqrt %add3A_11 : vector<1024x1xf32>
    %jit3A = arith.constant 0.000000e+00 : f32
    %broadcast_in_dim3A = vector.broadcast %jit3A : f32 to vector<1024x1xf32>
    %select_n3A = arith.select %lt3A_16, %rsqrt3A, %broadcast_in_dim3A : vector<1024x1xi1>, vector<1024x1xf32>
    %swap3A = arith.constant 0 : index
    %swap3A_17 = arith.constant 0 : index
    %swap3A_18 = vector.load %arg4[%swap3A, %swap3A_17] : memref<1024x1xf32, #tpu.memory_space<vmem>>, vector<1024x1xf32>
    tpu.vector_store %arg4[%swap3A, %swap3A_17], %select_n3A {strides = array<i32>} : memref<1024x1xf32, #tpu.memory_space<vmem>>, vector<1024x1xf32>,
    %get3A_19 = arith.constant 0 : index
    %get3A_20 = arith.constant 0 : index
    %get3A_21 = vector.load %arg2[%get3A_19, %get3A_20] : memref<1024x128xf32, #tpu.memory_space<vmem>>, vector<1024x128xf32>
    %get3A_22 = arith.constant 0 : index
    %get3A_23 = arith.constant 0 : index
    %get3A_24 = vector.load %arg3[%get3A_22, %get3A_23] : memref<128x64xf32, #tpu.memory_space<vmem>>, vector<128x64xf32>
    %dot_general3A = arith.constant dense<0.000000e+00> : vector<1024x64xf32>
    %dot_general3A_25 = tpu.matmul %get3A_21, %get3A_24, %dot_general3A {dimension_numbers = #tpu.dot_dimension_numbers<[1], [0], [0], [1], [0, 0, 1, 1], [], []>, transpose_lhs_hint = false} : vector<1024x128xf32>, vector<128x64xf32>, vector<1024x64xf32> -> vector<1024x64xf32>
    %mul3A_26 = vector.broadcast %select_n3A : vector<1024x1xf32> to vector<1024x64xf32>
    %mul3A_27 = arith.mulf %dot_general3A_25, %mul3A_26 : vector<1024x64xf32>
    %swap3A_28 = arith.constant 0 : index
    %swap3A_29 = arith.constant 0 : index
    %swap3A_30 = vector.load %arg5[%swap3A_28, %swap3A_29] : memref<1024x64xf32, #tpu.memory_space<vmem>>, vector<1024x64xf32>
    tpu.vector_store %arg5[%swap3A_28, %swap3A_29], %mul3A_27 {strides = array<i32>} : memref<1024x64xf32, #tpu.memory_space<vmem>>, vector<1024x64xf32>,
    return
  }
  func.func @transform_0(%arg0: i32) -> (i32, i32, i32) {
    %c0_i32 = arith.constant 0 : i32
    %c0_i32_0 = arith.constant 0 : i32
    %c0_i32_1 = arith.constant 0 : i32
    return %c0_i32, %arg0, %c0_i32_0 : i32, i32, i32
  }
  func.func @transform_1(%arg0: i32) -> (i32, i32) {
    %c0_i32 = arith.constant 0 : i32
    %c0_i32_0 = arith.constant 0 : i32
    return %arg0, %c0_i32 : i32, i32
  }
  func.func @transform_2(%arg0: i32) -> (i32, i32) {
    %c0_i32 = arith.constant 0 : i32
    %c0_i32_0 = arith.constant 0 : i32
    %c0_i32_1 = arith.constant 0 : i32
    return %c0_i32, %c0_i32_0 : i32, i32
  }
  func.func @transform_3(%arg0: i32) -> (i32, i32) {
    %c0_i32 = arith.constant 0 : i32
    %c0_i32_0 = arith.constant 0 : i32
    return %arg0, %c0_i32 : i32, i32
  }
  func.func @transform_4(%arg0: i32) -> (i32, i32) {
    %c0_i32 = arith.constant 0 : i32
    %c0_i32_0 = arith.constant 0 : i32
    return %arg0, %c0_i32 : i32, i32
  }
}

module attributes {stable_mosaic.version = 14 : i64} {
  func.func @_mid_body(%arg0: i32, %arg1: memref<2x1024x64xf32, #tpu.memory_space<vmem>>, %arg2: memref<1024x64xf32, #tpu.memory_space<vmem>>, %arg3: memref<1024x1xf32, #tpu.memory_space<vmem>>, %arg4: memref<1x64xf32, #tpu.memory_space<vmem>>, %arg5: memref<64x128xf32, #tpu.memory_space<vmem>>, %arg6: memref<1024x64xf32, #tpu.memory_space<vmem>>, %arg7: memref<1024x64xf32, #tpu.memory_space<vmem>>) attributes {dimension_semantics = [#tpu.dimension_semantics<arbitrary>], iteration_bounds = array<i64: 10>, scalar_prefetch = 0 : i64, scratch_operands = 0 : i64, tpu.core_type = #tpu.core_type<tc>, window_params = [{transform_indices = @transform_0, window_bounds = array<i64: 2, 1024, 64>}, {transform_indices = @transform_1, window_bounds = array<i64: 1024, 64>}, {transform_indices = @transform_2, window_bounds = array<i64: 1024, 1>}, {pipeline_mode = #tpu.pipeline_mode<synchronous>, transform_indices = @transform_3, window_bounds = array<i64: 1, 64>}, {pipeline_mode = #tpu.pipeline_mode<synchronous>, transform_indices = @transform_4, window_bounds = array<i64: 64, 128>}, {transform_indices = @transform_5, window_bounds = array<i64: 1024, 64>}, {transform_indices = @transform_6, window_bounds = array<i64: 1024, 64>}]} {
    %get3A = arith.constant 0 : index
    %get3A_0 = arith.constant 0 : index
    %get3A_1 = arith.constant 0 : index
    %get3A_2 = vector.load %arg1[%get3A, %get3A_0, %get3A_1] : memref<2x1024x64xf32, #tpu.memory_space<vmem>>, vector<1x1024x64xf32>
    %get3A_3 = vector.shape_cast %get3A_2 : vector<1x1024x64xf32> to vector<1024x64xf32>
    %get3A_4 = arith.constant 1 : index
    %get3A_5 = arith.constant 0 : index
    %get3A_6 = arith.constant 0 : index
    %get3A_7 = vector.load %arg1[%get3A_4, %get3A_5, %get3A_6] : memref<2x1024x64xf32, #tpu.memory_space<vmem>>, vector<1x1024x64xf32>
    %get3A_8 = vector.shape_cast %get3A_7 : vector<1x1024x64xf32> to vector<1024x64xf32>
    %add3A = arith.addf %get3A_3, %get3A_8 : vector<1024x64xf32>
    %get3A_9 = arith.constant 0 : index
    %get3A_10 = arith.constant 0 : index
    %get3A_11 = vector.load %arg2[%get3A_9, %get3A_10] : memref<1024x64xf32, #tpu.memory_space<vmem>>, vector<1024x64xf32>
    %add3A_12 = arith.addf %add3A, %get3A_11 : vector<1024x64xf32>
    %get3A_13 = arith.constant 0 : index
    %get3A_14 = arith.constant 0 : index
    %get3A_15 = vector.load %arg3[%get3A_13, %get3A_14] : memref<1024x1xf32, #tpu.memory_space<vmem>>, vector<1024x1xf32>
    %mul3A = vector.broadcast %get3A_15 : vector<1024x1xf32> to vector<1024x64xf32>
    %mul3A_16 = arith.mulf %mul3A, %add3A_12 : vector<1024x64xf32>
    %get3A_17 = arith.constant 0 : index
    %get3A_18 = arith.constant 0 : index
    %get3A_19 = vector.load %arg4[%get3A_17, %get3A_18] : memref<1x64xf32, #tpu.memory_space<vmem>>, vector<1x64xf32>
    %add3A_20 = vector.broadcast %get3A_19 : vector<1x64xf32> to vector<1024x64xf32>
    %add3A_21 = arith.addf %mul3A_16, %add3A_20 : vector<1024x64xf32>
    %max3A = arith.constant 0.000000e+00 : f32
    %max3A_22 = vector.broadcast %max3A : f32 to vector<1024x64xf32>
    %max3A_23 = arith.maximumf %add3A_21, %max3A_22 : vector<1024x64xf32>
    %get3A_24 = arith.constant 0 : index
    %get3A_25 = arith.constant 0 : index
    %get3A_26 = vector.load %arg3[%get3A_24, %get3A_25] : memref<1024x1xf32, #tpu.memory_space<vmem>>, vector<1024x1xf32>
    %get3A_27 = arith.constant 0 : index
    %get3A_28 = arith.constant 0 : index
    %get3A_29 = vector.load %arg5[%get3A_27, %get3A_28] : memref<64x128xf32, #tpu.memory_space<vmem>>, vector<64x128xf32>
    %dot_general3A = arith.constant dense<0.000000e+00> : vector<1024x128xf32>
    %dot_general3A_30 = tpu.matmul %max3A_23, %get3A_29, %dot_general3A {dimension_numbers = #tpu.dot_dimension_numbers<[1], [0], [0], [1], [0, 0, 1, 1], [], []>, transpose_lhs_hint = false} : vector<1024x64xf32>, vector<64x128xf32>, vector<1024x128xf32> -> vector<1024x128xf32>
    %mul3A_31 = vector.broadcast %get3A_26 : vector<1024x1xf32> to vector<1024x128xf32>
    %mul3A_32 = arith.mulf %mul3A_31, %dot_general3A_30 : vector<1024x128xf32>
    %slice3A = vector.extract_strided_slice %mul3A_32 {offsets = [0, 0], sizes = [1024, 64], strides = [1, 1]} : vector<1024x128xf32> to vector<1024x64xf32>
    %swap3A = arith.constant 0 : index
    %swap3A_33 = arith.constant 0 : index
    %swap3A_34 = vector.load %arg6[%swap3A, %swap3A_33] : memref<1024x64xf32, #tpu.memory_space<vmem>>, vector<1024x64xf32>
    tpu.vector_store %arg6[%swap3A, %swap3A_33], %slice3A {strides = array<i32>} : memref<1024x64xf32, #tpu.memory_space<vmem>>, vector<1024x64xf32>,
    %slice3A_35 = vector.extract_strided_slice %mul3A_32 {offsets = [0, 64], sizes = [1024, 64], strides = [1, 1]} : vector<1024x128xf32> to vector<1024x64xf32>
    %swap3A_36 = arith.constant 0 : index
    %swap3A_37 = arith.constant 0 : index
    %swap3A_38 = vector.load %arg7[%swap3A_36, %swap3A_37] : memref<1024x64xf32, #tpu.memory_space<vmem>>, vector<1024x64xf32>
    tpu.vector_store %arg7[%swap3A_36, %swap3A_37], %slice3A_35 {strides = array<i32>} : memref<1024x64xf32, #tpu.memory_space<vmem>>, vector<1024x64xf32>,
    return
  }
  func.func @transform_0(%arg0: i32) -> (i32, i32, i32) {
    %c0_i32 = arith.constant 0 : i32
    %c0_i32_0 = arith.constant 0 : i32
    %c0_i32_1 = arith.constant 0 : i32
    return %c0_i32, %arg0, %c0_i32_0 : i32, i32, i32
  }
  func.func @transform_1(%arg0: i32) -> (i32, i32) {
    %c0_i32 = arith.constant 0 : i32
    %c0_i32_0 = arith.constant 0 : i32
    return %arg0, %c0_i32 : i32, i32
  }
  func.func @transform_2(%arg0: i32) -> (i32, i32) {
    %c0_i32 = arith.constant 0 : i32
    %c0_i32_0 = arith.constant 0 : i32
    return %arg0, %c0_i32 : i32, i32
  }
  func.func @transform_3(%arg0: i32) -> (i32, i32) {
    %c0_i32 = arith.constant 0 : i32
    %c0_i32_0 = arith.constant 0 : i32
    %c0_i32_1 = arith.constant 0 : i32
    return %c0_i32, %c0_i32_0 : i32, i32
  }
  func.func @transform_4(%arg0: i32) -> (i32, i32) {
    %c0_i32 = arith.constant 0 : i32
    %c0_i32_0 = arith.constant 0 : i32
    %c0_i32_1 = arith.constant 0 : i32
    return %c0_i32, %c0_i32_0 : i32, i32
  }
  func.func @transform_5(%arg0: i32) -> (i32, i32) {
    %c0_i32 = arith.constant 0 : i32
    %c0_i32_0 = arith.constant 0 : i32
    return %arg0, %c0_i32 : i32, i32
  }
  func.func @transform_6(%arg0: i32) -> (i32, i32) {
    %c0_i32 = arith.constant 0 : i32
    %c0_i32_0 = arith.constant 0 : i32
    return %arg0, %c0_i32 : i32, i32
  }
}

module attributes {stable_mosaic.version = 14 : i64} {
  func.func @_final_body(%arg0: i32, %arg1: memref<2x1024x64xf32, #tpu.memory_space<vmem>>, %arg2: memref<2x1024x64xf32, #tpu.memory_space<vmem>>, %arg3: memref<1024x64xf32, #tpu.memory_space<vmem>>, %arg4: memref<1024x64xf32, #tpu.memory_space<vmem>>, %arg5: memref<1024x1xf32, #tpu.memory_space<vmem>>, %arg6: memref<1x128xf32, #tpu.memory_space<vmem>>, %arg7: memref<1024x128xf32, #tpu.memory_space<vmem>>) attributes {dimension_semantics = [#tpu.dimension_semantics<arbitrary>], iteration_bounds = array<i64: 10>, scalar_prefetch = 0 : i64, scratch_operands = 0 : i64, tpu.core_type = #tpu.core_type<tc>, window_params = [{transform_indices = @transform_0, window_bounds = array<i64: 2, 1024, 64>}, {transform_indices = @transform_1, window_bounds = array<i64: 2, 1024, 64>}, {transform_indices = @transform_2, window_bounds = array<i64: 1024, 64>}, {transform_indices = @transform_3, window_bounds = array<i64: 1024, 64>}, {transform_indices = @transform_4, window_bounds = array<i64: 1024, 1>}, {pipeline_mode = #tpu.pipeline_mode<synchronous>, transform_indices = @transform_5, window_bounds = array<i64: 1, 128>}, {transform_indices = @transform_6, window_bounds = array<i64: 1024, 128>}]} {
    %get3A = arith.constant 0 : index
    %get3A_0 = arith.constant 0 : index
    %get3A_1 = arith.constant 0 : index
    %get3A_2 = vector.load %arg1[%get3A, %get3A_0, %get3A_1] : memref<2x1024x64xf32, #tpu.memory_space<vmem>>, vector<1x1024x64xf32>
    %get3A_3 = vector.shape_cast %get3A_2 : vector<1x1024x64xf32> to vector<1024x64xf32>
    %get3A_4 = arith.constant 1 : index
    %get3A_5 = arith.constant 0 : index
    %get3A_6 = arith.constant 0 : index
    %get3A_7 = vector.load %arg1[%get3A_4, %get3A_5, %get3A_6] : memref<2x1024x64xf32, #tpu.memory_space<vmem>>, vector<1x1024x64xf32>
    %get3A_8 = vector.shape_cast %get3A_7 : vector<1x1024x64xf32> to vector<1024x64xf32>
    %add3A = arith.addf %get3A_3, %get3A_8 : vector<1024x64xf32>
    %get3A_9 = arith.constant 0 : index
    %get3A_10 = arith.constant 0 : index
    %get3A_11 = vector.load %arg3[%get3A_9, %get3A_10] : memref<1024x64xf32, #tpu.memory_space<vmem>>, vector<1024x64xf32>
    %add3A_12 = arith.addf %add3A, %get3A_11 : vector<1024x64xf32>
    %get3A_13 = arith.constant 0 : index
    %get3A_14 = arith.constant 0 : index
    %get3A_15 = arith.constant 0 : index
    %get3A_16 = vector.load %arg2[%get3A_13, %get3A_14, %get3A_15] : memref<2x1024x64xf32, #tpu.memory_space<vmem>>, vector<1x1024x64xf32>
    %get3A_17 = vector.shape_cast %get3A_16 : vector<1x1024x64xf32> to vector<1024x64xf32>
    %get3A_18 = arith.constant 1 : index
    %get3A_19 = arith.constant 0 : index
    %get3A_20 = arith.constant 0 : index
    %get3A_21 = vector.load %arg2[%get3A_18, %get3A_19, %get3A_20] : memref<2x1024x64xf32, #tpu.memory_space<vmem>>, vector<1x1024x64xf32>
    %get3A_22 = vector.shape_cast %get3A_21 : vector<1x1024x64xf32> to vector<1024x64xf32>
    %add3A_23 = arith.addf %get3A_17, %get3A_22 : vector<1024x64xf32>
    %get3A_24 = arith.constant 0 : index
    %get3A_25 = arith.constant 0 : index
    %get3A_26 = vector.load %arg4[%get3A_24, %get3A_25] : memref<1024x64xf32, #tpu.memory_space<vmem>>, vector<1024x64xf32>
    %add3A_27 = arith.addf %add3A_23, %get3A_26 : vector<1024x64xf32>
    %concatenate3A = tpu.concatenate %add3A_12, %add3A_27 in 1 : vector<1024x64xf32>, vector<1024x64xf32> -> vector<1024x128xf32>
    %get3A_28 = arith.constant 0 : index
    %get3A_29 = arith.constant 0 : index
    %get3A_30 = vector.load %arg5[%get3A_28, %get3A_29] : memref<1024x1xf32, #tpu.memory_space<vmem>>, vector<1024x1xf32>
    %mul3A = vector.broadcast %get3A_30 : vector<1024x1xf32> to vector<1024x128xf32>
    %mul3A_31 = arith.mulf %mul3A, %concatenate3A : vector<1024x128xf32>
    %get3A_32 = arith.constant 0 : index
    %get3A_33 = arith.constant 0 : index
    %get3A_34 = vector.load %arg6[%get3A_32, %get3A_33] : memref<1x128xf32, #tpu.memory_space<vmem>>, vector<1x128xf32>
    %add3A_35 = vector.broadcast %get3A_34 : vector<1x128xf32> to vector<1024x128xf32>
    %add3A_36 = arith.addf %mul3A_31, %add3A_35 : vector<1024x128xf32>
    %max3A = arith.constant 0.000000e+00 : f32
    %max3A_37 = vector.broadcast %max3A : f32 to vector<1024x128xf32>
    %max3A_38 = arith.maximumf %add3A_36, %max3A_37 : vector<1024x128xf32>
    %swap3A = arith.constant 0 : index
    %swap3A_39 = arith.constant 0 : index
    %swap3A_40 = vector.load %arg7[%swap3A, %swap3A_39] : memref<1024x128xf32, #tpu.memory_space<vmem>>, vector<1024x128xf32>
    tpu.vector_store %arg7[%swap3A, %swap3A_39], %max3A_38 {strides = array<i32>} : memref<1024x128xf32, #tpu.memory_space<vmem>>, vector<1024x128xf32>,
    return
  }
  func.func @transform_0(%arg0: i32) -> (i32, i32, i32) {
    %c0_i32 = arith.constant 0 : i32
    %c0_i32_0 = arith.constant 0 : i32
    %c0_i32_1 = arith.constant 0 : i32
    return %c0_i32, %arg0, %c0_i32_0 : i32, i32, i32
  }
  func.func @transform_1(%arg0: i32) -> (i32, i32, i32) {
    %c0_i32 = arith.constant 0 : i32
    %c0_i32_0 = arith.constant 0 : i32
    %c0_i32_1 = arith.constant 0 : i32
    return %c0_i32, %arg0, %c0_i32_0 : i32, i32, i32
  }
  func.func @transform_2(%arg0: i32) -> (i32, i32) {
    %c0_i32 = arith.constant 0 : i32
    %c0_i32_0 = arith.constant 0 : i32
    return %arg0, %c0_i32 : i32, i32
  }
  func.func @transform_3(%arg0: i32) -> (i32, i32) {
    %c0_i32 = arith.constant 0 : i32
    %c0_i32_0 = arith.constant 0 : i32
    return %arg0, %c0_i32 : i32, i32
  }
  func.func @transform_4(%arg0: i32) -> (i32, i32) {
    %c0_i32 = arith.constant 0 : i32
    %c0_i32_0 = arith.constant 0 : i32
    return %arg0, %c0_i32 : i32, i32
  }
  func.func @transform_5(%arg0: i32) -> (i32, i32) {
    %c0_i32 = arith.constant 0 : i32
    %c0_i32_0 = arith.constant 0 : i32
    %c0_i32_1 = arith.constant 0 : i32
    return %c0_i32, %c0_i32_0 : i32, i32
  }
  func.func @transform_6(%arg0: i32) -> (i32, i32) {
    %c0_i32 = arith.constant 0 : i32
    %c0_i32_0 = arith.constant 0 : i32
    return %arg0, %c0_i32 : i32, i32
  }
}

</mosaic_0001>

<sc_bundles>
// kernel: kernel.11.cloned.1.call-start
scs
__scs_entry_jumppad:
0x0: {  	(pc) =	sbr.rel $0x88, $3  }
0x1: {  	(tag) =	ssettag $0x0;
	lr =	simm.s32 $0x1  }
0x2: {  	[smem:$0x3F9B] =	sst lr;
	_ =	strace $0xD0000000  }
0x3: {  	_ = 	snop  }
0x4: {  	_ = 	snop  }
0x5: {  	_ = 	snop  }
0x6: {  	_ = 	snop  }
0x7: {  	_ = 	snop  }
__scs_overlays_trampoline_lowered:
0x8: {  	[smem:$0x3FAA] =	sst s0  }
0x9: {  	[smem:$0x3FAB] =	sst s1  }
0xa: {  	[smem:$0x3FAC] =	sst s2  }
0xb: {  	[smem:$0x3FAD] =	sst s3  }
0xc: {  	[smem:$0x3FAE] =	sst s4  }
0xd: {  	[smem:$0x3FAF] =	sst s5  }
0xe: {  	[smem:$0x3FB0] =	sst s6  }
0xf: {  	[smem:$0x3FB1] =	sst s7  }
0x10: {  	[smem:$0x3FB2] =	sst s8  }
0x11: {  	[smem:$0x3FB3] =	sst s9;
	s0 =	simm.s32 @!p0 $0x0  }
0x12: {  	s1 =	sld [smem:$0x3F99];
	s0 =	simm.s32 @p0 $0x1  }
0x13: {  	[smem:$0x3FB4] =	sst s0;
	s0 =	simm.s32 @!p1 $0x0  }
0x14: {  	s2 =	sld [smem:$0x3F98];
	s0 =	simm.s32 @p1 $0x1  }
0x15: {  	[smem:$0x3FB5] =	sst s0;
	s0 =	simm.s32 @!p2 $0x0  }
0x16: {  	s3 =	sld [smem:$0x3FDB];
	s0 =	simm.s32 @p2 $0x1  }
0x17: {  	s4 =	simm.s32 $0x1BF5;
	[smem:$0x3FB7] =	sst s0  }
0x18: {  	s0 =	sld [smem:$0x3F9A];
	_ =	swait.ge [sflag:s4], $0x0  }
0x19: {  	s7 =	sld [smem:$0x3F9B]  }
0x1a: {  	s8 =	sadd.s32 $0xFFFFE003, lr  }
0x1b: {  	s9 =	sadd.s32 $0xFFFFFEF7, lr;
	s5 =	simm.s32 $0xFFFFFFFF;
	p2 =	slt.u32 s8, $0xFFFFF086  }
0x1c: {  	p1 =	slt.u32 s9, $0xF7A;
	s5 =	simm.s32 @!p2 $0x0  }
0x1d: {  	s5 =	simm.s32 @p1 $0x1;
	p0 =	seq.s32 s7, s2  }
0x1e: {  	s7 =	smul.u32 @!p0 $0xF7A, s2;
	p2 =	seq.s32 @!p0 s5, $0x0  }
0x1f: {  	s9 =	smul.u32 $0xF7A, s1;
	s8 =	simm.s32 @!p0 $0x1BF5;
	p2 =	por !p2, p0  }
0x20: {  	[sflag:s8] =	ssyncset.s32 @!p0 $0xFFFFF086;
	s6 =	sadd.s32 @!p0 s3, s7;
	s7 =	simm.s32 @!p0 $0x108  }
0x21: {  	s3 =	sadd.s32 s3, s9;
	s6 =	sadd.s32 @!p0 $0x88, s6;
	s7 =	simm.s32 @p2 $0x1082  }
0x22: {  	[simem:s7], [sflag:s8] =	dma.local @!p0 [hbm:s6], $0xF7A  }
0x23: {  	s9 =	sor.u32 $0xD0000000, s2;
	s6 =	simm.s32 $0x108;
	_ =	swait.ge @!p0 [sflag:s8], $0x0  }
0x24: {  	s3 =	sadd.s32 $0x88, s3;
	s6 =	simm.s32 @!p1 $0x1082;
	[sflag:s4] =	ssyncset.s32 $0xFFFFF086  }
0x25: {  	[simem:s6], [sflag:s4] =	dma.local [hbm:s3], $0xF7A  }
0x26: {  	[smem:$0x3F9B] =	sst s1;
	(tag) =	ssettag s2;
	_ =	strace s9  }
0x27: {  	s1 =	sld [smem:$0x3FAB]  }
0x28: {  	s2 =	sld [smem:$0x3FAC]  }
0x29: {  	s4 =	sld [smem:$0x3FAE]  }
0x2a: {  	p0 =	seq.s32 s5, $0x0;
	s5 =	sld [smem:$0x3FAF]  }
0x2b: {  	s6 =	sld [smem:$0x3FB0]  }
0x2c: {  	s7 =	sld [smem:$0x3FB1]  }
0x2d: {  	s3 =	simm.s32 $0x108;
	s8 =	sld [smem:$0x3FB2]  }
0x2e: {  	s3 =	simm.s32 @!p0 $0x1082;
	s9 =	sld [smem:$0x3FB3]  }
0x2f: {  	lr =	sadd.s32 s0, s3;
	s0 =	sld [smem:$0x3FAA]  }
0x30: {  	s3 =	sld [smem:$0x3FAD]  }
0x31: {  	[smem:$0x3FB6] =	sst s10  }
0x32: {  	s10 =	sld [smem:$0x3FB4];
	_ =	sdelay $0x3  }
0x33: {  	p0 =	seq.s32 s10, $0x1;
	s10 =	sld [smem:$0x3FB6];
	_ =	sdelay $0x3  }
0x34: {  	[smem:$0x3FB6] =	sst s10  }
0x35: {  	s10 =	sld [smem:$0x3FB5];
	_ =	sdelay $0x3  }
0x36: {  	p1 =	seq.s32 s10, $0x1;
	s10 =	sld [smem:$0x3FB6];
	_ =	sdelay $0x3  }
0x37: {  	[smem:$0x3FB6] =	sst s10  }
0x38: {  	s10 =	sld [smem:$0x3FB7]  }
0x39: {  	_ = 	snop;
	(pc) =	sbr.ind lr, $3  }
0x3a: {  	_ = 	snop  }
0x3b: {  	_ = 	snop  }
0x3c: {  	p2 =	seq.s32 s10, $0x1;
	s10 =	sld [smem:$0x3FB6]  }
0x3d: {  	_ =	shalt  }
0x3e: {  	_ =	shalt  }
0x3f: {  	_ =	shalt  }
0x40: {  	_ =	shalt  }
0x41: {  	_ =	shalt  }
0x42: {  	_ =	shalt  }
0x43: {  	_ =	shalt  }
0x44: {  	_ =	shalt  }
0x45: {  	_ =	shalt  }
0x46: {  	_ =	shalt  }
0x47: {  	_ =	shalt  }
0x48: {  	_ =	shalt  }
0x49: {  	_ =	shalt  }
0x4a: {  	_ =	shalt  }
0x4b: {  	_ =	shalt  }
0x4c: {  	_ =	shalt  }
0x4d: {  	_ =	shalt  }
0x4e: {  	_ =	shalt  }
0x4f: {  	_ =	shalt  }
0x50: {  	_ =	shalt  }
0x51: {  	_ =	shalt  }
0x52: {  	_ =	shalt  }
0x53: {  	_ =	shalt  }
0x54: {  	_ =	shalt  }
0x55: {  	_ =	shalt  }
0x56: {  	_ =	shalt  }
0x57: {  	_ =	shalt  }
0x58: {  	_ =	shalt  }
0x59: {  	_ =	shalt  }
0x5a: {  	_ =	shalt  }
0x5b: {  	_ =	shalt  }
0x5c: {  	_ =	shalt  }
0x5d: {  	_ =	shalt  }
0x5e: {  	_ =	shalt  }
0x5f: {  	_ =	shalt  }
0x60: {  	_ =	shalt  }
0x61: {  	_ =	shalt  }
0x62: {  	_ =	shalt  }
0x63: {  	_ =	shalt  }
0x64: {  	_ =	shalt  }
0x65: {  	_ =	shalt  }
0x66: {  	_ =	shalt  }
0x67: {  	_ =	shalt  }
0x68: {  	_ =	shalt  }
0x69: {  	_ =	shalt  }
0x6a: {  	_ =	shalt  }
0x6b: {  	_ =	shalt  }
0x6c: {  	_ =	shalt  }
0x6d: {  	_ =	shalt  }
0x6e: {  	_ =	shalt  }
0x6f: {  	_ =	shalt  }
0x70: {  	_ =	shalt  }
0x71: {  	_ =	shalt  }
0x72: {  	_ =	shalt  }
0x73: {  	_ =	shalt  }
0x74: {  	_ =	shalt  }
0x75: {  	_ =	shalt  }
0x76: {  	_ =	shalt  }
0x77: {  	_ =	shalt  }
0x78: {  	_ =	shalt  }
0x79: {  	_ =	shalt  }
0x7a: {  	_ =	shalt  }
0x7b: {  	_ =	shalt  }
0x7c: {  	_ =	shalt  }
0x7d: {  	_ =	shalt  }
0x7e: {  	_ =	shalt  }
0x7f: {  	_ =	shalt  }
0x80: {  	_ =	shalt  }
0x81: {  	_ =	shalt  }
0x82: {  	_ =	shalt  }
0x83: {  	_ =	shalt  }
0x84: {  	_ =	shalt  }
0x85: {  	_ =	shalt  }
0x86: {  	_ =	shalt  }
0x87: {  	_ =	shalt  }
.Lfunc_end0:
.L_simem_size_0:
called_computation.1_lowered:
.L_overlay_start_0:
0x88: {  	s2 =	sld [smem:$0x3FD9]  }
0x89: {  	s3 =	sld [smem:$0x3FFE];
	_ =	sdelay $0x1  }
0x8a: {  	s1 =	srdreg.scid  }
0x8b: {  	s0 =	sand.u32 $0x1, s1  }
0x8c: {  	s17 =	sshll.u32 s0, $0xA;
	s2 =	sadd.s32 s3, s2  }
0x8d: {  	s2 =	sadd.s32 s2, s17  }
0x8e: {  	[smem:$0x3FC2] =	sst s2  }
0x8f: {  	_ = 	snop  }
0x90: {  	s2 =	sld [smem:$0x3FD0];
	(tm) =	ssettm $0x1  }
0x91: {  	s18 =	sld [smem:$0x3FFB];
	_ =	sdelay $0x3  }
0x92: {  	_ =	strace s18  }
0x93: {  	s3 =	sld [smem:$0x3FFC];
	_ =	sdelay $0x3  }
0x94: {  	_ =	strace s3  }
0x95: {  	s3 =	sld [smem:$0x3FFD];
	_ =	sdelay $0x3  }
0x96: {  	_ =	strace s3  }
0x97: {  	_ =	strace $0x8FFFFFFF  }
0x98: {  	s19 =	sld [smem:$0x3FDB];
	_ =	sdelay $0x1  }
0x99: {  	s4 =	simm.s32 $_scs_section_size  }
0x9a: {  	s5 =	simm.s32 $_size__tile_overlayer_lowered;
	s6 =	simm.s32 $_tile_overlayer_lowered  }
0x9b: {  	s22 =	simm.s32 $0x1BFF;
	s21 =	sshll.u32 s6, $0x1;
	s3 =	sadd.s32 s4, s19  }
0x9c: {  	s7 =	simm.s32 $0x0;
	s20 =	sshll.u32 s5, $0x1;
	s5 =	sadd.s32 s21, s3  }
0x9d: {  	[timem:s7], [sflag:s22] =	dma.local [hbm:s5], s20  }
0x9e: {  	_ =	swait.ge [sflag:s22], s20  }
0x9f: {  	s4 =	ssub.s32 $0x0, s20;
	[sflag:s22] =	ssyncset.done $0x0  }
0xa0: {  	[sflag:s22] =	ssyncadd.s32 s4;
	_ =	sdelay $0x1  }
0xa1: {  	s23 =	simm.s32 $0x1B8B  }
0xa2: {  	_ =	swait.ge [sflag:s23], $0x1  }
0xa3: {  	[sflag:s23] =	ssyncset.done $0x0  }
0xa4: {  	s25 =	simm.s32 $0x1B8E;
	s24 =	sld [smem:$0x3FFE];
	[sflag:s23] =	ssyncadd.s32 $0xFFFFFFFF  }
0xa5: {  	s26 =	simm.s32 $execute0_lowered;
	[smem:$0x3FD2] =	sst s25  }
0xa6: {  	s5 =	sshll.u32 s26, $0x1;
	_ =	strace $0x80000049;
	[dreg:$0x1] =	wrdreg $0xFFFFFFFF  }
0xa7: {  	s28 =	simm.s32 $_size_execute0_lowered;
	s3 =	sadd.s32 s3, s5;
	[dreg:$0x0] =	wrdreg $0x0  }
0xa8: {  	s5 =	sshll.u32 s28, $0x1;
	[dreg:$0x2] =	wrdreg s3  }
0xa9: {  	[dreg:$0x3] =	wrdreg s5  }
0xaa: {  	[dreg:$0x4] =	wrdreg $0xC0  }
0xab: {  	_ =	task [dreg:s7], $0x5FFFF  }
0xac: {  	[dreg:$0x1] =	wrdreg $0xFFFFFFFF  }
0xad: {  	[dreg:$0x0] =	wrdreg $0x60  }
0xae: {  	[dreg:$0x2] =	wrdreg s2  }
0xaf: {  	[dreg:$0x3] =	wrdreg s24  }
0xb0: {  	[dreg:$0x4] =	wrdreg $0x130000  }
0xb1: {  	[dreg:$0x5] =	wrdreg $0x90000  }
0xb2: {  	[dreg:$0x6] =	wrdreg $0x9  }
0xb3: {  	_ =	task.clear_ibuf [dreg:s7], $0x7FFFF;
	_ =	strace $0x90000049  }
0xb4: {  	s29 =	simm.s32 $0x9;
	_ =	strace $0x8000004B  }
0xb5: {  	_ =	swait.ge [sflag:s29], $0x1  }
0xb6: {  	[sflag:s29] =	ssyncadd.s32 $0xFFFFFFFF  }
0xb7: {  	_ =	strace $0x9000004B  }
0xb8: {  	_ =	sfence  }
0xb9: {  	s30 =	sld [smem:$0x0];
	_ =	sdelay $0x2  }
0xba: {  	s31 =	sshll.u32 s1, $0xD;
	s1 =	sshrl.u32 s1, $0x2  }
0xbb: {  	s3 =	sand.u32 $0x4000, s31;
	s1 =	sadd.s32 s1, s30  }
0xbc: {  	s0 =	sor.u32 s3, s0;
	s1 =	sshll.u32 s1, $0x11  }
0xbd: {  	s0 =	sor.u32 s1, s0  }
0xbe: {  	s0 =	sadd.s32 $0x8F2B, s0  }
0xbf: {  	[sflag:s0] =	ssyncadd.remote.s32 $0x1  }
0xc0: {  	_ =	sfence.sel $0xFFFF  }
0xc1: {  	[dreg:$0x0] =	wrdreg $0xFFFFFFFF;
	(pc) =	sbr.abs _section_cstart, $3  }
0xc2: {  	[dreg:$0x1] =	wrdreg $0xFFFFFFFF  }
0xc3: {  	_ =	task.clear_ibuf [dreg:s7], $0x2FFFF;
	_ =	strace $0x9FFFFFFF  }
0xc4: {  	(tm) =	ssettm $0x7FFFFFFF  }
0xc5: {  	_ =	shalt  }
tec
execute0_lowered:
.L_overlay_start_1:
0x0: {  	(tag) =	ssettag $0x1  }
0x1: {  	s0 =	rddreg [dreg:$0x0]  }
0x2: {  	s1 =	rddreg [dreg:$0x1]  }
0x3: {  	s3 =	srdreg.scid;
	s2 =	rddreg [dreg:$0x2]  }
0x4: {  	s7 =	stileid.u32;
	s4 =	simm.s32 $0x0;
	s30 =	simm.s32 $0x5000  }
0x5: {  	s31 =	simm.s32 $0x3;
	s5 =	sand.u32 $0x1, s3;
	s3 =	rddreg [dreg:$0x3]  }
0x6: {  	[smem:$0x7FF] =	sst s4;
	s9 =	smul.u32 $0xA000, s7;
	s14 =	sadd.s32 $0x16200, s1  }
0x7: {  	s6 =	sshll.u32 s5, $0x4;
	_ =	strace $0x8000004A;
	s13 =	ssub.s32 $0x2, s5  }
0x8: {  	[dreg:$0x5] =	wrdreg s14;
	s5 =	smul.u32 $0xA0000, s5;
	s6 =	sor.u32 s7, s6  }
0x9: {  	s15 =	sshrl.u32 s13, $0x1;
	s11 =	sadd.s32 $0x2000, s9;
	s21 =	sadd.s32 $0x4000, s9  }
0xa: {  	s12 =	sshrl.u32 s9, $0x3;
	s23 =	sadd.s32 $0x6000, s9;
	s25 =	sadd.s32 $0x8000, s9  }
0xb: {  	s6 =	smul.u32 $0x500, s6;
	s10 =	ssub.s32 s13, s15;
	s7 =	sadd.s32 s11, s2  }
0xc: {  	s12 =	sadd.s32 s0, s12;
	s16 =	sshrl.u32 s11, $0x3;
	s13 =	sshrl.u32 s21, $0x3  }
0xd: {  	s18 =	sshrl.u32 s23, $0x3;
	s19 =	sadd.s32 s9, s5;
	s20 =	sadd.s32 s5, s11  }
0xe: {  	s14 =	sshrl.u32 s25, $0x3;
	s22 =	sadd.s32 s5, s21;
	s24 =	sadd.s32 s5, s23  }
0xf: {  	s5 =	sadd.s32 s5, s25;
	[dreg:$0x6] =	wrdreg s12;
	s12 =	sadd.s32 s0, s16  }
0x10: {  	s17 =	sadd.s32 s0, s13;
	s15 =	sshrl.u32 s19, $0x3;
	s16 =	sshrl.u32 s20, $0x3  }
0x11: {  	s26 =	sshrl.u32 s24, $0x3;
	s5 =	sshrl.u32 s5, $0x3;
	s19 =	sadd.s32 s9, s3  }
0x12: {  	s20 =	sadd.s32 s11, s3;
	s24 =	sadd.s32 s25, s2;
	s25 =	sadd.s32 s25, s3  }
0x13: {  	s29 =	smax.u32 s10, $0x1;
	s8 =	sadd.s32 s6, s1;
	[dreg:$0x7] =	wrdreg s12  }
0x14: {  	s1 =	sadd.s32 $0x16600, s1;
	s6 =	sadd.s32 s9, s2;
	[dreg:$0x8] =	wrdreg s17  }
0x15: {  	s12 =	sadd.s32 s0, s18;
	s0 =	sadd.s32 s0, s14;
	s18 =	sadd.s32 s21, s2  }
0x16: {  	s21 =	sadd.s32 s21, s3;
	s9 =	simm.s32 $0x0;
	[dreg:$0x9] =	wrdreg s12  }
0x17: {  	[dreg:$0xa] =	wrdreg s0;
	s13 =	sadd.s32 s1, s15;
	s14 =	sadd.s32 s1, s16  }
0x18: {  	s0 =	sshrl.u32 s22, $0x3;
	s16 =	sadd.s32 s1, s26;
	s17 =	sadd.s32 s1, s5  }
0x19: {  	s22 =	sadd.s32 s23, s2;
	s23 =	sadd.s32 s23, s3;
	s26 =	sadd.s32 $0xC200, s8  }
0x1a: {  	s28 =	sadd.s32 $0x1E00, s8;
	s5 =	simm.s32 $0x1;
	s8 =	simm.s32 $0x2  }
0x1b: {  	s15 =	sadd.s32 s1, s0;
	s1 =	simm.s32 $0x80;
	s0 =	simm.s32 $0x7000  }
.LBB2_1:
0x1c: {  	s10 =	rddreg [dreg:$0x5]  }
0x1d: {  	[tilespmem:s30], [sflag:$0x3] =	stream.linear.gather [hbm4b:s10+s4], $0x2000, $0x38;
	[tilespmem:$0x1D000] =	vst v63  }
0x1e: {  	_ =	swait.ge [sflag:s31], $0x2000  }
0x1f: {  	[sflag:s31] =	ssyncset.done $0x0  }
0x20: {  	[sflag:s31] =	ssyncadd.s32 $0xFFFFE000  }
0x21: {  	[spmem:s6] =	stream.linear.scatter [tilespmem:s30], [sflag:$0x3], $0x2000, $0x38;
	[tilespmem:$0x1D000] =	vst v63  }
0x22: {  	_ =	swait.ge [sflag:s31], $0x2000  }
0x23: {  	[sflag:s31] =	ssyncset.done $0x0  }
0x24: {  	[sflag:s31] =	ssyncadd.s32 $0xFFFFE000  }
0x25: {  	[spmem:s7] =	stream.linear.scatter [tilespmem:s30], [sflag:$0x3], $0x2000, $0x38;
	[tilespmem:$0x1D000] =	vst v63  }
0x26: {  	_ =	swait.ge [sflag:s31], $0x2000  }
0x27: {  	[sflag:s31] =	ssyncset.done $0x0  }
0x28: {  	[sflag:s31] =	ssyncadd.s32 $0xFFFFE000  }
0x29: {  	[spmem:s18] =	stream.linear.scatter [tilespmem:s30], [sflag:$0x3], $0x2000, $0x38;
	[tilespmem:$0x1D000] =	vst v63  }
0x2a: {  	_ =	swait.ge [sflag:s31], $0x2000  }
0x2b: {  	[sflag:s31] =	ssyncset.done $0x0  }
0x2c: {  	[sflag:s31] =	ssyncadd.s32 $0xFFFFE000  }
0x2d: {  	[spmem:s22] =	stream.linear.scatter [tilespmem:s30], [sflag:$0x3], $0x2000, $0x38;
	[tilespmem:$0x1D000] =	vst v63  }
0x2e: {  	_ =	swait.ge [sflag:s31], $0x2000  }
0x2f: {  	[sflag:s31] =	ssyncset.done $0x0  }
0x30: {  	[sflag:s31] =	ssyncadd.s32 $0xFFFFE000  }
0x31: {  	[spmem:s24] =	stream.linear.scatter [tilespmem:s30], [sflag:$0x3], $0x2000, $0x38;
	[tilespmem:$0x1D000] =	vst v63  }
0x32: {  	_ =	swait.ge [sflag:s31], $0x2000  }
0x33: {  	[sflag:s31] =	ssyncset.done $0x0  }
0x34: {  	s12 =	rddreg [dreg:$0x6];
	[sflag:s31] =	ssyncadd.s32 $0xFFFFE000  }
0x35: {  	[tilespmem:s30], [sflag:$0x3] =	stream.linear.gather [hbm4b:s12+s4], $0x2000, $0x38;
	[tilespmem:$0x1D000] =	vst v63  }
0x36: {  	_ =	swait.ge [sflag:s31], $0x2000  }
0x37: {  	[sflag:s31] =	ssyncset.done $0x0  }
0x38: {  	[sflag:s31] =	ssyncadd.s32 $0xFFFFE000  }
0x39: {  	[spmem:s19] =	stream.linear.scatter [tilespmem:s30], [sflag:$0x3], $0x2000, $0x38;
	[tilespmem:$0x1D000] =	vst v63  }
0x3a: {  	_ =	swait.ge [sflag:s31], $0x2000  }
0x3b: {  	[sflag:s31] =	ssyncset.done $0x0  }
0x3c: {  	s11 =	rddreg [dreg:$0x7];
	[sflag:s31] =	ssyncadd.s32 $0xFFFFE000  }
0x3d: {  	[tilespmem:s30], [sflag:$0x3] =	stream.linear.gather [hbm4b:s11+s4], $0x2000, $0x38;
	[tilespmem:$0x1D000] =	vst v63  }
0x3e: {  	_ =	swait.ge [sflag:s31], $0x2000  }
0x3f: {  	[sflag:s31] =	ssyncset.done $0x0  }
0x40: {  	[sflag:s31] =	ssyncadd.s32 $0xFFFFE000  }
0x41: {  	[spmem:s20] =	stream.linear.scatter [tilespmem:s30], [sflag:$0x3], $0x2000, $0x38;
	[tilespmem:$0x1D000] =	vst v63  }
0x42: {  	_ =	swait.ge [sflag:s31], $0x2000  }
0x43: {  	[sflag:s31] =	ssyncset.done $0x0  }
0x44: {  	s12 =	rddreg [dreg:$0x8];
	[sflag:s31] =	ssyncadd.s32 $0xFFFFE000  }
0x45: {  	[tilespmem:s30], [sflag:$0x3] =	stream.linear.gather [hbm4b:s12+s4], $0x2000, $0x38;
	[tilespmem:$0x1D000] =	vst v63  }
0x46: {  	_ =	swait.ge [sflag:s31], $0x2000  }
0x47: {  	[sflag:s31] =	ssyncset.done $0x0  }
0x48: {  	[sflag:s31] =	ssyncadd.s32 $0xFFFFE000  }
0x49: {  	[spmem:s21] =	stream.linear.scatter [tilespmem:s30], [sflag:$0x3], $0x2000, $0x38;
	[tilespmem:$0x1D000] =	vst v63  }
0x4a: {  	_ =	swait.ge [sflag:s31], $0x2000  }
0x4b: {  	[sflag:s31] =	ssyncset.done $0x0  }
0x4c: {  	s11 =	rddreg [dreg:$0x9];
	[sflag:s31] =	ssyncadd.s32 $0xFFFFE000  }
0x4d: {  	[tilespmem:s30], [sflag:$0x3] =	stream.linear.gather [hbm4b:s11+s4], $0x2000, $0x38;
	[tilespmem:$0x1D000] =	vst v63  }
0x4e: {  	_ =	swait.ge [sflag:s31], $0x2000  }
0x4f: {  	[sflag:s31] =	ssyncset.done $0x0  }
0x50: {  	[sflag:s31] =	ssyncadd.s32 $0xFFFFE000  }
0x51: {  	[spmem:s23] =	stream.linear.scatter [tilespmem:s30], [sflag:$0x3], $0x2000, $0x38;
	[tilespmem:$0x1D000] =	vst v63  }
0x52: {  	_ =	swait.ge [sflag:s31], $0x2000  }
0x53: {  	[sflag:s31] =	ssyncset.done $0x0  }
0x54: {  	s12 =	rddreg [dreg:$0xa];
	[sflag:s31] =	ssyncadd.s32 $0xFFFFE000  }
0x55: {  	[tilespmem:s30], [sflag:$0x3] =	stream.linear.gather [hbm4b:s12+s4], $0x2000, $0x38;
	[tilespmem:$0x1D000] =	vst v63  }
0x56: {  	_ =	swait.ge [sflag:s31], $0x2000  }
0x57: {  	[sflag:s31] =	ssyncset.done $0x0  }
0x58: {  	[sflag:s31] =	ssyncadd.s32 $0xFFFFE000  }
0x59: {  	[spmem:s25] =	stream.linear.scatter [tilespmem:s30], [sflag:$0x3], $0x2000, $0x38;
	[tilespmem:$0x1D000] =	vst v63  }
0x5a: {  	_ =	swait.ge [sflag:s31], $0x2000  }
0x5b: {  	[sflag:s31] =	ssyncset.done $0x0  }
0x5c: {  	[sflag:s31] =	ssyncadd.s32 $0xFFFFE000  }
0x5d: {  	[tilespmem:s4], [sflag:$0x3] =	stream.linear.gather [hbm4b:s26+s4], $0x2800, $0x38;
	[tilespmem:$0x1D000] =	vst v63  }
0x5e: {  	_ =	swait.ge [sflag:s31], $0x2800  }
0x5f: {  	[sflag:s31] =	ssyncset.done $0x0  }
0x60: {  	s11 =	simm.s32 $0x2800;
	[sflag:s31] =	ssyncadd.s32 $0xFFFFD800  }
0x61: {  	[tilespmem:s11], [sflag:$0x3] =	stream.linear.gather [hbm4b:s28+s4], $0x2800, $0x38;
	[tilespmem:$0x1D000] =	vst v63  }
0x62: {  	_ =	swait.ge [sflag:s31], $0x2800  }
0x63: {  	[sflag:s31] =	ssyncset.done $0x0  }
0x64: {  	[sflag:s31] =	ssyncadd.s32 $0xFFFFD800  }
0x65: {  	[bflag:$0x0] =	sbarrier.arrive $0xFFFF  }
0x66: {  	[tilespmem:s30], [sflag:$0x1] =	stream.indirect.gather [spmem:s3], $0x40, s4, s1, $0xb8;
	[tilespmem:$0x1D000] =	vst v63  }
0x67: {  	_ = 	snop  }
0x68: {  	[tilespmem:s0], [sflag:$0x2] =	stream.indirect.gather [spmem:s3], $0x40, s1, s1, $0xb8;
	[tilespmem:$0x1D000] =	vst v63  }
0x69: {  	_ =	swait.ge [sflag:s5], $0x2000  }
0x6a: {  	[sflag:s5] =	ssyncset.done $0x0  }
0x6b: {  	s12 =	simm.s32 $0x2800;
	[sflag:s5] =	ssyncadd.s32 $0xFFFFE000  }
0x6c: {  	[spmem:s2] =	stream.indirect.scatter.add.f32 [tilespmem:s30], [sflag:$0x3], $0x40, s12, s1, $0xb8;
	[tilespmem:$0x1D000] =	vst v63  }
0x6d: {  	_ =	swait.ge [sflag:s31], $0x2000  }
0x6e: {  	[sflag:s31] =	ssyncset.done $0x0  }
0x6f: {  	s11 =	simm.s32 $0x100;
	[sflag:s31] =	ssyncadd.s32 $0xFFFFE000  }
0x70: {  	[tilespmem:s30], [sflag:$0x1] =	stream.indirect.gather [spmem:s3], $0x40, s11, s1, $0xb8;
	[tilespmem:$0x1D000] =	vst v63  }
0x71: {  	_ =	swait.ge [sflag:s8], $0x2000  }
0x72: {  	[sflag:s8] =	ssyncset.done $0x0  }
0x73: {  	s12 =	simm.s32 $0x2880;
	[sflag:s8] =	ssyncadd.s32 $0xFFFFE000  }
0x74: {  	[spmem:s2] =	stream.indirect.scatter.add.f32 [tilespmem:s0], [sflag:$0x3], $0x40, s12, s1, $0xb8;
	[tilespmem:$0x1D000] =	vst v63  }
0x75: {  	_ =	swait.ge [sflag:s31], $0x2000  }
0x76: {  	[sflag:s31] =	ssyncset.done $0x0  }
0x77: {  	s10 =	simm.s32 $0x400;
	s11 =	simm.s32 $0x180;
	[sflag:s31] =	ssyncadd.s32 $0xFFFFE000  }
.LBB2_2:
0x78: {  	[tilespmem:s0], [sflag:$0x2] =	stream.indirect.gather [spmem:s3], $0x40, s11, s1, $0xb8;
	[tilespmem:$0x1D000] =	vst v63  }
0x79: {  	s11 =	smov.u32 s10  }
0x7a: {  	p0 =	sne.s32 s10, $0x9800;
	s10 =	sadd.s32 $0x400, s10;
	_ =	swait.ge [sflag:s5], $0x2000  }
0x7b: {  	s11 =	sshra.s32 s11, $0x2;
	[sflag:s5] =	ssyncset.done $0x0  }
0x7c: {  	s12 =	sadd.s32 $0x2800, s11;
	[sflag:s5] =	ssyncadd.s32 $0xFFFFE000  }
0x7d: {  	[spmem:s2] =	stream.indirect.scatter.add.f32 [tilespmem:s30], [sflag:$0x3], $0x40, s12, s1, $0xb8;
	[tilespmem:$0x1D000] =	vst v63  }
0x7e: {  	_ =	swait.ge [sflag:s31], $0x2000  }
0x7f: {  	[sflag:s31] =	ssyncset.done $0x0  }
0x80: {  	s12 =	sadd.s32 $0x100, s11;
	[sflag:s31] =	ssyncadd.s32 $0xFFFFE000  }
0x81: {  	[tilespmem:s30], [sflag:$0x1] =	stream.indirect.gather [spmem:s3], $0x40, s12, s1, $0xb8;
	[tilespmem:$0x1D000] =	vst v63  }
0x82: {  	_ =	swait.ge [sflag:s8], $0x2000  }
0x83: {  	[sflag:s8] =	ssyncset.done $0x0  }
.Ltmp0:
0x84: {  	s12 =	sadd.s32 $0x2880, s11;
	[sflag:s8] =	ssyncadd.s32 $0xFFFFE000;
	(pc) =	sbr.rel @p0 .LBB2_2-.Ltmp0, $4  }
0x85: {  	[spmem:s2] =	stream.indirect.scatter.add.f32 [tilespmem:s0], [sflag:$0x3], $0x40, s12, s1, $0xb8;
	[tilespmem:$0x1D000] =	vst v63  }
0x86: {  	_ =	swait.ge [sflag:s31], $0x2000  }
0x87: {  	[sflag:s31] =	ssyncset.done $0x0  }
0x88: {  	s11 =	sadd.s32 $0x180, s11;
	[sflag:s31] =	ssyncadd.s32 $0xFFFFE000  }
0x89: {  	[tilespmem:s0], [sflag:$0x2] =	stream.indirect.gather [spmem:s3], $0x40, s11, s1, $0xb8;
	[tilespmem:$0x1D000] =	vst v63  }
0x8a: {  	_ =	swait.ge [sflag:s5], $0x2000  }
0x8b: {  	[sflag:s5] =	ssyncset.done $0x0  }
0x8c: {  	s10 =	simm.s32 $0x4F00;
	[sflag:s5] =	ssyncadd.s32 $0xFFFFE000  }
0x8d: {  	[spmem:s2] =	stream.indirect.scatter.add.f32 [tilespmem:s30], [sflag:$0x3], $0x40, s10, s1, $0xb8;
	[tilespmem:$0x1D000] =	vst v63  }
0x8e: {  	_ =	swait.ge [sflag:s31], $0x2000  }
0x8f: {  	[sflag:s31] =	ssyncset.done $0x0  }
0x90: {  	[sflag:s31] =	ssyncadd.s32 $0xFFFFE000  }
0x91: {  	_ =	swait.ge [sflag:s8], $0x2000  }
0x92: {  	[sflag:s8] =	ssyncset.done $0x0  }
0x93: {  	s12 =	simm.s32 $0x4F80;
	[sflag:s8] =	ssyncadd.s32 $0xFFFFE000  }
0x94: {  	[spmem:s2] =	stream.indirect.scatter.add.f32 [tilespmem:s0], [sflag:$0x3], $0x40, s12, s1, $0xb8;
	[tilespmem:$0x1D000] =	vst v63  }
0x95: {  	_ =	swait.ge [sflag:s31], $0x2000  }
0x96: {  	[sflag:s31] =	ssyncset.done $0x0  }
0x97: {  	[sflag:s31] =	ssyncadd.s32 $0xFFFFE000  }
0x98: {  	[bflag:$0x0] =	sbarrier.arrive $0xFFFF  }
0x99: {  	[tilespmem:s30], [sflag:$0x3] =	stream.linear.gather [spmem:s6], $0x2000, $0x38;
	[tilespmem:$0x1D000] =	vst v63  }
0x9a: {  	_ =	swait.ge [sflag:s31], $0x2000  }
0x9b: {  	[sflag:s31] =	ssyncset.done $0x0  }
0x9c: {  	[sflag:s31] =	ssyncadd.s32 $0xFFFFE000  }
0x9d: {  	[hbm4b:s13+s4] =	stream.linear.scatter [tilespmem:s30], [sflag:$0x3], $0x2000, $0x38;
	[tilespmem:$0x1D000] =	vst v63  }
0x9e: {  	_ =	swait.ge [sflag:s31], $0x2000  }
0x9f: {  	[sflag:s31] =	ssyncset.done $0x0  }
0xa0: {  	[sflag:s31] =	ssyncadd.s32 $0xFFFFE000  }
0xa1: {  	[tilespmem:s30], [sflag:$0x3] =	stream.linear.gather [spmem:s7], $0x2000, $0x38;
	[tilespmem:$0x1D000] =	vst v63  }
0xa2: {  	_ =	swait.ge [sflag:s31], $0x2000  }
0xa3: {  	[sflag:s31] =	ssyncset.done $0x0  }
0xa4: {  	[sflag:s31] =	ssyncadd.s32 $0xFFFFE000  }
0xa5: {  	[hbm4b:s14+s4] =	stream.linear.scatter [tilespmem:s30], [sflag:$0x3], $0x2000, $0x38;
	[tilespmem:$0x1D000] =	vst v63  }
0xa6: {  	_ =	swait.ge [sflag:s31], $0x2000  }
0xa7: {  	[sflag:s31] =	ssyncset.done $0x0  }
0xa8: {  	[sflag:s31] =	ssyncadd.s32 $0xFFFFE000  }
0xa9: {  	[tilespmem:s30], [sflag:$0x3] =	stream.linear.gather [spmem:s18], $0x2000, $0x38;
	[tilespmem:$0x1D000] =	vst v63  }
0xaa: {  	_ =	swait.ge [sflag:s31], $0x2000  }
0xab: {  	[sflag:s31] =	ssyncset.done $0x0  }
0xac: {  	[sflag:s31] =	ssyncadd.s32 $0xFFFFE000  }
0xad: {  	[hbm4b:s15+s4] =	stream.linear.scatter [tilespmem:s30], [sflag:$0x3], $0x2000, $0x38;
	[tilespmem:$0x1D000] =	vst v63  }
0xae: {  	_ =	swait.ge [sflag:s31], $0x2000  }
0xaf: {  	[sflag:s31] =	ssyncset.done $0x0  }
0xb0: {  	[sflag:s31] =	ssyncadd.s32 $0xFFFFE000  }
0xb1: {  	[tilespmem:s30], [sflag:$0x3] =	stream.linear.gather [spmem:s22], $0x2000, $0x38;
	[tilespmem:$0x1D000] =	vst v63  }
0xb2: {  	_ =	swait.ge [sflag:s31], $0x2000  }
0xb3: {  	[sflag:s31] =	ssyncset.done $0x0  }
0xb4: {  	[sflag:s31] =	ssyncadd.s32 $0xFFFFE000  }
0xb5: {  	[hbm4b:s16+s4] =	stream.linear.scatter [tilespmem:s30], [sflag:$0x3], $0x2000, $0x38;
	[tilespmem:$0x1D000] =	vst v63  }
0xb6: {  	_ =	swait.ge [sflag:s31], $0x2000  }
0xb7: {  	[sflag:s31] =	ssyncset.done $0x0  }
0xb8: {  	[sflag:s31] =	ssyncadd.s32 $0xFFFFE000  }
0xb9: {  	[tilespmem:s30], [sflag:$0x3] =	stream.linear.gather [spmem:s24], $0x2000, $0x38;
	[tilespmem:$0x1D000] =	vst v63  }
0xba: {  	s9 =	sadd.s32 $0x1, s9;
	_ =	swait.ge [sflag:s31], $0x2000  }
0xbb: {  	p0 =	sne.s32 s9, s29;
	[sflag:s31] =	ssyncset.done $0x0  }
.Ltmp1:
0xbc: {  	[sflag:s31] =	ssyncadd.s32 $0xFFFFE000;
	(pc) =	sbr.rel @p0 .LBB2_1-.Ltmp1, $4  }
0xbd: {  	[hbm4b:s17+s4] =	stream.linear.scatter [tilespmem:s30], [sflag:$0x3], $0x2000, $0x38;
	[tilespmem:$0x1D000] =	vst v63  }
0xbe: {  	_ =	swait.ge [sflag:s31], $0x2000  }
0xbf: {  	[sflag:s31] =	ssyncset.done $0x0  }
0xc0: {  	[sflag:s31] =	ssyncadd.s32 $0xFFFFE000  }
0xc1: {  	_ =	sfence.sel $0x180000  }
0xc2: {  	[bflag:$0x0] =	sbarrier.arrive $0xFFFF  }
0xc3: {  	_ =	strace $0x9000004A  }
0xc4: {  	s0 =	stileid.u32;
	[bflag:$0x2] =	sbarrier.arrive $0xFFFF  }
0xc5: {  	p0 =	sne.s32 s0, $0x0;
	s0 =	rddreg [dreg:$0x4]  }
0xc6: {  	s0 =	sadd.s32 @!p0 $0x100000, s0  }
0xc7: {  	[sflag:s0] =	ssyncadd.tile.s32 @!p0 $0x1;
	_ =	shalt  }
.Lfunc_end2:
_tile_overlayer_lowered:
.L_overlay_start_2:
0xc8: {  	(tag) =	ssettag $0x2  }
0xc9: {  	s0 =	rddreg [dreg:$0x0];
	s2 =	stileid.u32  }
0xca: {  	s1 =	rddreg [dreg:$0x1];
	p0 =	sne.s32 s2, $0x0  }
0xcb: {  	s3 =	rddreg [dreg:$0x2];
	[bflag:$0x3] =	sbarrier.arrive $0xFFFF;
	s2 =	simm.s32 @!p0 $0x1C03  }
0xcc: {  	[timem:s3], [sflag:s2] =	dma.local @!p0 [hbm:s0], s1  }
0xcd: {  	s0 =	simm.s32 @!p0 $0x3  }
0xce: {  	_ =	swait.ge @!p0 [sflag:s0], s1  }
0xcf: {  	s1 =	ssub.s32 @!p0 $0x0, s1;
	[sflag:s0] =	ssyncset.done @!p0 $0x0  }
0xd0: {  	[sflag:s0] =	ssyncadd.s32 @!p0 s1  }
0xd1: {  	[bflag:$0x3] =	sbarrier.arrive $0xFFFF  }
0xd2: {  	_ =	shalt  }

// kernel: kernel.14.cloned.1.call-start
scs
__scs_entry_jumppad:
0x0: {  	(pc) =	sbr.rel $0x88, $3  }
0x1: {  	(tag) =	ssettag $0x0;
	lr =	simm.s32 $0x1  }
0x2: {  	[smem:$0x3F9B] =	sst lr;
	_ =	strace $0xD0000000  }
0x3: {  	_ = 	snop  }
0x4: {  	_ = 	snop  }
0x5: {  	_ = 	snop  }
0x6: {  	_ = 	snop  }
0x7: {  	_ = 	snop  }
__scs_overlays_trampoline_lowered:
0x8: {  	[smem:$0x3FAA] =	sst s0  }
0x9: {  	[smem:$0x3FAB] =	sst s1  }
0xa: {  	[smem:$0x3FAC] =	sst s2  }
0xb: {  	[smem:$0x3FAD] =	sst s3  }
0xc: {  	[smem:$0x3FAE] =	sst s4  }
0xd: {  	[smem:$0x3FAF] =	sst s5  }
0xe: {  	[smem:$0x3FB0] =	sst s6  }
0xf: {  	[smem:$0x3FB1] =	sst s7  }
0x10: {  	[smem:$0x3FB2] =	sst s8  }
0x11: {  	[smem:$0x3FB3] =	sst s9;
	s0 =	simm.s32 @!p0 $0x0  }
0x12: {  	s1 =	sld [smem:$0x3F99];
	s0 =	simm.s32 @p0 $0x1  }
0x13: {  	[smem:$0x3FB4] =	sst s0;
	s0 =	simm.s32 @!p1 $0x0  }
0x14: {  	s2 =	sld [smem:$0x3F98];
	s0 =	simm.s32 @p1 $0x1  }
0x15: {  	[smem:$0x3FB5] =	sst s0;
	s0 =	simm.s32 @!p2 $0x0  }
0x16: {  	s3 =	sld [smem:$0x3FDB];
	s0 =	simm.s32 @p2 $0x1  }
0x17: {  	s4 =	simm.s32 $0x1BF5;
	[smem:$0x3FB7] =	sst s0  }
0x18: {  	s0 =	sld [smem:$0x3F9A];
	_ =	swait.ge [sflag:s4], $0x0  }
0x19: {  	s7 =	sld [smem:$0x3F9B]  }
0x1a: {  	s8 =	sadd.s32 $0xFFFFE003, lr  }
0x1b: {  	s9 =	sadd.s32 $0xFFFFFEF7, lr;
	s5 =	simm.s32 $0xFFFFFFFF;
	p2 =	slt.u32 s8, $0xFFFFF086  }
0x1c: {  	p1 =	slt.u32 s9, $0xF7A;
	s5 =	simm.s32 @!p2 $0x0  }
0x1d: {  	s5 =	simm.s32 @p1 $0x1;
	p0 =	seq.s32 s7, s2  }
0x1e: {  	s7 =	smul.u32 @!p0 $0xF7A, s2;
	p2 =	seq.s32 @!p0 s5, $0x0  }
0x1f: {  	s9 =	smul.u32 $0xF7A, s1;
	s8 =	simm.s32 @!p0 $0x1BF5;
	p2 =	por !p2, p0  }
0x20: {  	[sflag:s8] =	ssyncset.s32 @!p0 $0xFFFFF086;
	s6 =	sadd.s32 @!p0 s3, s7;
	s7 =	simm.s32 @!p0 $0x108  }
0x21: {  	s3 =	sadd.s32 s3, s9;
	s6 =	sadd.s32 @!p0 $0x88, s6;
	s7 =	simm.s32 @p2 $0x1082  }
0x22: {  	[simem:s7], [sflag:s8] =	dma.local @!p0 [hbm:s6], $0xF7A  }
0x23: {  	s9 =	sor.u32 $0xD0000000, s2;
	s6 =	simm.s32 $0x108;
	_ =	swait.ge @!p0 [sflag:s8], $0x0  }
0x24: {  	s3 =	sadd.s32 $0x88, s3;
	s6 =	simm.s32 @!p1 $0x1082;
	[sflag:s4] =	ssyncset.s32 $0xFFFFF086  }
0x25: {  	[simem:s6], [sflag:s4] =	dma.local [hbm:s3], $0xF7A  }
0x26: {  	[smem:$0x3F9B] =	sst s1;
	(tag) =	ssettag s2;
	_ =	strace s9  }
0x27: {  	s1 =	sld [smem:$0x3FAB]  }
0x28: {  	s2 =	sld [smem:$0x3FAC]  }
0x29: {  	s4 =	sld [smem:$0x3FAE]  }
0x2a: {  	p0 =	seq.s32 s5, $0x0;
	s5 =	sld [smem:$0x3FAF]  }
0x2b: {  	s6 =	sld [smem:$0x3FB0]  }
0x2c: {  	s7 =	sld [smem:$0x3FB1]  }
0x2d: {  	s3 =	simm.s32 $0x108;
	s8 =	sld [smem:$0x3FB2]  }
0x2e: {  	s3 =	simm.s32 @!p0 $0x1082;
	s9 =	sld [smem:$0x3FB3]  }
0x2f: {  	lr =	sadd.s32 s0, s3;
	s0 =	sld [smem:$0x3FAA]  }
0x30: {  	s3 =	sld [smem:$0x3FAD]  }
0x31: {  	[smem:$0x3FB6] =	sst s10  }
0x32: {  	s10 =	sld [smem:$0x3FB4];
	_ =	sdelay $0x3  }
0x33: {  	p0 =	seq.s32 s10, $0x1;
	s10 =	sld [smem:$0x3FB6];
	_ =	sdelay $0x3  }
0x34: {  	[smem:$0x3FB6] =	sst s10  }
0x35: {  	s10 =	sld [smem:$0x3FB5];
	_ =	sdelay $0x3  }
0x36: {  	p1 =	seq.s32 s10, $0x1;
	s10 =	sld [smem:$0x3FB6];
	_ =	sdelay $0x3  }
0x37: {  	[smem:$0x3FB6] =	sst s10  }
0x38: {  	s10 =	sld [smem:$0x3FB7]  }
0x39: {  	_ = 	snop;
	(pc) =	sbr.ind lr, $3  }
0x3a: {  	_ = 	snop  }
0x3b: {  	_ = 	snop  }
0x3c: {  	p2 =	seq.s32 s10, $0x1;
	s10 =	sld [smem:$0x3FB6]  }
0x3d: {  	_ =	shalt  }
0x3e: {  	_ =	shalt  }
0x3f: {  	_ =	shalt  }
0x40: {  	_ =	shalt  }
0x41: {  	_ =	shalt  }
0x42: {  	_ =	shalt  }
0x43: {  	_ =	shalt  }
0x44: {  	_ =	shalt  }
0x45: {  	_ =	shalt  }
0x46: {  	_ =	shalt  }
0x47: {  	_ =	shalt  }
0x48: {  	_ =	shalt  }
0x49: {  	_ =	shalt  }
0x4a: {  	_ =	shalt  }
0x4b: {  	_ =	shalt  }
0x4c: {  	_ =	shalt  }
0x4d: {  	_ =	shalt  }
0x4e: {  	_ =	shalt  }
0x4f: {  	_ =	shalt  }
0x50: {  	_ =	shalt  }
0x51: {  	_ =	shalt  }
0x52: {  	_ =	shalt  }
0x53: {  	_ =	shalt  }
0x54: {  	_ =	shalt  }
0x55: {  	_ =	shalt  }
0x56: {  	_ =	shalt  }
0x57: {  	_ =	shalt  }
0x58: {  	_ =	shalt  }
0x59: {  	_ =	shalt  }
0x5a: {  	_ =	shalt  }
0x5b: {  	_ =	shalt  }
0x5c: {  	_ =	shalt  }
0x5d: {  	_ =	shalt  }
0x5e: {  	_ =	shalt  }
0x5f: {  	_ =	shalt  }
0x60: {  	_ =	shalt  }
0x61: {  	_ =	shalt  }
0x62: {  	_ =	shalt  }
0x63: {  	_ =	shalt  }
0x64: {  	_ =	shalt  }
0x65: {  	_ =	shalt  }
0x66: {  	_ =	shalt  }
0x67: {  	_ =	shalt  }
0x68: {  	_ =	shalt  }
0x69: {  	_ =	shalt  }
0x6a: {  	_ =	shalt  }
0x6b: {  	_ =	shalt  }
0x6c: {  	_ =	shalt  }
0x6d: {  	_ =	shalt  }
0x6e: {  	_ =	shalt  }
0x6f: {  	_ =	shalt  }
0x70: {  	_ =	shalt  }
0x71: {  	_ =	shalt  }
0x72: {  	_ =	shalt  }
0x73: {  	_ =	shalt  }
0x74: {  	_ =	shalt  }
0x75: {  	_ =	shalt  }
0x76: {  	_ =	shalt  }
0x77: {  	_ =	shalt  }
0x78: {  	_ =	shalt  }
0x79: {  	_ =	shalt  }
0x7a: {  	_ =	shalt  }
0x7b: {  	_ =	shalt  }
0x7c: {  	_ =	shalt  }
0x7d: {  	_ =	shalt  }
0x7e: {  	_ =	shalt  }
0x7f: {  	_ =	shalt  }
0x80: {  	_ =	shalt  }
0x81: {  	_ =	shalt  }
0x82: {  	_ =	shalt  }
0x83: {  	_ =	shalt  }
0x84: {  	_ =	shalt  }
0x85: {  	_ =	shalt  }
0x86: {  	_ =	shalt  }
0x87: {  	_ =	shalt  }
.Lfunc_end0:
.L_simem_size_0:
called_computation.2_lowered:
.L_overlay_start_0:
0x88: {  	s2 =	sld [smem:$0x3FD9]  }
0x89: {  	s3 =	sld [smem:$0x3FFE];
	_ =	sdelay $0x1  }
0x8a: {  	s1 =	srdreg.scid  }
0x8b: {  	s0 =	sand.u32 $0x1, s1  }
0x8c: {  	s17 =	sshll.u32 s0, $0xA;
	s2 =	sadd.s32 s3, s2  }
0x8d: {  	s2 =	sadd.s32 s2, s17  }
0x8e: {  	[smem:$0x3FC2] =	sst s2  }
0x8f: {  	_ = 	snop  }
0x90: {  	s2 =	sld [smem:$0x3FD0];
	(tm) =	ssettm $0x1  }
0x91: {  	s18 =	sld [smem:$0x3FFB];
	_ =	sdelay $0x3  }
0x92: {  	_ =	strace s18  }
0x93: {  	s3 =	sld [smem:$0x3FFC];
	_ =	sdelay $0x3  }
0x94: {  	_ =	strace s3  }
0x95: {  	s3 =	sld [smem:$0x3FFD];
	_ =	sdelay $0x3  }
0x96: {  	_ =	strace s3  }
0x97: {  	_ =	strace $0x8FFFFFFF  }
0x98: {  	s19 =	sld [smem:$0x3FDB];
	_ =	sdelay $0x1  }
0x99: {  	s4 =	simm.s32 $_scs_section_size  }
0x9a: {  	s5 =	simm.s32 $_size__tile_overlayer_lowered;
	s6 =	simm.s32 $_tile_overlayer_lowered  }
0x9b: {  	s22 =	simm.s32 $0x1BFF;
	s21 =	sshll.u32 s6, $0x1;
	s3 =	sadd.s32 s4, s19  }
0x9c: {  	s7 =	simm.s32 $0x0;
	s20 =	sshll.u32 s5, $0x1;
	s5 =	sadd.s32 s21, s3  }
0x9d: {  	[timem:s7], [sflag:s22] =	dma.local [hbm:s5], s20  }
0x9e: {  	_ =	swait.ge [sflag:s22], s20  }
0x9f: {  	s4 =	ssub.s32 $0x0, s20;
	[sflag:s22] =	ssyncset.done $0x0  }
0xa0: {  	[sflag:s22] =	ssyncadd.s32 s4;
	_ =	sdelay $0x1  }
0xa1: {  	s23 =	simm.s32 $0x1B8B  }
0xa2: {  	_ =	swait.ge [sflag:s23], $0x1  }
0xa3: {  	[sflag:s23] =	ssyncset.done $0x0  }
0xa4: {  	s25 =	simm.s32 $0x1B8E;
	s24 =	sld [smem:$0x3FFE];
	[sflag:s23] =	ssyncadd.s32 $0xFFFFFFFF  }
0xa5: {  	s26 =	simm.s32 $execute0_lowered;
	[smem:$0x3FD2] =	sst s25  }
0xa6: {  	s5 =	sshll.u32 s26, $0x1;
	_ =	strace $0x8000004C;
	[dreg:$0x1] =	wrdreg $0xFFFFFFFF  }
0xa7: {  	s28 =	simm.s32 $_size_execute0_lowered;
	s3 =	sadd.s32 s3, s5;
	[dreg:$0x0] =	wrdreg $0x0  }
0xa8: {  	s5 =	sshll.u32 s28, $0x1;
	[dreg:$0x2] =	wrdreg s3  }
0xa9: {  	[dreg:$0x3] =	wrdreg s5  }
0xaa: {  	[dreg:$0x4] =	wrdreg $0xC0  }
0xab: {  	_ =	task [dreg:s7], $0x5FFFF  }
0xac: {  	[dreg:$0x1] =	wrdreg $0xFFFFFFFF  }
0xad: {  	[dreg:$0x0] =	wrdreg $0x60  }
0xae: {  	[dreg:$0x2] =	wrdreg s2  }
0xaf: {  	[dreg:$0x3] =	wrdreg s24  }
0xb0: {  	[dreg:$0x4] =	wrdreg $0x130000  }
0xb1: {  	[dreg:$0x5] =	wrdreg $0x90000  }
0xb2: {  	[dreg:$0x6] =	wrdreg $0x9  }
0xb3: {  	_ =	task.clear_ibuf [dreg:s7], $0x7FFFF;
	_ =	strace $0x9000004C  }
0xb4: {  	s29 =	simm.s32 $0x9;
	_ =	strace $0x8000004E  }
0xb5: {  	_ =	swait.ge [sflag:s29], $0x1  }
0xb6: {  	[sflag:s29] =	ssyncadd.s32 $0xFFFFFFFF  }
0xb7: {  	_ =	strace $0x9000004E  }
0xb8: {  	_ =	sfence  }
0xb9: {  	s30 =	sld [smem:$0x0];
	_ =	sdelay $0x2  }
0xba: {  	s31 =	sshll.u32 s1, $0xD;
	s1 =	sshrl.u32 s1, $0x2  }
0xbb: {  	s3 =	sand.u32 $0x4000, s31;
	s1 =	sadd.s32 s1, s30  }
0xbc: {  	s0 =	sor.u32 s3, s0;
	s1 =	sshll.u32 s1, $0x11  }
0xbd: {  	s0 =	sor.u32 s1, s0  }
0xbe: {  	s0 =	sadd.s32 $0x8F2B, s0  }
0xbf: {  	[sflag:s0] =	ssyncadd.remote.s32 $0x1  }
0xc0: {  	_ =	sfence.sel $0xFFFF  }
0xc1: {  	[dreg:$0x0] =	wrdreg $0xFFFFFFFF;
	(pc) =	sbr.abs _section_cstart, $3  }
0xc2: {  	[dreg:$0x1] =	wrdreg $0xFFFFFFFF  }
0xc3: {  	_ =	task.clear_ibuf [dreg:s7], $0x2FFFF;
	_ =	strace $0x9FFFFFFF  }
0xc4: {  	(tm) =	ssettm $0x7FFFFFFF  }
0xc5: {  	_ =	shalt  }
tec
execute0_lowered:
.L_overlay_start_1:
0x0: {  	(tag) =	ssettag $0x1  }
0x1: {  	s0 =	rddreg [dreg:$0x0];
	s2 =	srdreg.scid  }
0x2: {  	s3 =	rddreg [dreg:$0x1];
	s2 =	sand.u32 $0x1, s2  }
0x3: {  	s1 =	simm.s32 $0x0;
	s6 =	stileid.u32;
	s4 =	sshll.u32 s2, $0x4  }
0x4: {  	s5 =	ssub.s32 $0x2, s2;
	s4 =	sor.u32 s6, s4;
	s6 =	smul.u32 $0xA000, s6  }
0x5: {  	[smem:$0x7FF] =	sst s1;
	s8 =	sshrl.u32 s5, $0x1  }
0x6: {  	s7 =	sadd.s32 $0x16600, s3;
	s8 =	ssub.s32 s5, s8;
	s5 =	sadd.s32 $0x2000, s6  }
0x7: {  	s10 =	sadd.s32 $0x4000, s6;
	s11 =	sadd.s32 $0x6000, s6;
	s12 =	sshrl.u32 s6, $0x3  }
0x8: {  	s13 =	sadd.s32 $0x8000, s6;
	s14 =	sadd.s32 s0, s12;
	s24 =	sshrl.u32 s5, $0x3  }
0x9: {  	s25 =	sshrl.u32 s10, $0x3;
	s26 =	sshrl.u32 s11, $0x3;
	s17 =	sshrl.u32 s13, $0x3  }
0xa: {  	s12 =	sadd.s32 s7, s12;
	[dreg:$0x5] =	wrdreg s14;
	s15 =	sadd.s32 s0, s24  }
0xb: {  	s16 =	sadd.s32 s0, s25;
	s18 =	sadd.s32 s0, s26;
	s0 =	sadd.s32 s0, s17  }
0xc: {  	[dreg:$0xa] =	wrdreg s12;
	s21 =	sadd.s32 s7, s24;
	s22 =	sadd.s32 s7, s25  }
0xd: {  	s23 =	sadd.s32 s7, s26;
	s7 =	sadd.s32 s7, s17;
	s17 =	rddreg [dreg:$0x2]  }
0xe: {  	[dreg:$0x6] =	wrdreg s15  }
0xf: {  	[dreg:$0x7] =	wrdreg s16  }
0x10: {  	s2 =	smul.u32 $0xA0000, s2;
	[dreg:$0x8] =	wrdreg s18  }
0x11: {  	s9 =	sadd.s32 $0x52600, s3;
	[dreg:$0x9] =	wrdreg s0  }
0x12: {  	s4 =	smul.u32 $0x500, s4;
	s19 =	sadd.s32 s6, s2;
	[dreg:$0xb] =	wrdreg s21  }
0x13: {  	s20 =	sadd.s32 s2, s5;
	s24 =	sadd.s32 s2, s11;
	[dreg:$0xc] =	wrdreg s22  }
0x14: {  	s12 =	simm.s32 $0x1;
	s0 =	sshrl.u32 s19, $0x3;
	[dreg:$0xd] =	wrdreg s23  }
0x15: {  	s19 =	sadd.s32 s2, s10;
	s18 =	sshrl.u32 s20, $0x3;
	[dreg:$0xe] =	wrdreg s7  }
0x16: {  	s2 =	sadd.s32 s2, s13;
	s7 =	sshrl.u32 s24, $0x3;
	s16 =	sadd.s32 $0x2A600, s3  }
0x17: {  	s21 =	rddreg [dreg:$0x3];
	s22 =	sadd.s32 s4, s3;
	s29 =	sadd.s32 s6, s17  }
0x18: {  	s31 =	sadd.s32 s5, s17;
	s19 =	sshrl.u32 s19, $0x3;
	s2 =	sshrl.u32 s2, $0x3  }
0x19: {  	s25 =	sadd.s32 s9, s0;
	s26 =	sadd.s32 s9, s18;
	s15 =	sadd.s32 s9, s7  }
0x1a: {  	s0 =	sadd.s32 s16, s0;
	s18 =	sadd.s32 s16, s18;
	s23 =	sadd.s32 s16, s7  }
0x1b: {  	s28 =	sadd.s32 $0x1E00, s22;
	s30 =	sadd.s32 s6, s21;
	[dreg:$0xf] =	wrdreg s25  }
0x1c: {  	s4 =	sadd.s32 s11, s21;
	s6 =	sadd.s32 s13, s21;
	[dreg:$0x10] =	wrdreg s26  }
0x1d: {  	s7 =	smax.u32 s8, $0x1;
	s8 =	simm.s32 $0x3;
	[dreg:$0x12] =	wrdreg s15  }
0x1e: {  	s14 =	sadd.s32 s9, s19;
	s9 =	sadd.s32 s9, s2;
	[dreg:$0x14] =	wrdreg s0  }
0x1f: {  	[dreg:$0x15] =	wrdreg s18;
	s20 =	sadd.s32 s16, s19;
	s24 =	sadd.s32 s16, s2  }
0x20: {  	s25 =	sadd.s32 $0x16200, s3;
	s26 =	sadd.s32 $0xC200, s22;
	s18 =	sadd.s32 s5, s21  }
0x21: {  	s0 =	sadd.s32 s10, s17;
	s2 =	sadd.s32 s10, s21;
	s3 =	sadd.s32 s11, s17  }
0x22: {  	s5 =	sadd.s32 s13, s17;
	s10 =	simm.s32 $0x80;
	[dreg:$0x11] =	wrdreg s14  }
0x23: {  	s11 =	simm.s32 $0x7000;
	s13 =	simm.s32 $0x2;
	[dreg:$0x13] =	wrdreg s9  }
0x24: {  	s15 =	simm.s32 $0x4F80;
	s16 =	simm.s32 $0x0;
	[dreg:$0x16] =	wrdreg s20  }
0x25: {  	s9 =	simm.s32 $0x5000;
	s14 =	simm.s32 $0x4F00;
	_ =	strace $0x8000004D  }
.LBB2_1:
0x26: {  	[tilespmem:s1], [sflag:$0x3] =	stream.linear.gather [hbm4b:s26+s1], $0x2800, $0x38;
	[tilespmem:$0x1D000] =	vst v63  }
0x27: {  	_ =	swait.ge [sflag:s8], $0x2800  }
0x28: {  	[sflag:s8] =	ssyncset.done $0x0  }
0x29: {  	s19 =	simm.s32 $0x2800;
	[sflag:s8] =	ssyncadd.s32 $0xFFFFD800  }
0x2a: {  	[tilespmem:s19], [sflag:$0x3] =	stream.linear.gather [hbm4b:s28+s1], $0x2800, $0x38;
	[tilespmem:$0x1D000] =	vst v63  }
0x2b: {  	_ =	swait.ge [sflag:s8], $0x2800  }
0x2c: {  	[sflag:s8] =	ssyncset.done $0x0  }
0x2d: {  	[sflag:s8] =	ssyncadd.s32 $0xFFFFD800  }
0x2e: {  	[tilespmem:s9], [sflag:$0x3] =	stream.linear.gather [hbm4b:s25+s1], $0x2000, $0x38;
	[tilespmem:$0x1D000] =	vst v63  }
0x2f: {  	_ =	swait.ge [sflag:s8], $0x2000  }
0x30: {  	[sflag:s8] =	ssyncset.done $0x0  }
0x31: {  	[sflag:s8] =	ssyncadd.s32 $0xFFFFE000  }
0x32: {  	[spmem:s29] =	stream.linear.scatter [tilespmem:s9], [sflag:$0x3], $0x2000, $0x38;
	[tilespmem:$0x1D000] =	vst v63  }
0x33: {  	_ =	swait.ge [sflag:s8], $0x2000  }
0x34: {  	[sflag:s8] =	ssyncset.done $0x0  }
0x35: {  	[sflag:s8] =	ssyncadd.s32 $0xFFFFE000  }
0x36: {  	[spmem:s31] =	stream.linear.scatter [tilespmem:s9], [sflag:$0x3], $0x2000, $0x38;
	[tilespmem:$0x1D000] =	vst v63  }
0x37: {  	_ =	swait.ge [sflag:s8], $0x2000  }
0x38: {  	[sflag:s8] =	ssyncset.done $0x0  }
0x39: {  	[sflag:s8] =	ssyncadd.s32 $0xFFFFE000  }
0x3a: {  	[spmem:s0] =	stream.linear.scatter [tilespmem:s9], [sflag:$0x3], $0x2000, $0x38;
	[tilespmem:$0x1D000] =	vst v63  }
0x3b: {  	_ =	swait.ge [sflag:s8], $0x2000  }
0x3c: {  	[sflag:s8] =	ssyncset.done $0x0  }
0x3d: {  	[sflag:s8] =	ssyncadd.s32 $0xFFFFE000  }
0x3e: {  	[spmem:s3] =	stream.linear.scatter [tilespmem:s9], [sflag:$0x3], $0x2000, $0x38;
	[tilespmem:$0x1D000] =	vst v63  }
0x3f: {  	_ =	swait.ge [sflag:s8], $0x2000  }
0x40: {  	[sflag:s8] =	ssyncset.done $0x0  }
0x41: {  	[sflag:s8] =	ssyncadd.s32 $0xFFFFE000  }
0x42: {  	[spmem:s5] =	stream.linear.scatter [tilespmem:s9], [sflag:$0x3], $0x2000, $0x38;
	[tilespmem:$0x1D000] =	vst v63  }
0x43: {  	_ =	swait.ge [sflag:s8], $0x2000  }
0x44: {  	[sflag:s8] =	ssyncset.done $0x0  }
0x45: {  	s20 =	rddreg [dreg:$0x5];
	[sflag:s8] =	ssyncadd.s32 $0xFFFFE000  }
0x46: {  	[tilespmem:s9], [sflag:$0x3] =	stream.linear.gather [hbm4b:s20+s1], $0x2000, $0x38;
	[tilespmem:$0x1D000] =	vst v63  }
0x47: {  	_ =	swait.ge [sflag:s8], $0x2000  }
0x48: {  	[sflag:s8] =	ssyncset.done $0x0  }
0x49: {  	[sflag:s8] =	ssyncadd.s32 $0xFFFFE000  }
0x4a: {  	[spmem:s30] =	stream.linear.scatter [tilespmem:s9], [sflag:$0x3], $0x2000, $0x38;
	[tilespmem:$0x1D000] =	vst v63  }
0x4b: {  	_ =	swait.ge [sflag:s8], $0x2000  }
0x4c: {  	[sflag:s8] =	ssyncset.done $0x0  }
0x4d: {  	s22 =	rddreg [dreg:$0x6];
	[sflag:s8] =	ssyncadd.s32 $0xFFFFE000  }
0x4e: {  	[tilespmem:s9], [sflag:$0x3] =	stream.linear.gather [hbm4b:s22+s1], $0x2000, $0x38;
	[tilespmem:$0x1D000] =	vst v63  }
0x4f: {  	_ =	swait.ge [sflag:s8], $0x2000  }
0x50: {  	[sflag:s8] =	ssyncset.done $0x0  }
0x51: {  	[sflag:s8] =	ssyncadd.s32 $0xFFFFE000  }
0x52: {  	[spmem:s18] =	stream.linear.scatter [tilespmem:s9], [sflag:$0x3], $0x2000, $0x38;
	[tilespmem:$0x1D000] =	vst v63  }
0x53: {  	_ =	swait.ge [sflag:s8], $0x2000  }
0x54: {  	[sflag:s8] =	ssyncset.done $0x0  }
0x55: {  	s20 =	rddreg [dreg:$0x7];
	[sflag:s8] =	ssyncadd.s32 $0xFFFFE000  }
0x56: {  	[tilespmem:s9], [sflag:$0x3] =	stream.linear.gather [hbm4b:s20+s1], $0x2000, $0x38;
	[tilespmem:$0x1D000] =	vst v63  }
0x57: {  	_ =	swait.ge [sflag:s8], $0x2000  }
0x58: {  	[sflag:s8] =	ssyncset.done $0x0  }
0x59: {  	[sflag:s8] =	ssyncadd.s32 $0xFFFFE000  }
0x5a: {  	[spmem:s2] =	stream.linear.scatter [tilespmem:s9], [sflag:$0x3], $0x2000, $0x38;
	[tilespmem:$0x1D000] =	vst v63  }
0x5b: {  	_ =	swait.ge [sflag:s8], $0x2000  }
0x5c: {  	[sflag:s8] =	ssyncset.done $0x0  }
0x5d: {  	s22 =	rddreg [dreg:$0x8];
	[sflag:s8] =	ssyncadd.s32 $0xFFFFE000  }
0x5e: {  	[tilespmem:s9], [sflag:$0x3] =	stream.linear.gather [hbm4b:s22+s1], $0x2000, $0x38;
	[tilespmem:$0x1D000] =	vst v63  }
0x5f: {  	_ =	swait.ge [sflag:s8], $0x2000  }
0x60: {  	[sflag:s8] =	ssyncset.done $0x0  }
0x61: {  	[sflag:s8] =	ssyncadd.s32 $0xFFFFE000  }
0x62: {  	[spmem:s4] =	stream.linear.scatter [tilespmem:s9], [sflag:$0x3], $0x2000, $0x38;
	[tilespmem:$0x1D000] =	vst v63  }
0x63: {  	_ =	swait.ge [sflag:s8], $0x2000  }
0x64: {  	[sflag:s8] =	ssyncset.done $0x0  }
0x65: {  	s20 =	rddreg [dreg:$0x9];
	[sflag:s8] =	ssyncadd.s32 $0xFFFFE000  }
0x66: {  	[tilespmem:s9], [sflag:$0x3] =	stream.linear.gather [hbm4b:s20+s1], $0x2000, $0x38;
	[tilespmem:$0x1D000] =	vst v63  }
0x67: {  	_ =	swait.ge [sflag:s8], $0x2000  }
0x68: {  	[sflag:s8] =	ssyncset.done $0x0  }
0x69: {  	[sflag:s8] =	ssyncadd.s32 $0xFFFFE000  }
0x6a: {  	[spmem:s6] =	stream.linear.scatter [tilespmem:s9], [sflag:$0x3], $0x2000, $0x38;
	[tilespmem:$0x1D000] =	vst v63  }
0x6b: {  	_ =	swait.ge [sflag:s8], $0x2000  }
0x6c: {  	[sflag:s8] =	ssyncset.done $0x0  }
0x6d: {  	[sflag:s8] =	ssyncadd.s32 $0xFFFFE000  }
0x6e: {  	[bflag:$0x0] =	sbarrier.arrive $0xFFFF  }
0x6f: {  	[tilespmem:s9], [sflag:$0x1] =	stream.indirect.gather [spmem:s21], $0x40, s1, s10, $0xb8;
	[tilespmem:$0x1D000] =	vst v63  }
0x70: {  	_ = 	snop  }
0x71: {  	[tilespmem:s11], [sflag:$0x2] =	stream.indirect.gather [spmem:s21], $0x40, s10, s10, $0xb8;
	[tilespmem:$0x1D000] =	vst v63  }
0x72: {  	_ =	swait.ge [sflag:s12], $0x2000  }
0x73: {  	[sflag:s12] =	ssyncset.done $0x0  }
0x74: {  	s22 =	simm.s32 $0x2800;
	[sflag:s12] =	ssyncadd.s32 $0xFFFFE000  }
0x75: {  	[spmem:s17] =	stream.indirect.scatter.add.f32 [tilespmem:s9], [sflag:$0x3], $0x40, s22, s10, $0xb8;
	[tilespmem:$0x1D000] =	vst v63  }
0x76: {  	_ =	swait.ge [sflag:s8], $0x2000  }
0x77: {  	[sflag:s8] =	ssyncset.done $0x0  }
0x78: {  	s20 =	simm.s32 $0x100;
	[sflag:s8] =	ssyncadd.s32 $0xFFFFE000  }
0x79: {  	[tilespmem:s9], [sflag:$0x1] =	stream.indirect.gather [spmem:s21], $0x40, s20, s10, $0xb8;
	[tilespmem:$0x1D000] =	vst v63  }
0x7a: {  	_ =	swait.ge [sflag:s13], $0x2000  }
0x7b: {  	[sflag:s13] =	ssyncset.done $0x0  }
0x7c: {  	s22 =	simm.s32 $0x2880;
	[sflag:s13] =	ssyncadd.s32 $0xFFFFE000  }
0x7d: {  	[spmem:s17] =	stream.indirect.scatter.add.f32 [tilespmem:s11], [sflag:$0x3], $0x40, s22, s10, $0xb8;
	[tilespmem:$0x1D000] =	vst v63  }
0x7e: {  	_ =	swait.ge [sflag:s8], $0x2000  }
0x7f: {  	[sflag:s8] =	ssyncset.done $0x0  }
0x80: {  	s19 =	simm.s32 $0x400;
	s20 =	simm.s32 $0x180;
	[sflag:s8] =	ssyncadd.s32 $0xFFFFE000  }
.LBB2_2:
0x81: {  	[tilespmem:s11], [sflag:$0x2] =	stream.indirect.gather [spmem:s21], $0x40, s20, s10, $0xb8;
	[tilespmem:$0x1D000] =	vst v63  }
0x82: {  	s20 =	smov.u32 s19  }
0x83: {  	p0 =	sne.s32 s19, $0x9800;
	s19 =	sadd.s32 $0x400, s19;
	_ =	swait.ge [sflag:s12], $0x2000  }
0x84: {  	s20 =	sshra.s32 s20, $0x2;
	[sflag:s12] =	ssyncset.done $0x0  }
0x85: {  	s22 =	sadd.s32 $0x2800, s20;
	[sflag:s12] =	ssyncadd.s32 $0xFFFFE000  }
0x86: {  	[spmem:s17] =	stream.indirect.scatter.add.f32 [tilespmem:s9], [sflag:$0x3], $0x40, s22, s10, $0xb8;
	[tilespmem:$0x1D000] =	vst v63  }
0x87: {  	_ =	swait.ge [sflag:s8], $0x2000  }
0x88: {  	[sflag:s8] =	ssyncset.done $0x0  }
0x89: {  	s22 =	sadd.s32 $0x100, s20;
	[sflag:s8] =	ssyncadd.s32 $0xFFFFE000  }
0x8a: {  	[tilespmem:s9], [sflag:$0x1] =	stream.indirect.gather [spmem:s21], $0x40, s22, s10, $0xb8;
	[tilespmem:$0x1D000] =	vst v63  }
0x8b: {  	_ =	swait.ge [sflag:s13], $0x2000  }
0x8c: {  	[sflag:s13] =	ssyncset.done $0x0  }
.Ltmp0:
0x8d: {  	s22 =	sadd.s32 $0x2880, s20;
	[sflag:s13] =	ssyncadd.s32 $0xFFFFE000;
	(pc) =	sbr.rel @p0 .LBB2_2-.Ltmp0, $4  }
0x8e: {  	[spmem:s17] =	stream.indirect.scatter.add.f32 [tilespmem:s11], [sflag:$0x3], $0x40, s22, s10, $0xb8;
	[tilespmem:$0x1D000] =	vst v63  }
0x8f: {  	_ =	swait.ge [sflag:s8], $0x2000  }
0x90: {  	[sflag:s8] =	ssyncset.done $0x0  }
0x91: {  	s20 =	sadd.s32 $0x180, s20;
	[sflag:s8] =	ssyncadd.s32 $0xFFFFE000  }
0x92: {  	[tilespmem:s11], [sflag:$0x2] =	stream.indirect.gather [spmem:s21], $0x40, s20, s10, $0xb8;
	[tilespmem:$0x1D000] =	vst v63  }
0x93: {  	_ =	swait.ge [sflag:s12], $0x2000  }
0x94: {  	[sflag:s12] =	ssyncset.done $0x0  }
0x95: {  	[sflag:s12] =	ssyncadd.s32 $0xFFFFE000  }
0x96: {  	[spmem:s17] =	stream.indirect.scatter.add.f32 [tilespmem:s9], [sflag:$0x3], $0x40, s14, s10, $0xb8;
	[tilespmem:$0x1D000] =	vst v63  }
0x97: {  	_ =	swait.ge [sflag:s8], $0x2000  }
0x98: {  	[sflag:s8] =	ssyncset.done $0x0  }
0x99: {  	[sflag:s8] =	ssyncadd.s32 $0xFFFFE000  }
0x9a: {  	_ =	swait.ge [sflag:s13], $0x2000  }
0x9b: {  	[sflag:s13] =	ssyncset.done $0x0  }
0x9c: {  	[sflag:s13] =	ssyncadd.s32 $0xFFFFE000  }
0x9d: {  	[spmem:s17] =	stream.indirect.scatter.add.f32 [tilespmem:s11], [sflag:$0x3], $0x40, s15, s10, $0xb8;
	[tilespmem:$0x1D000] =	vst v63  }
0x9e: {  	_ =	swait.ge [sflag:s8], $0x2000  }
0x9f: {  	[sflag:s8] =	ssyncset.done $0x0  }
0xa0: {  	[sflag:s8] =	ssyncadd.s32 $0xFFFFE000  }
0xa1: {  	[bflag:$0x0] =	sbarrier.arrive $0xFFFF  }
0xa2: {  	[tilespmem:s9], [sflag:$0x3] =	stream.linear.gather [spmem:s29], $0x2000, $0x38;
	[tilespmem:$0x1D000] =	vst v63  }
0xa3: {  	_ =	swait.ge [sflag:s8], $0x2000  }
0xa4: {  	[sflag:s8] =	ssyncset.done $0x0  }
0xa5: {  	s19 =	simm.s32 $0x0;
	s22 =	rddreg [dreg:$0xf];
	[sflag:s8] =	ssyncadd.s32 $0xFFFFE000  }
0xa6: {  	[hbm4b:s22+s19] =	stream.linear.scatter [tilespmem:s9], [sflag:$0x3], $0x2000, $0x38;
	[tilespmem:$0x1D000] =	vst v63  }
0xa7: {  	_ =	swait.ge [sflag:s8], $0x2000  }
0xa8: {  	[sflag:s8] =	ssyncset.done $0x0  }
0xa9: {  	[sflag:s8] =	ssyncadd.s32 $0xFFFFE000  }
0xaa: {  	[tilespmem:s9], [sflag:$0x3] =	stream.linear.gather [spmem:s31], $0x2000, $0x38;
	[tilespmem:$0x1D000] =	vst v63  }
0xab: {  	_ =	swait.ge [sflag:s8], $0x2000  }
0xac: {  	[sflag:s8] =	ssyncset.done $0x0  }
0xad: {  	s22 =	rddreg [dreg:$0x10];
	[sflag:s8] =	ssyncadd.s32 $0xFFFFE000  }
0xae: {  	[hbm4b:s22+s19] =	stream.linear.scatter [tilespmem:s9], [sflag:$0x3], $0x2000, $0x38;
	[tilespmem:$0x1D000] =	vst v63  }
0xaf: {  	_ =	swait.ge [sflag:s8], $0x2000  }
0xb0: {  	[sflag:s8] =	ssyncset.done $0x0  }
0xb1: {  	[sflag:s8] =	ssyncadd.s32 $0xFFFFE000  }
0xb2: {  	[tilespmem:s9], [sflag:$0x3] =	stream.linear.gather [spmem:s0], $0x2000, $0x38;
	[tilespmem:$0x1D000] =	vst v63  }
0xb3: {  	_ =	swait.ge [sflag:s8], $0x2000  }
0xb4: {  	[sflag:s8] =	ssyncset.done $0x0  }
0xb5: {  	s22 =	rddreg [dreg:$0x11];
	[sflag:s8] =	ssyncadd.s32 $0xFFFFE000  }
0xb6: {  	[hbm4b:s22+s19] =	stream.linear.scatter [tilespmem:s9], [sflag:$0x3], $0x2000, $0x38;
	[tilespmem:$0x1D000] =	vst v63  }
0xb7: {  	_ =	swait.ge [sflag:s8], $0x2000  }
0xb8: {  	[sflag:s8] =	ssyncset.done $0x0  }
0xb9: {  	[sflag:s8] =	ssyncadd.s32 $0xFFFFE000  }
0xba: {  	[tilespmem:s9], [sflag:$0x3] =	stream.linear.gather [spmem:s3], $0x2000, $0x38;
	[tilespmem:$0x1D000] =	vst v63  }
0xbb: {  	_ =	swait.ge [sflag:s8], $0x2000  }
0xbc: {  	[sflag:s8] =	ssyncset.done $0x0  }
0xbd: {  	s22 =	rddreg [dreg:$0x12];
	[sflag:s8] =	ssyncadd.s32 $0xFFFFE000  }
0xbe: {  	[hbm4b:s22+s19] =	stream.linear.scatter [tilespmem:s9], [sflag:$0x3], $0x2000, $0x38;
	[tilespmem:$0x1D000] =	vst v63  }
0xbf: {  	_ =	swait.ge [sflag:s8], $0x2000  }
0xc0: {  	[sflag:s8] =	ssyncset.done $0x0  }
0xc1: {  	[sflag:s8] =	ssyncadd.s32 $0xFFFFE000  }
0xc2: {  	[tilespmem:s9], [sflag:$0x3] =	stream.linear.gather [spmem:s5], $0x2000, $0x38;
	[tilespmem:$0x1D000] =	vst v63  }
0xc3: {  	_ =	swait.ge [sflag:s8], $0x2000  }
0xc4: {  	[sflag:s8] =	ssyncset.done $0x0  }
0xc5: {  	s22 =	rddreg [dreg:$0x13];
	[sflag:s8] =	ssyncadd.s32 $0xFFFFE000  }
0xc6: {  	[hbm4b:s22+s19] =	stream.linear.scatter [tilespmem:s9], [sflag:$0x3], $0x2000, $0x38;
	[tilespmem:$0x1D000] =	vst v63  }
0xc7: {  	_ =	swait.ge [sflag:s8], $0x2000  }
0xc8: {  	[sflag:s8] =	ssyncset.done $0x0  }
0xc9: {  	[sflag:s8] =	ssyncadd.s32 $0xFFFFE000  }
0xca: {  	[tilespmem:s9], [sflag:$0x3] =	stream.linear.gather [hbm4b:s25+s19], $0x2000, $0x38;
	[tilespmem:$0x1D000] =	vst v63  }
0xcb: {  	_ =	swait.ge [sflag:s8], $0x2000  }
0xcc: {  	[sflag:s8] =	ssyncset.done $0x0  }
0xcd: {  	[sflag:s8] =	ssyncadd.s32 $0xFFFFE000  }
0xce: {  	[spmem:s29] =	stream.linear.scatter [tilespmem:s9], [sflag:$0x3], $0x2000, $0x38;
	[tilespmem:$0x1D000] =	vst v63  }
0xcf: {  	_ =	swait.ge [sflag:s8], $0x2000  }
0xd0: {  	[sflag:s8] =	ssyncset.done $0x0  }
0xd1: {  	[sflag:s8] =	ssyncadd.s32 $0xFFFFE000  }
0xd2: {  	[spmem:s31] =	stream.linear.scatter [tilespmem:s9], [sflag:$0x3], $0x2000, $0x38;
	[tilespmem:$0x1D000] =	vst v63  }
0xd3: {  	_ =	swait.ge [sflag:s8], $0x2000  }
0xd4: {  	[sflag:s8] =	ssyncset.done $0x0  }
0xd5: {  	[sflag:s8] =	ssyncadd.s32 $0xFFFFE000  }
0xd6: {  	[spmem:s0] =	stream.linear.scatter [tilespmem:s9], [sflag:$0x3], $0x2000, $0x38;
	[tilespmem:$0x1D000] =	vst v63  }
0xd7: {  	_ =	swait.ge [sflag:s8], $0x2000  }
0xd8: {  	[sflag:s8] =	ssyncset.done $0x0  }
0xd9: {  	[sflag:s8] =	ssyncadd.s32 $0xFFFFE000  }
0xda: {  	[spmem:s3] =	stream.linear.scatter [tilespmem:s9], [sflag:$0x3], $0x2000, $0x38;
	[tilespmem:$0x1D000] =	vst v63  }
0xdb: {  	_ =	swait.ge [sflag:s8], $0x2000  }
0xdc: {  	[sflag:s8] =	ssyncset.done $0x0  }
0xdd: {  	[sflag:s8] =	ssyncadd.s32 $0xFFFFE000  }
0xde: {  	[spmem:s5] =	stream.linear.scatter [tilespmem:s9], [sflag:$0x3], $0x2000, $0x38;
	[tilespmem:$0x1D000] =	vst v63  }
0xdf: {  	_ =	swait.ge [sflag:s8], $0x2000  }
0xe0: {  	[sflag:s8] =	ssyncset.done $0x0  }
0xe1: {  	s22 =	rddreg [dreg:$0xa];
	[sflag:s8] =	ssyncadd.s32 $0xFFFFE000  }
0xe2: {  	[tilespmem:s9], [sflag:$0x3] =	stream.linear.gather [hbm4b:s22+s19], $0x2000, $0x38;
	[tilespmem:$0x1D000] =	vst v63  }
0xe3: {  	_ =	swait.ge [sflag:s8], $0x2000  }
0xe4: {  	[sflag:s8] =	ssyncset.done $0x0  }
0xe5: {  	[sflag:s8] =	ssyncadd.s32 $0xFFFFE000  }
0xe6: {  	[spmem:s30] =	stream.linear.scatter [tilespmem:s9], [sflag:$0x3], $0x2000, $0x38;
	[tilespmem:$0x1D000] =	vst v63  }
0xe7: {  	_ =	swait.ge [sflag:s8], $0x2000  }
0xe8: {  	[sflag:s8] =	ssyncset.done $0x0  }
0xe9: {  	s22 =	rddreg [dreg:$0xb];
	[sflag:s8] =	ssyncadd.s32 $0xFFFFE000  }
0xea: {  	[tilespmem:s9], [sflag:$0x3] =	stream.linear.gather [hbm4b:s22+s19], $0x2000, $0x38;
	[tilespmem:$0x1D000] =	vst v63  }
0xeb: {  	_ =	swait.ge [sflag:s8], $0x2000  }
0xec: {  	[sflag:s8] =	ssyncset.done $0x0  }
0xed: {  	[sflag:s8] =	ssyncadd.s32 $0xFFFFE000  }
0xee: {  	[spmem:s18] =	stream.linear.scatter [tilespmem:s9], [sflag:$0x3], $0x2000, $0x38;
	[tilespmem:$0x1D000] =	vst v63  }
0xef: {  	_ =	swait.ge [sflag:s8], $0x2000  }
0xf0: {  	[sflag:s8] =	ssyncset.done $0x0  }
0xf1: {  	s22 =	rddreg [dreg:$0xc];
	[sflag:s8] =	ssyncadd.s32 $0xFFFFE000  }
0xf2: {  	[tilespmem:s9], [sflag:$0x3] =	stream.linear.gather [hbm4b:s22+s19], $0x2000, $0x38;
	[tilespmem:$0x1D000] =	vst v63  }
0xf3: {  	_ =	swait.ge [sflag:s8], $0x2000  }
0xf4: {  	[sflag:s8] =	ssyncset.done $0x0  }
0xf5: {  	[sflag:s8] =	ssyncadd.s32 $0xFFFFE000  }
0xf6: {  	[spmem:s2] =	stream.linear.scatter [tilespmem:s9], [sflag:$0x3], $0x2000, $0x38;
	[tilespmem:$0x1D000] =	vst v63  }
0xf7: {  	_ =	swait.ge [sflag:s8], $0x2000  }
0xf8: {  	[sflag:s8] =	ssyncset.done $0x0  }
0xf9: {  	s22 =	rddreg [dreg:$0xd];
	[sflag:s8] =	ssyncadd.s32 $0xFFFFE000  }
0xfa: {  	[tilespmem:s9], [sflag:$0x3] =	stream.linear.gather [hbm4b:s22+s19], $0x2000, $0x38;
	[tilespmem:$0x1D000] =	vst v63  }
0xfb: {  	_ =	swait.ge [sflag:s8], $0x2000  }
0xfc: {  	[sflag:s8] =	ssyncset.done $0x0  }
0xfd: {  	[sflag:s8] =	ssyncadd.s32 $0xFFFFE000  }
0xfe: {  	[spmem:s4] =	stream.linear.scatter [tilespmem:s9], [sflag:$0x3], $0x2000, $0x38;
	[tilespmem:$0x1D000] =	vst v63  }
0xff: {  	_ =	swait.ge [sflag:s8], $0x2000  }
0x100: {  	[sflag:s8] =	ssyncset.done $0x0  }
0x101: {  	s22 =	rddreg [dreg:$0xe];
	[sflag:s8] =	ssyncadd.s32 $0xFFFFE000  }
0x102: {  	[tilespmem:s9], [sflag:$0x3] =	stream.linear.gather [hbm4b:s22+s19], $0x2000, $0x38;
	[tilespmem:$0x1D000] =	vst v63  }
0x103: {  	_ =	swait.ge [sflag:s8], $0x2000  }
0x104: {  	[sflag:s8] =	ssyncset.done $0x0  }
0x105: {  	[sflag:s8] =	ssyncadd.s32 $0xFFFFE000  }
0x106: {  	[spmem:s6] =	stream.linear.scatter [tilespmem:s9], [sflag:$0x3], $0x2000, $0x38;
	[tilespmem:$0x1D000] =	vst v63  }
0x107: {  	_ =	swait.ge [sflag:s8], $0x2000  }
0x108: {  	[sflag:s8] =	ssyncset.done $0x0  }
0x109: {  	[sflag:s8] =	ssyncadd.s32 $0xFFFFE000  }
0x10a: {  	[bflag:$0x0] =	sbarrier.arrive $0xFFFF  }
0x10b: {  	[tilespmem:s9], [sflag:$0x1] =	stream.indirect.gather [spmem:s21], $0x40, s19, s10, $0xb8;
	[tilespmem:$0x1D000] =	vst v63  }
0x10c: {  	_ = 	snop  }
0x10d: {  	[tilespmem:s11], [sflag:$0x2] =	stream.indirect.gather [spmem:s21], $0x40, s10, s10, $0xb8;
	[tilespmem:$0x1D000] =	vst v63  }
0x10e: {  	_ =	swait.ge [sflag:s12], $0x2000  }
0x10f: {  	[sflag:s12] =	ssyncset.done $0x0  }
0x110: {  	s22 =	simm.s32 $0x2800;
	[sflag:s12] =	ssyncadd.s32 $0xFFFFE000  }
0x111: {  	[spmem:s17] =	stream.indirect.scatter.add.f32 [tilespmem:s9], [sflag:$0x3], $0x40, s22, s10, $0xb8;
	[tilespmem:$0x1D000] =	vst v63  }
0x112: {  	_ =	swait.ge [sflag:s8], $0x2000  }
0x113: {  	[sflag:s8] =	ssyncset.done $0x0  }
0x114: {  	s20 =	simm.s32 $0x100;
	[sflag:s8] =	ssyncadd.s32 $0xFFFFE000  }
0x115: {  	[tilespmem:s9], [sflag:$0x1] =	stream.indirect.gather [spmem:s21], $0x40, s20, s10, $0xb8;
	[tilespmem:$0x1D000] =	vst v63  }
0x116: {  	_ =	swait.ge [sflag:s13], $0x2000  }
0x117: {  	[sflag:s13] =	ssyncset.done $0x0  }
0x118: {  	s22 =	simm.s32 $0x2880;
	[sflag:s13] =	ssyncadd.s32 $0xFFFFE000  }
0x119: {  	[spmem:s17] =	stream.indirect.scatter.add.f32 [tilespmem:s11], [sflag:$0x3], $0x40, s22, s10, $0xb8;
	[tilespmem:$0x1D000] =	vst v63  }
0x11a: {  	_ =	swait.ge [sflag:s8], $0x2000  }
0x11b: {  	[sflag:s8] =	ssyncset.done $0x0  }
0x11c: {  	s19 =	simm.s32 $0x400;
	s20 =	simm.s32 $0x180;
	[sflag:s8] =	ssyncadd.s32 $0xFFFFE000  }
.LBB2_4:
0x11d: {  	[tilespmem:s11], [sflag:$0x2] =	stream.indirect.gather [spmem:s21], $0x40, s20, s10, $0xb8;
	[tilespmem:$0x1D000] =	vst v63  }
0x11e: {  	s20 =	smov.u32 s19  }
0x11f: {  	p0 =	sne.s32 s19, $0x9800;
	s19 =	sadd.s32 $0x400, s19;
	_ =	swait.ge [sflag:s12], $0x2000  }
0x120: {  	s20 =	sshra.s32 s20, $0x2;
	[sflag:s12] =	ssyncset.done $0x0  }
0x121: {  	s22 =	sadd.s32 $0x2800, s20;
	[sflag:s12] =	ssyncadd.s32 $0xFFFFE000  }
0x122: {  	[spmem:s17] =	stream.indirect.scatter.add.f32 [tilespmem:s9], [sflag:$0x3], $0x40, s22, s10, $0xb8;
	[tilespmem:$0x1D000] =	vst v63  }
0x123: {  	_ =	swait.ge [sflag:s8], $0x2000  }
0x124: {  	[sflag:s8] =	ssyncset.done $0x0  }
0x125: {  	s22 =	sadd.s32 $0x100, s20;
	[sflag:s8] =	ssyncadd.s32 $0xFFFFE000  }
0x126: {  	[tilespmem:s9], [sflag:$0x1] =	stream.indirect.gather [spmem:s21], $0x40, s22, s10, $0xb8;
	[tilespmem:$0x1D000] =	vst v63  }
0x127: {  	_ =	swait.ge [sflag:s13], $0x2000  }
0x128: {  	[sflag:s13] =	ssyncset.done $0x0  }
.Ltmp1:
0x129: {  	s22 =	sadd.s32 $0x2880, s20;
	[sflag:s13] =	ssyncadd.s32 $0xFFFFE000;
	(pc) =	sbr.rel @p0 .LBB2_4-.Ltmp1, $4  }
0x12a: {  	[spmem:s17] =	stream.indirect.scatter.add.f32 [tilespmem:s11], [sflag:$0x3], $0x40, s22, s10, $0xb8;
	[tilespmem:$0x1D000] =	vst v63  }
0x12b: {  	_ =	swait.ge [sflag:s8], $0x2000  }
0x12c: {  	[sflag:s8] =	ssyncset.done $0x0  }
0x12d: {  	s20 =	sadd.s32 $0x180, s20;
	[sflag:s8] =	ssyncadd.s32 $0xFFFFE000  }
0x12e: {  	[tilespmem:s11], [sflag:$0x2] =	stream.indirect.gather [spmem:s21], $0x40, s20, s10, $0xb8;
	[tilespmem:$0x1D000] =	vst v63  }
0x12f: {  	_ =	swait.ge [sflag:s12], $0x2000  }
0x130: {  	[sflag:s12] =	ssyncset.done $0x0  }
0x131: {  	[sflag:s12] =	ssyncadd.s32 $0xFFFFE000  }
0x132: {  	[spmem:s17] =	stream.indirect.scatter.add.f32 [tilespmem:s9], [sflag:$0x3], $0x40, s14, s10, $0xb8;
	[tilespmem:$0x1D000] =	vst v63  }
0x133: {  	_ =	swait.ge [sflag:s8], $0x2000  }
0x134: {  	[sflag:s8] =	ssyncset.done $0x0  }
0x135: {  	[sflag:s8] =	ssyncadd.s32 $0xFFFFE000  }
0x136: {  	_ =	swait.ge [sflag:s13], $0x2000  }
0x137: {  	[sflag:s13] =	ssyncset.done $0x0  }
0x138: {  	[sflag:s13] =	ssyncadd.s32 $0xFFFFE000  }
0x139: {  	[spmem:s17] =	stream.indirect.scatter.add.f32 [tilespmem:s11], [sflag:$0x3], $0x40, s15, s10, $0xb8;
	[tilespmem:$0x1D000] =	vst v63  }
0x13a: {  	_ =	swait.ge [sflag:s8], $0x2000  }
0x13b: {  	[sflag:s8] =	ssyncset.done $0x0  }
0x13c: {  	[sflag:s8] =	ssyncadd.s32 $0xFFFFE000  }
0x13d: {  	[bflag:$0x0] =	sbarrier.arrive $0xFFFF  }
0x13e: {  	[tilespmem:s9], [sflag:$0x3] =	stream.linear.gather [spmem:s29], $0x2000, $0x38;
	[tilespmem:$0x1D000] =	vst v63  }
0x13f: {  	_ =	swait.ge [sflag:s8], $0x2000  }
0x140: {  	[sflag:s8] =	ssyncset.done $0x0  }
0x141: {  	s19 =	rddreg [dreg:$0x14];
	[sflag:s8] =	ssyncadd.s32 $0xFFFFE000  }
0x142: {  	[hbm4b:s19+s1] =	stream.linear.scatter [tilespmem:s9], [sflag:$0x3], $0x2000, $0x38;
	[tilespmem:$0x1D000] =	vst v63  }
0x143: {  	_ =	swait.ge [sflag:s8], $0x2000  }
0x144: {  	[sflag:s8] =	ssyncset.done $0x0  }
0x145: {  	[sflag:s8] =	ssyncadd.s32 $0xFFFFE000  }
0x146: {  	[tilespmem:s9], [sflag:$0x3] =	stream.linear.gather [spmem:s31], $0x2000, $0x38;
	[tilespmem:$0x1D000] =	vst v63  }
0x147: {  	_ =	swait.ge [sflag:s8], $0x2000  }
0x148: {  	[sflag:s8] =	ssyncset.done $0x0  }
0x149: {  	s20 =	rddreg [dreg:$0x15];
	[sflag:s8] =	ssyncadd.s32 $0xFFFFE000  }
0x14a: {  	[hbm4b:s20+s1] =	stream.linear.scatter [tilespmem:s9], [sflag:$0x3], $0x2000, $0x38;
	[tilespmem:$0x1D000] =	vst v63  }
0x14b: {  	_ =	swait.ge [sflag:s8], $0x2000  }
0x14c: {  	[sflag:s8] =	ssyncset.done $0x0  }
0x14d: {  	[sflag:s8] =	ssyncadd.s32 $0xFFFFE000  }
0x14e: {  	[tilespmem:s9], [sflag:$0x3] =	stream.linear.gather [spmem:s0], $0x2000, $0x38;
	[tilespmem:$0x1D000] =	vst v63  }
0x14f: {  	_ =	swait.ge [sflag:s8], $0x2000  }
0x150: {  	[sflag:s8] =	ssyncset.done $0x0  }
0x151: {  	s22 =	rddreg [dreg:$0x16];
	[sflag:s8] =	ssyncadd.s32 $0xFFFFE000  }
0x152: {  	[hbm4b:s22+s1] =	stream.linear.scatter [tilespmem:s9], [sflag:$0x3], $0x2000, $0x38;
	[tilespmem:$0x1D000] =	vst v63  }
0x153: {  	_ =	swait.ge [sflag:s8], $0x2000  }
0x154: {  	[sflag:s8] =	ssyncset.done $0x0  }
0x155: {  	[sflag:s8] =	ssyncadd.s32 $0xFFFFE000  }
0x156: {  	[tilespmem:s9], [sflag:$0x3] =	stream.linear.gather [spmem:s3], $0x2000, $0x38;
	[tilespmem:$0x1D000] =	vst v63  }
0x157: {  	_ =	swait.ge [sflag:s8], $0x2000  }
0x158: {  	[sflag:s8] =	ssyncset.done $0x0  }
0x159: {  	[sflag:s8] =	ssyncadd.s32 $0xFFFFE000  }
0x15a: {  	[hbm4b:s23+s1] =	stream.linear.scatter [tilespmem:s9], [sflag:$0x3], $0x2000, $0x38;
	[tilespmem:$0x1D000] =	vst v63  }
0x15b: {  	_ =	swait.ge [sflag:s8], $0x2000  }
0x15c: {  	[sflag:s8] =	ssyncset.done $0x0  }
0x15d: {  	[sflag:s8] =	ssyncadd.s32 $0xFFFFE000  }
0x15e: {  	[tilespmem:s9], [sflag:$0x3] =	stream.linear.gather [spmem:s5], $0x2000, $0x38;
	[tilespmem:$0x1D000] =	vst v63  }
0x15f: {  	s16 =	sadd.s32 $0x1, s16;
	_ =	swait.ge [sflag:s8], $0x2000  }
0x160: {  	p0 =	sne.s32 s16, s7;
	[sflag:s8] =	ssyncset.done $0x0  }
.Ltmp2:
0x161: {  	[sflag:s8] =	ssyncadd.s32 $0xFFFFE000;
	(pc) =	sbr.rel @p0 .LBB2_1-.Ltmp2, $4  }
0x162: {  	[hbm4b:s24+s1] =	stream.linear.scatter [tilespmem:s9], [sflag:$0x3], $0x2000, $0x38;
	[tilespmem:$0x1D000] =	vst v63  }
0x163: {  	_ =	swait.ge [sflag:s8], $0x2000  }
0x164: {  	[sflag:s8] =	ssyncset.done $0x0  }
0x165: {  	[sflag:s8] =	ssyncadd.s32 $0xFFFFE000  }
0x166: {  	_ =	sfence.sel $0x180000  }
0x167: {  	[bflag:$0x0] =	sbarrier.arrive $0xFFFF  }
0x168: {  	_ =	strace $0x9000004D  }
0x169: {  	s0 =	stileid.u32;
	[bflag:$0x2] =	sbarrier.arrive $0xFFFF  }
0x16a: {  	p0 =	sne.s32 s0, $0x0;
	s0 =	rddreg [dreg:$0x4]  }
0x16b: {  	s0 =	sadd.s32 @!p0 $0x100000, s0  }
0x16c: {  	[sflag:s0] =	ssyncadd.tile.s32 @!p0 $0x1;
	_ =	shalt  }
.Lfunc_end2:
_tile_overlayer_lowered:
.L_overlay_start_2:
0x16d: {  	(tag) =	ssettag $0x2  }
0x16e: {  	s0 =	rddreg [dreg:$0x0];
	s2 =	stileid.u32  }
0x16f: {  	s1 =	rddreg [dreg:$0x1];
	p0 =	sne.s32 s2, $0x0  }
0x170: {  	s3 =	rddreg [dreg:$0x2];
	[bflag:$0x3] =	sbarrier.arrive $0xFFFF;
	s2 =	simm.s32 @!p0 $0x1C03  }
0x171: {  	[timem:s3], [sflag:s2] =	dma.local @!p0 [hbm:s0], s1  }
0x172: {  	s0 =	simm.s32 @!p0 $0x3  }
0x173: {  	_ =	swait.ge @!p0 [sflag:s0], s1  }
0x174: {  	s1 =	ssub.s32 @!p0 $0x0, s1;
	[sflag:s0] =	ssyncset.done @!p0 $0x0  }
0x175: {  	[sflag:s0] =	ssyncadd.s32 @!p0 s1  }
0x176: {  	[bflag:$0x3] =	sbarrier.arrive $0xFFFF  }
0x177: {  	_ =	shalt  }

// kernel: kernel.8.cloned.1.call-start
scs
__scs_entry_jumppad:
0x0: {  	(pc) =	sbr.rel $0x88, $3  }
0x1: {  	(tag) =	ssettag $0x0;
	lr =	simm.s32 $0x1  }
0x2: {  	[smem:$0x3F9B] =	sst lr;
	_ =	strace $0xD0000000  }
0x3: {  	_ = 	snop  }
0x4: {  	_ = 	snop  }
0x5: {  	_ = 	snop  }
0x6: {  	_ = 	snop  }
0x7: {  	_ = 	snop  }
__scs_overlays_trampoline_lowered:
0x8: {  	[smem:$0x3FAA] =	sst s0  }
0x9: {  	[smem:$0x3FAB] =	sst s1  }
0xa: {  	[smem:$0x3FAC] =	sst s2  }
0xb: {  	[smem:$0x3FAD] =	sst s3  }
0xc: {  	[smem:$0x3FAE] =	sst s4  }
0xd: {  	[smem:$0x3FAF] =	sst s5  }
0xe: {  	[smem:$0x3FB0] =	sst s6  }
0xf: {  	[smem:$0x3FB1] =	sst s7  }
0x10: {  	[smem:$0x3FB2] =	sst s8  }
0x11: {  	[smem:$0x3FB3] =	sst s9;
	s0 =	simm.s32 @!p0 $0x0  }
0x12: {  	s1 =	sld [smem:$0x3F99];
	s0 =	simm.s32 @p0 $0x1  }
0x13: {  	[smem:$0x3FB4] =	sst s0;
	s0 =	simm.s32 @!p1 $0x0  }
0x14: {  	s2 =	sld [smem:$0x3F98];
	s0 =	simm.s32 @p1 $0x1  }
0x15: {  	[smem:$0x3FB5] =	sst s0;
	s0 =	simm.s32 @!p2 $0x0  }
0x16: {  	s3 =	sld [smem:$0x3FDB];
	s0 =	simm.s32 @p2 $0x1  }
0x17: {  	s4 =	simm.s32 $0x1BF5;
	[smem:$0x3FB7] =	sst s0  }
0x18: {  	s0 =	sld [smem:$0x3F9A];
	_ =	swait.ge [sflag:s4], $0x0  }
0x19: {  	s7 =	sld [smem:$0x3F9B]  }
0x1a: {  	s8 =	sadd.s32 $0xFFFFE003, lr  }
0x1b: {  	s9 =	sadd.s32 $0xFFFFFEF7, lr;
	s5 =	simm.s32 $0xFFFFFFFF;
	p2 =	slt.u32 s8, $0xFFFFF086  }
0x1c: {  	p1 =	slt.u32 s9, $0xF7A;
	s5 =	simm.s32 @!p2 $0x0  }
0x1d: {  	s5 =	simm.s32 @p1 $0x1;
	p0 =	seq.s32 s7, s2  }
0x1e: {  	s7 =	smul.u32 @!p0 $0xF7A, s2;
	p2 =	seq.s32 @!p0 s5, $0x0  }
0x1f: {  	s9 =	smul.u32 $0xF7A, s1;
	s8 =	simm.s32 @!p0 $0x1BF5;
	p2 =	por !p2, p0  }
0x20: {  	[sflag:s8] =	ssyncset.s32 @!p0 $0xFFFFF086;
	s6 =	sadd.s32 @!p0 s3, s7;
	s7 =	simm.s32 @!p0 $0x108  }
0x21: {  	s3 =	sadd.s32 s3, s9;
	s6 =	sadd.s32 @!p0 $0x88, s6;
	s7 =	simm.s32 @p2 $0x1082  }
0x22: {  	[simem:s7], [sflag:s8] =	dma.local @!p0 [hbm:s6], $0xF7A  }
0x23: {  	s9 =	sor.u32 $0xD0000000, s2;
	s6 =	simm.s32 $0x108;
	_ =	swait.ge @!p0 [sflag:s8], $0x0  }
0x24: {  	s3 =	sadd.s32 $0x88, s3;
	s6 =	simm.s32 @!p1 $0x1082;
	[sflag:s4] =	ssyncset.s32 $0xFFFFF086  }
0x25: {  	[simem:s6], [sflag:s4] =	dma.local [hbm:s3], $0xF7A  }
0x26: {  	[smem:$0x3F9B] =	sst s1;
	(tag) =	ssettag s2;
	_ =	strace s9  }
0x27: {  	s1 =	sld [smem:$0x3FAB]  }
0x28: {  	s2 =	sld [smem:$0x3FAC]  }
0x29: {  	s4 =	sld [smem:$0x3FAE]  }
0x2a: {  	p0 =	seq.s32 s5, $0x0;
	s5 =	sld [smem:$0x3FAF]  }
0x2b: {  	s6 =	sld [smem:$0x3FB0]  }
0x2c: {  	s7 =	sld [smem:$0x3FB1]  }
0x2d: {  	s3 =	simm.s32 $0x108;
	s8 =	sld [smem:$0x3FB2]  }
0x2e: {  	s3 =	simm.s32 @!p0 $0x1082;
	s9 =	sld [smem:$0x3FB3]  }
0x2f: {  	lr =	sadd.s32 s0, s3;
	s0 =	sld [smem:$0x3FAA]  }
0x30: {  	s3 =	sld [smem:$0x3FAD]  }
0x31: {  	[smem:$0x3FB6] =	sst s10  }
0x32: {  	s10 =	sld [smem:$0x3FB4];
	_ =	sdelay $0x3  }
0x33: {  	p0 =	seq.s32 s10, $0x1;
	s10 =	sld [smem:$0x3FB6];
	_ =	sdelay $0x3  }
0x34: {  	[smem:$0x3FB6] =	sst s10  }
0x35: {  	s10 =	sld [smem:$0x3FB5];
	_ =	sdelay $0x3  }
0x36: {  	p1 =	seq.s32 s10, $0x1;
	s10 =	sld [smem:$0x3FB6];
	_ =	sdelay $0x3  }
0x37: {  	[smem:$0x3FB6] =	sst s10  }
0x38: {  	s10 =	sld [smem:$0x3FB7]  }
0x39: {  	_ = 	snop;
	(pc) =	sbr.ind lr, $3  }
0x3a: {  	_ = 	snop  }
0x3b: {  	_ = 	snop  }
0x3c: {  	p2 =	seq.s32 s10, $0x1;
	s10 =	sld [smem:$0x3FB6]  }
0x3d: {  	_ =	shalt  }
0x3e: {  	_ =	shalt  }
0x3f: {  	_ =	shalt  }
0x40: {  	_ =	shalt  }
0x41: {  	_ =	shalt  }
0x42: {  	_ =	shalt  }
0x43: {  	_ =	shalt  }
0x44: {  	_ =	shalt  }
0x45: {  	_ =	shalt  }
0x46: {  	_ =	shalt  }
0x47: {  	_ =	shalt  }
0x48: {  	_ =	shalt  }
0x49: {  	_ =	shalt  }
0x4a: {  	_ =	shalt  }
0x4b: {  	_ =	shalt  }
0x4c: {  	_ =	shalt  }
0x4d: {  	_ =	shalt  }
0x4e: {  	_ =	shalt  }
0x4f: {  	_ =	shalt  }
0x50: {  	_ =	shalt  }
0x51: {  	_ =	shalt  }
0x52: {  	_ =	shalt  }
0x53: {  	_ =	shalt  }
0x54: {  	_ =	shalt  }
0x55: {  	_ =	shalt  }
0x56: {  	_ =	shalt  }
0x57: {  	_ =	shalt  }
0x58: {  	_ =	shalt  }
0x59: {  	_ =	shalt  }
0x5a: {  	_ =	shalt  }
0x5b: {  	_ =	shalt  }
0x5c: {  	_ =	shalt  }
0x5d: {  	_ =	shalt  }
0x5e: {  	_ =	shalt  }
0x5f: {  	_ =	shalt  }
0x60: {  	_ =	shalt  }
0x61: {  	_ =	shalt  }
0x62: {  	_ =	shalt  }
0x63: {  	_ =	shalt  }
0x64: {  	_ =	shalt  }
0x65: {  	_ =	shalt  }
0x66: {  	_ =	shalt  }
0x67: {  	_ =	shalt  }
0x68: {  	_ =	shalt  }
0x69: {  	_ =	shalt  }
0x6a: {  	_ =	shalt  }
0x6b: {  	_ =	shalt  }
0x6c: {  	_ =	shalt  }
0x6d: {  	_ =	shalt  }
0x6e: {  	_ =	shalt  }
0x6f: {  	_ =	shalt  }
0x70: {  	_ =	shalt  }
0x71: {  	_ =	shalt  }
0x72: {  	_ =	shalt  }
0x73: {  	_ =	shalt  }
0x74: {  	_ =	shalt  }
0x75: {  	_ =	shalt  }
0x76: {  	_ =	shalt  }
0x77: {  	_ =	shalt  }
0x78: {  	_ =	shalt  }
0x79: {  	_ =	shalt  }
0x7a: {  	_ =	shalt  }
0x7b: {  	_ =	shalt  }
0x7c: {  	_ =	shalt  }
0x7d: {  	_ =	shalt  }
0x7e: {  	_ =	shalt  }
0x7f: {  	_ =	shalt  }
0x80: {  	_ =	shalt  }
0x81: {  	_ =	shalt  }
0x82: {  	_ =	shalt  }
0x83: {  	_ =	shalt  }
0x84: {  	_ =	shalt  }
0x85: {  	_ =	shalt  }
0x86: {  	_ =	shalt  }
0x87: {  	_ =	shalt  }
.Lfunc_end0:
.L_simem_size_0:
called_computation_lowered:
.L_overlay_start_0:
0x88: {  	s2 =	sld [smem:$0x3FD9]  }
0x89: {  	s3 =	sld [smem:$0x3FFE];
	_ =	sdelay $0x1  }
0x8a: {  	s1 =	srdreg.scid  }
0x8b: {  	s0 =	sand.u32 $0x1, s1  }
0x8c: {  	s17 =	sshll.u32 s0, $0xA;
	s2 =	sadd.s32 s3, s2  }
0x8d: {  	s2 =	sadd.s32 s2, s17  }
0x8e: {  	[smem:$0x3FC2] =	sst s2  }
0x8f: {  	_ = 	snop  }
0x90: {  	s2 =	sld [smem:$0x3FD0];
	(tm) =	ssettm $0x1  }
0x91: {  	s18 =	sld [smem:$0x3FFB];
	_ =	sdelay $0x3  }
0x92: {  	_ =	strace s18  }
0x93: {  	s3 =	sld [smem:$0x3FFC];
	_ =	sdelay $0x3  }
0x94: {  	_ =	strace s3  }
0x95: {  	s3 =	sld [smem:$0x3FFD];
	_ =	sdelay $0x3  }
0x96: {  	_ =	strace s3  }
0x97: {  	_ =	strace $0x8FFFFFFF  }
0x98: {  	s19 =	sld [smem:$0x3FDB];
	_ =	sdelay $0x1  }
0x99: {  	s4 =	simm.s32 $_scs_section_size  }
0x9a: {  	s5 =	simm.s32 $_size__tile_overlayer_lowered;
	s6 =	simm.s32 $_tile_overlayer_lowered  }
0x9b: {  	s22 =	simm.s32 $0x1BFF;
	s21 =	sshll.u32 s6, $0x1;
	s3 =	sadd.s32 s4, s19  }
0x9c: {  	s7 =	simm.s32 $0x0;
	s20 =	sshll.u32 s5, $0x1;
	s5 =	sadd.s32 s21, s3  }
0x9d: {  	[timem:s7], [sflag:s22] =	dma.local [hbm:s5], s20  }
0x9e: {  	_ =	swait.ge [sflag:s22], s20  }
0x9f: {  	s4 =	ssub.s32 $0x0, s20;
	[sflag:s22] =	ssyncset.done $0x0  }
0xa0: {  	[sflag:s22] =	ssyncadd.s32 s4;
	_ =	sdelay $0x1  }
0xa1: {  	s23 =	simm.s32 $0x1B8B  }
0xa2: {  	_ =	swait.ge [sflag:s23], $0x1  }
0xa3: {  	[sflag:s23] =	ssyncset.done $0x0  }
0xa4: {  	s25 =	simm.s32 $0x1B8E;
	s24 =	sld [smem:$0x3FFE];
	[sflag:s23] =	ssyncadd.s32 $0xFFFFFFFF  }
0xa5: {  	s26 =	simm.s32 $execute0_lowered;
	[smem:$0x3FD2] =	sst s25  }
0xa6: {  	s5 =	sshll.u32 s26, $0x1;
	_ =	strace $0x80000046;
	[dreg:$0x1] =	wrdreg $0xFFFFFFFF  }
0xa7: {  	s28 =	simm.s32 $_size_execute0_lowered;
	s3 =	sadd.s32 s3, s5;
	[dreg:$0x0] =	wrdreg $0x0  }
0xa8: {  	s5 =	sshll.u32 s28, $0x1;
	[dreg:$0x2] =	wrdreg s3  }
0xa9: {  	[dreg:$0x3] =	wrdreg s5  }
0xaa: {  	[dreg:$0x4] =	wrdreg $0xC0  }
0xab: {  	_ =	task [dreg:s7], $0x5FFFF  }
0xac: {  	[dreg:$0x1] =	wrdreg $0xFFFFFFFF  }
0xad: {  	[dreg:$0x0] =	wrdreg $0x60  }
0xae: {  	[dreg:$0x2] =	wrdreg s24  }
0xaf: {  	[dreg:$0x3] =	wrdreg s2  }
0xb0: {  	[dreg:$0x4] =	wrdreg $0x38000  }
0xb1: {  	[dreg:$0x5] =	wrdreg $0x9  }
0xb2: {  	_ =	task.clear_ibuf [dreg:s7], $0x6FFFF;
	_ =	strace $0x90000046  }
0xb3: {  	s29 =	simm.s32 $0x9;
	_ =	strace $0x80000048  }
0xb4: {  	_ =	swait.ge [sflag:s29], $0x1  }
0xb5: {  	[sflag:s29] =	ssyncadd.s32 $0xFFFFFFFF  }
0xb6: {  	_ =	strace $0x90000048  }
0xb7: {  	_ =	sfence  }
0xb8: {  	s30 =	sld [smem:$0x0];
	_ =	sdelay $0x2  }
0xb9: {  	s31 =	sshll.u32 s1, $0xD;
	s1 =	sshrl.u32 s1, $0x2  }
0xba: {  	s3 =	sand.u32 $0x4000, s31;
	s1 =	sadd.s32 s1, s30  }
0xbb: {  	s0 =	sor.u32 s3, s0;
	s1 =	sshll.u32 s1, $0x11  }
0xbc: {  	s0 =	sor.u32 s1, s0  }
0xbd: {  	s0 =	sadd.s32 $0x8F2B, s0  }
0xbe: {  	[sflag:s0] =	ssyncadd.remote.s32 $0x1  }
0xbf: {  	_ =	sfence.sel $0xFFFF  }
0xc0: {  	[dreg:$0x0] =	wrdreg $0xFFFFFFFF;
	(pc) =	sbr.abs _section_cstart, $3  }
0xc1: {  	[dreg:$0x1] =	wrdreg $0xFFFFFFFF  }
0xc2: {  	_ =	task.clear_ibuf [dreg:s7], $0x2FFFF;
	_ =	strace $0x9FFFFFFF  }
0xc3: {  	(tm) =	ssettm $0x7FFFFFFF  }
tec
execute0_lowered:
.L_overlay_start_1:
0x0: {  	(tag) =	ssettag $0x1  }
0x1: {  	s6 =	rddreg [dreg:$0x0]  }
0x2: {  	s16 =	rddreg [dreg:$0x1]  }
0x3: {  	s1 =	rddreg [dreg:$0x2]  }
0x4: {  	s2 =	srdreg.scid;
	s3 =	simm.s32 $0x0;
	s21 =	simm.s32 $0x80  }
0x5: {  	s22 =	simm.s32 $0x100;
	s23 =	simm.s32 $0x180;
	s24 =	simm.s32 $0x1  }
0x6: {  	s25 =	simm.s32 $0x2;
	s26 =	simm.s32 $0x3;
	s28 =	simm.s32 $0x4  }
0x7: {  	s29 =	simm.s32 $0x0;
	s7 =	sand.u32 $0x1, s2;
	s2 =	stileid.u32  }
0x8: {  	[smem:$0x7FF] =	sst s3;
	s5 =	sadd.s32 $0xC000, s6;
	s4 =	sshll.u32 s7, $0x4  }
0x9: {  	_ =	strace $0x80000047;
	s9 =	ssub.s32 $0x2, s7;
	s10 =	smul.u32 $0x2800, s2  }
0xa: {  	s18 =	smul.u32 $0x28000, s7;
	s4 =	sor.u32 s2, s4;
	s31 =	sshrl.u32 s9, $0x1  }
0xb: {  	s8 =	smul.u32 $0x500, s4;
	s4 =	sadd.s32 $0xBE00, s6;
	s17 =	ssub.s32 s9, s31  }
0xc: {  	s12 =	sadd.s32 $0x800, s10;
	s14 =	sadd.s32 $0x1000, s10;
	s15 =	sadd.s32 $0x1800, s10  }
0xd: {  	s19 =	sadd.s32 $0x2000, s10;
	s13 =	sadd.s32 s10, s18;
	s7 =	sadd.s32 s12, s1  }
0xe: {  	s9 =	sadd.s32 s15, s1;
	s12 =	sadd.s32 s18, s12;
	s13 =	sshrl.u32 s13, $0x3  }
0xf: {  	s15 =	sadd.s32 s18, s15;
	s17 =	smax.u32 s17, $0x1;
	s11 =	sadd.s32 s8, s6  }
0x10: {  	s6 =	sadd.s32 s10, s1;
	s8 =	sadd.s32 s14, s1;
	s10 =	sadd.s32 s19, s1  }
0x11: {  	s20 =	sshrl.u32 s12, $0x3;
	s12 =	sadd.s32 s16, s13;
	s14 =	sadd.s32 s18, s14  }
0x12: {  	s18 =	sadd.s32 s18, s19;
	s15 =	sshrl.u32 s15, $0x3;
	s19 =	simm.s32 $0x5  }
0x13: {  	s11 =	sadd.s32 $0x1E00, s11;
	s13 =	sadd.s32 s16, s20;
	s14 =	sshrl.u32 s14, $0x3  }
0x14: {  	s18 =	sshrl.u32 s18, $0x3;
	s15 =	sadd.s32 s16, s15;
	s20 =	simm.s32 $0x2800  }
0x15: {  	s14 =	sadd.s32 s16, s14;
	s16 =	sadd.s32 s16, s18;
	s18 =	simm.s32 $0x3000  }
.LBB2_1:
0x16: {  	[tilespmem:s18], [sflag:$0x5] =	stream.linear.gather [hbm4b:s5+s3], $0x800, $0x38;
	[tilespmem:$0x6000] =	vst v63  }
0x17: {  	_ =	swait.ge [sflag:s19], $0x800  }
0x18: {  	[sflag:s19] =	ssyncset.done $0x0  }
0x19: {  	[sflag:s19] =	ssyncadd.s32 $0xFFFFF800  }
0x1a: {  	[spmem:s6] =	stream.linear.scatter [tilespmem:s18], [sflag:$0x5], $0x800, $0x38;
	[tilespmem:$0x6000] =	vst v63  }
0x1b: {  	_ =	swait.ge [sflag:s19], $0x800  }
0x1c: {  	[sflag:s19] =	ssyncset.done $0x0  }
0x1d: {  	[sflag:s19] =	ssyncadd.s32 $0xFFFFF800  }
0x1e: {  	[spmem:s7] =	stream.linear.scatter [tilespmem:s18], [sflag:$0x5], $0x800, $0x38;
	[tilespmem:$0x6000] =	vst v63  }
0x1f: {  	_ =	swait.ge [sflag:s19], $0x800  }
0x20: {  	[sflag:s19] =	ssyncset.done $0x0  }
0x21: {  	[sflag:s19] =	ssyncadd.s32 $0xFFFFF800  }
0x22: {  	[spmem:s8] =	stream.linear.scatter [tilespmem:s18], [sflag:$0x5], $0x800, $0x38;
	[tilespmem:$0x6000] =	vst v63  }
0x23: {  	_ =	swait.ge [sflag:s19], $0x800  }
0x24: {  	[sflag:s19] =	ssyncset.done $0x0  }
0x25: {  	[sflag:s19] =	ssyncadd.s32 $0xFFFFF800  }
0x26: {  	[spmem:s9] =	stream.linear.scatter [tilespmem:s18], [sflag:$0x5], $0x800, $0x38;
	[tilespmem:$0x6000] =	vst v63  }
0x27: {  	_ =	swait.ge [sflag:s19], $0x800  }
0x28: {  	[sflag:s19] =	ssyncset.done $0x0  }
0x29: {  	[sflag:s19] =	ssyncadd.s32 $0xFFFFF800  }
0x2a: {  	[spmem:s10] =	stream.linear.scatter [tilespmem:s18], [sflag:$0x5], $0x800, $0x38;
	[tilespmem:$0x6000] =	vst v63  }
0x2b: {  	_ =	swait.ge [sflag:s19], $0x800  }
0x2c: {  	[sflag:s19] =	ssyncset.done $0x0  }
0x2d: {  	[sflag:s19] =	ssyncadd.s32 $0xFFFFF800  }
0x2e: {  	[tilespmem:s20], [sflag:$0x5] =	stream.linear.gather [hbm4b:s4+s3], $0x800, $0x38;
	[tilespmem:$0x6000] =	vst v63  }
0x2f: {  	_ =	swait.ge [sflag:s19], $0x800  }
0x30: {  	[sflag:s19] =	ssyncset.done $0x0  }
0x31: {  	[sflag:s19] =	ssyncadd.s32 $0xFFFFF800  }
0x32: {  	[tilespmem:s3], [sflag:$0x5] =	stream.linear.gather [hbm4b:s11+s3], $0x2800, $0x38;
	[tilespmem:$0x6000] =	vst v63  }
0x33: {  	_ =	swait.ge [sflag:s19], $0x2800  }
0x34: {  	[sflag:s19] =	ssyncset.done $0x0  }
0x35: {  	[sflag:s19] =	ssyncadd.s32 $0xFFFFD800  }
0x36: {  	[bflag:$0x0] =	sbarrier.arrive $0xFFFF  }
0x37: {  	[spmem:s1] =	stream.indirect.scatter.add.f32 [tilespmem:s20], [sflag:$0x1], $0x10, s3, s21, $0xb8;
	[tilespmem:$0x6000] =	vst v63  }
0x38: {  	_ = 	snop  }
0x39: {  	[spmem:s1] =	stream.indirect.scatter.add.f32 [tilespmem:s20], [sflag:$0x2], $0x10, s21, s21, $0xb8;
	[tilespmem:$0x6000] =	vst v63  }
0x3a: {  	_ = 	snop  }
0x3b: {  	[spmem:s1] =	stream.indirect.scatter.add.f32 [tilespmem:s20], [sflag:$0x3], $0x10, s22, s21, $0xb8;
	[tilespmem:$0x6000] =	vst v63  }
0x3c: {  	_ = 	snop  }
0x3d: {  	[spmem:s1] =	stream.indirect.scatter.add.f32 [tilespmem:s20], [sflag:$0x4], $0x10, s23, s21, $0xb8;
	[tilespmem:$0x6000] =	vst v63  }
0x3e: {  	_ =	swait.ge [sflag:s24], $0x800  }
0x3f: {  	[sflag:s24] =	ssyncset.done $0x0  }
0x40: {  	s30 =	simm.s32 $0x200;
	[sflag:s24] =	ssyncadd.s32 $0xFFFFF800  }
0x41: {  	[spmem:s1] =	stream.indirect.scatter.add.f32 [tilespmem:s20], [sflag:$0x1], $0x10, s30, s21, $0xb8;
	[tilespmem:$0x6000] =	vst v63  }
0x42: {  	_ =	swait.ge [sflag:s25], $0x800  }
0x43: {  	[sflag:s25] =	ssyncset.done $0x0  }
0x44: {  	s30 =	simm.s32 $0x280;
	[sflag:s25] =	ssyncadd.s32 $0xFFFFF800  }
0x45: {  	[spmem:s1] =	stream.indirect.scatter.add.f32 [tilespmem:s20], [sflag:$0x2], $0x10, s30, s21, $0xb8;
	[tilespmem:$0x6000] =	vst v63  }
0x46: {  	_ =	swait.ge [sflag:s26], $0x800  }
0x47: {  	[sflag:s26] =	ssyncset.done $0x0  }
0x48: {  	s30 =	simm.s32 $0x300;
	[sflag:s26] =	ssyncadd.s32 $0xFFFFF800  }
0x49: {  	[spmem:s1] =	stream.indirect.scatter.add.f32 [tilespmem:s20], [sflag:$0x3], $0x10, s30, s21, $0xb8;
	[tilespmem:$0x6000] =	vst v63  }
0x4a: {  	_ =	swait.ge [sflag:s28], $0x800  }
0x4b: {  	[sflag:s28] =	ssyncset.done $0x0  }
0x4c: {  	s31 =	simm.s32 $0x380;
	s30 =	simm.s32 $0xFFFF7000;
	[sflag:s28] =	ssyncadd.s32 $0xFFFFF800  }
.LBB2_2:
0x4d: {  	[spmem:s1] =	stream.indirect.scatter.add.f32 [tilespmem:s20], [sflag:$0x4], $0x10, s31, s21, $0xb8;
	[tilespmem:$0x6000] =	vst v63  }
0x4e: {  	s31 =	smov.u32 s30  }
0x4f: {  	p0 =	sne.s32 s30, $0xFFFFF800;
	s30 =	sadd.s32 $0x800, s30;
	_ =	swait.ge [sflag:s24], $0x800  }
0x50: {  	s31 =	sshra.s32 s31, $0x2;
	[sflag:s24] =	ssyncset.done $0x0  }
0x51: {  	s0 =	sadd.s32 $0x2800, s31;
	[sflag:s24] =	ssyncadd.s32 $0xFFFFF800  }
0x52: {  	[spmem:s1] =	stream.indirect.scatter.add.f32 [tilespmem:s20], [sflag:$0x1], $0x10, s0, s21, $0xb8;
	[tilespmem:$0x6000] =	vst v63  }
0x53: {  	_ =	swait.ge [sflag:s25], $0x800  }
0x54: {  	[sflag:s25] =	ssyncset.done $0x0  }
0x55: {  	s0 =	sadd.s32 $0x2880, s31;
	[sflag:s25] =	ssyncadd.s32 $0xFFFFF800  }
0x56: {  	[spmem:s1] =	stream.indirect.scatter.add.f32 [tilespmem:s20], [sflag:$0x2], $0x10, s0, s21, $0xb8;
	[tilespmem:$0x6000] =	vst v63  }
0x57: {  	_ =	swait.ge [sflag:s26], $0x800  }
0x58: {  	[sflag:s26] =	ssyncset.done $0x0  }
.Ltmp0:
0x59: {  	s0 =	sadd.s32 $0x2900, s31;
	[sflag:s26] =	ssyncadd.s32 $0xFFFFF800;
	(pc) =	sbr.rel @p0 .LBB2_2-.Ltmp0, $4  }
0x5a: {  	[spmem:s1] =	stream.indirect.scatter.add.f32 [tilespmem:s20], [sflag:$0x3], $0x10, s0, s21, $0xb8;
	[tilespmem:$0x6000] =	vst v63  }
0x5b: {  	_ =	swait.ge [sflag:s28], $0x800  }
0x5c: {  	[sflag:s28] =	ssyncset.done $0x0  }
0x5d: {  	s31 =	sadd.s32 $0x2980, s31;
	[sflag:s28] =	ssyncadd.s32 $0xFFFFF800  }
0x5e: {  	[spmem:s1] =	stream.indirect.scatter.add.f32 [tilespmem:s20], [sflag:$0x4], $0x10, s31, s21, $0xb8;
	[tilespmem:$0x6000] =	vst v63  }
0x5f: {  	_ =	swait.ge [sflag:s24], $0x800  }
0x60: {  	[sflag:s24] =	ssyncset.done $0x0  }
0x61: {  	[sflag:s24] =	ssyncadd.s32 $0xFFFFF800  }
0x62: {  	_ =	swait.ge [sflag:s25], $0x800  }
0x63: {  	[sflag:s25] =	ssyncset.done $0x0  }
0x64: {  	[sflag:s25] =	ssyncadd.s32 $0xFFFFF800  }
0x65: {  	_ =	swait.ge [sflag:s26], $0x800  }
0x66: {  	[sflag:s26] =	ssyncset.done $0x0  }
0x67: {  	[sflag:s26] =	ssyncadd.s32 $0xFFFFF800  }
0x68: {  	_ =	swait.ge [sflag:s28], $0x800  }
0x69: {  	[sflag:s28] =	ssyncset.done $0x0  }
0x6a: {  	[sflag:s28] =	ssyncadd.s32 $0xFFFFF800  }
0x6b: {  	[bflag:$0x0] =	sbarrier.arrive $0xFFFF  }
0x6c: {  	[tilespmem:s18], [sflag:$0x5] =	stream.linear.gather [spmem:s6], $0x800, $0x38;
	[tilespmem:$0x6000] =	vst v63  }
0x6d: {  	_ =	swait.ge [sflag:s19], $0x800  }
0x6e: {  	[sflag:s19] =	ssyncset.done $0x0  }
0x6f: {  	[sflag:s19] =	ssyncadd.s32 $0xFFFFF800  }
0x70: {  	[hbm4b:s12+s3] =	stream.linear.scatter [tilespmem:s18], [sflag:$0x5], $0x800, $0x38;
	[tilespmem:$0x6000] =	vst v63  }
0x71: {  	_ =	swait.ge [sflag:s19], $0x800  }
0x72: {  	[sflag:s19] =	ssyncset.done $0x0  }
0x73: {  	[sflag:s19] =	ssyncadd.s32 $0xFFFFF800  }
0x74: {  	[tilespmem:s18], [sflag:$0x5] =	stream.linear.gather [spmem:s7], $0x800, $0x38;
	[tilespmem:$0x6000] =	vst v63  }
0x75: {  	_ =	swait.ge [sflag:s19], $0x800  }
0x76: {  	[sflag:s19] =	ssyncset.done $0x0  }
0x77: {  	[sflag:s19] =	ssyncadd.s32 $0xFFFFF800  }
0x78: {  	[hbm4b:s13+s3] =	stream.linear.scatter [tilespmem:s18], [sflag:$0x5], $0x800, $0x38;
	[tilespmem:$0x6000] =	vst v63  }
0x79: {  	_ =	swait.ge [sflag:s19], $0x800  }
0x7a: {  	[sflag:s19] =	ssyncset.done $0x0  }
0x7b: {  	[sflag:s19] =	ssyncadd.s32 $0xFFFFF800  }
0x7c: {  	[tilespmem:s18], [sflag:$0x5] =	stream.linear.gather [spmem:s8], $0x800, $0x38;
	[tilespmem:$0x6000] =	vst v63  }
0x7d: {  	_ =	swait.ge [sflag:s19], $0x800  }
0x7e: {  	[sflag:s19] =	ssyncset.done $0x0  }
0x7f: {  	[sflag:s19] =	ssyncadd.s32 $0xFFFFF800  }
0x80: {  	[hbm4b:s14+s3] =	stream.linear.scatter [tilespmem:s18], [sflag:$0x5], $0x800, $0x38;
	[tilespmem:$0x6000] =	vst v63  }
0x81: {  	_ =	swait.ge [sflag:s19], $0x800  }
0x82: {  	[sflag:s19] =	ssyncset.done $0x0  }
0x83: {  	[sflag:s19] =	ssyncadd.s32 $0xFFFFF800  }
0x84: {  	[tilespmem:s18], [sflag:$0x5] =	stream.linear.gather [spmem:s9], $0x800, $0x38;
	[tilespmem:$0x6000] =	vst v63  }
0x85: {  	_ =	swait.ge [sflag:s19], $0x800  }
0x86: {  	[sflag:s19] =	ssyncset.done $0x0  }
0x87: {  	[sflag:s19] =	ssyncadd.s32 $0xFFFFF800  }
0x88: {  	[hbm4b:s15+s3] =	stream.linear.scatter [tilespmem:s18], [sflag:$0x5], $0x800, $0x38;
	[tilespmem:$0x6000] =	vst v63  }
0x89: {  	_ =	swait.ge [sflag:s19], $0x800  }
0x8a: {  	[sflag:s19] =	ssyncset.done $0x0  }
0x8b: {  	[sflag:s19] =	ssyncadd.s32 $0xFFFFF800  }
0x8c: {  	[tilespmem:s18], [sflag:$0x5] =	stream.linear.gather [spmem:s10], $0x800, $0x38;
	[tilespmem:$0x6000] =	vst v63  }
0x8d: {  	s29 =	sadd.s32 $0x1, s29;
	_ =	swait.ge [sflag:s19], $0x800  }
0x8e: {  	p0 =	sne.s32 s29, s17;
	[sflag:s19] =	ssyncset.done $0x0  }
.Ltmp1:
0x8f: {  	[sflag:s19] =	ssyncadd.s32 $0xFFFFF800;
	(pc) =	sbr.rel @p0 .LBB2_1-.Ltmp1, $4  }
0x90: {  	[hbm4b:s16+s3] =	stream.linear.scatter [tilespmem:s18], [sflag:$0x5], $0x800, $0x38;
	[tilespmem:$0x6000] =	vst v63  }
0x91: {  	_ =	swait.ge [sflag:s19], $0x800  }
0x92: {  	[sflag:s19] =	ssyncset.done $0x0  }
0x93: {  	[sflag:s19] =	ssyncadd.s32 $0xFFFFF800  }
0x94: {  	_ =	sfence.sel $0x180000  }
0x95: {  	[bflag:$0x0] =	sbarrier.arrive $0xFFFF  }
0x96: {  	_ =	strace $0x90000047  }
0x97: {  	[bflag:$0x2] =	sbarrier.arrive $0xFFFF  }
0x98: {  	p0 =	sne.s32 s2, $0x0;
	s0 =	rddreg [dreg:$0x3]  }
0x99: {  	s0 =	sadd.s32 @!p0 $0x100000, s0  }
0x9a: {  	[sflag:s0] =	ssyncadd.tile.s32 @!p0 $0x1;
	_ =	shalt  }
.Lfunc_end2:
_tile_overlayer_lowered:
.L_overlay_start_2:
0x9b: {  	(tag) =	ssettag $0x2  }
0x9c: {  	s0 =	rddreg [dreg:$0x0];
	s2 =	stileid.u32  }
0x9d: {  	s1 =	rddreg [dreg:$0x1];
	p0 =	sne.s32 s2, $0x0  }
0x9e: {  	s3 =	rddreg [dreg:$0x2];
	[bflag:$0x3] =	sbarrier.arrive $0xFFFF;
	s2 =	simm.s32 @!p0 $0x1C05  }
0x9f: {  	[timem:s3], [sflag:s2] =	dma.local @!p0 [hbm:s0], s1  }
0xa0: {  	s0 =	simm.s32 @!p0 $0x5  }
0xa1: {  	_ =	swait.ge @!p0 [sflag:s0], s1  }
0xa2: {  	s1 =	ssub.s32 @!p0 $0x0, s1;
	[sflag:s0] =	ssyncset.done @!p0 $0x0  }
0xa3: {  	[sflag:s0] =	ssyncadd.s32 @!p0 s1  }
0xa4: {  	[bflag:$0x3] =	sbarrier.arrive $0xFFFF  }
0xa5: {  	_ =	shalt  }

</sc_bundles>
